<compile_context>
chip_gen: v7x
topology: tpu7x:2x2x1
jax: 0.10.2.dev20260603
libtpu: 0.0.44.dev20260713+nightly
codegen_flags: <defaults>
</compile_context>

<pallas_src>
import functools

import jax
import jax.numpy as jnp
from jax import lax
from jax.experimental import pallas as pl
from jax.experimental.pallas import tpu as pltpu
from jax.experimental.pallas import tpu_sc as plsc

N = 10000
D = 128
H1, C1 = 8, 8
F1 = H1 * C1
NCLS = 40
E = 320000
E0 = E + N
EP = 331776
NWORK = 32
EPW = EP // NWORK
G = 128
NG = EPW // G
NP = 10112
NR = NP // 16
CW1 = 80
CW2 = 48




def _tc1_body(x_ref, w1_ref, as_ref, ad_ref, hext_ref, adt_ref, s16_ref):
    h = jnp.dot(x_ref[...], w1_ref[...], preferred_element_type=jnp.float32)
    asm = jnp.dot(h, as_ref[...], preferred_element_type=jnp.float32)
    adm = jnp.dot(h, ad_ref[...], preferred_element_type=jnp.float32)
    zz = jnp.zeros((N, H1), dtype=jnp.float32)
    hext_ref[...] = jnp.concatenate([h, zz, asm], axis=1)
    adt_ref[...] = jnp.concatenate([adm, adm], axis=1)
    sh = (jnp.max(asm, axis=0, keepdims=True)
          + jnp.max(adm, axis=0, keepdims=True))
    s16_ref[...] = jnp.concatenate([sh, sh], axis=1)


def _tc2_body(p_ref, b1_ref, e8_ref, w2_ref, asr_ref, adr_ref,
              hext_ref, adt_ref, s16_ref):
    acc = p_ref[0, :N, :] + p_ref[1, :N, :]
    msg = acc[:, :F1]
    den = acc[:, F1:F1 + H1]
    denb = jnp.dot(den, e8_ref[...], preferred_element_type=jnp.float32)
    o1 = msg / denb + b1_ref[...]
    hh = jnp.where(o1 > 0, o1, jnp.exp(jnp.minimum(o1, 0.0)) - 1.0)
    h2 = jnp.dot(hh, w2_ref[...], preferred_element_type=jnp.float32)
    as2 = jnp.dot(h2, asr_ref[...], preferred_element_type=jnp.float32)
    ad16 = jnp.dot(h2, adr_ref[...], preferred_element_type=jnp.float32)
    ones = jnp.ones((N, 1), dtype=jnp.float32)
    z6 = jnp.zeros((N, 6), dtype=jnp.float32)
    hext_ref[...] = jnp.concatenate([h2, ones, as2, z6], axis=1)
    adt_ref[...] = ad16
    s = jnp.max(as2) + jnp.max(ad16[:, :1])
    s16_ref[...] = jnp.full((1, 16), s, dtype=jnp.float32)


def _tc3_body(p_ref, b2_ref, out_ref):
    acc = p_ref[0, :N, :] + p_ref[1, :N, :]
    o = acc[:, :NCLS] / acc[:, NCLS:NCLS + 1] + b2_ref[...]
    m = jnp.max(o, axis=1, keepdims=True)
    ls = jnp.log(jnp.sum(jnp.exp(o - m), axis=1, keepdims=True))
    out_ref[...] = o - m - ls



def _sc_body(cw, wn, hext, adt, s16, src1, dst1, zrows, part,
             sidx, didx, dgs, rbufs, adxs, shv, acc, gsems, ssems):
    cid = lax.axis_index("c")
    sub = lax.axis_index("s")
    wid = sub * 2 + cid

    pltpu.sync_copy(zrows, acc.at[pl.ds(sub * NR, NR)])
    pltpu.sync_copy(s16, shv)
    pltpu.sync_copy(src1.at[pl.ds(wid * EPW, EPW)], sidx)
    pltpu.sync_copy(dst1.at[pl.ds(wid * EPW, EPW)], didx)
    plsc.subcore_barrier()

    iota = lax.iota(jnp.int32, 16)
    hi = iota >> 3
    lo = iota & 7
    shvec = shv[...]

    if wn == 8:
        pats = [8 + 2 * j + hi for j in range(4)] + [8 + lo]
    else:
        pats = [jnp.full((16,), 9, jnp.int32)] * (cw // 16)
    dnums = lax.GatherDimensionNumbers(
        offset_dims=(), collapsed_slice_dims=(0,), start_index_map=(0,))

    def fire_gather(g, b):
        eb = g * G
        pltpu.async_copy(hext.at[sidx.at[pl.ds(eb, G)]], rbufs[b], gsems[b])
        pltpu.async_copy(adt.at[didx.at[pl.ds(eb, G)]], adxs[b], gsems[b])

    def gwait(b):
        pltpu.make_async_copy(hext.at[sidx.at[pl.ds(0, G)]],
                              rbufs[b], gsems[b]).wait()
        pltpu.make_async_copy(adt.at[didx.at[pl.ds(0, G)]],
                              adxs[b], gsems[b]).wait()

    def fire_scatter(b):
        pltpu.async_copy(rbufs[b], acc.at[dgs[b]], ssems[b], add=True)

    def swait(b):
        pltpu.make_async_copy(rbufs[b], acc.at[dgs[b]], ssems[b]).wait()

    def compute(g, b):
        rbuf, adx, dg = rbufs[b], adxs[b], dgs[b]
        eb = g * G
        for i in range(G // 16):
            dg[pl.ds(16 * i, 16)] = didx[pl.ds(eb + 16 * i, 16)]

        @plsc.parallel_loop(0, G, unroll=4)
        def _edge(k):
            t = rbuf[k, pl.ds(cw - 16, 16)] + adx[k, :]
            w = jnp.exp(jnp.maximum(t, 0.2 * t) - shvec)
            ms = [lax.gather(w, p[:, None], dnums, (1,),
                             mode=lax.GatherScatterMode.PROMISE_IN_BOUNDS)
                  for p in (pats if wn == 8 else pats[:1])]
            if wn == 8:
                for j in range(4):
                    rbuf[k, pl.ds(16 * j, 16)] = (
                        rbuf[k, pl.ds(16 * j, 16)] * ms[j])
                rbuf[k, pl.ds(64, 16)] = ms[4]
            else:
                for j in range(cw // 16):
                    rbuf[k, pl.ds(16 * j, 16)] = (
                        rbuf[k, pl.ds(16 * j, 16)] * ms[0])

    for i in range(G // 16):
        dgs[2][pl.ds(16 * i, 16)] = jnp.full((16,), N, jnp.int32)
    fire_scatter(2)
    fire_gather(0, 0)
    fire_gather(1, 1)

    @pl.loop(0, NG // 3 - 1)
    def _ring(r):
        g = r * 3
        gwait(0); compute(g, 0); fire_scatter(0)
        swait(2); fire_gather(g + 2, 2)
        gwait(1); compute(g + 1, 1); fire_scatter(1)
        swait(0); fire_gather(g + 3, 0)
        gwait(2); compute(g + 2, 2); fire_scatter(2)
        swait(1); fire_gather(g + 4, 1)

    g = NG - 3
    gwait(0); compute(g, 0); fire_scatter(0)
    swait(2); fire_gather(g + 2, 2)
    gwait(1); compute(g + 1, 1); fire_scatter(1)
    gwait(2); compute(g + 2, 2); fire_scatter(2)
    swait(0); swait(1); swait(2)

    plsc.subcore_barrier()
    pltpu.sync_copy(acc.at[pl.ds(sub * NR, NR)],
                    part.at[cid, pl.ds(sub * NR, NR)])


def _make_sc(cw, wn):
    def body(hext, adt, s16, src1, dst1, zrows, part, sidx, didx,
             dg0, dg1, dg2, rb0, rb1, rb2, ax0, ax1, ax2, shv, acc,
             gs0, gs1, gs2, ss0, ss1, ss2):
        _sc_body(cw, wn, hext, adt, s16, src1, dst1, zrows, part,
                 sidx, didx, (dg0, dg1, dg2), (rb0, rb1, rb2),
                 (ax0, ax1, ax2), shv, acc,
                 (gs0, gs1, gs2), (ss0, ss1, ss2))

    mesh = plsc.VectorSubcoreMesh(core_axis_name="c", subcore_axis_name="s")
    return pl.kernel(
        body,
        out_type=jax.ShapeDtypeStruct((2, NP, cw), jnp.float32),
        mesh=mesh,
        compiler_params=pltpu.CompilerParams(use_tc_tiling_on_sc=False),
        scratch_types=(
            [pltpu.VMEM((EPW,), jnp.int32)] * 2
            + [pltpu.VMEM((G,), jnp.int32)] * 3
            + [pltpu.VMEM((G, cw), jnp.float32)] * 3
            + [pltpu.VMEM((G, 16), jnp.float32)] * 3
            + [pltpu.VMEM((16,), jnp.float32)]
            + [pltpu.VMEM_SHARED((NP, cw), jnp.float32)]
            + [pltpu.SemaphoreType.DMA] * 6
        ),
    )


@functools.cache
def _sc_layers():
    return _make_sc(CW1, 8), _make_sc(CW2, 1)



def kernel(x, edge_index, W1, a_src1, a_dst1, b1, W2, a_src2, a_dst2, b2):
    f32 = jnp.float32
    loop = jnp.arange(N, dtype=edge_index.dtype)
    ei = jnp.concatenate([edge_index, jnp.stack([loop, loop])], axis=1)
    src = jnp.concatenate([ei[0], jnp.zeros((EP - E0,), ei.dtype)])
    pad_dst = N + jnp.arange(EP - E0, dtype=ei.dtype) % (NP - N)
    dst = jnp.concatenate([ei[1], pad_dst])

    eye8 = jnp.eye(H1, dtype=f32)
    a_s = (eye8[:, None, :] * a_src1[0][:, :, None]).reshape(F1, H1)
    a_d = (eye8[:, None, :] * a_dst1[0][:, :, None]).reshape(F1, H1)
    e8 = jnp.repeat(eye8, C1, axis=1)
    z80 = jnp.zeros((NR, CW1), f32)
    z48 = jnp.zeros((NR, CW2), f32)

    hext1, adt1, s16a = pl.pallas_call(
        _tc1_body,
        out_shape=[jax.ShapeDtypeStruct((N, CW1), f32),
                   jax.ShapeDtypeStruct((N, 16), f32),
                   jax.ShapeDtypeStruct((1, 16), f32)],
    )(x, W1, a_s, a_d)
    adt1p = jnp.concatenate([adt1, jnp.zeros((NP - N, 16), f32)])

    sc_layer1, sc_layer2 = _sc_layers()
    part1 = sc_layer1(hext1, adt1p, s16a.reshape(16), src, dst, z80)

    hext2, adt2, s16b = pl.pallas_call(
        _tc2_body,
        out_shape=[jax.ShapeDtypeStruct((N, CW2), f32),
                   jax.ShapeDtypeStruct((N, 16), f32),
                   jax.ShapeDtypeStruct((1, 16), f32)],
    )(part1, b1, e8, W2, a_src2.reshape(NCLS, 1),
      a_dst2.reshape(NCLS, 1) * jnp.ones((1, 16), f32))
    adt2p = jnp.concatenate([adt2, jnp.zeros((NP - N, 16), f32)])

    part2 = sc_layer2(hext2, adt2p, s16b.reshape(16), src, dst, z48)

    out = pl.pallas_call(
        _tc3_body,
        out_shape=jax.ShapeDtypeStruct((N, NCLS), f32),
    )(part2, b2)
    return out

# --- scband reference (transcript-rebuilt; emitter-appended) ---
"""Pipeline reference for scband-gatnet-3375844295349 (READ-ONLY COPY).

The authoritative reference and input builder live on the scoring server;
editing this copy changes nothing except your own understanding.
"""

import jax, jax.numpy as jnp
import numpy as np

N = 10000
E = 320000
D = 128
H1, C1 = 8, 8
NUM_CLASSES = 40


def gat_conv(x, edge_index, W, a_src, a_dst, bias, heads, out_ch, concat):
    n = x.shape[0]
    loop = jnp.arange(n, dtype=edge_index.dtype)
    ei = jnp.concatenate([edge_index, jnp.stack([loop, loop])], axis=1)
    src, dst = ei[0], ei[1]
    h = (x @ W).reshape(n, heads, out_ch)
    alpha_src = (h * a_src).sum(-1)
    alpha_dst = (h * a_dst).sum(-1)
    alpha = alpha_src[src] + alpha_dst[dst]
    alpha = jax.nn.leaky_relu(alpha, 0.2)
    amax = jax.ops.segment_max(alpha, dst, num_segments=n)
    amax = jax.lax.stop_gradient(amax)
    alpha = jnp.exp(alpha - amax[dst])
    denom = jax.ops.segment_sum(alpha, dst, num_segments=n)
    alpha = alpha / (denom[dst] + 1e-16)
    out = jax.ops.segment_sum(h[src] * alpha[:, :, None], dst, num_segments=n)
    if concat:
        out = out.reshape(n, heads * out_ch)
    else:
        out = out.mean(axis=1)
    return out + bias


def setup_inputs(seed: int = 0):
    key = jax.random.key(seed)
    ks = jax.random.split(key, 12)
    x = jax.random.normal(ks[0], (N, D), dtype=jnp.float32)
    edge_index = jax.random.randint(ks[1], (2, E), 0, N, dtype=jnp.int32)
    W1 = jax.random.normal(ks[2], (D, H1 * C1), dtype=jnp.float32) * (1.0 / np.sqrt(D))
    a_src1 = jax.random.normal(ks[3], (1, H1, C1), dtype=jnp.float32) * (1.0 / np.sqrt(C1))
    a_dst1 = jax.random.normal(ks[4], (1, H1, C1), dtype=jnp.float32) * (1.0 / np.sqrt(C1))
    b1 = jnp.zeros((H1 * C1,), dtype=jnp.float32)
    W2 = jax.random.normal(ks[5], (H1 * C1, NUM_CLASSES), dtype=jnp.float32) * (1.0 / np.sqrt(H1 * C1))
    a_src2 = jax.random.normal(ks[6], (1, 1, NUM_CLASSES), dtype=jnp.float32) * (1.0 / np.sqrt(NUM_CLASSES))
    a_dst2 = jax.random.normal(ks[7], (1, 1, NUM_CLASSES), dtype=jnp.float32) * (1.0 / np.sqrt(NUM_CLASSES))
    b2 = jnp.zeros((NUM_CLASSES,), dtype=jnp.float32)
    return {"x": x, "edge_index": edge_index, "W1": W1, "a_src1": a_src1, "a_dst1": a_dst1, "b1": b1, "W2": W2, "a_src2": a_src2, "a_dst2": a_dst2, "b2": b2}


def reference(x, edge_index, W1, a_src1, a_dst1, b1, W2, a_src2, a_dst2, b2):
    # dropout is identity in eval mode
    h = gat_conv(x, edge_index, W1, a_src1, a_dst1, b1, H1, C1, True)
    h = jax.nn.elu(h)
    out = gat_conv(h, edge_index, W2, a_src2, a_dst2, b2, 1, NUM_CLASSES, False)
    return jax.nn.log_softmax(out, axis=1)

if __name__ == "__main__":
    import jax
    _d = setup_inputs()
    print(jax.jit(kernel)(*tuple(_d.values())))

</pallas_src>

<mosaic_0001>
#map = affine_map<(d0, d1) -> (0, 0)>
#map1 = affine_map<(d0, d1) -> (0)>
#map2 = affine_map<(d0, d1) -> (0, 0, 0)>
module attributes {stable_mosaic.version = 14 : i64} {
  func.func @body(%arg0: i32, %arg1: i32, %arg2: memref<10000x80xf32, #tpu.memory_space<hbm>>, %arg3: memref<10112x16xf32, #tpu.memory_space<hbm>>, %arg4: memref<16xf32, #tpu.memory_space<hbm>>, %arg5: memref<331776xi32, #tpu.memory_space<hbm>>, %arg6: memref<331776xi32, #tpu.memory_space<hbm>>, %arg7: memref<632x80xf32, #tpu.memory_space<hbm>>, %arg8: memref<2x10112x80xf32, #tpu.memory_space<hbm>>, %arg9: memref<10368xi32, #tpu.memory_space<vmem>>, %arg10: memref<10368xi32, #tpu.memory_space<vmem>>, %arg11: memref<128xi32, #tpu.memory_space<vmem>>, %arg12: memref<128xi32, #tpu.memory_space<vmem>>, %arg13: memref<128xi32, #tpu.memory_space<vmem>>, %arg14: memref<128x80xf32, #tpu.memory_space<vmem>>, %arg15: memref<128x80xf32, #tpu.memory_space<vmem>>, %arg16: memref<128x80xf32, #tpu.memory_space<vmem>>, %arg17: memref<128x16xf32, #tpu.memory_space<vmem>>, %arg18: memref<128x16xf32, #tpu.memory_space<vmem>>, %arg19: memref<128x16xf32, #tpu.memory_space<vmem>>, %arg20: memref<16xf32, #tpu.memory_space<vmem>>, %arg21: memref<10112x80xf32, #tpu.memory_space<vmem_shared>>, %arg22: memref<!tpu.dma_semaphore, #tpu.memory_space<semaphore_mem>>, %arg23: memref<!tpu.dma_semaphore, #tpu.memory_space<semaphore_mem>>, %arg24: memref<!tpu.dma_semaphore, #tpu.memory_space<semaphore_mem>>, %arg25: memref<!tpu.dma_semaphore, #tpu.memory_space<semaphore_mem>>, %arg26: memref<!tpu.dma_semaphore, #tpu.memory_space<semaphore_mem>>, %arg27: memref<!tpu.dma_semaphore, #tpu.memory_space<semaphore_mem>>) attributes {dimension_semantics = [#tpu.dimension_semantics<core_parallel>, #tpu.dimension_semantics<subcore_parallel>], iteration_bounds = array<i64: 2, 16>, scalar_prefetch = 0 : i64, scratch_operands = 19 : i64, tpu.core_type = #tpu.core_type<sc_vector_subcore>, window_params = [{transform_indices = #map}, {transform_indices = #map}, {transform_indices = #map1}, {transform_indices = #map1}, {transform_indices = #map1}, {transform_indices = #map}, {transform_indices = #map2}]} {
    %mul3A = arith.constant 2 : i32
    %mul3A_0 = arith.muli %arg1, %mul3A : i32
    %add3A = arith.addi %mul3A_0, %arg0 : i32
    %mul3A_1 = arith.constant 632 : i32
    %mul3A_2 = arith.muli %arg1, %mul3A_1 : i32
    "tpu.region"() ({
      %run_scoped3A = tpu.sem_alloc : memref<!tpu.dma_semaphore, #tpu.memory_space<semaphore_mem>>
      %dma_start3A_341 = arith.constant 0 : i32
      %dma_start3A_342 = tpu.memref_slice %arg21[%mul3A_2, %dma_start3A_341] : memref<10112x80xf32, #tpu.memory_space<vmem_shared>> -> memref<632x80xf32, #tpu.memory_space<vmem_shared>>
      tpu.enqueue_dma source(%arg7 : memref<632x80xf32, #tpu.memory_space<hbm>>) target(%dma_start3A_342 : memref<632x80xf32, #tpu.memory_space<vmem_shared>>) target_semaphore(%run_scoped3A : memref<!tpu.dma_semaphore, #tpu.memory_space<semaphore_mem>>)
      %dma_wait3A_343 = arith.constant 0 : i32
      %dma_wait3A_344 = tpu.memref_slice %arg21[%mul3A_2, %dma_wait3A_343] : memref<10112x80xf32, #tpu.memory_space<vmem_shared>> -> memref<632x80xf32, #tpu.memory_space<vmem_shared>>
      tpu.wait_dma2 semaphore(%run_scoped3A : memref<!tpu.dma_semaphore, #tpu.memory_space<semaphore_mem>>) src(%arg7 : memref<632x80xf32, #tpu.memory_space<hbm>>) dst(%dma_wait3A_344 : memref<632x80xf32, #tpu.memory_space<vmem_shared>>)
      tpu.yield
    }) : () -> ()
    "tpu.region"() ({
      %run_scoped3A = tpu.sem_alloc : memref<!tpu.dma_semaphore, #tpu.memory_space<semaphore_mem>>
      tpu.enqueue_dma source(%arg4 : memref<16xf32, #tpu.memory_space<hbm>>) target(%arg20 : memref<16xf32, #tpu.memory_space<vmem>>) target_semaphore(%run_scoped3A : memref<!tpu.dma_semaphore, #tpu.memory_space<semaphore_mem>>)
      tpu.wait_dma2 semaphore(%run_scoped3A : memref<!tpu.dma_semaphore, #tpu.memory_space<semaphore_mem>>) src(%arg4 : memref<16xf32, #tpu.memory_space<hbm>>) dst(%arg20 : memref<16xf32, #tpu.memory_space<vmem>>)
      tpu.yield
    }) : () -> ()
    %mul3A_3 = arith.constant 10368 : i32
    %mul3A_4 = arith.muli %add3A, %mul3A_3 : i32
    "tpu.region"() ({
      %run_scoped3A = tpu.sem_alloc : memref<!tpu.dma_semaphore, #tpu.memory_space<semaphore_mem>>
      %dma_start3A_341 = tpu.memref_slice %arg5[%mul3A_4] : memref<331776xi32, #tpu.memory_space<hbm>> -> memref<10368xi32, #tpu.memory_space<hbm>>
      %dma_start3A_342 = tpu.memref_slice %arg5[%mul3A_4] : memref<331776xi32, #tpu.memory_space<hbm>> -> memref<10368xi32, #tpu.memory_space<hbm>>
      tpu.enqueue_dma source(%dma_start3A_342 : memref<10368xi32, #tpu.memory_space<hbm>>) target(%arg9 : memref<10368xi32, #tpu.memory_space<vmem>>) target_semaphore(%run_scoped3A : memref<!tpu.dma_semaphore, #tpu.memory_space<semaphore_mem>>)
      %dma_wait3A_343 = tpu.memref_slice %arg5[%mul3A_4] : memref<331776xi32, #tpu.memory_space<hbm>> -> memref<10368xi32, #tpu.memory_space<hbm>>
      %dma_wait3A_344 = tpu.memref_slice %arg5[%mul3A_4] : memref<331776xi32, #tpu.memory_space<hbm>> -> memref<10368xi32, #tpu.memory_space<hbm>>
      tpu.wait_dma2 semaphore(%run_scoped3A : memref<!tpu.dma_semaphore, #tpu.memory_space<semaphore_mem>>) src(%dma_wait3A_344 : memref<10368xi32, #tpu.memory_space<hbm>>) dst(%arg9 : memref<10368xi32, #tpu.memory_space<vmem>>)
      tpu.yield
    }) : () -> ()
    %mul3A_5 = arith.constant 10368 : i32
    %mul3A_6 = arith.muli %add3A, %mul3A_5 : i32
    "tpu.region"() ({
      %run_scoped3A = tpu.sem_alloc : memref<!tpu.dma_semaphore, #tpu.memory_space<semaphore_mem>>
      %dma_start3A_341 = tpu.memref_slice %arg6[%mul3A_6] : memref<331776xi32, #tpu.memory_space<hbm>> -> memref<10368xi32, #tpu.memory_space<hbm>>
      %dma_start3A_342 = tpu.memref_slice %arg6[%mul3A_6] : memref<331776xi32, #tpu.memory_space<hbm>> -> memref<10368xi32, #tpu.memory_space<hbm>>
      tpu.enqueue_dma source(%dma_start3A_342 : memref<10368xi32, #tpu.memory_space<hbm>>) target(%arg10 : memref<10368xi32, #tpu.memory_space<vmem>>) target_semaphore(%run_scoped3A : memref<!tpu.dma_semaphore, #tpu.memory_space<semaphore_mem>>)
      %dma_wait3A_343 = tpu.memref_slice %arg6[%mul3A_6] : memref<331776xi32, #tpu.memory_space<hbm>> -> memref<10368xi32, #tpu.memory_space<hbm>>
      %dma_wait3A_344 = tpu.memref_slice %arg6[%mul3A_6] : memref<331776xi32, #tpu.memory_space<hbm>> -> memref<10368xi32, #tpu.memory_space<hbm>>
      tpu.wait_dma2 semaphore(%run_scoped3A : memref<!tpu.dma_semaphore, #tpu.memory_space<semaphore_mem>>) src(%dma_wait3A_344 : memref<10368xi32, #tpu.memory_space<hbm>>) dst(%arg10 : memref<10368xi32, #tpu.memory_space<vmem>>)
      tpu.yield
    }) : () -> ()
    %barrier3A = arith.constant 0 : index
    tpu.barrier barrier_id(%barrier3A)
    %iota3A = tpu.iota {dimensions = array<i32: 0>} : vector<16xi32>
    %shift_right_arithmetic3A = arith.constant 3 : i32
    %shift_right_arithmetic3A_7 = vector.broadcast %shift_right_arithmetic3A : i32 to vector<16xi32>
    %shift_right_arithmetic3A_8 = arith.shrsi %iota3A, %shift_right_arithmetic3A_7 : vector<16xi32>
    %and3A = arith.constant 7 : i32
    %and3A_9 = vector.broadcast %and3A : i32 to vector<16xi32>
    %and3A_10 = arith.andi %iota3A, %and3A_9 : vector<16xi32>
    %get3A = arith.constant 0 : index
    %get3A_11 = tpu.vector_load %arg20[%get3A] {strides = array<i32>} : memref<16xf32, #tpu.memory_space<vmem>>, vector<16xf32>,
    %get3A_12 = vector.shape_cast %get3A_11 : vector<16xf32> to vector<16xf32>
    %add3A_13 = arith.constant 8 : i32
    %add3A_14 = vector.broadcast %add3A_13 : i32 to vector<16xi32>
    %add3A_15 = arith.addi %add3A_14, %shift_right_arithmetic3A_8 : vector<16xi32>
    %add3A_16 = arith.constant 10 : i32
    %add3A_17 = vector.broadcast %add3A_16 : i32 to vector<16xi32>
    %add3A_18 = arith.addi %add3A_17, %shift_right_arithmetic3A_8 : vector<16xi32>
    %add3A_19 = arith.constant 12 : i32
    %add3A_20 = vector.broadcast %add3A_19 : i32 to vector<16xi32>
    %add3A_21 = arith.addi %add3A_20, %shift_right_arithmetic3A_8 : vector<16xi32>
    %add3A_22 = arith.constant 14 : i32
    %add3A_23 = vector.broadcast %add3A_22 : i32 to vector<16xi32>
    %add3A_24 = arith.addi %add3A_23, %shift_right_arithmetic3A_8 : vector<16xi32>
    %add3A_25 = arith.constant 8 : i32
    %add3A_26 = vector.broadcast %add3A_25 : i32 to vector<16xi32>
    %add3A_27 = arith.addi %add3A_26, %and3A_10 : vector<16xi32>
    %broadcast_in_dim3A = arith.constant 10000 : i32
    %broadcast_in_dim3A_28 = vector.broadcast %broadcast_in_dim3A : i32 to vector<16xi32>
    %swap3A = arith.constant 0 : index
    %swap3A_29 = tpu.vector_load %arg13[%swap3A] {strides = array<i32>} : memref<128xi32, #tpu.memory_space<vmem>>, vector<16xi32>,
    %swap3A_30 = vector.shape_cast %swap3A_29 : vector<16xi32> to vector<16xi32>
    %swap3A_31 = vector.shape_cast %broadcast_in_dim3A_28 : vector<16xi32> to vector<16xi32>
    tpu.vector_store %arg13[%swap3A], %swap3A_31 {strides = array<i32>} : memref<128xi32, #tpu.memory_space<vmem>>, vector<16xi32>,
    %broadcast_in_dim3A_32 = arith.constant 10000 : i32
    %broadcast_in_dim3A_33 = vector.broadcast %broadcast_in_dim3A_32 : i32 to vector<16xi32>
    %swap3A_34 = arith.constant 16 : index
    %swap3A_35 = tpu.vector_load %arg13[%swap3A_34] {strides = array<i32>} : memref<128xi32, #tpu.memory_space<vmem>>, vector<16xi32>,
    %swap3A_36 = vector.shape_cast %swap3A_35 : vector<16xi32> to vector<16xi32>
    %swap3A_37 = vector.shape_cast %broadcast_in_dim3A_33 : vector<16xi32> to vector<16xi32>
    tpu.vector_store %arg13[%swap3A_34], %swap3A_37 {strides = array<i32>} : memref<128xi32, #tpu.memory_space<vmem>>, vector<16xi32>,
    %broadcast_in_dim3A_38 = arith.constant 10000 : i32
    %broadcast_in_dim3A_39 = vector.broadcast %broadcast_in_dim3A_38 : i32 to vector<16xi32>
    %swap3A_40 = arith.constant 32 : index
    %swap3A_41 = tpu.vector_load %arg13[%swap3A_40] {strides = array<i32>} : memref<128xi32, #tpu.memory_space<vmem>>, vector<16xi32>,
    %swap3A_42 = vector.shape_cast %swap3A_41 : vector<16xi32> to vector<16xi32>
    %swap3A_43 = vector.shape_cast %broadcast_in_dim3A_39 : vector<16xi32> to vector<16xi32>
    tpu.vector_store %arg13[%swap3A_40], %swap3A_43 {strides = array<i32>} : memref<128xi32, #tpu.memory_space<vmem>>, vector<16xi32>,
    %broadcast_in_dim3A_44 = arith.constant 10000 : i32
    %broadcast_in_dim3A_45 = vector.broadcast %broadcast_in_dim3A_44 : i32 to vector<16xi32>
    %swap3A_46 = arith.constant 48 : index
    %swap3A_47 = tpu.vector_load %arg13[%swap3A_46] {strides = array<i32>} : memref<128xi32, #tpu.memory_space<vmem>>, vector<16xi32>,
    %swap3A_48 = vector.shape_cast %swap3A_47 : vector<16xi32> to vector<16xi32>
    %swap3A_49 = vector.shape_cast %broadcast_in_dim3A_45 : vector<16xi32> to vector<16xi32>
    tpu.vector_store %arg13[%swap3A_46], %swap3A_49 {strides = array<i32>} : memref<128xi32, #tpu.memory_space<vmem>>, vector<16xi32>,
    %broadcast_in_dim3A_50 = arith.constant 10000 : i32
    %broadcast_in_dim3A_51 = vector.broadcast %broadcast_in_dim3A_50 : i32 to vector<16xi32>
    %swap3A_52 = arith.constant 64 : index
    %swap3A_53 = tpu.vector_load %arg13[%swap3A_52] {strides = array<i32>} : memref<128xi32, #tpu.memory_space<vmem>>, vector<16xi32>,
    %swap3A_54 = vector.shape_cast %swap3A_53 : vector<16xi32> to vector<16xi32>
    %swap3A_55 = vector.shape_cast %broadcast_in_dim3A_51 : vector<16xi32> to vector<16xi32>
    tpu.vector_store %arg13[%swap3A_52], %swap3A_55 {strides = array<i32>} : memref<128xi32, #tpu.memory_space<vmem>>, vector<16xi32>,
    %broadcast_in_dim3A_56 = arith.constant 10000 : i32
    %broadcast_in_dim3A_57 = vector.broadcast %broadcast_in_dim3A_56 : i32 to vector<16xi32>
    %swap3A_58 = arith.constant 80 : index
    %swap3A_59 = tpu.vector_load %arg13[%swap3A_58] {strides = array<i32>} : memref<128xi32, #tpu.memory_space<vmem>>, vector<16xi32>,
    %swap3A_60 = vector.shape_cast %swap3A_59 : vector<16xi32> to vector<16xi32>
    %swap3A_61 = vector.shape_cast %broadcast_in_dim3A_57 : vector<16xi32> to vector<16xi32>
    tpu.vector_store %arg13[%swap3A_58], %swap3A_61 {strides = array<i32>} : memref<128xi32, #tpu.memory_space<vmem>>, vector<16xi32>,
    %broadcast_in_dim3A_62 = arith.constant 10000 : i32
    %broadcast_in_dim3A_63 = vector.broadcast %broadcast_in_dim3A_62 : i32 to vector<16xi32>
    %swap3A_64 = arith.constant 96 : index
    %swap3A_65 = tpu.vector_load %arg13[%swap3A_64] {strides = array<i32>} : memref<128xi32, #tpu.memory_space<vmem>>, vector<16xi32>,
    %swap3A_66 = vector.shape_cast %swap3A_65 : vector<16xi32> to vector<16xi32>
    %swap3A_67 = vector.shape_cast %broadcast_in_dim3A_63 : vector<16xi32> to vector<16xi32>
    tpu.vector_store %arg13[%swap3A_64], %swap3A_67 {strides = array<i32>} : memref<128xi32, #tpu.memory_space<vmem>>, vector<16xi32>,
    %broadcast_in_dim3A_68 = arith.constant 10000 : i32
    %broadcast_in_dim3A_69 = vector.broadcast %broadcast_in_dim3A_68 : i32 to vector<16xi32>
    %swap3A_70 = arith.constant 112 : index
    %swap3A_71 = tpu.vector_load %arg13[%swap3A_70] {strides = array<i32>} : memref<128xi32, #tpu.memory_space<vmem>>, vector<16xi32>,
    %swap3A_72 = vector.shape_cast %swap3A_71 : vector<16xi32> to vector<16xi32>
    %swap3A_73 = vector.shape_cast %broadcast_in_dim3A_69 : vector<16xi32> to vector<16xi32>
    tpu.vector_store %arg13[%swap3A_70], %swap3A_73 {strides = array<i32>} : memref<128xi32, #tpu.memory_space<vmem>>, vector<16xi32>,
    %dma_start3A = arith.constant 0 : i32
    %dma_start3A_74 = arith.constant 0 : i32
    %dma_start3A_75 = tpu.memref_slice %arg21[%dma_start3A, %dma_start3A_74] : memref<10112x80xf32, #tpu.memory_space<vmem_shared>> -> memref<10112x80xf32, #tpu.memory_space<vmem_shared>>
    tpu.enqueue_indirect_dma source(%arg16 : memref<128x80xf32, #tpu.memory_space<vmem>>) target(%dma_start3A_75 : memref<10112x80xf32, #tpu.memory_space<vmem_shared>>) offsets(%arg13 : memref<128xi32, #tpu.memory_space<vmem>>) semaphore(%arg27 : memref<!tpu.dma_semaphore, #tpu.memory_space<semaphore_mem>>) {add = true}
    %dma_start3A_76 = arith.constant 0 : i32
    %dma_start3A_77 = tpu.memref_slice %arg9[%dma_start3A_76] : memref<10368xi32, #tpu.memory_space<vmem>> -> memref<128xi32, #tpu.memory_space<vmem>>
    %dma_start3A_78 = arith.constant 0 : i32
    %dma_start3A_79 = arith.constant 0 : i32
    %dma_start3A_80 = tpu.memref_slice %arg2[%dma_start3A_78, %dma_start3A_79] : memref<10000x80xf32, #tpu.memory_space<hbm>> -> memref<10000x80xf32, #tpu.memory_space<hbm>>
    tpu.enqueue_indirect_dma source(%dma_start3A_80 : memref<10000x80xf32, #tpu.memory_space<hbm>>) target(%arg14 : memref<128x80xf32, #tpu.memory_space<vmem>>) offsets(%dma_start3A_77 : memref<128xi32, #tpu.memory_space<vmem>>) semaphore(%arg22 : memref<!tpu.dma_semaphore, #tpu.memory_space<semaphore_mem>>)
    %dma_start3A_81 = arith.constant 0 : i32
    %dma_start3A_82 = tpu.memref_slice %arg10[%dma_start3A_81] : memref<10368xi32, #tpu.memory_space<vmem>> -> memref<128xi32, #tpu.memory_space<vmem>>
    %dma_start3A_83 = arith.constant 0 : i32
    %dma_start3A_84 = arith.constant 0 : i32
    %dma_start3A_85 = tpu.memref_slice %arg3[%dma_start3A_83, %dma_start3A_84] : memref<10112x16xf32, #tpu.memory_space<hbm>> -> memref<10112x16xf32, #tpu.memory_space<hbm>>
    tpu.enqueue_indirect_dma source(%dma_start3A_85 : memref<10112x16xf32, #tpu.memory_space<hbm>>) target(%arg17 : memref<128x16xf32, #tpu.memory_space<vmem>>) offsets(%dma_start3A_82 : memref<128xi32, #tpu.memory_space<vmem>>) semaphore(%arg22 : memref<!tpu.dma_semaphore, #tpu.memory_space<semaphore_mem>>)
    %dma_start3A_86 = arith.constant 128 : i32
    %dma_start3A_87 = tpu.memref_slice %arg9[%dma_start3A_86] : memref<10368xi32, #tpu.memory_space<vmem>> -> memref<128xi32, #tpu.memory_space<vmem>>
    %dma_start3A_88 = arith.constant 0 : i32
    %dma_start3A_89 = arith.constant 0 : i32
    %dma_start3A_90 = tpu.memref_slice %arg2[%dma_start3A_88, %dma_start3A_89] : memref<10000x80xf32, #tpu.memory_space<hbm>> -> memref<10000x80xf32, #tpu.memory_space<hbm>>
    tpu.enqueue_indirect_dma source(%dma_start3A_90 : memref<10000x80xf32, #tpu.memory_space<hbm>>) target(%arg15 : memref<128x80xf32, #tpu.memory_space<vmem>>) offsets(%dma_start3A_87 : memref<128xi32, #tpu.memory_space<vmem>>) semaphore(%arg23 : memref<!tpu.dma_semaphore, #tpu.memory_space<semaphore_mem>>)
    %dma_start3A_91 = arith.constant 128 : i32
    %dma_start3A_92 = tpu.memref_slice %arg10[%dma_start3A_91] : memref<10368xi32, #tpu.memory_space<vmem>> -> memref<128xi32, #tpu.memory_space<vmem>>
    %dma_start3A_93 = arith.constant 0 : i32
    %dma_start3A_94 = arith.constant 0 : i32
    %dma_start3A_95 = tpu.memref_slice %arg3[%dma_start3A_93, %dma_start3A_94] : memref<10112x16xf32, #tpu.memory_space<hbm>> -> memref<10112x16xf32, #tpu.memory_space<hbm>>
    tpu.enqueue_indirect_dma source(%dma_start3A_95 : memref<10112x16xf32, #tpu.memory_space<hbm>>) target(%arg18 : memref<128x16xf32, #tpu.memory_space<vmem>>) offsets(%dma_start3A_92 : memref<128xi32, #tpu.memory_space<vmem>>) semaphore(%arg23 : memref<!tpu.dma_semaphore, #tpu.memory_space<semaphore_mem>>)
    %scan3A = arith.constant 0 : i32
    %scan3A_96 = arith.constant 26 : i32
    %scan3A_97 = arith.addi %scan3A, %scan3A_96 : i32
    %scan3A_98 = arith.constant 1 : i32
    scf.for %scan3A_341 = %scan3A to %scan3A_97 step %scan3A_98  : i32 {
      %mul3A_342 = arith.constant 1 : i32
      %mul3A_343 = arith.muli %scan3A_341, %mul3A_342 : i32
      %add3A_344 = arith.constant 0 : i32
      %add3A_345 = arith.addi %add3A_344, %mul3A_343 : i32
      %mul3A_346 = arith.constant 3 : i32
      %mul3A_347 = arith.muli %add3A_345, %mul3A_346 : i32
      %dma_wait3A_348 = arith.constant 0 : i32
      %dma_wait3A_349 = tpu.memref_slice %arg9[%dma_wait3A_348] : memref<10368xi32, #tpu.memory_space<vmem>> -> memref<128xi32, #tpu.memory_space<vmem>>
      %dma_wait3A_350 = arith.constant 0 : i32
      %dma_wait3A_351 = arith.constant 0 : i32
      %dma_wait3A_352 = tpu.memref_slice %arg2[%dma_wait3A_350, %dma_wait3A_351] : memref<10000x80xf32, #tpu.memory_space<hbm>> -> memref<10000x80xf32, #tpu.memory_space<hbm>>
      tpu.wait_indirect_dma semaphore(%arg22 : memref<!tpu.dma_semaphore, #tpu.memory_space<semaphore_mem>>) src(%dma_wait3A_352 : memref<10000x80xf32, #tpu.memory_space<hbm>>) dst(%arg14 : memref<128x80xf32, #tpu.memory_space<vmem>>)
      %dma_wait3A_353 = arith.constant 0 : i32
      %dma_wait3A_354 = tpu.memref_slice %arg10[%dma_wait3A_353] : memref<10368xi32, #tpu.memory_space<vmem>> -> memref<128xi32, #tpu.memory_space<vmem>>
      %dma_wait3A_355 = arith.constant 0 : i32
      %dma_wait3A_356 = arith.constant 0 : i32
      %dma_wait3A_357 = tpu.memref_slice %arg3[%dma_wait3A_355, %dma_wait3A_356] : memref<10112x16xf32, #tpu.memory_space<hbm>> -> memref<10112x16xf32, #tpu.memory_space<hbm>>
      tpu.wait_indirect_dma semaphore(%arg22 : memref<!tpu.dma_semaphore, #tpu.memory_space<semaphore_mem>>) src(%dma_wait3A_357 : memref<10112x16xf32, #tpu.memory_space<hbm>>) dst(%arg17 : memref<128x16xf32, #tpu.memory_space<vmem>>)
      %mul3A_358 = arith.constant 128 : i32
      %mul3A_359 = arith.muli %mul3A_347, %mul3A_358 : i32
      %add3A_360 = arith.constant 0 : i32
      %add3A_361 = arith.addi %mul3A_359, %add3A_360 : i32
      %get3A_362 = arith.index_cast %add3A_361 : i32 to index
      %get3A_363 = tpu.vector_load %arg10[%get3A_362] {strides = array<i32>} : memref<10368xi32, #tpu.memory_space<vmem>>, vector<16xi32>,
      %get3A_364 = vector.shape_cast %get3A_363 : vector<16xi32> to vector<16xi32>
      %swap3A_365 = arith.constant 0 : index
      %swap3A_366 = tpu.vector_load %arg11[%swap3A_365] {strides = array<i32>} : memref<128xi32, #tpu.memory_space<vmem>>, vector<16xi32>,
      %swap3A_367 = vector.shape_cast %swap3A_366 : vector<16xi32> to vector<16xi32>
      %swap3A_368 = vector.shape_cast %get3A_364 : vector<16xi32> to vector<16xi32>
      tpu.vector_store %arg11[%swap3A_365], %swap3A_368 {strides = array<i32>} : memref<128xi32, #tpu.memory_space<vmem>>, vector<16xi32>,
      %add3A_369 = arith.constant 16 : i32
      %add3A_370 = arith.addi %mul3A_359, %add3A_369 : i32
      %get3A_371 = arith.index_cast %add3A_370 : i32 to index
      %get3A_372 = tpu.vector_load %arg10[%get3A_371] {strides = array<i32>} : memref<10368xi32, #tpu.memory_space<vmem>>, vector<16xi32>,
      %get3A_373 = vector.shape_cast %get3A_372 : vector<16xi32> to vector<16xi32>
      %swap3A_374 = arith.constant 16 : index
      %swap3A_375 = tpu.vector_load %arg11[%swap3A_374] {strides = array<i32>} : memref<128xi32, #tpu.memory_space<vmem>>, vector<16xi32>,
      %swap3A_376 = vector.shape_cast %swap3A_375 : vector<16xi32> to vector<16xi32>
      %swap3A_377 = vector.shape_cast %get3A_373 : vector<16xi32> to vector<16xi32>
      tpu.vector_store %arg11[%swap3A_374], %swap3A_377 {strides = array<i32>} : memref<128xi32, #tpu.memory_space<vmem>>, vector<16xi32>,
      %add3A_378 = arith.constant 32 : i32
      %add3A_379 = arith.addi %mul3A_359, %add3A_378 : i32
      %get3A_380 = arith.index_cast %add3A_379 : i32 to index
      %get3A_381 = tpu.vector_load %arg10[%get3A_380] {strides = array<i32>} : memref<10368xi32, #tpu.memory_space<vmem>>, vector<16xi32>,
      %get3A_382 = vector.shape_cast %get3A_381 : vector<16xi32> to vector<16xi32>
      %swap3A_383 = arith.constant 32 : index
      %swap3A_384 = tpu.vector_load %arg11[%swap3A_383] {strides = array<i32>} : memref<128xi32, #tpu.memory_space<vmem>>, vector<16xi32>,
      %swap3A_385 = vector.shape_cast %swap3A_384 : vector<16xi32> to vector<16xi32>
      %swap3A_386 = vector.shape_cast %get3A_382 : vector<16xi32> to vector<16xi32>
      tpu.vector_store %arg11[%swap3A_383], %swap3A_386 {strides = array<i32>} : memref<128xi32, #tpu.memory_space<vmem>>, vector<16xi32>,
      %add3A_387 = arith.constant 48 : i32
      %add3A_388 = arith.addi %mul3A_359, %add3A_387 : i32
      %get3A_389 = arith.index_cast %add3A_388 : i32 to index
      %get3A_390 = tpu.vector_load %arg10[%get3A_389] {strides = array<i32>} : memref<10368xi32, #tpu.memory_space<vmem>>, vector<16xi32>,
      %get3A_391 = vector.shape_cast %get3A_390 : vector<16xi32> to vector<16xi32>
      %swap3A_392 = arith.constant 48 : index
      %swap3A_393 = tpu.vector_load %arg11[%swap3A_392] {strides = array<i32>} : memref<128xi32, #tpu.memory_space<vmem>>, vector<16xi32>,
      %swap3A_394 = vector.shape_cast %swap3A_393 : vector<16xi32> to vector<16xi32>
      %swap3A_395 = vector.shape_cast %get3A_391 : vector<16xi32> to vector<16xi32>
      tpu.vector_store %arg11[%swap3A_392], %swap3A_395 {strides = array<i32>} : memref<128xi32, #tpu.memory_space<vmem>>, vector<16xi32>,
      %add3A_396 = arith.constant 64 : i32
      %add3A_397 = arith.addi %mul3A_359, %add3A_396 : i32
      %get3A_398 = arith.index_cast %add3A_397 : i32 to index
      %get3A_399 = tpu.vector_load %arg10[%get3A_398] {strides = array<i32>} : memref<10368xi32, #tpu.memory_space<vmem>>, vector<16xi32>,
      %get3A_400 = vector.shape_cast %get3A_399 : vector<16xi32> to vector<16xi32>
      %swap3A_401 = arith.constant 64 : index
      %swap3A_402 = tpu.vector_load %arg11[%swap3A_401] {strides = array<i32>} : memref<128xi32, #tpu.memory_space<vmem>>, vector<16xi32>,
      %swap3A_403 = vector.shape_cast %swap3A_402 : vector<16xi32> to vector<16xi32>
      %swap3A_404 = vector.shape_cast %get3A_400 : vector<16xi32> to vector<16xi32>
      tpu.vector_store %arg11[%swap3A_401], %swap3A_404 {strides = array<i32>} : memref<128xi32, #tpu.memory_space<vmem>>, vector<16xi32>,
      %add3A_405 = arith.constant 80 : i32
      %add3A_406 = arith.addi %mul3A_359, %add3A_405 : i32
      %get3A_407 = arith.index_cast %add3A_406 : i32 to index
      %get3A_408 = tpu.vector_load %arg10[%get3A_407] {strides = array<i32>} : memref<10368xi32, #tpu.memory_space<vmem>>, vector<16xi32>,
      %get3A_409 = vector.shape_cast %get3A_408 : vector<16xi32> to vector<16xi32>
      %swap3A_410 = arith.constant 80 : index
      %swap3A_411 = tpu.vector_load %arg11[%swap3A_410] {strides = array<i32>} : memref<128xi32, #tpu.memory_space<vmem>>, vector<16xi32>,
      %swap3A_412 = vector.shape_cast %swap3A_411 : vector<16xi32> to vector<16xi32>
      %swap3A_413 = vector.shape_cast %get3A_409 : vector<16xi32> to vector<16xi32>
      tpu.vector_store %arg11[%swap3A_410], %swap3A_413 {strides = array<i32>} : memref<128xi32, #tpu.memory_space<vmem>>, vector<16xi32>,
      %add3A_414 = arith.constant 96 : i32
      %add3A_415 = arith.addi %mul3A_359, %add3A_414 : i32
      %get3A_416 = arith.index_cast %add3A_415 : i32 to index
      %get3A_417 = tpu.vector_load %arg10[%get3A_416] {strides = array<i32>} : memref<10368xi32, #tpu.memory_space<vmem>>, vector<16xi32>,
      %get3A_418 = vector.shape_cast %get3A_417 : vector<16xi32> to vector<16xi32>
      %swap3A_419 = arith.constant 96 : index
      %swap3A_420 = tpu.vector_load %arg11[%swap3A_419] {strides = array<i32>} : memref<128xi32, #tpu.memory_space<vmem>>, vector<16xi32>,
      %swap3A_421 = vector.shape_cast %swap3A_420 : vector<16xi32> to vector<16xi32>
      %swap3A_422 = vector.shape_cast %get3A_418 : vector<16xi32> to vector<16xi32>
      tpu.vector_store %arg11[%swap3A_419], %swap3A_422 {strides = array<i32>} : memref<128xi32, #tpu.memory_space<vmem>>, vector<16xi32>,
      %add3A_423 = arith.constant 112 : i32
      %add3A_424 = arith.addi %mul3A_359, %add3A_423 : i32
      %get3A_425 = arith.index_cast %add3A_424 : i32 to index
      %get3A_426 = tpu.vector_load %arg10[%get3A_425] {strides = array<i32>} : memref<10368xi32, #tpu.memory_space<vmem>>, vector<16xi32>,
      %get3A_427 = vector.shape_cast %get3A_426 : vector<16xi32> to vector<16xi32>
      %swap3A_428 = arith.constant 112 : index
      %swap3A_429 = tpu.vector_load %arg11[%swap3A_428] {strides = array<i32>} : memref<128xi32, #tpu.memory_space<vmem>>, vector<16xi32>,
      %swap3A_430 = vector.shape_cast %swap3A_429 : vector<16xi32> to vector<16xi32>
      %swap3A_431 = vector.shape_cast %get3A_427 : vector<16xi32> to vector<16xi32>
      tpu.vector_store %arg11[%swap3A_428], %swap3A_431 {strides = array<i32>} : memref<128xi32, #tpu.memory_space<vmem>>, vector<16xi32>,
      %parallel_loop3A_432 = arith.constant 0 : i32
      %parallel_loop3A_433 = arith.constant 128 : i32
      %parallel_loop3A_434 = arith.constant 1 : i32
      scf.for %parallel_loop3A_667 = %parallel_loop3A_432 to %parallel_loop3A_433 step %parallel_loop3A_434  : i32 {
        %parallel_loop3A_668 = arith.index_cast %parallel_loop3A_667 : i32 to index
        %parallel_loop3A_669 = arith.constant 64 : index
        %parallel_loop3A_670 = tpu.vector_load %arg14[%parallel_loop3A_668, %parallel_loop3A_669] {strides = array<i32>} : memref<128x80xf32, #tpu.memory_space<vmem>>, vector<1x16xf32>,
        %parallel_loop3A_671 = vector.shape_cast %parallel_loop3A_670 : vector<1x16xf32> to vector<16xf32>
        %parallel_loop3A_672 = arith.index_cast %parallel_loop3A_667 : i32 to index
        %parallel_loop3A_673 = arith.constant 0 : index
        %parallel_loop3A_674 = tpu.vector_load %arg17[%parallel_loop3A_672, %parallel_loop3A_673] {strides = array<i32>} : memref<128x16xf32, #tpu.memory_space<vmem>>, vector<1x16xf32>,
        %parallel_loop3A_675 = vector.shape_cast %parallel_loop3A_674 : vector<1x16xf32> to vector<16xf32>
        %parallel_loop3A_676 = arith.addf %parallel_loop3A_671, %parallel_loop3A_675 : vector<16xf32>
        %parallel_loop3A_677 = arith.constant 2.000000e-01 : f32
        %parallel_loop3A_678 = vector.broadcast %parallel_loop3A_677 : f32 to vector<16xf32>
        %parallel_loop3A_679 = arith.mulf %parallel_loop3A_678, %parallel_loop3A_676 : vector<16xf32>
        %parallel_loop3A_680 = arith.maximumf %parallel_loop3A_676, %parallel_loop3A_679 : vector<16xf32>
        %parallel_loop3A_681 = arith.subf %parallel_loop3A_680, %get3A_12 : vector<16xf32>
        %parallel_loop3A_682 = math.exp %parallel_loop3A_681 : vector<16xf32>
        %parallel_loop3A_683 = vector.shape_cast %add3A_15 : vector<16xi32> to vector<16x1xi32>
        %parallel_loop3A_684 = vector.shape_cast %parallel_loop3A_683 : vector<16x1xi32> to vector<16xi32>
        %parallel_loop3A_685 = tpu.dynamic_gather %parallel_loop3A_682[%parallel_loop3A_684] in [0] : vector<16xf32>, vector<16xi32> -> vector<16xf32>
        %parallel_loop3A_686 = vector.shape_cast %add3A_18 : vector<16xi32> to vector<16x1xi32>
        %parallel_loop3A_687 = vector.shape_cast %parallel_loop3A_686 : vector<16x1xi32> to vector<16xi32>
        %parallel_loop3A_688 = tpu.dynamic_gather %parallel_loop3A_682[%parallel_loop3A_687] in [0] : vector<16xf32>, vector<16xi32> -> vector<16xf32>
        %parallel_loop3A_689 = vector.shape_cast %add3A_21 : vector<16xi32> to vector<16x1xi32>
        %parallel_loop3A_690 = vector.shape_cast %parallel_loop3A_689 : vector<16x1xi32> to vector<16xi32>
        %parallel_loop3A_691 = tpu.dynamic_gather %parallel_loop3A_682[%parallel_loop3A_690] in [0] : vector<16xf32>, vector<16xi32> -> vector<16xf32>
        %parallel_loop3A_692 = vector.shape_cast %add3A_24 : vector<16xi32> to vector<16x1xi32>
        %parallel_loop3A_693 = vector.shape_cast %parallel_loop3A_692 : vector<16x1xi32> to vector<16xi32>
        %parallel_loop3A_694 = tpu.dynamic_gather %parallel_loop3A_682[%parallel_loop3A_693] in [0] : vector<16xf32>, vector<16xi32> -> vector<16xf32>
        %parallel_loop3A_695 = vector.shape_cast %add3A_27 : vector<16xi32> to vector<16x1xi32>
        %parallel_loop3A_696 = vector.shape_cast %parallel_loop3A_695 : vector<16x1xi32> to vector<16xi32>
        %parallel_loop3A_697 = tpu.dynamic_gather %parallel_loop3A_682[%parallel_loop3A_696] in [0] : vector<16xf32>, vector<16xi32> -> vector<16xf32>
        %parallel_loop3A_698 = arith.index_cast %parallel_loop3A_667 : i32 to index
        %parallel_loop3A_699 = arith.constant 0 : index
        %parallel_loop3A_700 = tpu.vector_load %arg14[%parallel_loop3A_698, %parallel_loop3A_699] {strides = array<i32>} : memref<128x80xf32, #tpu.memory_space<vmem>>, vector<1x16xf32>,
        %parallel_loop3A_701 = vector.shape_cast %parallel_loop3A_700 : vector<1x16xf32> to vector<16xf32>
        %parallel_loop3A_702 = arith.mulf %parallel_loop3A_701, %parallel_loop3A_685 : vector<16xf32>
        %parallel_loop3A_703 = arith.index_cast %parallel_loop3A_667 : i32 to index
        %parallel_loop3A_704 = arith.constant 0 : index
        %parallel_loop3A_705 = tpu.vector_load %arg14[%parallel_loop3A_703, %parallel_loop3A_704] {strides = array<i32>} : memref<128x80xf32, #tpu.memory_space<vmem>>, vector<1x16xf32>,
        %parallel_loop3A_706 = vector.shape_cast %parallel_loop3A_705 : vector<1x16xf32> to vector<16xf32>
        %parallel_loop3A_707 = vector.shape_cast %parallel_loop3A_702 : vector<16xf32> to vector<1x16xf32>
        tpu.vector_store %arg14[%parallel_loop3A_703, %parallel_loop3A_704], %parallel_loop3A_707 {strides = array<i32>} : memref<128x80xf32, #tpu.memory_space<vmem>>, vector<1x16xf32>,
        %parallel_loop3A_708 = arith.index_cast %parallel_loop3A_667 : i32 to index
        %parallel_loop3A_709 = arith.constant 16 : index
        %parallel_loop3A_710 = tpu.vector_load %arg14[%parallel_loop3A_708, %parallel_loop3A_709] {strides = array<i32>} : memref<128x80xf32, #tpu.memory_space<vmem>>, vector<1x16xf32>,
        %parallel_loop3A_711 = vector.shape_cast %parallel_loop3A_710 : vector<1x16xf32> to vector<16xf32>
        %parallel_loop3A_712 = arith.mulf %parallel_loop3A_711, %parallel_loop3A_688 : vector<16xf32>
        %parallel_loop3A_713 = arith.index_cast %parallel_loop3A_667 : i32 to index
        %parallel_loop3A_714 = arith.constant 16 : index
        %parallel_loop3A_715 = tpu.vector_load %arg14[%parallel_loop3A_713, %parallel_loop3A_714] {strides = array<i32>} : memref<128x80xf32, #tpu.memory_space<vmem>>, vector<1x16xf32>,
        %parallel_loop3A_716 = vector.shape_cast %parallel_loop3A_715 : vector<1x16xf32> to vector<16xf32>
        %parallel_loop3A_717 = vector.shape_cast %parallel_loop3A_712 : vector<16xf32> to vector<1x16xf32>
        tpu.vector_store %arg14[%parallel_loop3A_713, %parallel_loop3A_714], %parallel_loop3A_717 {strides = array<i32>} : memref<128x80xf32, #tpu.memory_space<vmem>>, vector<1x16xf32>,
        %parallel_loop3A_718 = arith.index_cast %parallel_loop3A_667 : i32 to index
        %parallel_loop3A_719 = arith.constant 32 : index
        %parallel_loop3A_720 = tpu.vector_load %arg14[%parallel_loop3A_718, %parallel_loop3A_719] {strides = array<i32>} : memref<128x80xf32, #tpu.memory_space<vmem>>, vector<1x16xf32>,
        %parallel_loop3A_721 = vector.shape_cast %parallel_loop3A_720 : vector<1x16xf32> to vector<16xf32>
        %parallel_loop3A_722 = arith.mulf %parallel_loop3A_721, %parallel_loop3A_691 : vector<16xf32>
        %parallel_loop3A_723 = arith.index_cast %parallel_loop3A_667 : i32 to index
        %parallel_loop3A_724 = arith.constant 32 : index
        %parallel_loop3A_725 = tpu.vector_load %arg14[%parallel_loop3A_723, %parallel_loop3A_724] {strides = array<i32>} : memref<128x80xf32, #tpu.memory_space<vmem>>, vector<1x16xf32>,
        %parallel_loop3A_726 = vector.shape_cast %parallel_loop3A_725 : vector<1x16xf32> to vector<16xf32>
        %parallel_loop3A_727 = vector.shape_cast %parallel_loop3A_722 : vector<16xf32> to vector<1x16xf32>
        tpu.vector_store %arg14[%parallel_loop3A_723, %parallel_loop3A_724], %parallel_loop3A_727 {strides = array<i32>} : memref<128x80xf32, #tpu.memory_space<vmem>>, vector<1x16xf32>,
        %parallel_loop3A_728 = arith.index_cast %parallel_loop3A_667 : i32 to index
        %parallel_loop3A_729 = arith.constant 48 : index
        %parallel_loop3A_730 = tpu.vector_load %arg14[%parallel_loop3A_728, %parallel_loop3A_729] {strides = array<i32>} : memref<128x80xf32, #tpu.memory_space<vmem>>, vector<1x16xf32>,
        %parallel_loop3A_731 = vector.shape_cast %parallel_loop3A_730 : vector<1x16xf32> to vector<16xf32>
        %parallel_loop3A_732 = arith.mulf %parallel_loop3A_731, %parallel_loop3A_694 : vector<16xf32>
        %parallel_loop3A_733 = arith.index_cast %parallel_loop3A_667 : i32 to index
        %parallel_loop3A_734 = arith.constant 48 : index
        %parallel_loop3A_735 = tpu.vector_load %arg14[%parallel_loop3A_733, %parallel_loop3A_734] {strides = array<i32>} : memref<128x80xf32, #tpu.memory_space<vmem>>, vector<1x16xf32>,
        %parallel_loop3A_736 = vector.shape_cast %parallel_loop3A_735 : vector<1x16xf32> to vector<16xf32>
        %parallel_loop3A_737 = vector.shape_cast %parallel_loop3A_732 : vector<16xf32> to vector<1x16xf32>
        tpu.vector_store %arg14[%parallel_loop3A_733, %parallel_loop3A_734], %parallel_loop3A_737 {strides = array<i32>} : memref<128x80xf32, #tpu.memory_space<vmem>>, vector<1x16xf32>,
        %parallel_loop3A_738 = arith.index_cast %parallel_loop3A_667 : i32 to index
        %parallel_loop3A_739 = arith.constant 64 : index
        %parallel_loop3A_740 = tpu.vector_load %arg14[%parallel_loop3A_738, %parallel_loop3A_739] {strides = array<i32>} : memref<128x80xf32, #tpu.memory_space<vmem>>, vector<1x16xf32>,
        %parallel_loop3A_741 = vector.shape_cast %parallel_loop3A_740 : vector<1x16xf32> to vector<16xf32>
        %parallel_loop3A_742 = vector.shape_cast %parallel_loop3A_697 : vector<16xf32> to vector<1x16xf32>
        tpu.vector_store %arg14[%parallel_loop3A_738, %parallel_loop3A_739], %parallel_loop3A_742 {strides = array<i32>} : memref<128x80xf32, #tpu.memory_space<vmem>>, vector<1x16xf32>,
      } {sc.loop_unroll_factor = 4 : i64, sc.parallel_access}
      %dma_start3A_435 = arith.constant 0 : i32
      %dma_start3A_436 = arith.constant 0 : i32
      %dma_start3A_437 = tpu.memref_slice %arg21[%dma_start3A_435, %dma_start3A_436] : memref<10112x80xf32, #tpu.memory_space<vmem_shared>> -> memref<10112x80xf32, #tpu.memory_space<vmem_shared>>
      tpu.enqueue_indirect_dma source(%arg14 : memref<128x80xf32, #tpu.memory_space<vmem>>) target(%dma_start3A_437 : memref<10112x80xf32, #tpu.memory_space<vmem_shared>>) offsets(%arg11 : memref<128xi32, #tpu.memory_space<vmem>>) semaphore(%arg25 : memref<!tpu.dma_semaphore, #tpu.memory_space<semaphore_mem>>) {add = true}
      %dma_wait3A_438 = arith.constant 0 : i32
      %dma_wait3A_439 = arith.constant 0 : i32
      %dma_wait3A_440 = tpu.memref_slice %arg21[%dma_wait3A_438, %dma_wait3A_439] : memref<10112x80xf32, #tpu.memory_space<vmem_shared>> -> memref<10112x80xf32, #tpu.memory_space<vmem_shared>>
      tpu.wait_indirect_dma semaphore(%arg27 : memref<!tpu.dma_semaphore, #tpu.memory_space<semaphore_mem>>) src(%arg16 : memref<128x80xf32, #tpu.memory_space<vmem>>) dst(%dma_wait3A_440 : memref<10112x80xf32, #tpu.memory_space<vmem_shared>>)
      %add3A_441 = arith.constant 2 : i32
      %add3A_442 = arith.addi %mul3A_347, %add3A_441 : i32
      %mul3A_443 = arith.constant 128 : i32
      %mul3A_444 = arith.muli %add3A_442, %mul3A_443 : i32
      %dma_start3A_445 = tpu.memref_slice %arg9[%mul3A_444] : memref<10368xi32, #tpu.memory_space<vmem>> -> memref<128xi32, #tpu.memory_space<vmem>>
      %dma_start3A_446 = arith.constant 0 : i32
      %dma_start3A_447 = arith.constant 0 : i32
      %dma_start3A_448 = tpu.memref_slice %arg2[%dma_start3A_446, %dma_start3A_447] : memref<10000x80xf32, #tpu.memory_space<hbm>> -> memref<10000x80xf32, #tpu.memory_space<hbm>>
      tpu.enqueue_indirect_dma source(%dma_start3A_448 : memref<10000x80xf32, #tpu.memory_space<hbm>>) target(%arg16 : memref<128x80xf32, #tpu.memory_space<vmem>>) offsets(%dma_start3A_445 : memref<128xi32, #tpu.memory_space<vmem>>) semaphore(%arg24 : memref<!tpu.dma_semaphore, #tpu.memory_space<semaphore_mem>>)
      %dma_start3A_449 = tpu.memref_slice %arg10[%mul3A_444] : memref<10368xi32, #tpu.memory_space<vmem>> -> memref<128xi32, #tpu.memory_space<vmem>>
      %dma_start3A_450 = arith.constant 0 : i32
      %dma_start3A_451 = arith.constant 0 : i32
      %dma_start3A_452 = tpu.memref_slice %arg3[%dma_start3A_450, %dma_start3A_451] : memref<10112x16xf32, #tpu.memory_space<hbm>> -> memref<10112x16xf32, #tpu.memory_space<hbm>>
      tpu.enqueue_indirect_dma source(%dma_start3A_452 : memref<10112x16xf32, #tpu.memory_space<hbm>>) target(%arg19 : memref<128x16xf32, #tpu.memory_space<vmem>>) offsets(%dma_start3A_449 : memref<128xi32, #tpu.memory_space<vmem>>) semaphore(%arg24 : memref<!tpu.dma_semaphore, #tpu.memory_space<semaphore_mem>>)
      %dma_wait3A_453 = arith.constant 0 : i32
      %dma_wait3A_454 = tpu.memref_slice %arg9[%dma_wait3A_453] : memref<10368xi32, #tpu.memory_space<vmem>> -> memref<128xi32, #tpu.memory_space<vmem>>
      %dma_wait3A_455 = arith.constant 0 : i32
      %dma_wait3A_456 = arith.constant 0 : i32
      %dma_wait3A_457 = tpu.memref_slice %arg2[%dma_wait3A_455, %dma_wait3A_456] : memref<10000x80xf32, #tpu.memory_space<hbm>> -> memref<10000x80xf32, #tpu.memory_space<hbm>>
      tpu.wait_indirect_dma semaphore(%arg23 : memref<!tpu.dma_semaphore, #tpu.memory_space<semaphore_mem>>) src(%dma_wait3A_457 : memref<10000x80xf32, #tpu.memory_space<hbm>>) dst(%arg15 : memref<128x80xf32, #tpu.memory_space<vmem>>)
      %dma_wait3A_458 = arith.constant 0 : i32
      %dma_wait3A_459 = tpu.memref_slice %arg10[%dma_wait3A_458] : memref<10368xi32, #tpu.memory_space<vmem>> -> memref<128xi32, #tpu.memory_space<vmem>>
      %dma_wait3A_460 = arith.constant 0 : i32
      %dma_wait3A_461 = arith.constant 0 : i32
      %dma_wait3A_462 = tpu.memref_slice %arg3[%dma_wait3A_460, %dma_wait3A_461] : memref<10112x16xf32, #tpu.memory_space<hbm>> -> memref<10112x16xf32, #tpu.memory_space<hbm>>
      tpu.wait_indirect_dma semaphore(%arg23 : memref<!tpu.dma_semaphore, #tpu.memory_space<semaphore_mem>>) src(%dma_wait3A_462 : memref<10112x16xf32, #tpu.memory_space<hbm>>) dst(%arg18 : memref<128x16xf32, #tpu.memory_space<vmem>>)
      %add3A_463 = arith.constant 1 : i32
      %add3A_464 = arith.addi %mul3A_347, %add3A_463 : i32
      %mul3A_465 = arith.constant 128 : i32
      %mul3A_466 = arith.muli %add3A_464, %mul3A_465 : i32
      %add3A_467 = arith.constant 0 : i32
      %add3A_468 = arith.addi %mul3A_466, %add3A_467 : i32
      %get3A_469 = arith.index_cast %add3A_468 : i32 to index
      %get3A_470 = tpu.vector_load %arg10[%get3A_469] {strides = array<i32>} : memref<10368xi32, #tpu.memory_space<vmem>>, vector<16xi32>,
      %get3A_471 = vector.shape_cast %get3A_470 : vector<16xi32> to vector<16xi32>
      %swap3A_472 = arith.constant 0 : index
      %swap3A_473 = tpu.vector_load %arg12[%swap3A_472] {strides = array<i32>} : memref<128xi32, #tpu.memory_space<vmem>>, vector<16xi32>,
      %swap3A_474 = vector.shape_cast %swap3A_473 : vector<16xi32> to vector<16xi32>
      %swap3A_475 = vector.shape_cast %get3A_471 : vector<16xi32> to vector<16xi32>
      tpu.vector_store %arg12[%swap3A_472], %swap3A_475 {strides = array<i32>} : memref<128xi32, #tpu.memory_space<vmem>>, vector<16xi32>,
      %add3A_476 = arith.constant 16 : i32
      %add3A_477 = arith.addi %mul3A_466, %add3A_476 : i32
      %get3A_478 = arith.index_cast %add3A_477 : i32 to index
      %get3A_479 = tpu.vector_load %arg10[%get3A_478] {strides = array<i32>} : memref<10368xi32, #tpu.memory_space<vmem>>, vector<16xi32>,
      %get3A_480 = vector.shape_cast %get3A_479 : vector<16xi32> to vector<16xi32>
      %swap3A_481 = arith.constant 16 : index
      %swap3A_482 = tpu.vector_load %arg12[%swap3A_481] {strides = array<i32>} : memref<128xi32, #tpu.memory_space<vmem>>, vector<16xi32>,
      %swap3A_483 = vector.shape_cast %swap3A_482 : vector<16xi32> to vector<16xi32>
      %swap3A_484 = vector.shape_cast %get3A_480 : vector<16xi32> to vector<16xi32>
      tpu.vector_store %arg12[%swap3A_481], %swap3A_484 {strides = array<i32>} : memref<128xi32, #tpu.memory_space<vmem>>, vector<16xi32>,
      %add3A_485 = arith.constant 32 : i32
      %add3A_486 = arith.addi %mul3A_466, %add3A_485 : i32
      %get3A_487 = arith.index_cast %add3A_486 : i32 to index
      %get3A_488 = tpu.vector_load %arg10[%get3A_487] {strides = array<i32>} : memref<10368xi32, #tpu.memory_space<vmem>>, vector<16xi32>,
      %get3A_489 = vector.shape_cast %get3A_488 : vector<16xi32> to vector<16xi32>
      %swap3A_490 = arith.constant 32 : index
      %swap3A_491 = tpu.vector_load %arg12[%swap3A_490] {strides = array<i32>} : memref<128xi32, #tpu.memory_space<vmem>>, vector<16xi32>,
      %swap3A_492 = vector.shape_cast %swap3A_491 : vector<16xi32> to vector<16xi32>
      %swap3A_493 = vector.shape_cast %get3A_489 : vector<16xi32> to vector<16xi32>
      tpu.vector_store %arg12[%swap3A_490], %swap3A_493 {strides = array<i32>} : memref<128xi32, #tpu.memory_space<vmem>>, vector<16xi32>,
      %add3A_494 = arith.constant 48 : i32
      %add3A_495 = arith.addi %mul3A_466, %add3A_494 : i32
      %get3A_496 = arith.index_cast %add3A_495 : i32 to index
      %get3A_497 = tpu.vector_load %arg10[%get3A_496] {strides = array<i32>} : memref<10368xi32, #tpu.memory_space<vmem>>, vector<16xi32>,
      %get3A_498 = vector.shape_cast %get3A_497 : vector<16xi32> to vector<16xi32>
      %swap3A_499 = arith.constant 48 : index
      %swap3A_500 = tpu.vector_load %arg12[%swap3A_499] {strides = array<i32>} : memref<128xi32, #tpu.memory_space<vmem>>, vector<16xi32>,
      %swap3A_501 = vector.shape_cast %swap3A_500 : vector<16xi32> to vector<16xi32>
      %swap3A_502 = vector.shape_cast %get3A_498 : vector<16xi32> to vector<16xi32>
      tpu.vector_store %arg12[%swap3A_499], %swap3A_502 {strides = array<i32>} : memref<128xi32, #tpu.memory_space<vmem>>, vector<16xi32>,
      %add3A_503 = arith.constant 64 : i32
      %add3A_504 = arith.addi %mul3A_466, %add3A_503 : i32
      %get3A_505 = arith.index_cast %add3A_504 : i32 to index
      %get3A_506 = tpu.vector_load %arg10[%get3A_505] {strides = array<i32>} : memref<10368xi32, #tpu.memory_space<vmem>>, vector<16xi32>,
      %get3A_507 = vector.shape_cast %get3A_506 : vector<16xi32> to vector<16xi32>
      %swap3A_508 = arith.constant 64 : index
      %swap3A_509 = tpu.vector_load %arg12[%swap3A_508] {strides = array<i32>} : memref<128xi32, #tpu.memory_space<vmem>>, vector<16xi32>,
      %swap3A_510 = vector.shape_cast %swap3A_509 : vector<16xi32> to vector<16xi32>
      %swap3A_511 = vector.shape_cast %get3A_507 : vector<16xi32> to vector<16xi32>
      tpu.vector_store %arg12[%swap3A_508], %swap3A_511 {strides = array<i32>} : memref<128xi32, #tpu.memory_space<vmem>>, vector<16xi32>,
      %add3A_512 = arith.constant 80 : i32
      %add3A_513 = arith.addi %mul3A_466, %add3A_512 : i32
      %get3A_514 = arith.index_cast %add3A_513 : i32 to index
      %get3A_515 = tpu.vector_load %arg10[%get3A_514] {strides = array<i32>} : memref<10368xi32, #tpu.memory_space<vmem>>, vector<16xi32>,
      %get3A_516 = vector.shape_cast %get3A_515 : vector<16xi32> to vector<16xi32>
      %swap3A_517 = arith.constant 80 : index
      %swap3A_518 = tpu.vector_load %arg12[%swap3A_517] {strides = array<i32>} : memref<128xi32, #tpu.memory_space<vmem>>, vector<16xi32>,
      %swap3A_519 = vector.shape_cast %swap3A_518 : vector<16xi32> to vector<16xi32>
      %swap3A_520 = vector.shape_cast %get3A_516 : vector<16xi32> to vector<16xi32>
      tpu.vector_store %arg12[%swap3A_517], %swap3A_520 {strides = array<i32>} : memref<128xi32, #tpu.memory_space<vmem>>, vector<16xi32>,
      %add3A_521 = arith.constant 96 : i32
      %add3A_522 = arith.addi %mul3A_466, %add3A_521 : i32
      %get3A_523 = arith.index_cast %add3A_522 : i32 to index
      %get3A_524 = tpu.vector_load %arg10[%get3A_523] {strides = array<i32>} : memref<10368xi32, #tpu.memory_space<vmem>>, vector<16xi32>,
      %get3A_525 = vector.shape_cast %get3A_524 : vector<16xi32> to vector<16xi32>
      %swap3A_526 = arith.constant 96 : index
      %swap3A_527 = tpu.vector_load %arg12[%swap3A_526] {strides = array<i32>} : memref<128xi32, #tpu.memory_space<vmem>>, vector<16xi32>,
      %swap3A_528 = vector.shape_cast %swap3A_527 : vector<16xi32> to vector<16xi32>
      %swap3A_529 = vector.shape_cast %get3A_525 : vector<16xi32> to vector<16xi32>
      tpu.vector_store %arg12[%swap3A_526], %swap3A_529 {strides = array<i32>} : memref<128xi32, #tpu.memory_space<vmem>>, vector<16xi32>,
      %add3A_530 = arith.constant 112 : i32
      %add3A_531 = arith.addi %mul3A_466, %add3A_530 : i32
      %get3A_532 = arith.index_cast %add3A_531 : i32 to index
      %get3A_533 = tpu.vector_load %arg10[%get3A_532] {strides = array<i32>} : memref<10368xi32, #tpu.memory_space<vmem>>, vector<16xi32>,
      %get3A_534 = vector.shape_cast %get3A_533 : vector<16xi32> to vector<16xi32>
      %swap3A_535 = arith.constant 112 : index
      %swap3A_536 = tpu.vector_load %arg12[%swap3A_535] {strides = array<i32>} : memref<128xi32, #tpu.memory_space<vmem>>, vector<16xi32>,
      %swap3A_537 = vector.shape_cast %swap3A_536 : vector<16xi32> to vector<16xi32>
      %swap3A_538 = vector.shape_cast %get3A_534 : vector<16xi32> to vector<16xi32>
      tpu.vector_store %arg12[%swap3A_535], %swap3A_538 {strides = array<i32>} : memref<128xi32, #tpu.memory_space<vmem>>, vector<16xi32>,
      %parallel_loop3A_539 = arith.constant 0 : i32
      %parallel_loop3A_540 = arith.constant 128 : i32
      %parallel_loop3A_541 = arith.constant 1 : i32
      scf.for %parallel_loop3A_667 = %parallel_loop3A_539 to %parallel_loop3A_540 step %parallel_loop3A_541  : i32 {
        %parallel_loop3A_668 = arith.index_cast %parallel_loop3A_667 : i32 to index
        %parallel_loop3A_669 = arith.constant 64 : index
        %parallel_loop3A_670 = tpu.vector_load %arg15[%parallel_loop3A_668, %parallel_loop3A_669] {strides = array<i32>} : memref<128x80xf32, #tpu.memory_space<vmem>>, vector<1x16xf32>,
        %parallel_loop3A_671 = vector.shape_cast %parallel_loop3A_670 : vector<1x16xf32> to vector<16xf32>
        %parallel_loop3A_672 = arith.index_cast %parallel_loop3A_667 : i32 to index
        %parallel_loop3A_673 = arith.constant 0 : index
        %parallel_loop3A_674 = tpu.vector_load %arg18[%parallel_loop3A_672, %parallel_loop3A_673] {strides = array<i32>} : memref<128x16xf32, #tpu.memory_space<vmem>>, vector<1x16xf32>,
        %parallel_loop3A_675 = vector.shape_cast %parallel_loop3A_674 : vector<1x16xf32> to vector<16xf32>
        %parallel_loop3A_676 = arith.addf %parallel_loop3A_671, %parallel_loop3A_675 : vector<16xf32>
        %parallel_loop3A_677 = arith.constant 2.000000e-01 : f32
        %parallel_loop3A_678 = vector.broadcast %parallel_loop3A_677 : f32 to vector<16xf32>
        %parallel_loop3A_679 = arith.mulf %parallel_loop3A_678, %parallel_loop3A_676 : vector<16xf32>
        %parallel_loop3A_680 = arith.maximumf %parallel_loop3A_676, %parallel_loop3A_679 : vector<16xf32>
        %parallel_loop3A_681 = arith.subf %parallel_loop3A_680, %get3A_12 : vector<16xf32>
        %parallel_loop3A_682 = math.exp %parallel_loop3A_681 : vector<16xf32>
        %parallel_loop3A_683 = vector.shape_cast %add3A_15 : vector<16xi32> to vector<16x1xi32>
        %parallel_loop3A_684 = vector.shape_cast %parallel_loop3A_683 : vector<16x1xi32> to vector<16xi32>
        %parallel_loop3A_685 = tpu.dynamic_gather %parallel_loop3A_682[%parallel_loop3A_684] in [0] : vector<16xf32>, vector<16xi32> -> vector<16xf32>
        %parallel_loop3A_686 = vector.shape_cast %add3A_18 : vector<16xi32> to vector<16x1xi32>
        %parallel_loop3A_687 = vector.shape_cast %parallel_loop3A_686 : vector<16x1xi32> to vector<16xi32>
        %parallel_loop3A_688 = tpu.dynamic_gather %parallel_loop3A_682[%parallel_loop3A_687] in [0] : vector<16xf32>, vector<16xi32> -> vector<16xf32>
        %parallel_loop3A_689 = vector.shape_cast %add3A_21 : vector<16xi32> to vector<16x1xi32>
        %parallel_loop3A_690 = vector.shape_cast %parallel_loop3A_689 : vector<16x1xi32> to vector<16xi32>
        %parallel_loop3A_691 = tpu.dynamic_gather %parallel_loop3A_682[%parallel_loop3A_690] in [0] : vector<16xf32>, vector<16xi32> -> vector<16xf32>
        %parallel_loop3A_692 = vector.shape_cast %add3A_24 : vector<16xi32> to vector<16x1xi32>
        %parallel_loop3A_693 = vector.shape_cast %parallel_loop3A_692 : vector<16x1xi32> to vector<16xi32>
        %parallel_loop3A_694 = tpu.dynamic_gather %parallel_loop3A_682[%parallel_loop3A_693] in [0] : vector<16xf32>, vector<16xi32> -> vector<16xf32>
        %parallel_loop3A_695 = vector.shape_cast %add3A_27 : vector<16xi32> to vector<16x1xi32>
        %parallel_loop3A_696 = vector.shape_cast %parallel_loop3A_695 : vector<16x1xi32> to vector<16xi32>
        %parallel_loop3A_697 = tpu.dynamic_gather %parallel_loop3A_682[%parallel_loop3A_696] in [0] : vector<16xf32>, vector<16xi32> -> vector<16xf32>
        %parallel_loop3A_698 = arith.index_cast %parallel_loop3A_667 : i32 to index
        %parallel_loop3A_699 = arith.constant 0 : index
        %parallel_loop3A_700 = tpu.vector_load %arg15[%parallel_loop3A_698, %parallel_loop3A_699] {strides = array<i32>} : memref<128x80xf32, #tpu.memory_space<vmem>>, vector<1x16xf32>,
        %parallel_loop3A_701 = vector.shape_cast %parallel_loop3A_700 : vector<1x16xf32> to vector<16xf32>
        %parallel_loop3A_702 = arith.mulf %parallel_loop3A_701, %parallel_loop3A_685 : vector<16xf32>
        %parallel_loop3A_703 = arith.index_cast %parallel_loop3A_667 : i32 to index
        %parallel_loop3A_704 = arith.constant 0 : index
        %parallel_loop3A_705 = tpu.vector_load %arg15[%parallel_loop3A_703, %parallel_loop3A_704] {strides = array<i32>} : memref<128x80xf32, #tpu.memory_space<vmem>>, vector<1x16xf32>,
        %parallel_loop3A_706 = vector.shape_cast %parallel_loop3A_705 : vector<1x16xf32> to vector<16xf32>
        %parallel_loop3A_707 = vector.shape_cast %parallel_loop3A_702 : vector<16xf32> to vector<1x16xf32>
        tpu.vector_store %arg15[%parallel_loop3A_703, %parallel_loop3A_704], %parallel_loop3A_707 {strides = array<i32>} : memref<128x80xf32, #tpu.memory_space<vmem>>, vector<1x16xf32>,
        %parallel_loop3A_708 = arith.index_cast %parallel_loop3A_667 : i32 to index
        %parallel_loop3A_709 = arith.constant 16 : index
        %parallel_loop3A_710 = tpu.vector_load %arg15[%parallel_loop3A_708, %parallel_loop3A_709] {strides = array<i32>} : memref<128x80xf32, #tpu.memory_space<vmem>>, vector<1x16xf32>,
        %parallel_loop3A_711 = vector.shape_cast %parallel_loop3A_710 : vector<1x16xf32> to vector<16xf32>
        %parallel_loop3A_712 = arith.mulf %parallel_loop3A_711, %parallel_loop3A_688 : vector<16xf32>
        %parallel_loop3A_713 = arith.index_cast %parallel_loop3A_667 : i32 to index
        %parallel_loop3A_714 = arith.constant 16 : index
        %parallel_loop3A_715 = tpu.vector_load %arg15[%parallel_loop3A_713, %parallel_loop3A_714] {strides = array<i32>} : memref<128x80xf32, #tpu.memory_space<vmem>>, vector<1x16xf32>,
        %parallel_loop3A_716 = vector.shape_cast %parallel_loop3A_715 : vector<1x16xf32> to vector<16xf32>
        %parallel_loop3A_717 = vector.shape_cast %parallel_loop3A_712 : vector<16xf32> to vector<1x16xf32>
        tpu.vector_store %arg15[%parallel_loop3A_713, %parallel_loop3A_714], %parallel_loop3A_717 {strides = array<i32>} : memref<128x80xf32, #tpu.memory_space<vmem>>, vector<1x16xf32>,
        %parallel_loop3A_718 = arith.index_cast %parallel_loop3A_667 : i32 to index
        %parallel_loop3A_719 = arith.constant 32 : index
        %parallel_loop3A_720 = tpu.vector_load %arg15[%parallel_loop3A_718, %parallel_loop3A_719] {strides = array<i32>} : memref<128x80xf32, #tpu.memory_space<vmem>>, vector<1x16xf32>,
        %parallel_loop3A_721 = vector.shape_cast %parallel_loop3A_720 : vector<1x16xf32> to vector<16xf32>
        %parallel_loop3A_722 = arith.mulf %parallel_loop3A_721, %parallel_loop3A_691 : vector<16xf32>
        %parallel_loop3A_723 = arith.index_cast %parallel_loop3A_667 : i32 to index
        %parallel_loop3A_724 = arith.constant 32 : index
        %parallel_loop3A_725 = tpu.vector_load %arg15[%parallel_loop3A_723, %parallel_loop3A_724] {strides = array<i32>} : memref<128x80xf32, #tpu.memory_space<vmem>>, vector<1x16xf32>,
        %parallel_loop3A_726 = vector.shape_cast %parallel_loop3A_725 : vector<1x16xf32> to vector<16xf32>
        %parallel_loop3A_727 = vector.shape_cast %parallel_loop3A_722 : vector<16xf32> to vector<1x16xf32>
        tpu.vector_store %arg15[%parallel_loop3A_723, %parallel_loop3A_724], %parallel_loop3A_727 {strides = array<i32>} : memref<128x80xf32, #tpu.memory_space<vmem>>, vector<1x16xf32>,
        %parallel_loop3A_728 = arith.index_cast %parallel_loop3A_667 : i32 to index
        %parallel_loop3A_729 = arith.constant 48 : index
        %parallel_loop3A_730 = tpu.vector_load %arg15[%parallel_loop3A_728, %parallel_loop3A_729] {strides = array<i32>} : memref<128x80xf32, #tpu.memory_space<vmem>>, vector<1x16xf32>,
        %parallel_loop3A_731 = vector.shape_cast %parallel_loop3A_730 : vector<1x16xf32> to vector<16xf32>
        %parallel_loop3A_732 = arith.mulf %parallel_loop3A_731, %parallel_loop3A_694 : vector<16xf32>
        %parallel_loop3A_733 = arith.index_cast %parallel_loop3A_667 : i32 to index
        %parallel_loop3A_734 = arith.constant 48 : index
        %parallel_loop3A_735 = tpu.vector_load %arg15[%parallel_loop3A_733, %parallel_loop3A_734] {strides = array<i32>} : memref<128x80xf32, #tpu.memory_space<vmem>>, vector<1x16xf32>,
        %parallel_loop3A_736 = vector.shape_cast %parallel_loop3A_735 : vector<1x16xf32> to vector<16xf32>
        %parallel_loop3A_737 = vector.shape_cast %parallel_loop3A_732 : vector<16xf32> to vector<1x16xf32>
        tpu.vector_store %arg15[%parallel_loop3A_733, %parallel_loop3A_734], %parallel_loop3A_737 {strides = array<i32>} : memref<128x80xf32, #tpu.memory_space<vmem>>, vector<1x16xf32>,
        %parallel_loop3A_738 = arith.index_cast %parallel_loop3A_667 : i32 to index
        %parallel_loop3A_739 = arith.constant 64 : index
        %parallel_loop3A_740 = tpu.vector_load %arg15[%parallel_loop3A_738, %parallel_loop3A_739] {strides = array<i32>} : memref<128x80xf32, #tpu.memory_space<vmem>>, vector<1x16xf32>,
        %parallel_loop3A_741 = vector.shape_cast %parallel_loop3A_740 : vector<1x16xf32> to vector<16xf32>
        %parallel_loop3A_742 = vector.shape_cast %parallel_loop3A_697 : vector<16xf32> to vector<1x16xf32>
        tpu.vector_store %arg15[%parallel_loop3A_738, %parallel_loop3A_739], %parallel_loop3A_742 {strides = array<i32>} : memref<128x80xf32, #tpu.memory_space<vmem>>, vector<1x16xf32>,
      } {sc.loop_unroll_factor = 4 : i64, sc.parallel_access}
      %dma_start3A_542 = arith.constant 0 : i32
      %dma_start3A_543 = arith.constant 0 : i32
      %dma_start3A_544 = tpu.memref_slice %arg21[%dma_start3A_542, %dma_start3A_543] : memref<10112x80xf32, #tpu.memory_space<vmem_shared>> -> memref<10112x80xf32, #tpu.memory_space<vmem_shared>>
      tpu.enqueue_indirect_dma source(%arg15 : memref<128x80xf32, #tpu.memory_space<vmem>>) target(%dma_start3A_544 : memref<10112x80xf32, #tpu.memory_space<vmem_shared>>) offsets(%arg12 : memref<128xi32, #tpu.memory_space<vmem>>) semaphore(%arg26 : memref<!tpu.dma_semaphore, #tpu.memory_space<semaphore_mem>>) {add = true}
      %dma_wait3A_545 = arith.constant 0 : i32
      %dma_wait3A_546 = arith.constant 0 : i32
      %dma_wait3A_547 = tpu.memref_slice %arg21[%dma_wait3A_545, %dma_wait3A_546] : memref<10112x80xf32, #tpu.memory_space<vmem_shared>> -> memref<10112x80xf32, #tpu.memory_space<vmem_shared>>
      tpu.wait_indirect_dma semaphore(%arg25 : memref<!tpu.dma_semaphore, #tpu.memory_space<semaphore_mem>>) src(%arg14 : memref<128x80xf32, #tpu.memory_space<vmem>>) dst(%dma_wait3A_547 : memref<10112x80xf32, #tpu.memory_space<vmem_shared>>)
      %add3A_548 = arith.constant 3 : i32
      %add3A_549 = arith.addi %mul3A_347, %add3A_548 : i32
      %mul3A_550 = arith.constant 128 : i32
      %mul3A_551 = arith.muli %add3A_549, %mul3A_550 : i32
      %dma_start3A_552 = tpu.memref_slice %arg9[%mul3A_551] : memref<10368xi32, #tpu.memory_space<vmem>> -> memref<128xi32, #tpu.memory_space<vmem>>
      %dma_start3A_553 = arith.constant 0 : i32
      %dma_start3A_554 = arith.constant 0 : i32
      %dma_start3A_555 = tpu.memref_slice %arg2[%dma_start3A_553, %dma_start3A_554] : memref<10000x80xf32, #tpu.memory_space<hbm>> -> memref<10000x80xf32, #tpu.memory_space<hbm>>
      tpu.enqueue_indirect_dma source(%dma_start3A_555 : memref<10000x80xf32, #tpu.memory_space<hbm>>) target(%arg14 : memref<128x80xf32, #tpu.memory_space<vmem>>) offsets(%dma_start3A_552 : memref<128xi32, #tpu.memory_space<vmem>>) semaphore(%arg22 : memref<!tpu.dma_semaphore, #tpu.memory_space<semaphore_mem>>)
      %dma_start3A_556 = tpu.memref_slice %arg10[%mul3A_551] : memref<10368xi32, #tpu.memory_space<vmem>> -> memref<128xi32, #tpu.memory_space<vmem>>
      %dma_start3A_557 = arith.constant 0 : i32
      %dma_start3A_558 = arith.constant 0 : i32
      %dma_start3A_559 = tpu.memref_slice %arg3[%dma_start3A_557, %dma_start3A_558] : memref<10112x16xf32, #tpu.memory_space<hbm>> -> memref<10112x16xf32, #tpu.memory_space<hbm>>
      tpu.enqueue_indirect_dma source(%dma_start3A_559 : memref<10112x16xf32, #tpu.memory_space<hbm>>) target(%arg17 : memref<128x16xf32, #tpu.memory_space<vmem>>) offsets(%dma_start3A_556 : memref<128xi32, #tpu.memory_space<vmem>>) semaphore(%arg22 : memref<!tpu.dma_semaphore, #tpu.memory_space<semaphore_mem>>)
      %dma_wait3A_560 = arith.constant 0 : i32
      %dma_wait3A_561 = tpu.memref_slice %arg9[%dma_wait3A_560] : memref<10368xi32, #tpu.memory_space<vmem>> -> memref<128xi32, #tpu.memory_space<vmem>>
      %dma_wait3A_562 = arith.constant 0 : i32
      %dma_wait3A_563 = arith.constant 0 : i32
      %dma_wait3A_564 = tpu.memref_slice %arg2[%dma_wait3A_562, %dma_wait3A_563] : memref<10000x80xf32, #tpu.memory_space<hbm>> -> memref<10000x80xf32, #tpu.memory_space<hbm>>
      tpu.wait_indirect_dma semaphore(%arg24 : memref<!tpu.dma_semaphore, #tpu.memory_space<semaphore_mem>>) src(%dma_wait3A_564 : memref<10000x80xf32, #tpu.memory_space<hbm>>) dst(%arg16 : memref<128x80xf32, #tpu.memory_space<vmem>>)
      %dma_wait3A_565 = arith.constant 0 : i32
      %dma_wait3A_566 = tpu.memref_slice %arg10[%dma_wait3A_565] : memref<10368xi32, #tpu.memory_space<vmem>> -> memref<128xi32, #tpu.memory_space<vmem>>
      %dma_wait3A_567 = arith.constant 0 : i32
      %dma_wait3A_568 = arith.constant 0 : i32
      %dma_wait3A_569 = tpu.memref_slice %arg3[%dma_wait3A_567, %dma_wait3A_568] : memref<10112x16xf32, #tpu.memory_space<hbm>> -> memref<10112x16xf32, #tpu.memory_space<hbm>>
      tpu.wait_indirect_dma semaphore(%arg24 : memref<!tpu.dma_semaphore, #tpu.memory_space<semaphore_mem>>) src(%dma_wait3A_569 : memref<10112x16xf32, #tpu.memory_space<hbm>>) dst(%arg19 : memref<128x16xf32, #tpu.memory_space<vmem>>)
      %add3A_570 = arith.constant 2 : i32
      %add3A_571 = arith.addi %mul3A_347, %add3A_570 : i32
      %mul3A_572 = arith.constant 128 : i32
      %mul3A_573 = arith.muli %add3A_571, %mul3A_572 : i32
      %add3A_574 = arith.constant 0 : i32
      %add3A_575 = arith.addi %mul3A_573, %add3A_574 : i32
      %get3A_576 = arith.index_cast %add3A_575 : i32 to index
      %get3A_577 = tpu.vector_load %arg10[%get3A_576] {strides = array<i32>} : memref<10368xi32, #tpu.memory_space<vmem>>, vector<16xi32>,
      %get3A_578 = vector.shape_cast %get3A_577 : vector<16xi32> to vector<16xi32>
      %swap3A_579 = arith.constant 0 : index
      %swap3A_580 = tpu.vector_load %arg13[%swap3A_579] {strides = array<i32>} : memref<128xi32, #tpu.memory_space<vmem>>, vector<16xi32>,
      %swap3A_581 = vector.shape_cast %swap3A_580 : vector<16xi32> to vector<16xi32>
      %swap3A_582 = vector.shape_cast %get3A_578 : vector<16xi32> to vector<16xi32>
      tpu.vector_store %arg13[%swap3A_579], %swap3A_582 {strides = array<i32>} : memref<128xi32, #tpu.memory_space<vmem>>, vector<16xi32>,
      %add3A_583 = arith.constant 16 : i32
      %add3A_584 = arith.addi %mul3A_573, %add3A_583 : i32
      %get3A_585 = arith.index_cast %add3A_584 : i32 to index
      %get3A_586 = tpu.vector_load %arg10[%get3A_585] {strides = array<i32>} : memref<10368xi32, #tpu.memory_space<vmem>>, vector<16xi32>,
      %get3A_587 = vector.shape_cast %get3A_586 : vector<16xi32> to vector<16xi32>
      %swap3A_588 = arith.constant 16 : index
      %swap3A_589 = tpu.vector_load %arg13[%swap3A_588] {strides = array<i32>} : memref<128xi32, #tpu.memory_space<vmem>>, vector<16xi32>,
      %swap3A_590 = vector.shape_cast %swap3A_589 : vector<16xi32> to vector<16xi32>
      %swap3A_591 = vector.shape_cast %get3A_587 : vector<16xi32> to vector<16xi32>
      tpu.vector_store %arg13[%swap3A_588], %swap3A_591 {strides = array<i32>} : memref<128xi32, #tpu.memory_space<vmem>>, vector<16xi32>,
      %add3A_592 = arith.constant 32 : i32
      %add3A_593 = arith.addi %mul3A_573, %add3A_592 : i32
      %get3A_594 = arith.index_cast %add3A_593 : i32 to index
      %get3A_595 = tpu.vector_load %arg10[%get3A_594] {strides = array<i32>} : memref<10368xi32, #tpu.memory_space<vmem>>, vector<16xi32>,
      %get3A_596 = vector.shape_cast %get3A_595 : vector<16xi32> to vector<16xi32>
      %swap3A_597 = arith.constant 32 : index
      %swap3A_598 = tpu.vector_load %arg13[%swap3A_597] {strides = array<i32>} : memref<128xi32, #tpu.memory_space<vmem>>, vector<16xi32>,
      %swap3A_599 = vector.shape_cast %swap3A_598 : vector<16xi32> to vector<16xi32>
      %swap3A_600 = vector.shape_cast %get3A_596 : vector<16xi32> to vector<16xi32>
      tpu.vector_store %arg13[%swap3A_597], %swap3A_600 {strides = array<i32>} : memref<128xi32, #tpu.memory_space<vmem>>, vector<16xi32>,
      %add3A_601 = arith.constant 48 : i32
      %add3A_602 = arith.addi %mul3A_573, %add3A_601 : i32
      %get3A_603 = arith.index_cast %add3A_602 : i32 to index
      %get3A_604 = tpu.vector_load %arg10[%get3A_603] {strides = array<i32>} : memref<10368xi32, #tpu.memory_space<vmem>>, vector<16xi32>,
      %get3A_605 = vector.shape_cast %get3A_604 : vector<16xi32> to vector<16xi32>
      %swap3A_606 = arith.constant 48 : index
      %swap3A_607 = tpu.vector_load %arg13[%swap3A_606] {strides = array<i32>} : memref<128xi32, #tpu.memory_space<vmem>>, vector<16xi32>,
      %swap3A_608 = vector.shape_cast %swap3A_607 : vector<16xi32> to vector<16xi32>
      %swap3A_609 = vector.shape_cast %get3A_605 : vector<16xi32> to vector<16xi32>
      tpu.vector_store %arg13[%swap3A_606], %swap3A_609 {strides = array<i32>} : memref<128xi32, #tpu.memory_space<vmem>>, vector<16xi32>,
      %add3A_610 = arith.constant 64 : i32
      %add3A_611 = arith.addi %mul3A_573, %add3A_610 : i32
      %get3A_612 = arith.index_cast %add3A_611 : i32 to index
      %get3A_613 = tpu.vector_load %arg10[%get3A_612] {strides = array<i32>} : memref<10368xi32, #tpu.memory_space<vmem>>, vector<16xi32>,
      %get3A_614 = vector.shape_cast %get3A_613 : vector<16xi32> to vector<16xi32>
      %swap3A_615 = arith.constant 64 : index
      %swap3A_616 = tpu.vector_load %arg13[%swap3A_615] {strides = array<i32>} : memref<128xi32, #tpu.memory_space<vmem>>, vector<16xi32>,
      %swap3A_617 = vector.shape_cast %swap3A_616 : vector<16xi32> to vector<16xi32>
      %swap3A_618 = vector.shape_cast %get3A_614 : vector<16xi32> to vector<16xi32>
      tpu.vector_store %arg13[%swap3A_615], %swap3A_618 {strides = array<i32>} : memref<128xi32, #tpu.memory_space<vmem>>, vector<16xi32>,
      %add3A_619 = arith.constant 80 : i32
      %add3A_620 = arith.addi %mul3A_573, %add3A_619 : i32
      %get3A_621 = arith.index_cast %add3A_620 : i32 to index
      %get3A_622 = tpu.vector_load %arg10[%get3A_621] {strides = array<i32>} : memref<10368xi32, #tpu.memory_space<vmem>>, vector<16xi32>,
      %get3A_623 = vector.shape_cast %get3A_622 : vector<16xi32> to vector<16xi32>
      %swap3A_624 = arith.constant 80 : index
      %swap3A_625 = tpu.vector_load %arg13[%swap3A_624] {strides = array<i32>} : memref<128xi32, #tpu.memory_space<vmem>>, vector<16xi32>,
      %swap3A_626 = vector.shape_cast %swap3A_625 : vector<16xi32> to vector<16xi32>
      %swap3A_627 = vector.shape_cast %get3A_623 : vector<16xi32> to vector<16xi32>
      tpu.vector_store %arg13[%swap3A_624], %swap3A_627 {strides = array<i32>} : memref<128xi32, #tpu.memory_space<vmem>>, vector<16xi32>,
      %add3A_628 = arith.constant 96 : i32
      %add3A_629 = arith.addi %mul3A_573, %add3A_628 : i32
      %get3A_630 = arith.index_cast %add3A_629 : i32 to index
      %get3A_631 = tpu.vector_load %arg10[%get3A_630] {strides = array<i32>} : memref<10368xi32, #tpu.memory_space<vmem>>, vector<16xi32>,
      %get3A_632 = vector.shape_cast %get3A_631 : vector<16xi32> to vector<16xi32>
      %swap3A_633 = arith.constant 96 : index
      %swap3A_634 = tpu.vector_load %arg13[%swap3A_633] {strides = array<i32>} : memref<128xi32, #tpu.memory_space<vmem>>, vector<16xi32>,
      %swap3A_635 = vector.shape_cast %swap3A_634 : vector<16xi32> to vector<16xi32>
      %swap3A_636 = vector.shape_cast %get3A_632 : vector<16xi32> to vector<16xi32>
      tpu.vector_store %arg13[%swap3A_633], %swap3A_636 {strides = array<i32>} : memref<128xi32, #tpu.memory_space<vmem>>, vector<16xi32>,
      %add3A_637 = arith.constant 112 : i32
      %add3A_638 = arith.addi %mul3A_573, %add3A_637 : i32
      %get3A_639 = arith.index_cast %add3A_638 : i32 to index
      %get3A_640 = tpu.vector_load %arg10[%get3A_639] {strides = array<i32>} : memref<10368xi32, #tpu.memory_space<vmem>>, vector<16xi32>,
      %get3A_641 = vector.shape_cast %get3A_640 : vector<16xi32> to vector<16xi32>
      %swap3A_642 = arith.constant 112 : index
      %swap3A_643 = tpu.vector_load %arg13[%swap3A_642] {strides = array<i32>} : memref<128xi32, #tpu.memory_space<vmem>>, vector<16xi32>,
      %swap3A_644 = vector.shape_cast %swap3A_643 : vector<16xi32> to vector<16xi32>
      %swap3A_645 = vector.shape_cast %get3A_641 : vector<16xi32> to vector<16xi32>
      tpu.vector_store %arg13[%swap3A_642], %swap3A_645 {strides = array<i32>} : memref<128xi32, #tpu.memory_space<vmem>>, vector<16xi32>,
      %parallel_loop3A_646 = arith.constant 0 : i32
      %parallel_loop3A_647 = arith.constant 128 : i32
      %parallel_loop3A_648 = arith.constant 1 : i32
      scf.for %parallel_loop3A_667 = %parallel_loop3A_646 to %parallel_loop3A_647 step %parallel_loop3A_648  : i32 {
        %parallel_loop3A_668 = arith.index_cast %parallel_loop3A_667 : i32 to index
        %parallel_loop3A_669 = arith.constant 64 : index
        %parallel_loop3A_670 = tpu.vector_load %arg16[%parallel_loop3A_668, %parallel_loop3A_669] {strides = array<i32>} : memref<128x80xf32, #tpu.memory_space<vmem>>, vector<1x16xf32>,
        %parallel_loop3A_671 = vector.shape_cast %parallel_loop3A_670 : vector<1x16xf32> to vector<16xf32>
        %parallel_loop3A_672 = arith.index_cast %parallel_loop3A_667 : i32 to index
        %parallel_loop3A_673 = arith.constant 0 : index
        %parallel_loop3A_674 = tpu.vector_load %arg19[%parallel_loop3A_672, %parallel_loop3A_673] {strides = array<i32>} : memref<128x16xf32, #tpu.memory_space<vmem>>, vector<1x16xf32>,
        %parallel_loop3A_675 = vector.shape_cast %parallel_loop3A_674 : vector<1x16xf32> to vector<16xf32>
        %parallel_loop3A_676 = arith.addf %parallel_loop3A_671, %parallel_loop3A_675 : vector<16xf32>
        %parallel_loop3A_677 = arith.constant 2.000000e-01 : f32
        %parallel_loop3A_678 = vector.broadcast %parallel_loop3A_677 : f32 to vector<16xf32>
        %parallel_loop3A_679 = arith.mulf %parallel_loop3A_678, %parallel_loop3A_676 : vector<16xf32>
        %parallel_loop3A_680 = arith.maximumf %parallel_loop3A_676, %parallel_loop3A_679 : vector<16xf32>
        %parallel_loop3A_681 = arith.subf %parallel_loop3A_680, %get3A_12 : vector<16xf32>
        %parallel_loop3A_682 = math.exp %parallel_loop3A_681 : vector<16xf32>
        %parallel_loop3A_683 = vector.shape_cast %add3A_15 : vector<16xi32> to vector<16x1xi32>
        %parallel_loop3A_684 = vector.shape_cast %parallel_loop3A_683 : vector<16x1xi32> to vector<16xi32>
        %parallel_loop3A_685 = tpu.dynamic_gather %parallel_loop3A_682[%parallel_loop3A_684] in [0] : vector<16xf32>, vector<16xi32> -> vector<16xf32>
        %parallel_loop3A_686 = vector.shape_cast %add3A_18 : vector<16xi32> to vector<16x1xi32>
        %parallel_loop3A_687 = vector.shape_cast %parallel_loop3A_686 : vector<16x1xi32> to vector<16xi32>
        %parallel_loop3A_688 = tpu.dynamic_gather %parallel_loop3A_682[%parallel_loop3A_687] in [0] : vector<16xf32>, vector<16xi32> -> vector<16xf32>
        %parallel_loop3A_689 = vector.shape_cast %add3A_21 : vector<16xi32> to vector<16x1xi32>
        %parallel_loop3A_690 = vector.shape_cast %parallel_loop3A_689 : vector<16x1xi32> to vector<16xi32>
        %parallel_loop3A_691 = tpu.dynamic_gather %parallel_loop3A_682[%parallel_loop3A_690] in [0] : vector<16xf32>, vector<16xi32> -> vector<16xf32>
        %parallel_loop3A_692 = vector.shape_cast %add3A_24 : vector<16xi32> to vector<16x1xi32>
        %parallel_loop3A_693 = vector.shape_cast %parallel_loop3A_692 : vector<16x1xi32> to vector<16xi32>
        %parallel_loop3A_694 = tpu.dynamic_gather %parallel_loop3A_682[%parallel_loop3A_693] in [0] : vector<16xf32>, vector<16xi32> -> vector<16xf32>
        %parallel_loop3A_695 = vector.shape_cast %add3A_27 : vector<16xi32> to vector<16x1xi32>
        %parallel_loop3A_696 = vector.shape_cast %parallel_loop3A_695 : vector<16x1xi32> to vector<16xi32>
        %parallel_loop3A_697 = tpu.dynamic_gather %parallel_loop3A_682[%parallel_loop3A_696] in [0] : vector<16xf32>, vector<16xi32> -> vector<16xf32>
        %parallel_loop3A_698 = arith.index_cast %parallel_loop3A_667 : i32 to index
        %parallel_loop3A_699 = arith.constant 0 : index
        %parallel_loop3A_700 = tpu.vector_load %arg16[%parallel_loop3A_698, %parallel_loop3A_699] {strides = array<i32>} : memref<128x80xf32, #tpu.memory_space<vmem>>, vector<1x16xf32>,
        %parallel_loop3A_701 = vector.shape_cast %parallel_loop3A_700 : vector<1x16xf32> to vector<16xf32>
        %parallel_loop3A_702 = arith.mulf %parallel_loop3A_701, %parallel_loop3A_685 : vector<16xf32>
        %parallel_loop3A_703 = arith.index_cast %parallel_loop3A_667 : i32 to index
        %parallel_loop3A_704 = arith.constant 0 : index
        %parallel_loop3A_705 = tpu.vector_load %arg16[%parallel_loop3A_703, %parallel_loop3A_704] {strides = array<i32>} : memref<128x80xf32, #tpu.memory_space<vmem>>, vector<1x16xf32>,
        %parallel_loop3A_706 = vector.shape_cast %parallel_loop3A_705 : vector<1x16xf32> to vector<16xf32>
        %parallel_loop3A_707 = vector.shape_cast %parallel_loop3A_702 : vector<16xf32> to vector<1x16xf32>
        tpu.vector_store %arg16[%parallel_loop3A_703, %parallel_loop3A_704], %parallel_loop3A_707 {strides = array<i32>} : memref<128x80xf32, #tpu.memory_space<vmem>>, vector<1x16xf32>,
        %parallel_loop3A_708 = arith.index_cast %parallel_loop3A_667 : i32 to index
        %parallel_loop3A_709 = arith.constant 16 : index
        %parallel_loop3A_710 = tpu.vector_load %arg16[%parallel_loop3A_708, %parallel_loop3A_709] {strides = array<i32>} : memref<128x80xf32, #tpu.memory_space<vmem>>, vector<1x16xf32>,
        %parallel_loop3A_711 = vector.shape_cast %parallel_loop3A_710 : vector<1x16xf32> to vector<16xf32>
        %parallel_loop3A_712 = arith.mulf %parallel_loop3A_711, %parallel_loop3A_688 : vector<16xf32>
        %parallel_loop3A_713 = arith.index_cast %parallel_loop3A_667 : i32 to index
        %parallel_loop3A_714 = arith.constant 16 : index
        %parallel_loop3A_715 = tpu.vector_load %arg16[%parallel_loop3A_713, %parallel_loop3A_714] {strides = array<i32>} : memref<128x80xf32, #tpu.memory_space<vmem>>, vector<1x16xf32>,
        %parallel_loop3A_716 = vector.shape_cast %parallel_loop3A_715 : vector<1x16xf32> to vector<16xf32>
        %parallel_loop3A_717 = vector.shape_cast %parallel_loop3A_712 : vector<16xf32> to vector<1x16xf32>
        tpu.vector_store %arg16[%parallel_loop3A_713, %parallel_loop3A_714], %parallel_loop3A_717 {strides = array<i32>} : memref<128x80xf32, #tpu.memory_space<vmem>>, vector<1x16xf32>,
        %parallel_loop3A_718 = arith.index_cast %parallel_loop3A_667 : i32 to index
        %parallel_loop3A_719 = arith.constant 32 : index
        %parallel_loop3A_720 = tpu.vector_load %arg16[%parallel_loop3A_718, %parallel_loop3A_719] {strides = array<i32>} : memref<128x80xf32, #tpu.memory_space<vmem>>, vector<1x16xf32>,
        %parallel_loop3A_721 = vector.shape_cast %parallel_loop3A_720 : vector<1x16xf32> to vector<16xf32>
        %parallel_loop3A_722 = arith.mulf %parallel_loop3A_721, %parallel_loop3A_691 : vector<16xf32>
        %parallel_loop3A_723 = arith.index_cast %parallel_loop3A_667 : i32 to index
        %parallel_loop3A_724 = arith.constant 32 : index
        %parallel_loop3A_725 = tpu.vector_load %arg16[%parallel_loop3A_723, %parallel_loop3A_724] {strides = array<i32>} : memref<128x80xf32, #tpu.memory_space<vmem>>, vector<1x16xf32>,
        %parallel_loop3A_726 = vector.shape_cast %parallel_loop3A_725 : vector<1x16xf32> to vector<16xf32>
        %parallel_loop3A_727 = vector.shape_cast %parallel_loop3A_722 : vector<16xf32> to vector<1x16xf32>
        tpu.vector_store %arg16[%parallel_loop3A_723, %parallel_loop3A_724], %parallel_loop3A_727 {strides = array<i32>} : memref<128x80xf32, #tpu.memory_space<vmem>>, vector<1x16xf32>,
        %parallel_loop3A_728 = arith.index_cast %parallel_loop3A_667 : i32 to index
        %parallel_loop3A_729 = arith.constant 48 : index
        %parallel_loop3A_730 = tpu.vector_load %arg16[%parallel_loop3A_728, %parallel_loop3A_729] {strides = array<i32>} : memref<128x80xf32, #tpu.memory_space<vmem>>, vector<1x16xf32>,
        %parallel_loop3A_731 = vector.shape_cast %parallel_loop3A_730 : vector<1x16xf32> to vector<16xf32>
        %parallel_loop3A_732 = arith.mulf %parallel_loop3A_731, %parallel_loop3A_694 : vector<16xf32>
        %parallel_loop3A_733 = arith.index_cast %parallel_loop3A_667 : i32 to index
        %parallel_loop3A_734 = arith.constant 48 : index
        %parallel_loop3A_735 = tpu.vector_load %arg16[%parallel_loop3A_733, %parallel_loop3A_734] {strides = array<i32>} : memref<128x80xf32, #tpu.memory_space<vmem>>, vector<1x16xf32>,
        %parallel_loop3A_736 = vector.shape_cast %parallel_loop3A_735 : vector<1x16xf32> to vector<16xf32>
        %parallel_loop3A_737 = vector.shape_cast %parallel_loop3A_732 : vector<16xf32> to vector<1x16xf32>
        tpu.vector_store %arg16[%parallel_loop3A_733, %parallel_loop3A_734], %parallel_loop3A_737 {strides = array<i32>} : memref<128x80xf32, #tpu.memory_space<vmem>>, vector<1x16xf32>,
        %parallel_loop3A_738 = arith.index_cast %parallel_loop3A_667 : i32 to index
        %parallel_loop3A_739 = arith.constant 64 : index
        %parallel_loop3A_740 = tpu.vector_load %arg16[%parallel_loop3A_738, %parallel_loop3A_739] {strides = array<i32>} : memref<128x80xf32, #tpu.memory_space<vmem>>, vector<1x16xf32>,
        %parallel_loop3A_741 = vector.shape_cast %parallel_loop3A_740 : vector<1x16xf32> to vector<16xf32>
        %parallel_loop3A_742 = vector.shape_cast %parallel_loop3A_697 : vector<16xf32> to vector<1x16xf32>
        tpu.vector_store %arg16[%parallel_loop3A_738, %parallel_loop3A_739], %parallel_loop3A_742 {strides = array<i32>} : memref<128x80xf32, #tpu.memory_space<vmem>>, vector<1x16xf32>,
      } {sc.loop_unroll_factor = 4 : i64, sc.parallel_access}
      %dma_start3A_649 = arith.constant 0 : i32
      %dma_start3A_650 = arith.constant 0 : i32
      %dma_start3A_651 = tpu.memref_slice %arg21[%dma_start3A_649, %dma_start3A_650] : memref<10112x80xf32, #tpu.memory_space<vmem_shared>> -> memref<10112x80xf32, #tpu.memory_space<vmem_shared>>
      tpu.enqueue_indirect_dma source(%arg16 : memref<128x80xf32, #tpu.memory_space<vmem>>) target(%dma_start3A_651 : memref<10112x80xf32, #tpu.memory_space<vmem_shared>>) offsets(%arg13 : memref<128xi32, #tpu.memory_space<vmem>>) semaphore(%arg27 : memref<!tpu.dma_semaphore, #tpu.memory_space<semaphore_mem>>) {add = true}
      %dma_wait3A_652 = arith.constant 0 : i32
      %dma_wait3A_653 = arith.constant 0 : i32
      %dma_wait3A_654 = tpu.memref_slice %arg21[%dma_wait3A_652, %dma_wait3A_653] : memref<10112x80xf32, #tpu.memory_space<vmem_shared>> -> memref<10112x80xf32, #tpu.memory_space<vmem_shared>>
      tpu.wait_indirect_dma semaphore(%arg26 : memref<!tpu.dma_semaphore, #tpu.memory_space<semaphore_mem>>) src(%arg15 : memref<128x80xf32, #tpu.memory_space<vmem>>) dst(%dma_wait3A_654 : memref<10112x80xf32, #tpu.memory_space<vmem_shared>>)
      %add3A_655 = arith.constant 4 : i32
      %add3A_656 = arith.addi %mul3A_347, %add3A_655 : i32
      %mul3A_657 = arith.constant 128 : i32
      %mul3A_658 = arith.muli %add3A_656, %mul3A_657 : i32
      %dma_start3A_659 = tpu.memref_slice %arg9[%mul3A_658] : memref<10368xi32, #tpu.memory_space<vmem>> -> memref<128xi32, #tpu.memory_space<vmem>>
      %dma_start3A_660 = arith.constant 0 : i32
      %dma_start3A_661 = arith.constant 0 : i32
      %dma_start3A_662 = tpu.memref_slice %arg2[%dma_start3A_660, %dma_start3A_661] : memref<10000x80xf32, #tpu.memory_space<hbm>> -> memref<10000x80xf32, #tpu.memory_space<hbm>>
      tpu.enqueue_indirect_dma source(%dma_start3A_662 : memref<10000x80xf32, #tpu.memory_space<hbm>>) target(%arg15 : memref<128x80xf32, #tpu.memory_space<vmem>>) offsets(%dma_start3A_659 : memref<128xi32, #tpu.memory_space<vmem>>) semaphore(%arg23 : memref<!tpu.dma_semaphore, #tpu.memory_space<semaphore_mem>>)
      %dma_start3A_663 = tpu.memref_slice %arg10[%mul3A_658] : memref<10368xi32, #tpu.memory_space<vmem>> -> memref<128xi32, #tpu.memory_space<vmem>>
      %dma_start3A_664 = arith.constant 0 : i32
      %dma_start3A_665 = arith.constant 0 : i32
      %dma_start3A_666 = tpu.memref_slice %arg3[%dma_start3A_664, %dma_start3A_665] : memref<10112x16xf32, #tpu.memory_space<hbm>> -> memref<10112x16xf32, #tpu.memory_space<hbm>>
      tpu.enqueue_indirect_dma source(%dma_start3A_666 : memref<10112x16xf32, #tpu.memory_space<hbm>>) target(%arg18 : memref<128x16xf32, #tpu.memory_space<vmem>>) offsets(%dma_start3A_663 : memref<128xi32, #tpu.memory_space<vmem>>) semaphore(%arg23 : memref<!tpu.dma_semaphore, #tpu.memory_space<semaphore_mem>>)
    }
    %scan3A_99 = arith.constant 26 : i32
    %dma_wait3A = arith.constant 0 : i32
    %dma_wait3A_100 = tpu.memref_slice %arg9[%dma_wait3A] : memref<10368xi32, #tpu.memory_space<vmem>> -> memref<128xi32, #tpu.memory_space<vmem>>
    %dma_wait3A_101 = arith.constant 0 : i32
    %dma_wait3A_102 = arith.constant 0 : i32
    %dma_wait3A_103 = tpu.memref_slice %arg2[%dma_wait3A_101, %dma_wait3A_102] : memref<10000x80xf32, #tpu.memory_space<hbm>> -> memref<10000x80xf32, #tpu.memory_space<hbm>>
    tpu.wait_indirect_dma semaphore(%arg22 : memref<!tpu.dma_semaphore, #tpu.memory_space<semaphore_mem>>) src(%dma_wait3A_103 : memref<10000x80xf32, #tpu.memory_space<hbm>>) dst(%arg14 : memref<128x80xf32, #tpu.memory_space<vmem>>)
    %dma_wait3A_104 = arith.constant 0 : i32
    %dma_wait3A_105 = tpu.memref_slice %arg10[%dma_wait3A_104] : memref<10368xi32, #tpu.memory_space<vmem>> -> memref<128xi32, #tpu.memory_space<vmem>>
    %dma_wait3A_106 = arith.constant 0 : i32
    %dma_wait3A_107 = arith.constant 0 : i32
    %dma_wait3A_108 = tpu.memref_slice %arg3[%dma_wait3A_106, %dma_wait3A_107] : memref<10112x16xf32, #tpu.memory_space<hbm>> -> memref<10112x16xf32, #tpu.memory_space<hbm>>
    tpu.wait_indirect_dma semaphore(%arg22 : memref<!tpu.dma_semaphore, #tpu.memory_space<semaphore_mem>>) src(%dma_wait3A_108 : memref<10112x16xf32, #tpu.memory_space<hbm>>) dst(%arg17 : memref<128x16xf32, #tpu.memory_space<vmem>>)
    %get3A_109 = arith.constant 9984 : index
    %get3A_110 = tpu.vector_load %arg10[%get3A_109] {strides = array<i32>} : memref<10368xi32, #tpu.memory_space<vmem>>, vector<16xi32>,
    %get3A_111 = vector.shape_cast %get3A_110 : vector<16xi32> to vector<16xi32>
    %swap3A_112 = arith.constant 0 : index
    %swap3A_113 = tpu.vector_load %arg11[%swap3A_112] {strides = array<i32>} : memref<128xi32, #tpu.memory_space<vmem>>, vector<16xi32>,
    %swap3A_114 = vector.shape_cast %swap3A_113 : vector<16xi32> to vector<16xi32>
    %swap3A_115 = vector.shape_cast %get3A_111 : vector<16xi32> to vector<16xi32>
    tpu.vector_store %arg11[%swap3A_112], %swap3A_115 {strides = array<i32>} : memref<128xi32, #tpu.memory_space<vmem>>, vector<16xi32>,
    %get3A_116 = arith.constant 10000 : index
    %get3A_117 = tpu.vector_load %arg10[%get3A_116] {strides = array<i32>} : memref<10368xi32, #tpu.memory_space<vmem>>, vector<16xi32>,
    %get3A_118 = vector.shape_cast %get3A_117 : vector<16xi32> to vector<16xi32>
    %swap3A_119 = arith.constant 16 : index
    %swap3A_120 = tpu.vector_load %arg11[%swap3A_119] {strides = array<i32>} : memref<128xi32, #tpu.memory_space<vmem>>, vector<16xi32>,
    %swap3A_121 = vector.shape_cast %swap3A_120 : vector<16xi32> to vector<16xi32>
    %swap3A_122 = vector.shape_cast %get3A_118 : vector<16xi32> to vector<16xi32>
    tpu.vector_store %arg11[%swap3A_119], %swap3A_122 {strides = array<i32>} : memref<128xi32, #tpu.memory_space<vmem>>, vector<16xi32>,
    %get3A_123 = arith.constant 10016 : index
    %get3A_124 = tpu.vector_load %arg10[%get3A_123] {strides = array<i32>} : memref<10368xi32, #tpu.memory_space<vmem>>, vector<16xi32>,
    %get3A_125 = vector.shape_cast %get3A_124 : vector<16xi32> to vector<16xi32>
    %swap3A_126 = arith.constant 32 : index
    %swap3A_127 = tpu.vector_load %arg11[%swap3A_126] {strides = array<i32>} : memref<128xi32, #tpu.memory_space<vmem>>, vector<16xi32>,
    %swap3A_128 = vector.shape_cast %swap3A_127 : vector<16xi32> to vector<16xi32>
    %swap3A_129 = vector.shape_cast %get3A_125 : vector<16xi32> to vector<16xi32>
    tpu.vector_store %arg11[%swap3A_126], %swap3A_129 {strides = array<i32>} : memref<128xi32, #tpu.memory_space<vmem>>, vector<16xi32>,
    %get3A_130 = arith.constant 10032 : index
    %get3A_131 = tpu.vector_load %arg10[%get3A_130] {strides = array<i32>} : memref<10368xi32, #tpu.memory_space<vmem>>, vector<16xi32>,
    %get3A_132 = vector.shape_cast %get3A_131 : vector<16xi32> to vector<16xi32>
    %swap3A_133 = arith.constant 48 : index
    %swap3A_134 = tpu.vector_load %arg11[%swap3A_133] {strides = array<i32>} : memref<128xi32, #tpu.memory_space<vmem>>, vector<16xi32>,
    %swap3A_135 = vector.shape_cast %swap3A_134 : vector<16xi32> to vector<16xi32>
    %swap3A_136 = vector.shape_cast %get3A_132 : vector<16xi32> to vector<16xi32>
    tpu.vector_store %arg11[%swap3A_133], %swap3A_136 {strides = array<i32>} : memref<128xi32, #tpu.memory_space<vmem>>, vector<16xi32>,
    %get3A_137 = arith.constant 10048 : index
    %get3A_138 = tpu.vector_load %arg10[%get3A_137] {strides = array<i32>} : memref<10368xi32, #tpu.memory_space<vmem>>, vector<16xi32>,
    %get3A_139 = vector.shape_cast %get3A_138 : vector<16xi32> to vector<16xi32>
    %swap3A_140 = arith.constant 64 : index
    %swap3A_141 = tpu.vector_load %arg11[%swap3A_140] {strides = array<i32>} : memref<128xi32, #tpu.memory_space<vmem>>, vector<16xi32>,
    %swap3A_142 = vector.shape_cast %swap3A_141 : vector<16xi32> to vector<16xi32>
    %swap3A_143 = vector.shape_cast %get3A_139 : vector<16xi32> to vector<16xi32>
    tpu.vector_store %arg11[%swap3A_140], %swap3A_143 {strides = array<i32>} : memref<128xi32, #tpu.memory_space<vmem>>, vector<16xi32>,
    %get3A_144 = arith.constant 10064 : index
    %get3A_145 = tpu.vector_load %arg10[%get3A_144] {strides = array<i32>} : memref<10368xi32, #tpu.memory_space<vmem>>, vector<16xi32>,
    %get3A_146 = vector.shape_cast %get3A_145 : vector<16xi32> to vector<16xi32>
    %swap3A_147 = arith.constant 80 : index
    %swap3A_148 = tpu.vector_load %arg11[%swap3A_147] {strides = array<i32>} : memref<128xi32, #tpu.memory_space<vmem>>, vector<16xi32>,
    %swap3A_149 = vector.shape_cast %swap3A_148 : vector<16xi32> to vector<16xi32>
    %swap3A_150 = vector.shape_cast %get3A_146 : vector<16xi32> to vector<16xi32>
    tpu.vector_store %arg11[%swap3A_147], %swap3A_150 {strides = array<i32>} : memref<128xi32, #tpu.memory_space<vmem>>, vector<16xi32>,
    %get3A_151 = arith.constant 10080 : index
    %get3A_152 = tpu.vector_load %arg10[%get3A_151] {strides = array<i32>} : memref<10368xi32, #tpu.memory_space<vmem>>, vector<16xi32>,
    %get3A_153 = vector.shape_cast %get3A_152 : vector<16xi32> to vector<16xi32>
    %swap3A_154 = arith.constant 96 : index
    %swap3A_155 = tpu.vector_load %arg11[%swap3A_154] {strides = array<i32>} : memref<128xi32, #tpu.memory_space<vmem>>, vector<16xi32>,
    %swap3A_156 = vector.shape_cast %swap3A_155 : vector<16xi32> to vector<16xi32>
    %swap3A_157 = vector.shape_cast %get3A_153 : vector<16xi32> to vector<16xi32>
    tpu.vector_store %arg11[%swap3A_154], %swap3A_157 {strides = array<i32>} : memref<128xi32, #tpu.memory_space<vmem>>, vector<16xi32>,
    %get3A_158 = arith.constant 10096 : index
    %get3A_159 = tpu.vector_load %arg10[%get3A_158] {strides = array<i32>} : memref<10368xi32, #tpu.memory_space<vmem>>, vector<16xi32>,
    %get3A_160 = vector.shape_cast %get3A_159 : vector<16xi32> to vector<16xi32>
    %swap3A_161 = arith.constant 112 : index
    %swap3A_162 = tpu.vector_load %arg11[%swap3A_161] {strides = array<i32>} : memref<128xi32, #tpu.memory_space<vmem>>, vector<16xi32>,
    %swap3A_163 = vector.shape_cast %swap3A_162 : vector<16xi32> to vector<16xi32>
    %swap3A_164 = vector.shape_cast %get3A_160 : vector<16xi32> to vector<16xi32>
    tpu.vector_store %arg11[%swap3A_161], %swap3A_164 {strides = array<i32>} : memref<128xi32, #tpu.memory_space<vmem>>, vector<16xi32>,
    %parallel_loop3A = arith.constant 0 : i32
    %parallel_loop3A_165 = arith.constant 128 : i32
    %parallel_loop3A_166 = arith.constant 1 : i32
    scf.for %parallel_loop3A_341 = %parallel_loop3A to %parallel_loop3A_165 step %parallel_loop3A_166  : i32 {
      %parallel_loop3A_342 = arith.index_cast %parallel_loop3A_341 : i32 to index
      %parallel_loop3A_343 = arith.constant 64 : index
      %parallel_loop3A_344 = tpu.vector_load %arg14[%parallel_loop3A_342, %parallel_loop3A_343] {strides = array<i32>} : memref<128x80xf32, #tpu.memory_space<vmem>>, vector<1x16xf32>,
      %parallel_loop3A_345 = vector.shape_cast %parallel_loop3A_344 : vector<1x16xf32> to vector<16xf32>
      %parallel_loop3A_346 = arith.index_cast %parallel_loop3A_341 : i32 to index
      %parallel_loop3A_347 = arith.constant 0 : index
      %parallel_loop3A_348 = tpu.vector_load %arg17[%parallel_loop3A_346, %parallel_loop3A_347] {strides = array<i32>} : memref<128x16xf32, #tpu.memory_space<vmem>>, vector<1x16xf32>,
      %parallel_loop3A_349 = vector.shape_cast %parallel_loop3A_348 : vector<1x16xf32> to vector<16xf32>
      %parallel_loop3A_350 = arith.addf %parallel_loop3A_345, %parallel_loop3A_349 : vector<16xf32>
      %parallel_loop3A_351 = arith.constant 2.000000e-01 : f32
      %parallel_loop3A_352 = vector.broadcast %parallel_loop3A_351 : f32 to vector<16xf32>
      %parallel_loop3A_353 = arith.mulf %parallel_loop3A_352, %parallel_loop3A_350 : vector<16xf32>
      %parallel_loop3A_354 = arith.maximumf %parallel_loop3A_350, %parallel_loop3A_353 : vector<16xf32>
      %parallel_loop3A_355 = arith.subf %parallel_loop3A_354, %get3A_12 : vector<16xf32>
      %parallel_loop3A_356 = math.exp %parallel_loop3A_355 : vector<16xf32>
      %parallel_loop3A_357 = vector.shape_cast %add3A_15 : vector<16xi32> to vector<16x1xi32>
      %parallel_loop3A_358 = vector.shape_cast %parallel_loop3A_357 : vector<16x1xi32> to vector<16xi32>
      %parallel_loop3A_359 = tpu.dynamic_gather %parallel_loop3A_356[%parallel_loop3A_358] in [0] : vector<16xf32>, vector<16xi32> -> vector<16xf32>
      %parallel_loop3A_360 = vector.shape_cast %add3A_18 : vector<16xi32> to vector<16x1xi32>
      %parallel_loop3A_361 = vector.shape_cast %parallel_loop3A_360 : vector<16x1xi32> to vector<16xi32>
      %parallel_loop3A_362 = tpu.dynamic_gather %parallel_loop3A_356[%parallel_loop3A_361] in [0] : vector<16xf32>, vector<16xi32> -> vector<16xf32>
      %parallel_loop3A_363 = vector.shape_cast %add3A_21 : vector<16xi32> to vector<16x1xi32>
      %parallel_loop3A_364 = vector.shape_cast %parallel_loop3A_363 : vector<16x1xi32> to vector<16xi32>
      %parallel_loop3A_365 = tpu.dynamic_gather %parallel_loop3A_356[%parallel_loop3A_364] in [0] : vector<16xf32>, vector<16xi32> -> vector<16xf32>
      %parallel_loop3A_366 = vector.shape_cast %add3A_24 : vector<16xi32> to vector<16x1xi32>
      %parallel_loop3A_367 = vector.shape_cast %parallel_loop3A_366 : vector<16x1xi32> to vector<16xi32>
      %parallel_loop3A_368 = tpu.dynamic_gather %parallel_loop3A_356[%parallel_loop3A_367] in [0] : vector<16xf32>, vector<16xi32> -> vector<16xf32>
      %parallel_loop3A_369 = vector.shape_cast %add3A_27 : vector<16xi32> to vector<16x1xi32>
      %parallel_loop3A_370 = vector.shape_cast %parallel_loop3A_369 : vector<16x1xi32> to vector<16xi32>
      %parallel_loop3A_371 = tpu.dynamic_gather %parallel_loop3A_356[%parallel_loop3A_370] in [0] : vector<16xf32>, vector<16xi32> -> vector<16xf32>
      %parallel_loop3A_372 = arith.index_cast %parallel_loop3A_341 : i32 to index
      %parallel_loop3A_373 = arith.constant 0 : index
      %parallel_loop3A_374 = tpu.vector_load %arg14[%parallel_loop3A_372, %parallel_loop3A_373] {strides = array<i32>} : memref<128x80xf32, #tpu.memory_space<vmem>>, vector<1x16xf32>,
      %parallel_loop3A_375 = vector.shape_cast %parallel_loop3A_374 : vector<1x16xf32> to vector<16xf32>
      %parallel_loop3A_376 = arith.mulf %parallel_loop3A_375, %parallel_loop3A_359 : vector<16xf32>
      %parallel_loop3A_377 = arith.index_cast %parallel_loop3A_341 : i32 to index
      %parallel_loop3A_378 = arith.constant 0 : index
      %parallel_loop3A_379 = tpu.vector_load %arg14[%parallel_loop3A_377, %parallel_loop3A_378] {strides = array<i32>} : memref<128x80xf32, #tpu.memory_space<vmem>>, vector<1x16xf32>,
      %parallel_loop3A_380 = vector.shape_cast %parallel_loop3A_379 : vector<1x16xf32> to vector<16xf32>
      %parallel_loop3A_381 = vector.shape_cast %parallel_loop3A_376 : vector<16xf32> to vector<1x16xf32>
      tpu.vector_store %arg14[%parallel_loop3A_377, %parallel_loop3A_378], %parallel_loop3A_381 {strides = array<i32>} : memref<128x80xf32, #tpu.memory_space<vmem>>, vector<1x16xf32>,
      %parallel_loop3A_382 = arith.index_cast %parallel_loop3A_341 : i32 to index
      %parallel_loop3A_383 = arith.constant 16 : index
      %parallel_loop3A_384 = tpu.vector_load %arg14[%parallel_loop3A_382, %parallel_loop3A_383] {strides = array<i32>} : memref<128x80xf32, #tpu.memory_space<vmem>>, vector<1x16xf32>,
      %parallel_loop3A_385 = vector.shape_cast %parallel_loop3A_384 : vector<1x16xf32> to vector<16xf32>
      %parallel_loop3A_386 = arith.mulf %parallel_loop3A_385, %parallel_loop3A_362 : vector<16xf32>
      %parallel_loop3A_387 = arith.index_cast %parallel_loop3A_341 : i32 to index
      %parallel_loop3A_388 = arith.constant 16 : index
      %parallel_loop3A_389 = tpu.vector_load %arg14[%parallel_loop3A_387, %parallel_loop3A_388] {strides = array<i32>} : memref<128x80xf32, #tpu.memory_space<vmem>>, vector<1x16xf32>,
      %parallel_loop3A_390 = vector.shape_cast %parallel_loop3A_389 : vector<1x16xf32> to vector<16xf32>
      %parallel_loop3A_391 = vector.shape_cast %parallel_loop3A_386 : vector<16xf32> to vector<1x16xf32>
      tpu.vector_store %arg14[%parallel_loop3A_387, %parallel_loop3A_388], %parallel_loop3A_391 {strides = array<i32>} : memref<128x80xf32, #tpu.memory_space<vmem>>, vector<1x16xf32>,
      %parallel_loop3A_392 = arith.index_cast %parallel_loop3A_341 : i32 to index
      %parallel_loop3A_393 = arith.constant 32 : index
      %parallel_loop3A_394 = tpu.vector_load %arg14[%parallel_loop3A_392, %parallel_loop3A_393] {strides = array<i32>} : memref<128x80xf32, #tpu.memory_space<vmem>>, vector<1x16xf32>,
      %parallel_loop3A_395 = vector.shape_cast %parallel_loop3A_394 : vector<1x16xf32> to vector<16xf32>
      %parallel_loop3A_396 = arith.mulf %parallel_loop3A_395, %parallel_loop3A_365 : vector<16xf32>
      %parallel_loop3A_397 = arith.index_cast %parallel_loop3A_341 : i32 to index
      %parallel_loop3A_398 = arith.constant 32 : index
      %parallel_loop3A_399 = tpu.vector_load %arg14[%parallel_loop3A_397, %parallel_loop3A_398] {strides = array<i32>} : memref<128x80xf32, #tpu.memory_space<vmem>>, vector<1x16xf32>,
      %parallel_loop3A_400 = vector.shape_cast %parallel_loop3A_399 : vector<1x16xf32> to vector<16xf32>
      %parallel_loop3A_401 = vector.shape_cast %parallel_loop3A_396 : vector<16xf32> to vector<1x16xf32>
      tpu.vector_store %arg14[%parallel_loop3A_397, %parallel_loop3A_398], %parallel_loop3A_401 {strides = array<i32>} : memref<128x80xf32, #tpu.memory_space<vmem>>, vector<1x16xf32>,
      %parallel_loop3A_402 = arith.index_cast %parallel_loop3A_341 : i32 to index
      %parallel_loop3A_403 = arith.constant 48 : index
      %parallel_loop3A_404 = tpu.vector_load %arg14[%parallel_loop3A_402, %parallel_loop3A_403] {strides = array<i32>} : memref<128x80xf32, #tpu.memory_space<vmem>>, vector<1x16xf32>,
      %parallel_loop3A_405 = vector.shape_cast %parallel_loop3A_404 : vector<1x16xf32> to vector<16xf32>
      %parallel_loop3A_406 = arith.mulf %parallel_loop3A_405, %parallel_loop3A_368 : vector<16xf32>
      %parallel_loop3A_407 = arith.index_cast %parallel_loop3A_341 : i32 to index
      %parallel_loop3A_408 = arith.constant 48 : index
      %parallel_loop3A_409 = tpu.vector_load %arg14[%parallel_loop3A_407, %parallel_loop3A_408] {strides = array<i32>} : memref<128x80xf32, #tpu.memory_space<vmem>>, vector<1x16xf32>,
      %parallel_loop3A_410 = vector.shape_cast %parallel_loop3A_409 : vector<1x16xf32> to vector<16xf32>
      %parallel_loop3A_411 = vector.shape_cast %parallel_loop3A_406 : vector<16xf32> to vector<1x16xf32>
      tpu.vector_store %arg14[%parallel_loop3A_407, %parallel_loop3A_408], %parallel_loop3A_411 {strides = array<i32>} : memref<128x80xf32, #tpu.memory_space<vmem>>, vector<1x16xf32>,
      %parallel_loop3A_412 = arith.index_cast %parallel_loop3A_341 : i32 to index
      %parallel_loop3A_413 = arith.constant 64 : index
      %parallel_loop3A_414 = tpu.vector_load %arg14[%parallel_loop3A_412, %parallel_loop3A_413] {strides = array<i32>} : memref<128x80xf32, #tpu.memory_space<vmem>>, vector<1x16xf32>,
      %parallel_loop3A_415 = vector.shape_cast %parallel_loop3A_414 : vector<1x16xf32> to vector<16xf32>
      %parallel_loop3A_416 = vector.shape_cast %parallel_loop3A_371 : vector<16xf32> to vector<1x16xf32>
      tpu.vector_store %arg14[%parallel_loop3A_412, %parallel_loop3A_413], %parallel_loop3A_416 {strides = array<i32>} : memref<128x80xf32, #tpu.memory_space<vmem>>, vector<1x16xf32>,
    } {sc.loop_unroll_factor = 4 : i64, sc.parallel_access}
    %dma_start3A_167 = arith.constant 0 : i32
    %dma_start3A_168 = arith.constant 0 : i32
    %dma_start3A_169 = tpu.memref_slice %arg21[%dma_start3A_167, %dma_start3A_168] : memref<10112x80xf32, #tpu.memory_space<vmem_shared>> -> memref<10112x80xf32, #tpu.memory_space<vmem_shared>>
    tpu.enqueue_indirect_dma source(%arg14 : memref<128x80xf32, #tpu.memory_space<vmem>>) target(%dma_start3A_169 : memref<10112x80xf32, #tpu.memory_space<vmem_shared>>) offsets(%arg11 : memref<128xi32, #tpu.memory_space<vmem>>) semaphore(%arg25 : memref<!tpu.dma_semaphore, #tpu.memory_space<semaphore_mem>>) {add = true}
    %dma_wait3A_170 = arith.constant 0 : i32
    %dma_wait3A_171 = arith.constant 0 : i32
    %dma_wait3A_172 = tpu.memref_slice %arg21[%dma_wait3A_170, %dma_wait3A_171] : memref<10112x80xf32, #tpu.memory_space<vmem_shared>> -> memref<10112x80xf32, #tpu.memory_space<vmem_shared>>
    tpu.wait_indirect_dma semaphore(%arg27 : memref<!tpu.dma_semaphore, #tpu.memory_space<semaphore_mem>>) src(%arg16 : memref<128x80xf32, #tpu.memory_space<vmem>>) dst(%dma_wait3A_172 : memref<10112x80xf32, #tpu.memory_space<vmem_shared>>)
    %dma_start3A_173 = arith.constant 10240 : i32
    %dma_start3A_174 = tpu.memref_slice %arg9[%dma_start3A_173] : memref<10368xi32, #tpu.memory_space<vmem>> -> memref<128xi32, #tpu.memory_space<vmem>>
    %dma_start3A_175 = arith.constant 0 : i32
    %dma_start3A_176 = arith.constant 0 : i32
    %dma_start3A_177 = tpu.memref_slice %arg2[%dma_start3A_175, %dma_start3A_176] : memref<10000x80xf32, #tpu.memory_space<hbm>> -> memref<10000x80xf32, #tpu.memory_space<hbm>>
    tpu.enqueue_indirect_dma source(%dma_start3A_177 : memref<10000x80xf32, #tpu.memory_space<hbm>>) target(%arg16 : memref<128x80xf32, #tpu.memory_space<vmem>>) offsets(%dma_start3A_174 : memref<128xi32, #tpu.memory_space<vmem>>) semaphore(%arg24 : memref<!tpu.dma_semaphore, #tpu.memory_space<semaphore_mem>>)
    %dma_start3A_178 = arith.constant 10240 : i32
    %dma_start3A_179 = tpu.memref_slice %arg10[%dma_start3A_178] : memref<10368xi32, #tpu.memory_space<vmem>> -> memref<128xi32, #tpu.memory_space<vmem>>
    %dma_start3A_180 = arith.constant 0 : i32
    %dma_start3A_181 = arith.constant 0 : i32
    %dma_start3A_182 = tpu.memref_slice %arg3[%dma_start3A_180, %dma_start3A_181] : memref<10112x16xf32, #tpu.memory_space<hbm>> -> memref<10112x16xf32, #tpu.memory_space<hbm>>
    tpu.enqueue_indirect_dma source(%dma_start3A_182 : memref<10112x16xf32, #tpu.memory_space<hbm>>) target(%arg19 : memref<128x16xf32, #tpu.memory_space<vmem>>) offsets(%dma_start3A_179 : memref<128xi32, #tpu.memory_space<vmem>>) semaphore(%arg24 : memref<!tpu.dma_semaphore, #tpu.memory_space<semaphore_mem>>)
    %dma_wait3A_183 = arith.constant 0 : i32
    %dma_wait3A_184 = tpu.memref_slice %arg9[%dma_wait3A_183] : memref<10368xi32, #tpu.memory_space<vmem>> -> memref<128xi32, #tpu.memory_space<vmem>>
    %dma_wait3A_185 = arith.constant 0 : i32
    %dma_wait3A_186 = arith.constant 0 : i32
    %dma_wait3A_187 = tpu.memref_slice %arg2[%dma_wait3A_185, %dma_wait3A_186] : memref<10000x80xf32, #tpu.memory_space<hbm>> -> memref<10000x80xf32, #tpu.memory_space<hbm>>
    tpu.wait_indirect_dma semaphore(%arg23 : memref<!tpu.dma_semaphore, #tpu.memory_space<semaphore_mem>>) src(%dma_wait3A_187 : memref<10000x80xf32, #tpu.memory_space<hbm>>) dst(%arg15 : memref<128x80xf32, #tpu.memory_space<vmem>>)
    %dma_wait3A_188 = arith.constant 0 : i32
    %dma_wait3A_189 = tpu.memref_slice %arg10[%dma_wait3A_188] : memref<10368xi32, #tpu.memory_space<vmem>> -> memref<128xi32, #tpu.memory_space<vmem>>
    %dma_wait3A_190 = arith.constant 0 : i32
    %dma_wait3A_191 = arith.constant 0 : i32
    %dma_wait3A_192 = tpu.memref_slice %arg3[%dma_wait3A_190, %dma_wait3A_191] : memref<10112x16xf32, #tpu.memory_space<hbm>> -> memref<10112x16xf32, #tpu.memory_space<hbm>>
    tpu.wait_indirect_dma semaphore(%arg23 : memref<!tpu.dma_semaphore, #tpu.memory_space<semaphore_mem>>) src(%dma_wait3A_192 : memref<10112x16xf32, #tpu.memory_space<hbm>>) dst(%arg18 : memref<128x16xf32, #tpu.memory_space<vmem>>)
    %get3A_193 = arith.constant 10112 : index
    %get3A_194 = tpu.vector_load %arg10[%get3A_193] {strides = array<i32>} : memref<10368xi32, #tpu.memory_space<vmem>>, vector<16xi32>,
    %get3A_195 = vector.shape_cast %get3A_194 : vector<16xi32> to vector<16xi32>
    %swap3A_196 = arith.constant 0 : index
    %swap3A_197 = tpu.vector_load %arg12[%swap3A_196] {strides = array<i32>} : memref<128xi32, #tpu.memory_space<vmem>>, vector<16xi32>,
    %swap3A_198 = vector.shape_cast %swap3A_197 : vector<16xi32> to vector<16xi32>
    %swap3A_199 = vector.shape_cast %get3A_195 : vector<16xi32> to vector<16xi32>
    tpu.vector_store %arg12[%swap3A_196], %swap3A_199 {strides = array<i32>} : memref<128xi32, #tpu.memory_space<vmem>>, vector<16xi32>,
    %get3A_200 = arith.constant 10128 : index
    %get3A_201 = tpu.vector_load %arg10[%get3A_200] {strides = array<i32>} : memref<10368xi32, #tpu.memory_space<vmem>>, vector<16xi32>,
    %get3A_202 = vector.shape_cast %get3A_201 : vector<16xi32> to vector<16xi32>
    %swap3A_203 = arith.constant 16 : index
    %swap3A_204 = tpu.vector_load %arg12[%swap3A_203] {strides = array<i32>} : memref<128xi32, #tpu.memory_space<vmem>>, vector<16xi32>,
    %swap3A_205 = vector.shape_cast %swap3A_204 : vector<16xi32> to vector<16xi32>
    %swap3A_206 = vector.shape_cast %get3A_202 : vector<16xi32> to vector<16xi32>
    tpu.vector_store %arg12[%swap3A_203], %swap3A_206 {strides = array<i32>} : memref<128xi32, #tpu.memory_space<vmem>>, vector<16xi32>,
    %get3A_207 = arith.constant 10144 : index
    %get3A_208 = tpu.vector_load %arg10[%get3A_207] {strides = array<i32>} : memref<10368xi32, #tpu.memory_space<vmem>>, vector<16xi32>,
    %get3A_209 = vector.shape_cast %get3A_208 : vector<16xi32> to vector<16xi32>
    %swap3A_210 = arith.constant 32 : index
    %swap3A_211 = tpu.vector_load %arg12[%swap3A_210] {strides = array<i32>} : memref<128xi32, #tpu.memory_space<vmem>>, vector<16xi32>,
    %swap3A_212 = vector.shape_cast %swap3A_211 : vector<16xi32> to vector<16xi32>
    %swap3A_213 = vector.shape_cast %get3A_209 : vector<16xi32> to vector<16xi32>
    tpu.vector_store %arg12[%swap3A_210], %swap3A_213 {strides = array<i32>} : memref<128xi32, #tpu.memory_space<vmem>>, vector<16xi32>,
    %get3A_214 = arith.constant 10160 : index
    %get3A_215 = tpu.vector_load %arg10[%get3A_214] {strides = array<i32>} : memref<10368xi32, #tpu.memory_space<vmem>>, vector<16xi32>,
    %get3A_216 = vector.shape_cast %get3A_215 : vector<16xi32> to vector<16xi32>
    %swap3A_217 = arith.constant 48 : index
    %swap3A_218 = tpu.vector_load %arg12[%swap3A_217] {strides = array<i32>} : memref<128xi32, #tpu.memory_space<vmem>>, vector<16xi32>,
    %swap3A_219 = vector.shape_cast %swap3A_218 : vector<16xi32> to vector<16xi32>
    %swap3A_220 = vector.shape_cast %get3A_216 : vector<16xi32> to vector<16xi32>
    tpu.vector_store %arg12[%swap3A_217], %swap3A_220 {strides = array<i32>} : memref<128xi32, #tpu.memory_space<vmem>>, vector<16xi32>,
    %get3A_221 = arith.constant 10176 : index
    %get3A_222 = tpu.vector_load %arg10[%get3A_221] {strides = array<i32>} : memref<10368xi32, #tpu.memory_space<vmem>>, vector<16xi32>,
    %get3A_223 = vector.shape_cast %get3A_222 : vector<16xi32> to vector<16xi32>
    %swap3A_224 = arith.constant 64 : index
    %swap3A_225 = tpu.vector_load %arg12[%swap3A_224] {strides = array<i32>} : memref<128xi32, #tpu.memory_space<vmem>>, vector<16xi32>,
    %swap3A_226 = vector.shape_cast %swap3A_225 : vector<16xi32> to vector<16xi32>
    %swap3A_227 = vector.shape_cast %get3A_223 : vector<16xi32> to vector<16xi32>
    tpu.vector_store %arg12[%swap3A_224], %swap3A_227 {strides = array<i32>} : memref<128xi32, #tpu.memory_space<vmem>>, vector<16xi32>,
    %get3A_228 = arith.constant 10192 : index
    %get3A_229 = tpu.vector_load %arg10[%get3A_228] {strides = array<i32>} : memref<10368xi32, #tpu.memory_space<vmem>>, vector<16xi32>,
    %get3A_230 = vector.shape_cast %get3A_229 : vector<16xi32> to vector<16xi32>
    %swap3A_231 = arith.constant 80 : index
    %swap3A_232 = tpu.vector_load %arg12[%swap3A_231] {strides = array<i32>} : memref<128xi32, #tpu.memory_space<vmem>>, vector<16xi32>,
    %swap3A_233 = vector.shape_cast %swap3A_232 : vector<16xi32> to vector<16xi32>
    %swap3A_234 = vector.shape_cast %get3A_230 : vector<16xi32> to vector<16xi32>
    tpu.vector_store %arg12[%swap3A_231], %swap3A_234 {strides = array<i32>} : memref<128xi32, #tpu.memory_space<vmem>>, vector<16xi32>,
    %get3A_235 = arith.constant 10208 : index
    %get3A_236 = tpu.vector_load %arg10[%get3A_235] {strides = array<i32>} : memref<10368xi32, #tpu.memory_space<vmem>>, vector<16xi32>,
    %get3A_237 = vector.shape_cast %get3A_236 : vector<16xi32> to vector<16xi32>
    %swap3A_238 = arith.constant 96 : index
    %swap3A_239 = tpu.vector_load %arg12[%swap3A_238] {strides = array<i32>} : memref<128xi32, #tpu.memory_space<vmem>>, vector<16xi32>,
    %swap3A_240 = vector.shape_cast %swap3A_239 : vector<16xi32> to vector<16xi32>
    %swap3A_241 = vector.shape_cast %get3A_237 : vector<16xi32> to vector<16xi32>
    tpu.vector_store %arg12[%swap3A_238], %swap3A_241 {strides = array<i32>} : memref<128xi32, #tpu.memory_space<vmem>>, vector<16xi32>,
    %get3A_242 = arith.constant 10224 : index
    %get3A_243 = tpu.vector_load %arg10[%get3A_242] {strides = array<i32>} : memref<10368xi32, #tpu.memory_space<vmem>>, vector<16xi32>,
    %get3A_244 = vector.shape_cast %get3A_243 : vector<16xi32> to vector<16xi32>
    %swap3A_245 = arith.constant 112 : index
    %swap3A_246 = tpu.vector_load %arg12[%swap3A_245] {strides = array<i32>} : memref<128xi32, #tpu.memory_space<vmem>>, vector<16xi32>,
    %swap3A_247 = vector.shape_cast %swap3A_246 : vector<16xi32> to vector<16xi32>
    %swap3A_248 = vector.shape_cast %get3A_244 : vector<16xi32> to vector<16xi32>
    tpu.vector_store %arg12[%swap3A_245], %swap3A_248 {strides = array<i32>} : memref<128xi32, #tpu.memory_space<vmem>>, vector<16xi32>,
    %parallel_loop3A_249 = arith.constant 0 : i32
    %parallel_loop3A_250 = arith.constant 128 : i32
    %parallel_loop3A_251 = arith.constant 1 : i32
    scf.for %parallel_loop3A_341 = %parallel_loop3A_249 to %parallel_loop3A_250 step %parallel_loop3A_251  : i32 {
      %parallel_loop3A_342 = arith.index_cast %parallel_loop3A_341 : i32 to index
      %parallel_loop3A_343 = arith.constant 64 : index
      %parallel_loop3A_344 = tpu.vector_load %arg15[%parallel_loop3A_342, %parallel_loop3A_343] {strides = array<i32>} : memref<128x80xf32, #tpu.memory_space<vmem>>, vector<1x16xf32>,
      %parallel_loop3A_345 = vector.shape_cast %parallel_loop3A_344 : vector<1x16xf32> to vector<16xf32>
      %parallel_loop3A_346 = arith.index_cast %parallel_loop3A_341 : i32 to index
      %parallel_loop3A_347 = arith.constant 0 : index
      %parallel_loop3A_348 = tpu.vector_load %arg18[%parallel_loop3A_346, %parallel_loop3A_347] {strides = array<i32>} : memref<128x16xf32, #tpu.memory_space<vmem>>, vector<1x16xf32>,
      %parallel_loop3A_349 = vector.shape_cast %parallel_loop3A_348 : vector<1x16xf32> to vector<16xf32>
      %parallel_loop3A_350 = arith.addf %parallel_loop3A_345, %parallel_loop3A_349 : vector<16xf32>
      %parallel_loop3A_351 = arith.constant 2.000000e-01 : f32
      %parallel_loop3A_352 = vector.broadcast %parallel_loop3A_351 : f32 to vector<16xf32>
      %parallel_loop3A_353 = arith.mulf %parallel_loop3A_352, %parallel_loop3A_350 : vector<16xf32>
      %parallel_loop3A_354 = arith.maximumf %parallel_loop3A_350, %parallel_loop3A_353 : vector<16xf32>
      %parallel_loop3A_355 = arith.subf %parallel_loop3A_354, %get3A_12 : vector<16xf32>
      %parallel_loop3A_356 = math.exp %parallel_loop3A_355 : vector<16xf32>
      %parallel_loop3A_357 = vector.shape_cast %add3A_15 : vector<16xi32> to vector<16x1xi32>
      %parallel_loop3A_358 = vector.shape_cast %parallel_loop3A_357 : vector<16x1xi32> to vector<16xi32>
      %parallel_loop3A_359 = tpu.dynamic_gather %parallel_loop3A_356[%parallel_loop3A_358] in [0] : vector<16xf32>, vector<16xi32> -> vector<16xf32>
      %parallel_loop3A_360 = vector.shape_cast %add3A_18 : vector<16xi32> to vector<16x1xi32>
      %parallel_loop3A_361 = vector.shape_cast %parallel_loop3A_360 : vector<16x1xi32> to vector<16xi32>
      %parallel_loop3A_362 = tpu.dynamic_gather %parallel_loop3A_356[%parallel_loop3A_361] in [0] : vector<16xf32>, vector<16xi32> -> vector<16xf32>
      %parallel_loop3A_363 = vector.shape_cast %add3A_21 : vector<16xi32> to vector<16x1xi32>
      %parallel_loop3A_364 = vector.shape_cast %parallel_loop3A_363 : vector<16x1xi32> to vector<16xi32>
      %parallel_loop3A_365 = tpu.dynamic_gather %parallel_loop3A_356[%parallel_loop3A_364] in [0] : vector<16xf32>, vector<16xi32> -> vector<16xf32>
      %parallel_loop3A_366 = vector.shape_cast %add3A_24 : vector<16xi32> to vector<16x1xi32>
      %parallel_loop3A_367 = vector.shape_cast %parallel_loop3A_366 : vector<16x1xi32> to vector<16xi32>
      %parallel_loop3A_368 = tpu.dynamic_gather %parallel_loop3A_356[%parallel_loop3A_367] in [0] : vector<16xf32>, vector<16xi32> -> vector<16xf32>
      %parallel_loop3A_369 = vector.shape_cast %add3A_27 : vector<16xi32> to vector<16x1xi32>
      %parallel_loop3A_370 = vector.shape_cast %parallel_loop3A_369 : vector<16x1xi32> to vector<16xi32>
      %parallel_loop3A_371 = tpu.dynamic_gather %parallel_loop3A_356[%parallel_loop3A_370] in [0] : vector<16xf32>, vector<16xi32> -> vector<16xf32>
      %parallel_loop3A_372 = arith.index_cast %parallel_loop3A_341 : i32 to index
      %parallel_loop3A_373 = arith.constant 0 : index
      %parallel_loop3A_374 = tpu.vector_load %arg15[%parallel_loop3A_372, %parallel_loop3A_373] {strides = array<i32>} : memref<128x80xf32, #tpu.memory_space<vmem>>, vector<1x16xf32>,
      %parallel_loop3A_375 = vector.shape_cast %parallel_loop3A_374 : vector<1x16xf32> to vector<16xf32>
      %parallel_loop3A_376 = arith.mulf %parallel_loop3A_375, %parallel_loop3A_359 : vector<16xf32>
      %parallel_loop3A_377 = arith.index_cast %parallel_loop3A_341 : i32 to index
      %parallel_loop3A_378 = arith.constant 0 : index
      %parallel_loop3A_379 = tpu.vector_load %arg15[%parallel_loop3A_377, %parallel_loop3A_378] {strides = array<i32>} : memref<128x80xf32, #tpu.memory_space<vmem>>, vector<1x16xf32>,
      %parallel_loop3A_380 = vector.shape_cast %parallel_loop3A_379 : vector<1x16xf32> to vector<16xf32>
      %parallel_loop3A_381 = vector.shape_cast %parallel_loop3A_376 : vector<16xf32> to vector<1x16xf32>
      tpu.vector_store %arg15[%parallel_loop3A_377, %parallel_loop3A_378], %parallel_loop3A_381 {strides = array<i32>} : memref<128x80xf32, #tpu.memory_space<vmem>>, vector<1x16xf32>,
      %parallel_loop3A_382 = arith.index_cast %parallel_loop3A_341 : i32 to index
      %parallel_loop3A_383 = arith.constant 16 : index
      %parallel_loop3A_384 = tpu.vector_load %arg15[%parallel_loop3A_382, %parallel_loop3A_383] {strides = array<i32>} : memref<128x80xf32, #tpu.memory_space<vmem>>, vector<1x16xf32>,
      %parallel_loop3A_385 = vector.shape_cast %parallel_loop3A_384 : vector<1x16xf32> to vector<16xf32>
      %parallel_loop3A_386 = arith.mulf %parallel_loop3A_385, %parallel_loop3A_362 : vector<16xf32>
      %parallel_loop3A_387 = arith.index_cast %parallel_loop3A_341 : i32 to index
      %parallel_loop3A_388 = arith.constant 16 : index
      %parallel_loop3A_389 = tpu.vector_load %arg15[%parallel_loop3A_387, %parallel_loop3A_388] {strides = array<i32>} : memref<128x80xf32, #tpu.memory_space<vmem>>, vector<1x16xf32>,
      %parallel_loop3A_390 = vector.shape_cast %parallel_loop3A_389 : vector<1x16xf32> to vector<16xf32>
      %parallel_loop3A_391 = vector.shape_cast %parallel_loop3A_386 : vector<16xf32> to vector<1x16xf32>
      tpu.vector_store %arg15[%parallel_loop3A_387, %parallel_loop3A_388], %parallel_loop3A_391 {strides = array<i32>} : memref<128x80xf32, #tpu.memory_space<vmem>>, vector<1x16xf32>,
      %parallel_loop3A_392 = arith.index_cast %parallel_loop3A_341 : i32 to index
      %parallel_loop3A_393 = arith.constant 32 : index
      %parallel_loop3A_394 = tpu.vector_load %arg15[%parallel_loop3A_392, %parallel_loop3A_393] {strides = array<i32>} : memref<128x80xf32, #tpu.memory_space<vmem>>, vector<1x16xf32>,
      %parallel_loop3A_395 = vector.shape_cast %parallel_loop3A_394 : vector<1x16xf32> to vector<16xf32>
      %parallel_loop3A_396 = arith.mulf %parallel_loop3A_395, %parallel_loop3A_365 : vector<16xf32>
      %parallel_loop3A_397 = arith.index_cast %parallel_loop3A_341 : i32 to index
      %parallel_loop3A_398 = arith.constant 32 : index
      %parallel_loop3A_399 = tpu.vector_load %arg15[%parallel_loop3A_397, %parallel_loop3A_398] {strides = array<i32>} : memref<128x80xf32, #tpu.memory_space<vmem>>, vector<1x16xf32>,
      %parallel_loop3A_400 = vector.shape_cast %parallel_loop3A_399 : vector<1x16xf32> to vector<16xf32>
      %parallel_loop3A_401 = vector.shape_cast %parallel_loop3A_396 : vector<16xf32> to vector<1x16xf32>
      tpu.vector_store %arg15[%parallel_loop3A_397, %parallel_loop3A_398], %parallel_loop3A_401 {strides = array<i32>} : memref<128x80xf32, #tpu.memory_space<vmem>>, vector<1x16xf32>,
      %parallel_loop3A_402 = arith.index_cast %parallel_loop3A_341 : i32 to index
      %parallel_loop3A_403 = arith.constant 48 : index
      %parallel_loop3A_404 = tpu.vector_load %arg15[%parallel_loop3A_402, %parallel_loop3A_403] {strides = array<i32>} : memref<128x80xf32, #tpu.memory_space<vmem>>, vector<1x16xf32>,
      %parallel_loop3A_405 = vector.shape_cast %parallel_loop3A_404 : vector<1x16xf32> to vector<16xf32>
      %parallel_loop3A_406 = arith.mulf %parallel_loop3A_405, %parallel_loop3A_368 : vector<16xf32>
      %parallel_loop3A_407 = arith.index_cast %parallel_loop3A_341 : i32 to index
      %parallel_loop3A_408 = arith.constant 48 : index
      %parallel_loop3A_409 = tpu.vector_load %arg15[%parallel_loop3A_407, %parallel_loop3A_408] {strides = array<i32>} : memref<128x80xf32, #tpu.memory_space<vmem>>, vector<1x16xf32>,
      %parallel_loop3A_410 = vector.shape_cast %parallel_loop3A_409 : vector<1x16xf32> to vector<16xf32>
      %parallel_loop3A_411 = vector.shape_cast %parallel_loop3A_406 : vector<16xf32> to vector<1x16xf32>
      tpu.vector_store %arg15[%parallel_loop3A_407, %parallel_loop3A_408], %parallel_loop3A_411 {strides = array<i32>} : memref<128x80xf32, #tpu.memory_space<vmem>>, vector<1x16xf32>,
      %parallel_loop3A_412 = arith.index_cast %parallel_loop3A_341 : i32 to index
      %parallel_loop3A_413 = arith.constant 64 : index
      %parallel_loop3A_414 = tpu.vector_load %arg15[%parallel_loop3A_412, %parallel_loop3A_413] {strides = array<i32>} : memref<128x80xf32, #tpu.memory_space<vmem>>, vector<1x16xf32>,
      %parallel_loop3A_415 = vector.shape_cast %parallel_loop3A_414 : vector<1x16xf32> to vector<16xf32>
      %parallel_loop3A_416 = vector.shape_cast %parallel_loop3A_371 : vector<16xf32> to vector<1x16xf32>
      tpu.vector_store %arg15[%parallel_loop3A_412, %parallel_loop3A_413], %parallel_loop3A_416 {strides = array<i32>} : memref<128x80xf32, #tpu.memory_space<vmem>>, vector<1x16xf32>,
    } {sc.loop_unroll_factor = 4 : i64, sc.parallel_access}
    %dma_start3A_252 = arith.constant 0 : i32
    %dma_start3A_253 = arith.constant 0 : i32
    %dma_start3A_254 = tpu.memref_slice %arg21[%dma_start3A_252, %dma_start3A_253] : memref<10112x80xf32, #tpu.memory_space<vmem_shared>> -> memref<10112x80xf32, #tpu.memory_space<vmem_shared>>
    tpu.enqueue_indirect_dma source(%arg15 : memref<128x80xf32, #tpu.memory_space<vmem>>) target(%dma_start3A_254 : memref<10112x80xf32, #tpu.memory_space<vmem_shared>>) offsets(%arg12 : memref<128xi32, #tpu.memory_space<vmem>>) semaphore(%arg26 : memref<!tpu.dma_semaphore, #tpu.memory_space<semaphore_mem>>) {add = true}
    %dma_wait3A_255 = arith.constant 0 : i32
    %dma_wait3A_256 = tpu.memref_slice %arg9[%dma_wait3A_255] : memref<10368xi32, #tpu.memory_space<vmem>> -> memref<128xi32, #tpu.memory_space<vmem>>
    %dma_wait3A_257 = arith.constant 0 : i32
    %dma_wait3A_258 = arith.constant 0 : i32
    %dma_wait3A_259 = tpu.memref_slice %arg2[%dma_wait3A_257, %dma_wait3A_258] : memref<10000x80xf32, #tpu.memory_space<hbm>> -> memref<10000x80xf32, #tpu.memory_space<hbm>>
    tpu.wait_indirect_dma semaphore(%arg24 : memref<!tpu.dma_semaphore, #tpu.memory_space<semaphore_mem>>) src(%dma_wait3A_259 : memref<10000x80xf32, #tpu.memory_space<hbm>>) dst(%arg16 : memref<128x80xf32, #tpu.memory_space<vmem>>)
    %dma_wait3A_260 = arith.constant 0 : i32
    %dma_wait3A_261 = tpu.memref_slice %arg10[%dma_wait3A_260] : memref<10368xi32, #tpu.memory_space<vmem>> -> memref<128xi32, #tpu.memory_space<vmem>>
    %dma_wait3A_262 = arith.constant 0 : i32
    %dma_wait3A_263 = arith.constant 0 : i32
    %dma_wait3A_264 = tpu.memref_slice %arg3[%dma_wait3A_262, %dma_wait3A_263] : memref<10112x16xf32, #tpu.memory_space<hbm>> -> memref<10112x16xf32, #tpu.memory_space<hbm>>
    tpu.wait_indirect_dma semaphore(%arg24 : memref<!tpu.dma_semaphore, #tpu.memory_space<semaphore_mem>>) src(%dma_wait3A_264 : memref<10112x16xf32, #tpu.memory_space<hbm>>) dst(%arg19 : memref<128x16xf32, #tpu.memory_space<vmem>>)
    %get3A_265 = arith.constant 10240 : index
    %get3A_266 = tpu.vector_load %arg10[%get3A_265] {strides = array<i32>} : memref<10368xi32, #tpu.memory_space<vmem>>, vector<16xi32>,
    %get3A_267 = vector.shape_cast %get3A_266 : vector<16xi32> to vector<16xi32>
    %swap3A_268 = arith.constant 0 : index
    %swap3A_269 = tpu.vector_load %arg13[%swap3A_268] {strides = array<i32>} : memref<128xi32, #tpu.memory_space<vmem>>, vector<16xi32>,
    %swap3A_270 = vector.shape_cast %swap3A_269 : vector<16xi32> to vector<16xi32>
    %swap3A_271 = vector.shape_cast %get3A_267 : vector<16xi32> to vector<16xi32>
    tpu.vector_store %arg13[%swap3A_268], %swap3A_271 {strides = array<i32>} : memref<128xi32, #tpu.memory_space<vmem>>, vector<16xi32>,
    %get3A_272 = arith.constant 10256 : index
    %get3A_273 = tpu.vector_load %arg10[%get3A_272] {strides = array<i32>} : memref<10368xi32, #tpu.memory_space<vmem>>, vector<16xi32>,
    %get3A_274 = vector.shape_cast %get3A_273 : vector<16xi32> to vector<16xi32>
    %swap3A_275 = arith.constant 16 : index
    %swap3A_276 = tpu.vector_load %arg13[%swap3A_275] {strides = array<i32>} : memref<128xi32, #tpu.memory_space<vmem>>, vector<16xi32>,
    %swap3A_277 = vector.shape_cast %swap3A_276 : vector<16xi32> to vector<16xi32>
    %swap3A_278 = vector.shape_cast %get3A_274 : vector<16xi32> to vector<16xi32>
    tpu.vector_store %arg13[%swap3A_275], %swap3A_278 {strides = array<i32>} : memref<128xi32, #tpu.memory_space<vmem>>, vector<16xi32>,
    %get3A_279 = arith.constant 10272 : index
    %get3A_280 = tpu.vector_load %arg10[%get3A_279] {strides = array<i32>} : memref<10368xi32, #tpu.memory_space<vmem>>, vector<16xi32>,
    %get3A_281 = vector.shape_cast %get3A_280 : vector<16xi32> to vector<16xi32>
    %swap3A_282 = arith.constant 32 : index
    %swap3A_283 = tpu.vector_load %arg13[%swap3A_282] {strides = array<i32>} : memref<128xi32, #tpu.memory_space<vmem>>, vector<16xi32>,
    %swap3A_284 = vector.shape_cast %swap3A_283 : vector<16xi32> to vector<16xi32>
    %swap3A_285 = vector.shape_cast %get3A_281 : vector<16xi32> to vector<16xi32>
    tpu.vector_store %arg13[%swap3A_282], %swap3A_285 {strides = array<i32>} : memref<128xi32, #tpu.memory_space<vmem>>, vector<16xi32>,
    %get3A_286 = arith.constant 10288 : index
    %get3A_287 = tpu.vector_load %arg10[%get3A_286] {strides = array<i32>} : memref<10368xi32, #tpu.memory_space<vmem>>, vector<16xi32>,
    %get3A_288 = vector.shape_cast %get3A_287 : vector<16xi32> to vector<16xi32>
    %swap3A_289 = arith.constant 48 : index
    %swap3A_290 = tpu.vector_load %arg13[%swap3A_289] {strides = array<i32>} : memref<128xi32, #tpu.memory_space<vmem>>, vector<16xi32>,
    %swap3A_291 = vector.shape_cast %swap3A_290 : vector<16xi32> to vector<16xi32>
    %swap3A_292 = vector.shape_cast %get3A_288 : vector<16xi32> to vector<16xi32>
    tpu.vector_store %arg13[%swap3A_289], %swap3A_292 {strides = array<i32>} : memref<128xi32, #tpu.memory_space<vmem>>, vector<16xi32>,
    %get3A_293 = arith.constant 10304 : index
    %get3A_294 = tpu.vector_load %arg10[%get3A_293] {strides = array<i32>} : memref<10368xi32, #tpu.memory_space<vmem>>, vector<16xi32>,
    %get3A_295 = vector.shape_cast %get3A_294 : vector<16xi32> to vector<16xi32>
    %swap3A_296 = arith.constant 64 : index
    %swap3A_297 = tpu.vector_load %arg13[%swap3A_296] {strides = array<i32>} : memref<128xi32, #tpu.memory_space<vmem>>, vector<16xi32>,
    %swap3A_298 = vector.shape_cast %swap3A_297 : vector<16xi32> to vector<16xi32>
    %swap3A_299 = vector.shape_cast %get3A_295 : vector<16xi32> to vector<16xi32>
    tpu.vector_store %arg13[%swap3A_296], %swap3A_299 {strides = array<i32>} : memref<128xi32, #tpu.memory_space<vmem>>, vector<16xi32>,
    %get3A_300 = arith.constant 10320 : index
    %get3A_301 = tpu.vector_load %arg10[%get3A_300] {strides = array<i32>} : memref<10368xi32, #tpu.memory_space<vmem>>, vector<16xi32>,
    %get3A_302 = vector.shape_cast %get3A_301 : vector<16xi32> to vector<16xi32>
    %swap3A_303 = arith.constant 80 : index
    %swap3A_304 = tpu.vector_load %arg13[%swap3A_303] {strides = array<i32>} : memref<128xi32, #tpu.memory_space<vmem>>, vector<16xi32>,
    %swap3A_305 = vector.shape_cast %swap3A_304 : vector<16xi32> to vector<16xi32>
    %swap3A_306 = vector.shape_cast %get3A_302 : vector<16xi32> to vector<16xi32>
    tpu.vector_store %arg13[%swap3A_303], %swap3A_306 {strides = array<i32>} : memref<128xi32, #tpu.memory_space<vmem>>, vector<16xi32>,
    %get3A_307 = arith.constant 10336 : index
    %get3A_308 = tpu.vector_load %arg10[%get3A_307] {strides = array<i32>} : memref<10368xi32, #tpu.memory_space<vmem>>, vector<16xi32>,
    %get3A_309 = vector.shape_cast %get3A_308 : vector<16xi32> to vector<16xi32>
    %swap3A_310 = arith.constant 96 : index
    %swap3A_311 = tpu.vector_load %arg13[%swap3A_310] {strides = array<i32>} : memref<128xi32, #tpu.memory_space<vmem>>, vector<16xi32>,
    %swap3A_312 = vector.shape_cast %swap3A_311 : vector<16xi32> to vector<16xi32>
    %swap3A_313 = vector.shape_cast %get3A_309 : vector<16xi32> to vector<16xi32>
    tpu.vector_store %arg13[%swap3A_310], %swap3A_313 {strides = array<i32>} : memref<128xi32, #tpu.memory_space<vmem>>, vector<16xi32>,
    %get3A_314 = arith.constant 10352 : index
    %get3A_315 = tpu.vector_load %arg10[%get3A_314] {strides = array<i32>} : memref<10368xi32, #tpu.memory_space<vmem>>, vector<16xi32>,
    %get3A_316 = vector.shape_cast %get3A_315 : vector<16xi32> to vector<16xi32>
    %swap3A_317 = arith.constant 112 : index
    %swap3A_318 = tpu.vector_load %arg13[%swap3A_317] {strides = array<i32>} : memref<128xi32, #tpu.memory_space<vmem>>, vector<16xi32>,
    %swap3A_319 = vector.shape_cast %swap3A_318 : vector<16xi32> to vector<16xi32>
    %swap3A_320 = vector.shape_cast %get3A_316 : vector<16xi32> to vector<16xi32>
    tpu.vector_store %arg13[%swap3A_317], %swap3A_320 {strides = array<i32>} : memref<128xi32, #tpu.memory_space<vmem>>, vector<16xi32>,
    %parallel_loop3A_321 = arith.constant 0 : i32
    %parallel_loop3A_322 = arith.constant 128 : i32
    %parallel_loop3A_323 = arith.constant 1 : i32
    scf.for %parallel_loop3A_341 = %parallel_loop3A_321 to %parallel_loop3A_322 step %parallel_loop3A_323  : i32 {
      %parallel_loop3A_342 = arith.index_cast %parallel_loop3A_341 : i32 to index
      %parallel_loop3A_343 = arith.constant 64 : index
      %parallel_loop3A_344 = tpu.vector_load %arg16[%parallel_loop3A_342, %parallel_loop3A_343] {strides = array<i32>} : memref<128x80xf32, #tpu.memory_space<vmem>>, vector<1x16xf32>,
      %parallel_loop3A_345 = vector.shape_cast %parallel_loop3A_344 : vector<1x16xf32> to vector<16xf32>
      %parallel_loop3A_346 = arith.index_cast %parallel_loop3A_341 : i32 to index
      %parallel_loop3A_347 = arith.constant 0 : index
      %parallel_loop3A_348 = tpu.vector_load %arg19[%parallel_loop3A_346, %parallel_loop3A_347] {strides = array<i32>} : memref<128x16xf32, #tpu.memory_space<vmem>>, vector<1x16xf32>,
      %parallel_loop3A_349 = vector.shape_cast %parallel_loop3A_348 : vector<1x16xf32> to vector<16xf32>
      %parallel_loop3A_350 = arith.addf %parallel_loop3A_345, %parallel_loop3A_349 : vector<16xf32>
      %parallel_loop3A_351 = arith.constant 2.000000e-01 : f32
      %parallel_loop3A_352 = vector.broadcast %parallel_loop3A_351 : f32 to vector<16xf32>
      %parallel_loop3A_353 = arith.mulf %parallel_loop3A_352, %parallel_loop3A_350 : vector<16xf32>
      %parallel_loop3A_354 = arith.maximumf %parallel_loop3A_350, %parallel_loop3A_353 : vector<16xf32>
      %parallel_loop3A_355 = arith.subf %parallel_loop3A_354, %get3A_12 : vector<16xf32>
      %parallel_loop3A_356 = math.exp %parallel_loop3A_355 : vector<16xf32>
      %parallel_loop3A_357 = vector.shape_cast %add3A_15 : vector<16xi32> to vector<16x1xi32>
      %parallel_loop3A_358 = vector.shape_cast %parallel_loop3A_357 : vector<16x1xi32> to vector<16xi32>
      %parallel_loop3A_359 = tpu.dynamic_gather %parallel_loop3A_356[%parallel_loop3A_358] in [0] : vector<16xf32>, vector<16xi32> -> vector<16xf32>
      %parallel_loop3A_360 = vector.shape_cast %add3A_18 : vector<16xi32> to vector<16x1xi32>
      %parallel_loop3A_361 = vector.shape_cast %parallel_loop3A_360 : vector<16x1xi32> to vector<16xi32>
      %parallel_loop3A_362 = tpu.dynamic_gather %parallel_loop3A_356[%parallel_loop3A_361] in [0] : vector<16xf32>, vector<16xi32> -> vector<16xf32>
      %parallel_loop3A_363 = vector.shape_cast %add3A_21 : vector<16xi32> to vector<16x1xi32>
      %parallel_loop3A_364 = vector.shape_cast %parallel_loop3A_363 : vector<16x1xi32> to vector<16xi32>
      %parallel_loop3A_365 = tpu.dynamic_gather %parallel_loop3A_356[%parallel_loop3A_364] in [0] : vector<16xf32>, vector<16xi32> -> vector<16xf32>
      %parallel_loop3A_366 = vector.shape_cast %add3A_24 : vector<16xi32> to vector<16x1xi32>
      %parallel_loop3A_367 = vector.shape_cast %parallel_loop3A_366 : vector<16x1xi32> to vector<16xi32>
      %parallel_loop3A_368 = tpu.dynamic_gather %parallel_loop3A_356[%parallel_loop3A_367] in [0] : vector<16xf32>, vector<16xi32> -> vector<16xf32>
      %parallel_loop3A_369 = vector.shape_cast %add3A_27 : vector<16xi32> to vector<16x1xi32>
      %parallel_loop3A_370 = vector.shape_cast %parallel_loop3A_369 : vector<16x1xi32> to vector<16xi32>
      %parallel_loop3A_371 = tpu.dynamic_gather %parallel_loop3A_356[%parallel_loop3A_370] in [0] : vector<16xf32>, vector<16xi32> -> vector<16xf32>
      %parallel_loop3A_372 = arith.index_cast %parallel_loop3A_341 : i32 to index
      %parallel_loop3A_373 = arith.constant 0 : index
      %parallel_loop3A_374 = tpu.vector_load %arg16[%parallel_loop3A_372, %parallel_loop3A_373] {strides = array<i32>} : memref<128x80xf32, #tpu.memory_space<vmem>>, vector<1x16xf32>,
      %parallel_loop3A_375 = vector.shape_cast %parallel_loop3A_374 : vector<1x16xf32> to vector<16xf32>
      %parallel_loop3A_376 = arith.mulf %parallel_loop3A_375, %parallel_loop3A_359 : vector<16xf32>
      %parallel_loop3A_377 = arith.index_cast %parallel_loop3A_341 : i32 to index
      %parallel_loop3A_378 = arith.constant 0 : index
      %parallel_loop3A_379 = tpu.vector_load %arg16[%parallel_loop3A_377, %parallel_loop3A_378] {strides = array<i32>} : memref<128x80xf32, #tpu.memory_space<vmem>>, vector<1x16xf32>,
      %parallel_loop3A_380 = vector.shape_cast %parallel_loop3A_379 : vector<1x16xf32> to vector<16xf32>
      %parallel_loop3A_381 = vector.shape_cast %parallel_loop3A_376 : vector<16xf32> to vector<1x16xf32>
      tpu.vector_store %arg16[%parallel_loop3A_377, %parallel_loop3A_378], %parallel_loop3A_381 {strides = array<i32>} : memref<128x80xf32, #tpu.memory_space<vmem>>, vector<1x16xf32>,
      %parallel_loop3A_382 = arith.index_cast %parallel_loop3A_341 : i32 to index
      %parallel_loop3A_383 = arith.constant 16 : index
      %parallel_loop3A_384 = tpu.vector_load %arg16[%parallel_loop3A_382, %parallel_loop3A_383] {strides = array<i32>} : memref<128x80xf32, #tpu.memory_space<vmem>>, vector<1x16xf32>,
      %parallel_loop3A_385 = vector.shape_cast %parallel_loop3A_384 : vector<1x16xf32> to vector<16xf32>
      %parallel_loop3A_386 = arith.mulf %parallel_loop3A_385, %parallel_loop3A_362 : vector<16xf32>
      %parallel_loop3A_387 = arith.index_cast %parallel_loop3A_341 : i32 to index
      %parallel_loop3A_388 = arith.constant 16 : index
      %parallel_loop3A_389 = tpu.vector_load %arg16[%parallel_loop3A_387, %parallel_loop3A_388] {strides = array<i32>} : memref<128x80xf32, #tpu.memory_space<vmem>>, vector<1x16xf32>,
      %parallel_loop3A_390 = vector.shape_cast %parallel_loop3A_389 : vector<1x16xf32> to vector<16xf32>
      %parallel_loop3A_391 = vector.shape_cast %parallel_loop3A_386 : vector<16xf32> to vector<1x16xf32>
      tpu.vector_store %arg16[%parallel_loop3A_387, %parallel_loop3A_388], %parallel_loop3A_391 {strides = array<i32>} : memref<128x80xf32, #tpu.memory_space<vmem>>, vector<1x16xf32>,
      %parallel_loop3A_392 = arith.index_cast %parallel_loop3A_341 : i32 to index
      %parallel_loop3A_393 = arith.constant 32 : index
      %parallel_loop3A_394 = tpu.vector_load %arg16[%parallel_loop3A_392, %parallel_loop3A_393] {strides = array<i32>} : memref<128x80xf32, #tpu.memory_space<vmem>>, vector<1x16xf32>,
      %parallel_loop3A_395 = vector.shape_cast %parallel_loop3A_394 : vector<1x16xf32> to vector<16xf32>
      %parallel_loop3A_396 = arith.mulf %parallel_loop3A_395, %parallel_loop3A_365 : vector<16xf32>
      %parallel_loop3A_397 = arith.index_cast %parallel_loop3A_341 : i32 to index
      %parallel_loop3A_398 = arith.constant 32 : index
      %parallel_loop3A_399 = tpu.vector_load %arg16[%parallel_loop3A_397, %parallel_loop3A_398] {strides = array<i32>} : memref<128x80xf32, #tpu.memory_space<vmem>>, vector<1x16xf32>,
      %parallel_loop3A_400 = vector.shape_cast %parallel_loop3A_399 : vector<1x16xf32> to vector<16xf32>
      %parallel_loop3A_401 = vector.shape_cast %parallel_loop3A_396 : vector<16xf32> to vector<1x16xf32>
      tpu.vector_store %arg16[%parallel_loop3A_397, %parallel_loop3A_398], %parallel_loop3A_401 {strides = array<i32>} : memref<128x80xf32, #tpu.memory_space<vmem>>, vector<1x16xf32>,
      %parallel_loop3A_402 = arith.index_cast %parallel_loop3A_341 : i32 to index
      %parallel_loop3A_403 = arith.constant 48 : index
      %parallel_loop3A_404 = tpu.vector_load %arg16[%parallel_loop3A_402, %parallel_loop3A_403] {strides = array<i32>} : memref<128x80xf32, #tpu.memory_space<vmem>>, vector<1x16xf32>,
      %parallel_loop3A_405 = vector.shape_cast %parallel_loop3A_404 : vector<1x16xf32> to vector<16xf32>
      %parallel_loop3A_406 = arith.mulf %parallel_loop3A_405, %parallel_loop3A_368 : vector<16xf32>
      %parallel_loop3A_407 = arith.index_cast %parallel_loop3A_341 : i32 to index
      %parallel_loop3A_408 = arith.constant 48 : index
      %parallel_loop3A_409 = tpu.vector_load %arg16[%parallel_loop3A_407, %parallel_loop3A_408] {strides = array<i32>} : memref<128x80xf32, #tpu.memory_space<vmem>>, vector<1x16xf32>,
      %parallel_loop3A_410 = vector.shape_cast %parallel_loop3A_409 : vector<1x16xf32> to vector<16xf32>
      %parallel_loop3A_411 = vector.shape_cast %parallel_loop3A_406 : vector<16xf32> to vector<1x16xf32>
      tpu.vector_store %arg16[%parallel_loop3A_407, %parallel_loop3A_408], %parallel_loop3A_411 {strides = array<i32>} : memref<128x80xf32, #tpu.memory_space<vmem>>, vector<1x16xf32>,
      %parallel_loop3A_412 = arith.index_cast %parallel_loop3A_341 : i32 to index
      %parallel_loop3A_413 = arith.constant 64 : index
      %parallel_loop3A_414 = tpu.vector_load %arg16[%parallel_loop3A_412, %parallel_loop3A_413] {strides = array<i32>} : memref<128x80xf32, #tpu.memory_space<vmem>>, vector<1x16xf32>,
      %parallel_loop3A_415 = vector.shape_cast %parallel_loop3A_414 : vector<1x16xf32> to vector<16xf32>
      %parallel_loop3A_416 = vector.shape_cast %parallel_loop3A_371 : vector<16xf32> to vector<1x16xf32>
      tpu.vector_store %arg16[%parallel_loop3A_412, %parallel_loop3A_413], %parallel_loop3A_416 {strides = array<i32>} : memref<128x80xf32, #tpu.memory_space<vmem>>, vector<1x16xf32>,
    } {sc.loop_unroll_factor = 4 : i64, sc.parallel_access}
    %dma_start3A_324 = arith.constant 0 : i32
    %dma_start3A_325 = arith.constant 0 : i32
    %dma_start3A_326 = tpu.memref_slice %arg21[%dma_start3A_324, %dma_start3A_325] : memref<10112x80xf32, #tpu.memory_space<vmem_shared>> -> memref<10112x80xf32, #tpu.memory_space<vmem_shared>>
    tpu.enqueue_indirect_dma source(%arg16 : memref<128x80xf32, #tpu.memory_space<vmem>>) target(%dma_start3A_326 : memref<10112x80xf32, #tpu.memory_space<vmem_shared>>) offsets(%arg13 : memref<128xi32, #tpu.memory_space<vmem>>) semaphore(%arg27 : memref<!tpu.dma_semaphore, #tpu.memory_space<semaphore_mem>>) {add = true}
    %dma_wait3A_327 = arith.constant 0 : i32
    %dma_wait3A_328 = arith.constant 0 : i32
    %dma_wait3A_329 = tpu.memref_slice %arg21[%dma_wait3A_327, %dma_wait3A_328] : memref<10112x80xf32, #tpu.memory_space<vmem_shared>> -> memref<10112x80xf32, #tpu.memory_space<vmem_shared>>
    tpu.wait_indirect_dma semaphore(%arg25 : memref<!tpu.dma_semaphore, #tpu.memory_space<semaphore_mem>>) src(%arg14 : memref<128x80xf32, #tpu.memory_space<vmem>>) dst(%dma_wait3A_329 : memref<10112x80xf32, #tpu.memory_space<vmem_shared>>)
    %dma_wait3A_330 = arith.constant 0 : i32
    %dma_wait3A_331 = arith.constant 0 : i32
    %dma_wait3A_332 = tpu.memref_slice %arg21[%dma_wait3A_330, %dma_wait3A_331] : memref<10112x80xf32, #tpu.memory_space<vmem_shared>> -> memref<10112x80xf32, #tpu.memory_space<vmem_shared>>
    tpu.wait_indirect_dma semaphore(%arg26 : memref<!tpu.dma_semaphore, #tpu.memory_space<semaphore_mem>>) src(%arg15 : memref<128x80xf32, #tpu.memory_space<vmem>>) dst(%dma_wait3A_332 : memref<10112x80xf32, #tpu.memory_space<vmem_shared>>)
    %dma_wait3A_333 = arith.constant 0 : i32
    %dma_wait3A_334 = arith.constant 0 : i32
    %dma_wait3A_335 = tpu.memref_slice %arg21[%dma_wait3A_333, %dma_wait3A_334] : memref<10112x80xf32, #tpu.memory_space<vmem_shared>> -> memref<10112x80xf32, #tpu.memory_space<vmem_shared>>
    tpu.wait_indirect_dma semaphore(%arg27 : memref<!tpu.dma_semaphore, #tpu.memory_space<semaphore_mem>>) src(%arg16 : memref<128x80xf32, #tpu.memory_space<vmem>>) dst(%dma_wait3A_335 : memref<10112x80xf32, #tpu.memory_space<vmem_shared>>)
    %barrier3A_336 = arith.constant 0 : index
    tpu.barrier barrier_id(%barrier3A_336)
    %mul3A_337 = arith.constant 632 : i32
    %mul3A_338 = arith.muli %arg1, %mul3A_337 : i32
    %mul3A_339 = arith.constant 632 : i32
    %mul3A_340 = arith.muli %arg1, %mul3A_339 : i32
    "tpu.region"() ({
      %run_scoped3A = tpu.sem_alloc : memref<!tpu.dma_semaphore, #tpu.memory_space<semaphore_mem>>
      %dma_start3A_341 = arith.constant 0 : i32
      %dma_start3A_342 = tpu.memref_slice %arg8[%arg0, %mul3A_340, %dma_start3A_341] : memref<2x10112x80xf32, #tpu.memory_space<hbm>> -> memref<1x632x80xf32, #tpu.memory_space<hbm>>
      %dma_start3A_343 = tpu.memref_squeeze %dma_start3A_342 : memref<1x632x80xf32, #tpu.memory_space<hbm>> -> memref<632x80xf32, #tpu.memory_space<hbm>>
      %dma_start3A_344 = arith.constant 0 : i32
      %dma_start3A_345 = tpu.memref_slice %arg21[%mul3A_338, %dma_start3A_344] : memref<10112x80xf32, #tpu.memory_space<vmem_shared>> -> memref<632x80xf32, #tpu.memory_space<vmem_shared>>
      tpu.enqueue_dma source(%dma_start3A_345 : memref<632x80xf32, #tpu.memory_space<vmem_shared>>) target(%dma_start3A_343 : memref<632x80xf32, #tpu.memory_space<hbm>>) target_semaphore(%run_scoped3A : memref<!tpu.dma_semaphore, #tpu.memory_space<semaphore_mem>>)
      %dma_wait3A_346 = arith.constant 0 : i32
      %dma_wait3A_347 = tpu.memref_slice %arg8[%arg0, %mul3A_340, %dma_wait3A_346] : memref<2x10112x80xf32, #tpu.memory_space<hbm>> -> memref<1x632x80xf32, #tpu.memory_space<hbm>>
      %dma_wait3A_348 = tpu.memref_squeeze %dma_wait3A_347 : memref<1x632x80xf32, #tpu.memory_space<hbm>> -> memref<632x80xf32, #tpu.memory_space<hbm>>
      %dma_wait3A_349 = arith.constant 0 : i32
      %dma_wait3A_350 = tpu.memref_slice %arg21[%mul3A_338, %dma_wait3A_349] : memref<10112x80xf32, #tpu.memory_space<vmem_shared>> -> memref<632x80xf32, #tpu.memory_space<vmem_shared>>
      tpu.wait_dma2 semaphore(%run_scoped3A : memref<!tpu.dma_semaphore, #tpu.memory_space<semaphore_mem>>) src(%dma_wait3A_350 : memref<632x80xf32, #tpu.memory_space<vmem_shared>>) dst(%dma_wait3A_348 : memref<632x80xf32, #tpu.memory_space<hbm>>)
      tpu.yield
    }) : () -> ()
    return
  }
}

#map = affine_map<(d0, d1) -> (0, 0)>
#map1 = affine_map<(d0, d1) -> (0)>
#map2 = affine_map<(d0, d1) -> (0, 0, 0)>
module attributes {stable_mosaic.version = 14 : i64} {
  func.func @body(%arg0: i32, %arg1: i32, %arg2: memref<10000x48xf32, #tpu.memory_space<hbm>>, %arg3: memref<10112x16xf32, #tpu.memory_space<hbm>>, %arg4: memref<16xf32, #tpu.memory_space<hbm>>, %arg5: memref<331776xi32, #tpu.memory_space<hbm>>, %arg6: memref<331776xi32, #tpu.memory_space<hbm>>, %arg7: memref<632x48xf32, #tpu.memory_space<hbm>>, %arg8: memref<2x10112x48xf32, #tpu.memory_space<hbm>>, %arg9: memref<10368xi32, #tpu.memory_space<vmem>>, %arg10: memref<10368xi32, #tpu.memory_space<vmem>>, %arg11: memref<128xi32, #tpu.memory_space<vmem>>, %arg12: memref<128xi32, #tpu.memory_space<vmem>>, %arg13: memref<128xi32, #tpu.memory_space<vmem>>, %arg14: memref<128x48xf32, #tpu.memory_space<vmem>>, %arg15: memref<128x48xf32, #tpu.memory_space<vmem>>, %arg16: memref<128x48xf32, #tpu.memory_space<vmem>>, %arg17: memref<128x16xf32, #tpu.memory_space<vmem>>, %arg18: memref<128x16xf32, #tpu.memory_space<vmem>>, %arg19: memref<128x16xf32, #tpu.memory_space<vmem>>, %arg20: memref<16xf32, #tpu.memory_space<vmem>>, %arg21: memref<10112x48xf32, #tpu.memory_space<vmem_shared>>, %arg22: memref<!tpu.dma_semaphore, #tpu.memory_space<semaphore_mem>>, %arg23: memref<!tpu.dma_semaphore, #tpu.memory_space<semaphore_mem>>, %arg24: memref<!tpu.dma_semaphore, #tpu.memory_space<semaphore_mem>>, %arg25: memref<!tpu.dma_semaphore, #tpu.memory_space<semaphore_mem>>, %arg26: memref<!tpu.dma_semaphore, #tpu.memory_space<semaphore_mem>>, %arg27: memref<!tpu.dma_semaphore, #tpu.memory_space<semaphore_mem>>) attributes {dimension_semantics = [#tpu.dimension_semantics<core_parallel>, #tpu.dimension_semantics<subcore_parallel>], iteration_bounds = array<i64: 2, 16>, scalar_prefetch = 0 : i64, scratch_operands = 19 : i64, tpu.core_type = #tpu.core_type<sc_vector_subcore>, window_params = [{transform_indices = #map}, {transform_indices = #map}, {transform_indices = #map1}, {transform_indices = #map1}, {transform_indices = #map1}, {transform_indices = #map}, {transform_indices = #map2}]} {
    %mul3A = arith.constant 2 : i32
    %mul3A_0 = arith.muli %arg1, %mul3A : i32
    %add3A = arith.addi %mul3A_0, %arg0 : i32
    %mul3A_1 = arith.constant 632 : i32
    %mul3A_2 = arith.muli %arg1, %mul3A_1 : i32
    "tpu.region"() ({
      %run_scoped3A = tpu.sem_alloc : memref<!tpu.dma_semaphore, #tpu.memory_space<semaphore_mem>>
      %dma_start3A_328 = arith.constant 0 : i32
      %dma_start3A_329 = tpu.memref_slice %arg21[%mul3A_2, %dma_start3A_328] : memref<10112x48xf32, #tpu.memory_space<vmem_shared>> -> memref<632x48xf32, #tpu.memory_space<vmem_shared>>
      tpu.enqueue_dma source(%arg7 : memref<632x48xf32, #tpu.memory_space<hbm>>) target(%dma_start3A_329 : memref<632x48xf32, #tpu.memory_space<vmem_shared>>) target_semaphore(%run_scoped3A : memref<!tpu.dma_semaphore, #tpu.memory_space<semaphore_mem>>)
      %dma_wait3A_330 = arith.constant 0 : i32
      %dma_wait3A_331 = tpu.memref_slice %arg21[%mul3A_2, %dma_wait3A_330] : memref<10112x48xf32, #tpu.memory_space<vmem_shared>> -> memref<632x48xf32, #tpu.memory_space<vmem_shared>>
      tpu.wait_dma2 semaphore(%run_scoped3A : memref<!tpu.dma_semaphore, #tpu.memory_space<semaphore_mem>>) src(%arg7 : memref<632x48xf32, #tpu.memory_space<hbm>>) dst(%dma_wait3A_331 : memref<632x48xf32, #tpu.memory_space<vmem_shared>>)
      tpu.yield
    }) : () -> ()
    "tpu.region"() ({
      %run_scoped3A = tpu.sem_alloc : memref<!tpu.dma_semaphore, #tpu.memory_space<semaphore_mem>>
      tpu.enqueue_dma source(%arg4 : memref<16xf32, #tpu.memory_space<hbm>>) target(%arg20 : memref<16xf32, #tpu.memory_space<vmem>>) target_semaphore(%run_scoped3A : memref<!tpu.dma_semaphore, #tpu.memory_space<semaphore_mem>>)
      tpu.wait_dma2 semaphore(%run_scoped3A : memref<!tpu.dma_semaphore, #tpu.memory_space<semaphore_mem>>) src(%arg4 : memref<16xf32, #tpu.memory_space<hbm>>) dst(%arg20 : memref<16xf32, #tpu.memory_space<vmem>>)
      tpu.yield
    }) : () -> ()
    %mul3A_3 = arith.constant 10368 : i32
    %mul3A_4 = arith.muli %add3A, %mul3A_3 : i32
    "tpu.region"() ({
      %run_scoped3A = tpu.sem_alloc : memref<!tpu.dma_semaphore, #tpu.memory_space<semaphore_mem>>
      %dma_start3A_328 = tpu.memref_slice %arg5[%mul3A_4] : memref<331776xi32, #tpu.memory_space<hbm>> -> memref<10368xi32, #tpu.memory_space<hbm>>
      %dma_start3A_329 = tpu.memref_slice %arg5[%mul3A_4] : memref<331776xi32, #tpu.memory_space<hbm>> -> memref<10368xi32, #tpu.memory_space<hbm>>
      tpu.enqueue_dma source(%dma_start3A_329 : memref<10368xi32, #tpu.memory_space<hbm>>) target(%arg9 : memref<10368xi32, #tpu.memory_space<vmem>>) target_semaphore(%run_scoped3A : memref<!tpu.dma_semaphore, #tpu.memory_space<semaphore_mem>>)
      %dma_wait3A_330 = tpu.memref_slice %arg5[%mul3A_4] : memref<331776xi32, #tpu.memory_space<hbm>> -> memref<10368xi32, #tpu.memory_space<hbm>>
      %dma_wait3A_331 = tpu.memref_slice %arg5[%mul3A_4] : memref<331776xi32, #tpu.memory_space<hbm>> -> memref<10368xi32, #tpu.memory_space<hbm>>
      tpu.wait_dma2 semaphore(%run_scoped3A : memref<!tpu.dma_semaphore, #tpu.memory_space<semaphore_mem>>) src(%dma_wait3A_331 : memref<10368xi32, #tpu.memory_space<hbm>>) dst(%arg9 : memref<10368xi32, #tpu.memory_space<vmem>>)
      tpu.yield
    }) : () -> ()
    %mul3A_5 = arith.constant 10368 : i32
    %mul3A_6 = arith.muli %add3A, %mul3A_5 : i32
    "tpu.region"() ({
      %run_scoped3A = tpu.sem_alloc : memref<!tpu.dma_semaphore, #tpu.memory_space<semaphore_mem>>
      %dma_start3A_328 = tpu.memref_slice %arg6[%mul3A_6] : memref<331776xi32, #tpu.memory_space<hbm>> -> memref<10368xi32, #tpu.memory_space<hbm>>
      %dma_start3A_329 = tpu.memref_slice %arg6[%mul3A_6] : memref<331776xi32, #tpu.memory_space<hbm>> -> memref<10368xi32, #tpu.memory_space<hbm>>
      tpu.enqueue_dma source(%dma_start3A_329 : memref<10368xi32, #tpu.memory_space<hbm>>) target(%arg10 : memref<10368xi32, #tpu.memory_space<vmem>>) target_semaphore(%run_scoped3A : memref<!tpu.dma_semaphore, #tpu.memory_space<semaphore_mem>>)
      %dma_wait3A_330 = tpu.memref_slice %arg6[%mul3A_6] : memref<331776xi32, #tpu.memory_space<hbm>> -> memref<10368xi32, #tpu.memory_space<hbm>>
      %dma_wait3A_331 = tpu.memref_slice %arg6[%mul3A_6] : memref<331776xi32, #tpu.memory_space<hbm>> -> memref<10368xi32, #tpu.memory_space<hbm>>
      tpu.wait_dma2 semaphore(%run_scoped3A : memref<!tpu.dma_semaphore, #tpu.memory_space<semaphore_mem>>) src(%dma_wait3A_331 : memref<10368xi32, #tpu.memory_space<hbm>>) dst(%arg10 : memref<10368xi32, #tpu.memory_space<vmem>>)
      tpu.yield
    }) : () -> ()
    %barrier3A = arith.constant 0 : index
    tpu.barrier barrier_id(%barrier3A)
    %iota3A = tpu.iota {dimensions = array<i32: 0>} : vector<16xi32>
    %shift_right_arithmetic3A = arith.constant 3 : i32
    %shift_right_arithmetic3A_7 = vector.broadcast %shift_right_arithmetic3A : i32 to vector<16xi32>
    %shift_right_arithmetic3A_8 = arith.shrsi %iota3A, %shift_right_arithmetic3A_7 : vector<16xi32>
    %and3A = arith.constant 7 : i32
    %and3A_9 = vector.broadcast %and3A : i32 to vector<16xi32>
    %and3A_10 = arith.andi %iota3A, %and3A_9 : vector<16xi32>
    %get3A = arith.constant 0 : index
    %get3A_11 = tpu.vector_load %arg20[%get3A] {strides = array<i32>} : memref<16xf32, #tpu.memory_space<vmem>>, vector<16xf32>,
    %get3A_12 = vector.shape_cast %get3A_11 : vector<16xf32> to vector<16xf32>
    %broadcast_in_dim3A = arith.constant 9 : i32
    %broadcast_in_dim3A_13 = vector.broadcast %broadcast_in_dim3A : i32 to vector<16xi32>
    %broadcast_in_dim3A_14 = arith.constant 10000 : i32
    %broadcast_in_dim3A_15 = vector.broadcast %broadcast_in_dim3A_14 : i32 to vector<16xi32>
    %swap3A = arith.constant 0 : index
    %swap3A_16 = tpu.vector_load %arg13[%swap3A] {strides = array<i32>} : memref<128xi32, #tpu.memory_space<vmem>>, vector<16xi32>,
    %swap3A_17 = vector.shape_cast %swap3A_16 : vector<16xi32> to vector<16xi32>
    %swap3A_18 = vector.shape_cast %broadcast_in_dim3A_15 : vector<16xi32> to vector<16xi32>
    tpu.vector_store %arg13[%swap3A], %swap3A_18 {strides = array<i32>} : memref<128xi32, #tpu.memory_space<vmem>>, vector<16xi32>,
    %broadcast_in_dim3A_19 = arith.constant 10000 : i32
    %broadcast_in_dim3A_20 = vector.broadcast %broadcast_in_dim3A_19 : i32 to vector<16xi32>
    %swap3A_21 = arith.constant 16 : index
    %swap3A_22 = tpu.vector_load %arg13[%swap3A_21] {strides = array<i32>} : memref<128xi32, #tpu.memory_space<vmem>>, vector<16xi32>,
    %swap3A_23 = vector.shape_cast %swap3A_22 : vector<16xi32> to vector<16xi32>
    %swap3A_24 = vector.shape_cast %broadcast_in_dim3A_20 : vector<16xi32> to vector<16xi32>
    tpu.vector_store %arg13[%swap3A_21], %swap3A_24 {strides = array<i32>} : memref<128xi32, #tpu.memory_space<vmem>>, vector<16xi32>,
    %broadcast_in_dim3A_25 = arith.constant 10000 : i32
    %broadcast_in_dim3A_26 = vector.broadcast %broadcast_in_dim3A_25 : i32 to vector<16xi32>
    %swap3A_27 = arith.constant 32 : index
    %swap3A_28 = tpu.vector_load %arg13[%swap3A_27] {strides = array<i32>} : memref<128xi32, #tpu.memory_space<vmem>>, vector<16xi32>,
    %swap3A_29 = vector.shape_cast %swap3A_28 : vector<16xi32> to vector<16xi32>
    %swap3A_30 = vector.shape_cast %broadcast_in_dim3A_26 : vector<16xi32> to vector<16xi32>
    tpu.vector_store %arg13[%swap3A_27], %swap3A_30 {strides = array<i32>} : memref<128xi32, #tpu.memory_space<vmem>>, vector<16xi32>,
    %broadcast_in_dim3A_31 = arith.constant 10000 : i32
    %broadcast_in_dim3A_32 = vector.broadcast %broadcast_in_dim3A_31 : i32 to vector<16xi32>
    %swap3A_33 = arith.constant 48 : index
    %swap3A_34 = tpu.vector_load %arg13[%swap3A_33] {strides = array<i32>} : memref<128xi32, #tpu.memory_space<vmem>>, vector<16xi32>,
    %swap3A_35 = vector.shape_cast %swap3A_34 : vector<16xi32> to vector<16xi32>
    %swap3A_36 = vector.shape_cast %broadcast_in_dim3A_32 : vector<16xi32> to vector<16xi32>
    tpu.vector_store %arg13[%swap3A_33], %swap3A_36 {strides = array<i32>} : memref<128xi32, #tpu.memory_space<vmem>>, vector<16xi32>,
    %broadcast_in_dim3A_37 = arith.constant 10000 : i32
    %broadcast_in_dim3A_38 = vector.broadcast %broadcast_in_dim3A_37 : i32 to vector<16xi32>
    %swap3A_39 = arith.constant 64 : index
    %swap3A_40 = tpu.vector_load %arg13[%swap3A_39] {strides = array<i32>} : memref<128xi32, #tpu.memory_space<vmem>>, vector<16xi32>,
    %swap3A_41 = vector.shape_cast %swap3A_40 : vector<16xi32> to vector<16xi32>
    %swap3A_42 = vector.shape_cast %broadcast_in_dim3A_38 : vector<16xi32> to vector<16xi32>
    tpu.vector_store %arg13[%swap3A_39], %swap3A_42 {strides = array<i32>} : memref<128xi32, #tpu.memory_space<vmem>>, vector<16xi32>,
    %broadcast_in_dim3A_43 = arith.constant 10000 : i32
    %broadcast_in_dim3A_44 = vector.broadcast %broadcast_in_dim3A_43 : i32 to vector<16xi32>
    %swap3A_45 = arith.constant 80 : index
    %swap3A_46 = tpu.vector_load %arg13[%swap3A_45] {strides = array<i32>} : memref<128xi32, #tpu.memory_space<vmem>>, vector<16xi32>,
    %swap3A_47 = vector.shape_cast %swap3A_46 : vector<16xi32> to vector<16xi32>
    %swap3A_48 = vector.shape_cast %broadcast_in_dim3A_44 : vector<16xi32> to vector<16xi32>
    tpu.vector_store %arg13[%swap3A_45], %swap3A_48 {strides = array<i32>} : memref<128xi32, #tpu.memory_space<vmem>>, vector<16xi32>,
    %broadcast_in_dim3A_49 = arith.constant 10000 : i32
    %broadcast_in_dim3A_50 = vector.broadcast %broadcast_in_dim3A_49 : i32 to vector<16xi32>
    %swap3A_51 = arith.constant 96 : index
    %swap3A_52 = tpu.vector_load %arg13[%swap3A_51] {strides = array<i32>} : memref<128xi32, #tpu.memory_space<vmem>>, vector<16xi32>,
    %swap3A_53 = vector.shape_cast %swap3A_52 : vector<16xi32> to vector<16xi32>
    %swap3A_54 = vector.shape_cast %broadcast_in_dim3A_50 : vector<16xi32> to vector<16xi32>
    tpu.vector_store %arg13[%swap3A_51], %swap3A_54 {strides = array<i32>} : memref<128xi32, #tpu.memory_space<vmem>>, vector<16xi32>,
    %broadcast_in_dim3A_55 = arith.constant 10000 : i32
    %broadcast_in_dim3A_56 = vector.broadcast %broadcast_in_dim3A_55 : i32 to vector<16xi32>
    %swap3A_57 = arith.constant 112 : index
    %swap3A_58 = tpu.vector_load %arg13[%swap3A_57] {strides = array<i32>} : memref<128xi32, #tpu.memory_space<vmem>>, vector<16xi32>,
    %swap3A_59 = vector.shape_cast %swap3A_58 : vector<16xi32> to vector<16xi32>
    %swap3A_60 = vector.shape_cast %broadcast_in_dim3A_56 : vector<16xi32> to vector<16xi32>
    tpu.vector_store %arg13[%swap3A_57], %swap3A_60 {strides = array<i32>} : memref<128xi32, #tpu.memory_space<vmem>>, vector<16xi32>,
    %dma_start3A = arith.constant 0 : i32
    %dma_start3A_61 = arith.constant 0 : i32
    %dma_start3A_62 = tpu.memref_slice %arg21[%dma_start3A, %dma_start3A_61] : memref<10112x48xf32, #tpu.memory_space<vmem_shared>> -> memref<10112x48xf32, #tpu.memory_space<vmem_shared>>
    tpu.enqueue_indirect_dma source(%arg16 : memref<128x48xf32, #tpu.memory_space<vmem>>) target(%dma_start3A_62 : memref<10112x48xf32, #tpu.memory_space<vmem_shared>>) offsets(%arg13 : memref<128xi32, #tpu.memory_space<vmem>>) semaphore(%arg27 : memref<!tpu.dma_semaphore, #tpu.memory_space<semaphore_mem>>) {add = true}
    %dma_start3A_63 = arith.constant 0 : i32
    %dma_start3A_64 = tpu.memref_slice %arg9[%dma_start3A_63] : memref<10368xi32, #tpu.memory_space<vmem>> -> memref<128xi32, #tpu.memory_space<vmem>>
    %dma_start3A_65 = arith.constant 0 : i32
    %dma_start3A_66 = arith.constant 0 : i32
    %dma_start3A_67 = tpu.memref_slice %arg2[%dma_start3A_65, %dma_start3A_66] : memref<10000x48xf32, #tpu.memory_space<hbm>> -> memref<10000x48xf32, #tpu.memory_space<hbm>>
    tpu.enqueue_indirect_dma source(%dma_start3A_67 : memref<10000x48xf32, #tpu.memory_space<hbm>>) target(%arg14 : memref<128x48xf32, #tpu.memory_space<vmem>>) offsets(%dma_start3A_64 : memref<128xi32, #tpu.memory_space<vmem>>) semaphore(%arg22 : memref<!tpu.dma_semaphore, #tpu.memory_space<semaphore_mem>>)
    %dma_start3A_68 = arith.constant 0 : i32
    %dma_start3A_69 = tpu.memref_slice %arg10[%dma_start3A_68] : memref<10368xi32, #tpu.memory_space<vmem>> -> memref<128xi32, #tpu.memory_space<vmem>>
    %dma_start3A_70 = arith.constant 0 : i32
    %dma_start3A_71 = arith.constant 0 : i32
    %dma_start3A_72 = tpu.memref_slice %arg3[%dma_start3A_70, %dma_start3A_71] : memref<10112x16xf32, #tpu.memory_space<hbm>> -> memref<10112x16xf32, #tpu.memory_space<hbm>>
    tpu.enqueue_indirect_dma source(%dma_start3A_72 : memref<10112x16xf32, #tpu.memory_space<hbm>>) target(%arg17 : memref<128x16xf32, #tpu.memory_space<vmem>>) offsets(%dma_start3A_69 : memref<128xi32, #tpu.memory_space<vmem>>) semaphore(%arg22 : memref<!tpu.dma_semaphore, #tpu.memory_space<semaphore_mem>>)
    %dma_start3A_73 = arith.constant 128 : i32
    %dma_start3A_74 = tpu.memref_slice %arg9[%dma_start3A_73] : memref<10368xi32, #tpu.memory_space<vmem>> -> memref<128xi32, #tpu.memory_space<vmem>>
    %dma_start3A_75 = arith.constant 0 : i32
    %dma_start3A_76 = arith.constant 0 : i32
    %dma_start3A_77 = tpu.memref_slice %arg2[%dma_start3A_75, %dma_start3A_76] : memref<10000x48xf32, #tpu.memory_space<hbm>> -> memref<10000x48xf32, #tpu.memory_space<hbm>>
    tpu.enqueue_indirect_dma source(%dma_start3A_77 : memref<10000x48xf32, #tpu.memory_space<hbm>>) target(%arg15 : memref<128x48xf32, #tpu.memory_space<vmem>>) offsets(%dma_start3A_74 : memref<128xi32, #tpu.memory_space<vmem>>) semaphore(%arg23 : memref<!tpu.dma_semaphore, #tpu.memory_space<semaphore_mem>>)
    %dma_start3A_78 = arith.constant 128 : i32
    %dma_start3A_79 = tpu.memref_slice %arg10[%dma_start3A_78] : memref<10368xi32, #tpu.memory_space<vmem>> -> memref<128xi32, #tpu.memory_space<vmem>>
    %dma_start3A_80 = arith.constant 0 : i32
    %dma_start3A_81 = arith.constant 0 : i32
    %dma_start3A_82 = tpu.memref_slice %arg3[%dma_start3A_80, %dma_start3A_81] : memref<10112x16xf32, #tpu.memory_space<hbm>> -> memref<10112x16xf32, #tpu.memory_space<hbm>>
    tpu.enqueue_indirect_dma source(%dma_start3A_82 : memref<10112x16xf32, #tpu.memory_space<hbm>>) target(%arg18 : memref<128x16xf32, #tpu.memory_space<vmem>>) offsets(%dma_start3A_79 : memref<128xi32, #tpu.memory_space<vmem>>) semaphore(%arg23 : memref<!tpu.dma_semaphore, #tpu.memory_space<semaphore_mem>>)
    %scan3A = arith.constant 0 : i32
    %scan3A_83 = arith.constant 26 : i32
    %scan3A_84 = arith.addi %scan3A, %scan3A_83 : i32
    %scan3A_85 = arith.constant 1 : i32
    scf.for %scan3A_328 = %scan3A to %scan3A_84 step %scan3A_85  : i32 {
      %mul3A_329 = arith.constant 1 : i32
      %mul3A_330 = arith.muli %scan3A_328, %mul3A_329 : i32
      %add3A_331 = arith.constant 0 : i32
      %add3A_332 = arith.addi %add3A_331, %mul3A_330 : i32
      %mul3A_333 = arith.constant 3 : i32
      %mul3A_334 = arith.muli %add3A_332, %mul3A_333 : i32
      %dma_wait3A_335 = arith.constant 0 : i32
      %dma_wait3A_336 = tpu.memref_slice %arg9[%dma_wait3A_335] : memref<10368xi32, #tpu.memory_space<vmem>> -> memref<128xi32, #tpu.memory_space<vmem>>
      %dma_wait3A_337 = arith.constant 0 : i32
      %dma_wait3A_338 = arith.constant 0 : i32
      %dma_wait3A_339 = tpu.memref_slice %arg2[%dma_wait3A_337, %dma_wait3A_338] : memref<10000x48xf32, #tpu.memory_space<hbm>> -> memref<10000x48xf32, #tpu.memory_space<hbm>>
      tpu.wait_indirect_dma semaphore(%arg22 : memref<!tpu.dma_semaphore, #tpu.memory_space<semaphore_mem>>) src(%dma_wait3A_339 : memref<10000x48xf32, #tpu.memory_space<hbm>>) dst(%arg14 : memref<128x48xf32, #tpu.memory_space<vmem>>)
      %dma_wait3A_340 = arith.constant 0 : i32
      %dma_wait3A_341 = tpu.memref_slice %arg10[%dma_wait3A_340] : memref<10368xi32, #tpu.memory_space<vmem>> -> memref<128xi32, #tpu.memory_space<vmem>>
      %dma_wait3A_342 = arith.constant 0 : i32
      %dma_wait3A_343 = arith.constant 0 : i32
      %dma_wait3A_344 = tpu.memref_slice %arg3[%dma_wait3A_342, %dma_wait3A_343] : memref<10112x16xf32, #tpu.memory_space<hbm>> -> memref<10112x16xf32, #tpu.memory_space<hbm>>
      tpu.wait_indirect_dma semaphore(%arg22 : memref<!tpu.dma_semaphore, #tpu.memory_space<semaphore_mem>>) src(%dma_wait3A_344 : memref<10112x16xf32, #tpu.memory_space<hbm>>) dst(%arg17 : memref<128x16xf32, #tpu.memory_space<vmem>>)
      %mul3A_345 = arith.constant 128 : i32
      %mul3A_346 = arith.muli %mul3A_334, %mul3A_345 : i32
      %add3A_347 = arith.constant 0 : i32
      %add3A_348 = arith.addi %mul3A_346, %add3A_347 : i32
      %get3A_349 = arith.index_cast %add3A_348 : i32 to index
      %get3A_350 = tpu.vector_load %arg10[%get3A_349] {strides = array<i32>} : memref<10368xi32, #tpu.memory_space<vmem>>, vector<16xi32>,
      %get3A_351 = vector.shape_cast %get3A_350 : vector<16xi32> to vector<16xi32>
      %swap3A_352 = arith.constant 0 : index
      %swap3A_353 = tpu.vector_load %arg11[%swap3A_352] {strides = array<i32>} : memref<128xi32, #tpu.memory_space<vmem>>, vector<16xi32>,
      %swap3A_354 = vector.shape_cast %swap3A_353 : vector<16xi32> to vector<16xi32>
      %swap3A_355 = vector.shape_cast %get3A_351 : vector<16xi32> to vector<16xi32>
      tpu.vector_store %arg11[%swap3A_352], %swap3A_355 {strides = array<i32>} : memref<128xi32, #tpu.memory_space<vmem>>, vector<16xi32>,
      %add3A_356 = arith.constant 16 : i32
      %add3A_357 = arith.addi %mul3A_346, %add3A_356 : i32
      %get3A_358 = arith.index_cast %add3A_357 : i32 to index
      %get3A_359 = tpu.vector_load %arg10[%get3A_358] {strides = array<i32>} : memref<10368xi32, #tpu.memory_space<vmem>>, vector<16xi32>,
      %get3A_360 = vector.shape_cast %get3A_359 : vector<16xi32> to vector<16xi32>
      %swap3A_361 = arith.constant 16 : index
      %swap3A_362 = tpu.vector_load %arg11[%swap3A_361] {strides = array<i32>} : memref<128xi32, #tpu.memory_space<vmem>>, vector<16xi32>,
      %swap3A_363 = vector.shape_cast %swap3A_362 : vector<16xi32> to vector<16xi32>
      %swap3A_364 = vector.shape_cast %get3A_360 : vector<16xi32> to vector<16xi32>
      tpu.vector_store %arg11[%swap3A_361], %swap3A_364 {strides = array<i32>} : memref<128xi32, #tpu.memory_space<vmem>>, vector<16xi32>,
      %add3A_365 = arith.constant 32 : i32
      %add3A_366 = arith.addi %mul3A_346, %add3A_365 : i32
      %get3A_367 = arith.index_cast %add3A_366 : i32 to index
      %get3A_368 = tpu.vector_load %arg10[%get3A_367] {strides = array<i32>} : memref<10368xi32, #tpu.memory_space<vmem>>, vector<16xi32>,
      %get3A_369 = vector.shape_cast %get3A_368 : vector<16xi32> to vector<16xi32>
      %swap3A_370 = arith.constant 32 : index
      %swap3A_371 = tpu.vector_load %arg11[%swap3A_370] {strides = array<i32>} : memref<128xi32, #tpu.memory_space<vmem>>, vector<16xi32>,
      %swap3A_372 = vector.shape_cast %swap3A_371 : vector<16xi32> to vector<16xi32>
      %swap3A_373 = vector.shape_cast %get3A_369 : vector<16xi32> to vector<16xi32>
      tpu.vector_store %arg11[%swap3A_370], %swap3A_373 {strides = array<i32>} : memref<128xi32, #tpu.memory_space<vmem>>, vector<16xi32>,
      %add3A_374 = arith.constant 48 : i32
      %add3A_375 = arith.addi %mul3A_346, %add3A_374 : i32
      %get3A_376 = arith.index_cast %add3A_375 : i32 to index
      %get3A_377 = tpu.vector_load %arg10[%get3A_376] {strides = array<i32>} : memref<10368xi32, #tpu.memory_space<vmem>>, vector<16xi32>,
      %get3A_378 = vector.shape_cast %get3A_377 : vector<16xi32> to vector<16xi32>
      %swap3A_379 = arith.constant 48 : index
      %swap3A_380 = tpu.vector_load %arg11[%swap3A_379] {strides = array<i32>} : memref<128xi32, #tpu.memory_space<vmem>>, vector<16xi32>,
      %swap3A_381 = vector.shape_cast %swap3A_380 : vector<16xi32> to vector<16xi32>
      %swap3A_382 = vector.shape_cast %get3A_378 : vector<16xi32> to vector<16xi32>
      tpu.vector_store %arg11[%swap3A_379], %swap3A_382 {strides = array<i32>} : memref<128xi32, #tpu.memory_space<vmem>>, vector<16xi32>,
      %add3A_383 = arith.constant 64 : i32
      %add3A_384 = arith.addi %mul3A_346, %add3A_383 : i32
      %get3A_385 = arith.index_cast %add3A_384 : i32 to index
      %get3A_386 = tpu.vector_load %arg10[%get3A_385] {strides = array<i32>} : memref<10368xi32, #tpu.memory_space<vmem>>, vector<16xi32>,
      %get3A_387 = vector.shape_cast %get3A_386 : vector<16xi32> to vector<16xi32>
      %swap3A_388 = arith.constant 64 : index
      %swap3A_389 = tpu.vector_load %arg11[%swap3A_388] {strides = array<i32>} : memref<128xi32, #tpu.memory_space<vmem>>, vector<16xi32>,
      %swap3A_390 = vector.shape_cast %swap3A_389 : vector<16xi32> to vector<16xi32>
      %swap3A_391 = vector.shape_cast %get3A_387 : vector<16xi32> to vector<16xi32>
      tpu.vector_store %arg11[%swap3A_388], %swap3A_391 {strides = array<i32>} : memref<128xi32, #tpu.memory_space<vmem>>, vector<16xi32>,
      %add3A_392 = arith.constant 80 : i32
      %add3A_393 = arith.addi %mul3A_346, %add3A_392 : i32
      %get3A_394 = arith.index_cast %add3A_393 : i32 to index
      %get3A_395 = tpu.vector_load %arg10[%get3A_394] {strides = array<i32>} : memref<10368xi32, #tpu.memory_space<vmem>>, vector<16xi32>,
      %get3A_396 = vector.shape_cast %get3A_395 : vector<16xi32> to vector<16xi32>
      %swap3A_397 = arith.constant 80 : index
      %swap3A_398 = tpu.vector_load %arg11[%swap3A_397] {strides = array<i32>} : memref<128xi32, #tpu.memory_space<vmem>>, vector<16xi32>,
      %swap3A_399 = vector.shape_cast %swap3A_398 : vector<16xi32> to vector<16xi32>
      %swap3A_400 = vector.shape_cast %get3A_396 : vector<16xi32> to vector<16xi32>
      tpu.vector_store %arg11[%swap3A_397], %swap3A_400 {strides = array<i32>} : memref<128xi32, #tpu.memory_space<vmem>>, vector<16xi32>,
      %add3A_401 = arith.constant 96 : i32
      %add3A_402 = arith.addi %mul3A_346, %add3A_401 : i32
      %get3A_403 = arith.index_cast %add3A_402 : i32 to index
      %get3A_404 = tpu.vector_load %arg10[%get3A_403] {strides = array<i32>} : memref<10368xi32, #tpu.memory_space<vmem>>, vector<16xi32>,
      %get3A_405 = vector.shape_cast %get3A_404 : vector<16xi32> to vector<16xi32>
      %swap3A_406 = arith.constant 96 : index
      %swap3A_407 = tpu.vector_load %arg11[%swap3A_406] {strides = array<i32>} : memref<128xi32, #tpu.memory_space<vmem>>, vector<16xi32>,
      %swap3A_408 = vector.shape_cast %swap3A_407 : vector<16xi32> to vector<16xi32>
      %swap3A_409 = vector.shape_cast %get3A_405 : vector<16xi32> to vector<16xi32>
      tpu.vector_store %arg11[%swap3A_406], %swap3A_409 {strides = array<i32>} : memref<128xi32, #tpu.memory_space<vmem>>, vector<16xi32>,
      %add3A_410 = arith.constant 112 : i32
      %add3A_411 = arith.addi %mul3A_346, %add3A_410 : i32
      %get3A_412 = arith.index_cast %add3A_411 : i32 to index
      %get3A_413 = tpu.vector_load %arg10[%get3A_412] {strides = array<i32>} : memref<10368xi32, #tpu.memory_space<vmem>>, vector<16xi32>,
      %get3A_414 = vector.shape_cast %get3A_413 : vector<16xi32> to vector<16xi32>
      %swap3A_415 = arith.constant 112 : index
      %swap3A_416 = tpu.vector_load %arg11[%swap3A_415] {strides = array<i32>} : memref<128xi32, #tpu.memory_space<vmem>>, vector<16xi32>,
      %swap3A_417 = vector.shape_cast %swap3A_416 : vector<16xi32> to vector<16xi32>
      %swap3A_418 = vector.shape_cast %get3A_414 : vector<16xi32> to vector<16xi32>
      tpu.vector_store %arg11[%swap3A_415], %swap3A_418 {strides = array<i32>} : memref<128xi32, #tpu.memory_space<vmem>>, vector<16xi32>,
      %parallel_loop3A_419 = arith.constant 0 : i32
      %parallel_loop3A_420 = arith.constant 128 : i32
      %parallel_loop3A_421 = arith.constant 1 : i32
      scf.for %parallel_loop3A_654 = %parallel_loop3A_419 to %parallel_loop3A_420 step %parallel_loop3A_421  : i32 {
        %parallel_loop3A_655 = arith.index_cast %parallel_loop3A_654 : i32 to index
        %parallel_loop3A_656 = arith.constant 32 : index
        %parallel_loop3A_657 = tpu.vector_load %arg14[%parallel_loop3A_655, %parallel_loop3A_656] {strides = array<i32>} : memref<128x48xf32, #tpu.memory_space<vmem>>, vector<1x16xf32>,
        %parallel_loop3A_658 = vector.shape_cast %parallel_loop3A_657 : vector<1x16xf32> to vector<16xf32>
        %parallel_loop3A_659 = arith.index_cast %parallel_loop3A_654 : i32 to index
        %parallel_loop3A_660 = arith.constant 0 : index
        %parallel_loop3A_661 = tpu.vector_load %arg17[%parallel_loop3A_659, %parallel_loop3A_660] {strides = array<i32>} : memref<128x16xf32, #tpu.memory_space<vmem>>, vector<1x16xf32>,
        %parallel_loop3A_662 = vector.shape_cast %parallel_loop3A_661 : vector<1x16xf32> to vector<16xf32>
        %parallel_loop3A_663 = arith.addf %parallel_loop3A_658, %parallel_loop3A_662 : vector<16xf32>
        %parallel_loop3A_664 = arith.constant 2.000000e-01 : f32
        %parallel_loop3A_665 = vector.broadcast %parallel_loop3A_664 : f32 to vector<16xf32>
        %parallel_loop3A_666 = arith.mulf %parallel_loop3A_665, %parallel_loop3A_663 : vector<16xf32>
        %parallel_loop3A_667 = arith.maximumf %parallel_loop3A_663, %parallel_loop3A_666 : vector<16xf32>
        %parallel_loop3A_668 = arith.subf %parallel_loop3A_667, %get3A_12 : vector<16xf32>
        %parallel_loop3A_669 = math.exp %parallel_loop3A_668 : vector<16xf32>
        %parallel_loop3A_670 = vector.shape_cast %broadcast_in_dim3A_13 : vector<16xi32> to vector<16x1xi32>
        %parallel_loop3A_671 = vector.shape_cast %parallel_loop3A_670 : vector<16x1xi32> to vector<16xi32>
        %parallel_loop3A_672 = tpu.dynamic_gather %parallel_loop3A_669[%parallel_loop3A_671] in [0] : vector<16xf32>, vector<16xi32> -> vector<16xf32>
        %parallel_loop3A_673 = arith.index_cast %parallel_loop3A_654 : i32 to index
        %parallel_loop3A_674 = arith.constant 0 : index
        %parallel_loop3A_675 = tpu.vector_load %arg14[%parallel_loop3A_673, %parallel_loop3A_674] {strides = array<i32>} : memref<128x48xf32, #tpu.memory_space<vmem>>, vector<1x16xf32>,
        %parallel_loop3A_676 = vector.shape_cast %parallel_loop3A_675 : vector<1x16xf32> to vector<16xf32>
        %parallel_loop3A_677 = arith.mulf %parallel_loop3A_676, %parallel_loop3A_672 : vector<16xf32>
        %parallel_loop3A_678 = arith.index_cast %parallel_loop3A_654 : i32 to index
        %parallel_loop3A_679 = arith.constant 0 : index
        %parallel_loop3A_680 = tpu.vector_load %arg14[%parallel_loop3A_678, %parallel_loop3A_679] {strides = array<i32>} : memref<128x48xf32, #tpu.memory_space<vmem>>, vector<1x16xf32>,
        %parallel_loop3A_681 = vector.shape_cast %parallel_loop3A_680 : vector<1x16xf32> to vector<16xf32>
        %parallel_loop3A_682 = vector.shape_cast %parallel_loop3A_677 : vector<16xf32> to vector<1x16xf32>
        tpu.vector_store %arg14[%parallel_loop3A_678, %parallel_loop3A_679], %parallel_loop3A_682 {strides = array<i32>} : memref<128x48xf32, #tpu.memory_space<vmem>>, vector<1x16xf32>,
        %parallel_loop3A_683 = arith.index_cast %parallel_loop3A_654 : i32 to index
        %parallel_loop3A_684 = arith.constant 16 : index
        %parallel_loop3A_685 = tpu.vector_load %arg14[%parallel_loop3A_683, %parallel_loop3A_684] {strides = array<i32>} : memref<128x48xf32, #tpu.memory_space<vmem>>, vector<1x16xf32>,
        %parallel_loop3A_686 = vector.shape_cast %parallel_loop3A_685 : vector<1x16xf32> to vector<16xf32>
        %parallel_loop3A_687 = arith.mulf %parallel_loop3A_686, %parallel_loop3A_672 : vector<16xf32>
        %parallel_loop3A_688 = arith.index_cast %parallel_loop3A_654 : i32 to index
        %parallel_loop3A_689 = arith.constant 16 : index
        %parallel_loop3A_690 = tpu.vector_load %arg14[%parallel_loop3A_688, %parallel_loop3A_689] {strides = array<i32>} : memref<128x48xf32, #tpu.memory_space<vmem>>, vector<1x16xf32>,
        %parallel_loop3A_691 = vector.shape_cast %parallel_loop3A_690 : vector<1x16xf32> to vector<16xf32>
        %parallel_loop3A_692 = vector.shape_cast %parallel_loop3A_687 : vector<16xf32> to vector<1x16xf32>
        tpu.vector_store %arg14[%parallel_loop3A_688, %parallel_loop3A_689], %parallel_loop3A_692 {strides = array<i32>} : memref<128x48xf32, #tpu.memory_space<vmem>>, vector<1x16xf32>,
        %parallel_loop3A_693 = arith.index_cast %parallel_loop3A_654 : i32 to index
        %parallel_loop3A_694 = arith.constant 32 : index
        %parallel_loop3A_695 = tpu.vector_load %arg14[%parallel_loop3A_693, %parallel_loop3A_694] {strides = array<i32>} : memref<128x48xf32, #tpu.memory_space<vmem>>, vector<1x16xf32>,
        %parallel_loop3A_696 = vector.shape_cast %parallel_loop3A_695 : vector<1x16xf32> to vector<16xf32>
        %parallel_loop3A_697 = arith.mulf %parallel_loop3A_696, %parallel_loop3A_672 : vector<16xf32>
        %parallel_loop3A_698 = arith.index_cast %parallel_loop3A_654 : i32 to index
        %parallel_loop3A_699 = arith.constant 32 : index
        %parallel_loop3A_700 = tpu.vector_load %arg14[%parallel_loop3A_698, %parallel_loop3A_699] {strides = array<i32>} : memref<128x48xf32, #tpu.memory_space<vmem>>, vector<1x16xf32>,
        %parallel_loop3A_701 = vector.shape_cast %parallel_loop3A_700 : vector<1x16xf32> to vector<16xf32>
        %parallel_loop3A_702 = vector.shape_cast %parallel_loop3A_697 : vector<16xf32> to vector<1x16xf32>
        tpu.vector_store %arg14[%parallel_loop3A_698, %parallel_loop3A_699], %parallel_loop3A_702 {strides = array<i32>} : memref<128x48xf32, #tpu.memory_space<vmem>>, vector<1x16xf32>,
      } {sc.loop_unroll_factor = 4 : i64, sc.parallel_access}
      %dma_start3A_422 = arith.constant 0 : i32
      %dma_start3A_423 = arith.constant 0 : i32
      %dma_start3A_424 = tpu.memref_slice %arg21[%dma_start3A_422, %dma_start3A_423] : memref<10112x48xf32, #tpu.memory_space<vmem_shared>> -> memref<10112x48xf32, #tpu.memory_space<vmem_shared>>
      tpu.enqueue_indirect_dma source(%arg14 : memref<128x48xf32, #tpu.memory_space<vmem>>) target(%dma_start3A_424 : memref<10112x48xf32, #tpu.memory_space<vmem_shared>>) offsets(%arg11 : memref<128xi32, #tpu.memory_space<vmem>>) semaphore(%arg25 : memref<!tpu.dma_semaphore, #tpu.memory_space<semaphore_mem>>) {add = true}
      %dma_wait3A_425 = arith.constant 0 : i32
      %dma_wait3A_426 = arith.constant 0 : i32
      %dma_wait3A_427 = tpu.memref_slice %arg21[%dma_wait3A_425, %dma_wait3A_426] : memref<10112x48xf32, #tpu.memory_space<vmem_shared>> -> memref<10112x48xf32, #tpu.memory_space<vmem_shared>>
      tpu.wait_indirect_dma semaphore(%arg27 : memref<!tpu.dma_semaphore, #tpu.memory_space<semaphore_mem>>) src(%arg16 : memref<128x48xf32, #tpu.memory_space<vmem>>) dst(%dma_wait3A_427 : memref<10112x48xf32, #tpu.memory_space<vmem_shared>>)
      %add3A_428 = arith.constant 2 : i32
      %add3A_429 = arith.addi %mul3A_334, %add3A_428 : i32
      %mul3A_430 = arith.constant 128 : i32
      %mul3A_431 = arith.muli %add3A_429, %mul3A_430 : i32
      %dma_start3A_432 = tpu.memref_slice %arg9[%mul3A_431] : memref<10368xi32, #tpu.memory_space<vmem>> -> memref<128xi32, #tpu.memory_space<vmem>>
      %dma_start3A_433 = arith.constant 0 : i32
      %dma_start3A_434 = arith.constant 0 : i32
      %dma_start3A_435 = tpu.memref_slice %arg2[%dma_start3A_433, %dma_start3A_434] : memref<10000x48xf32, #tpu.memory_space<hbm>> -> memref<10000x48xf32, #tpu.memory_space<hbm>>
      tpu.enqueue_indirect_dma source(%dma_start3A_435 : memref<10000x48xf32, #tpu.memory_space<hbm>>) target(%arg16 : memref<128x48xf32, #tpu.memory_space<vmem>>) offsets(%dma_start3A_432 : memref<128xi32, #tpu.memory_space<vmem>>) semaphore(%arg24 : memref<!tpu.dma_semaphore, #tpu.memory_space<semaphore_mem>>)
      %dma_start3A_436 = tpu.memref_slice %arg10[%mul3A_431] : memref<10368xi32, #tpu.memory_space<vmem>> -> memref<128xi32, #tpu.memory_space<vmem>>
      %dma_start3A_437 = arith.constant 0 : i32
      %dma_start3A_438 = arith.constant 0 : i32
      %dma_start3A_439 = tpu.memref_slice %arg3[%dma_start3A_437, %dma_start3A_438] : memref<10112x16xf32, #tpu.memory_space<hbm>> -> memref<10112x16xf32, #tpu.memory_space<hbm>>
      tpu.enqueue_indirect_dma source(%dma_start3A_439 : memref<10112x16xf32, #tpu.memory_space<hbm>>) target(%arg19 : memref<128x16xf32, #tpu.memory_space<vmem>>) offsets(%dma_start3A_436 : memref<128xi32, #tpu.memory_space<vmem>>) semaphore(%arg24 : memref<!tpu.dma_semaphore, #tpu.memory_space<semaphore_mem>>)
      %dma_wait3A_440 = arith.constant 0 : i32
      %dma_wait3A_441 = tpu.memref_slice %arg9[%dma_wait3A_440] : memref<10368xi32, #tpu.memory_space<vmem>> -> memref<128xi32, #tpu.memory_space<vmem>>
      %dma_wait3A_442 = arith.constant 0 : i32
      %dma_wait3A_443 = arith.constant 0 : i32
      %dma_wait3A_444 = tpu.memref_slice %arg2[%dma_wait3A_442, %dma_wait3A_443] : memref<10000x48xf32, #tpu.memory_space<hbm>> -> memref<10000x48xf32, #tpu.memory_space<hbm>>
      tpu.wait_indirect_dma semaphore(%arg23 : memref<!tpu.dma_semaphore, #tpu.memory_space<semaphore_mem>>) src(%dma_wait3A_444 : memref<10000x48xf32, #tpu.memory_space<hbm>>) dst(%arg15 : memref<128x48xf32, #tpu.memory_space<vmem>>)
      %dma_wait3A_445 = arith.constant 0 : i32
      %dma_wait3A_446 = tpu.memref_slice %arg10[%dma_wait3A_445] : memref<10368xi32, #tpu.memory_space<vmem>> -> memref<128xi32, #tpu.memory_space<vmem>>
      %dma_wait3A_447 = arith.constant 0 : i32
      %dma_wait3A_448 = arith.constant 0 : i32
      %dma_wait3A_449 = tpu.memref_slice %arg3[%dma_wait3A_447, %dma_wait3A_448] : memref<10112x16xf32, #tpu.memory_space<hbm>> -> memref<10112x16xf32, #tpu.memory_space<hbm>>
      tpu.wait_indirect_dma semaphore(%arg23 : memref<!tpu.dma_semaphore, #tpu.memory_space<semaphore_mem>>) src(%dma_wait3A_449 : memref<10112x16xf32, #tpu.memory_space<hbm>>) dst(%arg18 : memref<128x16xf32, #tpu.memory_space<vmem>>)
      %add3A_450 = arith.constant 1 : i32
      %add3A_451 = arith.addi %mul3A_334, %add3A_450 : i32
      %mul3A_452 = arith.constant 128 : i32
      %mul3A_453 = arith.muli %add3A_451, %mul3A_452 : i32
      %add3A_454 = arith.constant 0 : i32
      %add3A_455 = arith.addi %mul3A_453, %add3A_454 : i32
      %get3A_456 = arith.index_cast %add3A_455 : i32 to index
      %get3A_457 = tpu.vector_load %arg10[%get3A_456] {strides = array<i32>} : memref<10368xi32, #tpu.memory_space<vmem>>, vector<16xi32>,
      %get3A_458 = vector.shape_cast %get3A_457 : vector<16xi32> to vector<16xi32>
      %swap3A_459 = arith.constant 0 : index
      %swap3A_460 = tpu.vector_load %arg12[%swap3A_459] {strides = array<i32>} : memref<128xi32, #tpu.memory_space<vmem>>, vector<16xi32>,
      %swap3A_461 = vector.shape_cast %swap3A_460 : vector<16xi32> to vector<16xi32>
      %swap3A_462 = vector.shape_cast %get3A_458 : vector<16xi32> to vector<16xi32>
      tpu.vector_store %arg12[%swap3A_459], %swap3A_462 {strides = array<i32>} : memref<128xi32, #tpu.memory_space<vmem>>, vector<16xi32>,
      %add3A_463 = arith.constant 16 : i32
      %add3A_464 = arith.addi %mul3A_453, %add3A_463 : i32
      %get3A_465 = arith.index_cast %add3A_464 : i32 to index
      %get3A_466 = tpu.vector_load %arg10[%get3A_465] {strides = array<i32>} : memref<10368xi32, #tpu.memory_space<vmem>>, vector<16xi32>,
      %get3A_467 = vector.shape_cast %get3A_466 : vector<16xi32> to vector<16xi32>
      %swap3A_468 = arith.constant 16 : index
      %swap3A_469 = tpu.vector_load %arg12[%swap3A_468] {strides = array<i32>} : memref<128xi32, #tpu.memory_space<vmem>>, vector<16xi32>,
      %swap3A_470 = vector.shape_cast %swap3A_469 : vector<16xi32> to vector<16xi32>
      %swap3A_471 = vector.shape_cast %get3A_467 : vector<16xi32> to vector<16xi32>
      tpu.vector_store %arg12[%swap3A_468], %swap3A_471 {strides = array<i32>} : memref<128xi32, #tpu.memory_space<vmem>>, vector<16xi32>,
      %add3A_472 = arith.constant 32 : i32
      %add3A_473 = arith.addi %mul3A_453, %add3A_472 : i32
      %get3A_474 = arith.index_cast %add3A_473 : i32 to index
      %get3A_475 = tpu.vector_load %arg10[%get3A_474] {strides = array<i32>} : memref<10368xi32, #tpu.memory_space<vmem>>, vector<16xi32>,
      %get3A_476 = vector.shape_cast %get3A_475 : vector<16xi32> to vector<16xi32>
      %swap3A_477 = arith.constant 32 : index
      %swap3A_478 = tpu.vector_load %arg12[%swap3A_477] {strides = array<i32>} : memref<128xi32, #tpu.memory_space<vmem>>, vector<16xi32>,
      %swap3A_479 = vector.shape_cast %swap3A_478 : vector<16xi32> to vector<16xi32>
      %swap3A_480 = vector.shape_cast %get3A_476 : vector<16xi32> to vector<16xi32>
      tpu.vector_store %arg12[%swap3A_477], %swap3A_480 {strides = array<i32>} : memref<128xi32, #tpu.memory_space<vmem>>, vector<16xi32>,
      %add3A_481 = arith.constant 48 : i32
      %add3A_482 = arith.addi %mul3A_453, %add3A_481 : i32
      %get3A_483 = arith.index_cast %add3A_482 : i32 to index
      %get3A_484 = tpu.vector_load %arg10[%get3A_483] {strides = array<i32>} : memref<10368xi32, #tpu.memory_space<vmem>>, vector<16xi32>,
      %get3A_485 = vector.shape_cast %get3A_484 : vector<16xi32> to vector<16xi32>
      %swap3A_486 = arith.constant 48 : index
      %swap3A_487 = tpu.vector_load %arg12[%swap3A_486] {strides = array<i32>} : memref<128xi32, #tpu.memory_space<vmem>>, vector<16xi32>,
      %swap3A_488 = vector.shape_cast %swap3A_487 : vector<16xi32> to vector<16xi32>
      %swap3A_489 = vector.shape_cast %get3A_485 : vector<16xi32> to vector<16xi32>
      tpu.vector_store %arg12[%swap3A_486], %swap3A_489 {strides = array<i32>} : memref<128xi32, #tpu.memory_space<vmem>>, vector<16xi32>,
      %add3A_490 = arith.constant 64 : i32
      %add3A_491 = arith.addi %mul3A_453, %add3A_490 : i32
      %get3A_492 = arith.index_cast %add3A_491 : i32 to index
      %get3A_493 = tpu.vector_load %arg10[%get3A_492] {strides = array<i32>} : memref<10368xi32, #tpu.memory_space<vmem>>, vector<16xi32>,
      %get3A_494 = vector.shape_cast %get3A_493 : vector<16xi32> to vector<16xi32>
      %swap3A_495 = arith.constant 64 : index
      %swap3A_496 = tpu.vector_load %arg12[%swap3A_495] {strides = array<i32>} : memref<128xi32, #tpu.memory_space<vmem>>, vector<16xi32>,
      %swap3A_497 = vector.shape_cast %swap3A_496 : vector<16xi32> to vector<16xi32>
      %swap3A_498 = vector.shape_cast %get3A_494 : vector<16xi32> to vector<16xi32>
      tpu.vector_store %arg12[%swap3A_495], %swap3A_498 {strides = array<i32>} : memref<128xi32, #tpu.memory_space<vmem>>, vector<16xi32>,
      %add3A_499 = arith.constant 80 : i32
      %add3A_500 = arith.addi %mul3A_453, %add3A_499 : i32
      %get3A_501 = arith.index_cast %add3A_500 : i32 to index
      %get3A_502 = tpu.vector_load %arg10[%get3A_501] {strides = array<i32>} : memref<10368xi32, #tpu.memory_space<vmem>>, vector<16xi32>,
      %get3A_503 = vector.shape_cast %get3A_502 : vector<16xi32> to vector<16xi32>
      %swap3A_504 = arith.constant 80 : index
      %swap3A_505 = tpu.vector_load %arg12[%swap3A_504] {strides = array<i32>} : memref<128xi32, #tpu.memory_space<vmem>>, vector<16xi32>,
      %swap3A_506 = vector.shape_cast %swap3A_505 : vector<16xi32> to vector<16xi32>
      %swap3A_507 = vector.shape_cast %get3A_503 : vector<16xi32> to vector<16xi32>
      tpu.vector_store %arg12[%swap3A_504], %swap3A_507 {strides = array<i32>} : memref<128xi32, #tpu.memory_space<vmem>>, vector<16xi32>,
      %add3A_508 = arith.constant 96 : i32
      %add3A_509 = arith.addi %mul3A_453, %add3A_508 : i32
      %get3A_510 = arith.index_cast %add3A_509 : i32 to index
      %get3A_511 = tpu.vector_load %arg10[%get3A_510] {strides = array<i32>} : memref<10368xi32, #tpu.memory_space<vmem>>, vector<16xi32>,
      %get3A_512 = vector.shape_cast %get3A_511 : vector<16xi32> to vector<16xi32>
      %swap3A_513 = arith.constant 96 : index
      %swap3A_514 = tpu.vector_load %arg12[%swap3A_513] {strides = array<i32>} : memref<128xi32, #tpu.memory_space<vmem>>, vector<16xi32>,
      %swap3A_515 = vector.shape_cast %swap3A_514 : vector<16xi32> to vector<16xi32>
      %swap3A_516 = vector.shape_cast %get3A_512 : vector<16xi32> to vector<16xi32>
      tpu.vector_store %arg12[%swap3A_513], %swap3A_516 {strides = array<i32>} : memref<128xi32, #tpu.memory_space<vmem>>, vector<16xi32>,
      %add3A_517 = arith.constant 112 : i32
      %add3A_518 = arith.addi %mul3A_453, %add3A_517 : i32
      %get3A_519 = arith.index_cast %add3A_518 : i32 to index
      %get3A_520 = tpu.vector_load %arg10[%get3A_519] {strides = array<i32>} : memref<10368xi32, #tpu.memory_space<vmem>>, vector<16xi32>,
      %get3A_521 = vector.shape_cast %get3A_520 : vector<16xi32> to vector<16xi32>
      %swap3A_522 = arith.constant 112 : index
      %swap3A_523 = tpu.vector_load %arg12[%swap3A_522] {strides = array<i32>} : memref<128xi32, #tpu.memory_space<vmem>>, vector<16xi32>,
      %swap3A_524 = vector.shape_cast %swap3A_523 : vector<16xi32> to vector<16xi32>
      %swap3A_525 = vector.shape_cast %get3A_521 : vector<16xi32> to vector<16xi32>
      tpu.vector_store %arg12[%swap3A_522], %swap3A_525 {strides = array<i32>} : memref<128xi32, #tpu.memory_space<vmem>>, vector<16xi32>,
      %parallel_loop3A_526 = arith.constant 0 : i32
      %parallel_loop3A_527 = arith.constant 128 : i32
      %parallel_loop3A_528 = arith.constant 1 : i32
      scf.for %parallel_loop3A_654 = %parallel_loop3A_526 to %parallel_loop3A_527 step %parallel_loop3A_528  : i32 {
        %parallel_loop3A_655 = arith.index_cast %parallel_loop3A_654 : i32 to index
        %parallel_loop3A_656 = arith.constant 32 : index
        %parallel_loop3A_657 = tpu.vector_load %arg15[%parallel_loop3A_655, %parallel_loop3A_656] {strides = array<i32>} : memref<128x48xf32, #tpu.memory_space<vmem>>, vector<1x16xf32>,
        %parallel_loop3A_658 = vector.shape_cast %parallel_loop3A_657 : vector<1x16xf32> to vector<16xf32>
        %parallel_loop3A_659 = arith.index_cast %parallel_loop3A_654 : i32 to index
        %parallel_loop3A_660 = arith.constant 0 : index
        %parallel_loop3A_661 = tpu.vector_load %arg18[%parallel_loop3A_659, %parallel_loop3A_660] {strides = array<i32>} : memref<128x16xf32, #tpu.memory_space<vmem>>, vector<1x16xf32>,
        %parallel_loop3A_662 = vector.shape_cast %parallel_loop3A_661 : vector<1x16xf32> to vector<16xf32>
        %parallel_loop3A_663 = arith.addf %parallel_loop3A_658, %parallel_loop3A_662 : vector<16xf32>
        %parallel_loop3A_664 = arith.constant 2.000000e-01 : f32
        %parallel_loop3A_665 = vector.broadcast %parallel_loop3A_664 : f32 to vector<16xf32>
        %parallel_loop3A_666 = arith.mulf %parallel_loop3A_665, %parallel_loop3A_663 : vector<16xf32>
        %parallel_loop3A_667 = arith.maximumf %parallel_loop3A_663, %parallel_loop3A_666 : vector<16xf32>
        %parallel_loop3A_668 = arith.subf %parallel_loop3A_667, %get3A_12 : vector<16xf32>
        %parallel_loop3A_669 = math.exp %parallel_loop3A_668 : vector<16xf32>
        %parallel_loop3A_670 = vector.shape_cast %broadcast_in_dim3A_13 : vector<16xi32> to vector<16x1xi32>
        %parallel_loop3A_671 = vector.shape_cast %parallel_loop3A_670 : vector<16x1xi32> to vector<16xi32>
        %parallel_loop3A_672 = tpu.dynamic_gather %parallel_loop3A_669[%parallel_loop3A_671] in [0] : vector<16xf32>, vector<16xi32> -> vector<16xf32>
        %parallel_loop3A_673 = arith.index_cast %parallel_loop3A_654 : i32 to index
        %parallel_loop3A_674 = arith.constant 0 : index
        %parallel_loop3A_675 = tpu.vector_load %arg15[%parallel_loop3A_673, %parallel_loop3A_674] {strides = array<i32>} : memref<128x48xf32, #tpu.memory_space<vmem>>, vector<1x16xf32>,
        %parallel_loop3A_676 = vector.shape_cast %parallel_loop3A_675 : vector<1x16xf32> to vector<16xf32>
        %parallel_loop3A_677 = arith.mulf %parallel_loop3A_676, %parallel_loop3A_672 : vector<16xf32>
        %parallel_loop3A_678 = arith.index_cast %parallel_loop3A_654 : i32 to index
        %parallel_loop3A_679 = arith.constant 0 : index
        %parallel_loop3A_680 = tpu.vector_load %arg15[%parallel_loop3A_678, %parallel_loop3A_679] {strides = array<i32>} : memref<128x48xf32, #tpu.memory_space<vmem>>, vector<1x16xf32>,
        %parallel_loop3A_681 = vector.shape_cast %parallel_loop3A_680 : vector<1x16xf32> to vector<16xf32>
        %parallel_loop3A_682 = vector.shape_cast %parallel_loop3A_677 : vector<16xf32> to vector<1x16xf32>
        tpu.vector_store %arg15[%parallel_loop3A_678, %parallel_loop3A_679], %parallel_loop3A_682 {strides = array<i32>} : memref<128x48xf32, #tpu.memory_space<vmem>>, vector<1x16xf32>,
        %parallel_loop3A_683 = arith.index_cast %parallel_loop3A_654 : i32 to index
        %parallel_loop3A_684 = arith.constant 16 : index
        %parallel_loop3A_685 = tpu.vector_load %arg15[%parallel_loop3A_683, %parallel_loop3A_684] {strides = array<i32>} : memref<128x48xf32, #tpu.memory_space<vmem>>, vector<1x16xf32>,
        %parallel_loop3A_686 = vector.shape_cast %parallel_loop3A_685 : vector<1x16xf32> to vector<16xf32>
        %parallel_loop3A_687 = arith.mulf %parallel_loop3A_686, %parallel_loop3A_672 : vector<16xf32>
        %parallel_loop3A_688 = arith.index_cast %parallel_loop3A_654 : i32 to index
        %parallel_loop3A_689 = arith.constant 16 : index
        %parallel_loop3A_690 = tpu.vector_load %arg15[%parallel_loop3A_688, %parallel_loop3A_689] {strides = array<i32>} : memref<128x48xf32, #tpu.memory_space<vmem>>, vector<1x16xf32>,
        %parallel_loop3A_691 = vector.shape_cast %parallel_loop3A_690 : vector<1x16xf32> to vector<16xf32>
        %parallel_loop3A_692 = vector.shape_cast %parallel_loop3A_687 : vector<16xf32> to vector<1x16xf32>
        tpu.vector_store %arg15[%parallel_loop3A_688, %parallel_loop3A_689], %parallel_loop3A_692 {strides = array<i32>} : memref<128x48xf32, #tpu.memory_space<vmem>>, vector<1x16xf32>,
        %parallel_loop3A_693 = arith.index_cast %parallel_loop3A_654 : i32 to index
        %parallel_loop3A_694 = arith.constant 32 : index
        %parallel_loop3A_695 = tpu.vector_load %arg15[%parallel_loop3A_693, %parallel_loop3A_694] {strides = array<i32>} : memref<128x48xf32, #tpu.memory_space<vmem>>, vector<1x16xf32>,
        %parallel_loop3A_696 = vector.shape_cast %parallel_loop3A_695 : vector<1x16xf32> to vector<16xf32>
        %parallel_loop3A_697 = arith.mulf %parallel_loop3A_696, %parallel_loop3A_672 : vector<16xf32>
        %parallel_loop3A_698 = arith.index_cast %parallel_loop3A_654 : i32 to index
        %parallel_loop3A_699 = arith.constant 32 : index
        %parallel_loop3A_700 = tpu.vector_load %arg15[%parallel_loop3A_698, %parallel_loop3A_699] {strides = array<i32>} : memref<128x48xf32, #tpu.memory_space<vmem>>, vector<1x16xf32>,
        %parallel_loop3A_701 = vector.shape_cast %parallel_loop3A_700 : vector<1x16xf32> to vector<16xf32>
        %parallel_loop3A_702 = vector.shape_cast %parallel_loop3A_697 : vector<16xf32> to vector<1x16xf32>
        tpu.vector_store %arg15[%parallel_loop3A_698, %parallel_loop3A_699], %parallel_loop3A_702 {strides = array<i32>} : memref<128x48xf32, #tpu.memory_space<vmem>>, vector<1x16xf32>,
      } {sc.loop_unroll_factor = 4 : i64, sc.parallel_access}
      %dma_start3A_529 = arith.constant 0 : i32
      %dma_start3A_530 = arith.constant 0 : i32
      %dma_start3A_531 = tpu.memref_slice %arg21[%dma_start3A_529, %dma_start3A_530] : memref<10112x48xf32, #tpu.memory_space<vmem_shared>> -> memref<10112x48xf32, #tpu.memory_space<vmem_shared>>
      tpu.enqueue_indirect_dma source(%arg15 : memref<128x48xf32, #tpu.memory_space<vmem>>) target(%dma_start3A_531 : memref<10112x48xf32, #tpu.memory_space<vmem_shared>>) offsets(%arg12 : memref<128xi32, #tpu.memory_space<vmem>>) semaphore(%arg26 : memref<!tpu.dma_semaphore, #tpu.memory_space<semaphore_mem>>) {add = true}
      %dma_wait3A_532 = arith.constant 0 : i32
      %dma_wait3A_533 = arith.constant 0 : i32
      %dma_wait3A_534 = tpu.memref_slice %arg21[%dma_wait3A_532, %dma_wait3A_533] : memref<10112x48xf32, #tpu.memory_space<vmem_shared>> -> memref<10112x48xf32, #tpu.memory_space<vmem_shared>>
      tpu.wait_indirect_dma semaphore(%arg25 : memref<!tpu.dma_semaphore, #tpu.memory_space<semaphore_mem>>) src(%arg14 : memref<128x48xf32, #tpu.memory_space<vmem>>) dst(%dma_wait3A_534 : memref<10112x48xf32, #tpu.memory_space<vmem_shared>>)
      %add3A_535 = arith.constant 3 : i32
      %add3A_536 = arith.addi %mul3A_334, %add3A_535 : i32
      %mul3A_537 = arith.constant 128 : i32
      %mul3A_538 = arith.muli %add3A_536, %mul3A_537 : i32
      %dma_start3A_539 = tpu.memref_slice %arg9[%mul3A_538] : memref<10368xi32, #tpu.memory_space<vmem>> -> memref<128xi32, #tpu.memory_space<vmem>>
      %dma_start3A_540 = arith.constant 0 : i32
      %dma_start3A_541 = arith.constant 0 : i32
      %dma_start3A_542 = tpu.memref_slice %arg2[%dma_start3A_540, %dma_start3A_541] : memref<10000x48xf32, #tpu.memory_space<hbm>> -> memref<10000x48xf32, #tpu.memory_space<hbm>>
      tpu.enqueue_indirect_dma source(%dma_start3A_542 : memref<10000x48xf32, #tpu.memory_space<hbm>>) target(%arg14 : memref<128x48xf32, #tpu.memory_space<vmem>>) offsets(%dma_start3A_539 : memref<128xi32, #tpu.memory_space<vmem>>) semaphore(%arg22 : memref<!tpu.dma_semaphore, #tpu.memory_space<semaphore_mem>>)
      %dma_start3A_543 = tpu.memref_slice %arg10[%mul3A_538] : memref<10368xi32, #tpu.memory_space<vmem>> -> memref<128xi32, #tpu.memory_space<vmem>>
      %dma_start3A_544 = arith.constant 0 : i32
      %dma_start3A_545 = arith.constant 0 : i32
      %dma_start3A_546 = tpu.memref_slice %arg3[%dma_start3A_544, %dma_start3A_545] : memref<10112x16xf32, #tpu.memory_space<hbm>> -> memref<10112x16xf32, #tpu.memory_space<hbm>>
      tpu.enqueue_indirect_dma source(%dma_start3A_546 : memref<10112x16xf32, #tpu.memory_space<hbm>>) target(%arg17 : memref<128x16xf32, #tpu.memory_space<vmem>>) offsets(%dma_start3A_543 : memref<128xi32, #tpu.memory_space<vmem>>) semaphore(%arg22 : memref<!tpu.dma_semaphore, #tpu.memory_space<semaphore_mem>>)
      %dma_wait3A_547 = arith.constant 0 : i32
      %dma_wait3A_548 = tpu.memref_slice %arg9[%dma_wait3A_547] : memref<10368xi32, #tpu.memory_space<vmem>> -> memref<128xi32, #tpu.memory_space<vmem>>
      %dma_wait3A_549 = arith.constant 0 : i32
      %dma_wait3A_550 = arith.constant 0 : i32
      %dma_wait3A_551 = tpu.memref_slice %arg2[%dma_wait3A_549, %dma_wait3A_550] : memref<10000x48xf32, #tpu.memory_space<hbm>> -> memref<10000x48xf32, #tpu.memory_space<hbm>>
      tpu.wait_indirect_dma semaphore(%arg24 : memref<!tpu.dma_semaphore, #tpu.memory_space<semaphore_mem>>) src(%dma_wait3A_551 : memref<10000x48xf32, #tpu.memory_space<hbm>>) dst(%arg16 : memref<128x48xf32, #tpu.memory_space<vmem>>)
      %dma_wait3A_552 = arith.constant 0 : i32
      %dma_wait3A_553 = tpu.memref_slice %arg10[%dma_wait3A_552] : memref<10368xi32, #tpu.memory_space<vmem>> -> memref<128xi32, #tpu.memory_space<vmem>>
      %dma_wait3A_554 = arith.constant 0 : i32
      %dma_wait3A_555 = arith.constant 0 : i32
      %dma_wait3A_556 = tpu.memref_slice %arg3[%dma_wait3A_554, %dma_wait3A_555] : memref<10112x16xf32, #tpu.memory_space<hbm>> -> memref<10112x16xf32, #tpu.memory_space<hbm>>
      tpu.wait_indirect_dma semaphore(%arg24 : memref<!tpu.dma_semaphore, #tpu.memory_space<semaphore_mem>>) src(%dma_wait3A_556 : memref<10112x16xf32, #tpu.memory_space<hbm>>) dst(%arg19 : memref<128x16xf32, #tpu.memory_space<vmem>>)
      %add3A_557 = arith.constant 2 : i32
      %add3A_558 = arith.addi %mul3A_334, %add3A_557 : i32
      %mul3A_559 = arith.constant 128 : i32
      %mul3A_560 = arith.muli %add3A_558, %mul3A_559 : i32
      %add3A_561 = arith.constant 0 : i32
      %add3A_562 = arith.addi %mul3A_560, %add3A_561 : i32
      %get3A_563 = arith.index_cast %add3A_562 : i32 to index
      %get3A_564 = tpu.vector_load %arg10[%get3A_563] {strides = array<i32>} : memref<10368xi32, #tpu.memory_space<vmem>>, vector<16xi32>,
      %get3A_565 = vector.shape_cast %get3A_564 : vector<16xi32> to vector<16xi32>
      %swap3A_566 = arith.constant 0 : index
      %swap3A_567 = tpu.vector_load %arg13[%swap3A_566] {strides = array<i32>} : memref<128xi32, #tpu.memory_space<vmem>>, vector<16xi32>,
      %swap3A_568 = vector.shape_cast %swap3A_567 : vector<16xi32> to vector<16xi32>
      %swap3A_569 = vector.shape_cast %get3A_565 : vector<16xi32> to vector<16xi32>
      tpu.vector_store %arg13[%swap3A_566], %swap3A_569 {strides = array<i32>} : memref<128xi32, #tpu.memory_space<vmem>>, vector<16xi32>,
      %add3A_570 = arith.constant 16 : i32
      %add3A_571 = arith.addi %mul3A_560, %add3A_570 : i32
      %get3A_572 = arith.index_cast %add3A_571 : i32 to index
      %get3A_573 = tpu.vector_load %arg10[%get3A_572] {strides = array<i32>} : memref<10368xi32, #tpu.memory_space<vmem>>, vector<16xi32>,
      %get3A_574 = vector.shape_cast %get3A_573 : vector<16xi32> to vector<16xi32>
      %swap3A_575 = arith.constant 16 : index
      %swap3A_576 = tpu.vector_load %arg13[%swap3A_575] {strides = array<i32>} : memref<128xi32, #tpu.memory_space<vmem>>, vector<16xi32>,
      %swap3A_577 = vector.shape_cast %swap3A_576 : vector<16xi32> to vector<16xi32>
      %swap3A_578 = vector.shape_cast %get3A_574 : vector<16xi32> to vector<16xi32>
      tpu.vector_store %arg13[%swap3A_575], %swap3A_578 {strides = array<i32>} : memref<128xi32, #tpu.memory_space<vmem>>, vector<16xi32>,
      %add3A_579 = arith.constant 32 : i32
      %add3A_580 = arith.addi %mul3A_560, %add3A_579 : i32
      %get3A_581 = arith.index_cast %add3A_580 : i32 to index
      %get3A_582 = tpu.vector_load %arg10[%get3A_581] {strides = array<i32>} : memref<10368xi32, #tpu.memory_space<vmem>>, vector<16xi32>,
      %get3A_583 = vector.shape_cast %get3A_582 : vector<16xi32> to vector<16xi32>
      %swap3A_584 = arith.constant 32 : index
      %swap3A_585 = tpu.vector_load %arg13[%swap3A_584] {strides = array<i32>} : memref<128xi32, #tpu.memory_space<vmem>>, vector<16xi32>,
      %swap3A_586 = vector.shape_cast %swap3A_585 : vector<16xi32> to vector<16xi32>
      %swap3A_587 = vector.shape_cast %get3A_583 : vector<16xi32> to vector<16xi32>
      tpu.vector_store %arg13[%swap3A_584], %swap3A_587 {strides = array<i32>} : memref<128xi32, #tpu.memory_space<vmem>>, vector<16xi32>,
      %add3A_588 = arith.constant 48 : i32
      %add3A_589 = arith.addi %mul3A_560, %add3A_588 : i32
      %get3A_590 = arith.index_cast %add3A_589 : i32 to index
      %get3A_591 = tpu.vector_load %arg10[%get3A_590] {strides = array<i32>} : memref<10368xi32, #tpu.memory_space<vmem>>, vector<16xi32>,
      %get3A_592 = vector.shape_cast %get3A_591 : vector<16xi32> to vector<16xi32>
      %swap3A_593 = arith.constant 48 : index
      %swap3A_594 = tpu.vector_load %arg13[%swap3A_593] {strides = array<i32>} : memref<128xi32, #tpu.memory_space<vmem>>, vector<16xi32>,
      %swap3A_595 = vector.shape_cast %swap3A_594 : vector<16xi32> to vector<16xi32>
      %swap3A_596 = vector.shape_cast %get3A_592 : vector<16xi32> to vector<16xi32>
      tpu.vector_store %arg13[%swap3A_593], %swap3A_596 {strides = array<i32>} : memref<128xi32, #tpu.memory_space<vmem>>, vector<16xi32>,
      %add3A_597 = arith.constant 64 : i32
      %add3A_598 = arith.addi %mul3A_560, %add3A_597 : i32
      %get3A_599 = arith.index_cast %add3A_598 : i32 to index
      %get3A_600 = tpu.vector_load %arg10[%get3A_599] {strides = array<i32>} : memref<10368xi32, #tpu.memory_space<vmem>>, vector<16xi32>,
      %get3A_601 = vector.shape_cast %get3A_600 : vector<16xi32> to vector<16xi32>
      %swap3A_602 = arith.constant 64 : index
      %swap3A_603 = tpu.vector_load %arg13[%swap3A_602] {strides = array<i32>} : memref<128xi32, #tpu.memory_space<vmem>>, vector<16xi32>,
      %swap3A_604 = vector.shape_cast %swap3A_603 : vector<16xi32> to vector<16xi32>
      %swap3A_605 = vector.shape_cast %get3A_601 : vector<16xi32> to vector<16xi32>
      tpu.vector_store %arg13[%swap3A_602], %swap3A_605 {strides = array<i32>} : memref<128xi32, #tpu.memory_space<vmem>>, vector<16xi32>,
      %add3A_606 = arith.constant 80 : i32
      %add3A_607 = arith.addi %mul3A_560, %add3A_606 : i32
      %get3A_608 = arith.index_cast %add3A_607 : i32 to index
      %get3A_609 = tpu.vector_load %arg10[%get3A_608] {strides = array<i32>} : memref<10368xi32, #tpu.memory_space<vmem>>, vector<16xi32>,
      %get3A_610 = vector.shape_cast %get3A_609 : vector<16xi32> to vector<16xi32>
      %swap3A_611 = arith.constant 80 : index
      %swap3A_612 = tpu.vector_load %arg13[%swap3A_611] {strides = array<i32>} : memref<128xi32, #tpu.memory_space<vmem>>, vector<16xi32>,
      %swap3A_613 = vector.shape_cast %swap3A_612 : vector<16xi32> to vector<16xi32>
      %swap3A_614 = vector.shape_cast %get3A_610 : vector<16xi32> to vector<16xi32>
      tpu.vector_store %arg13[%swap3A_611], %swap3A_614 {strides = array<i32>} : memref<128xi32, #tpu.memory_space<vmem>>, vector<16xi32>,
      %add3A_615 = arith.constant 96 : i32
      %add3A_616 = arith.addi %mul3A_560, %add3A_615 : i32
      %get3A_617 = arith.index_cast %add3A_616 : i32 to index
      %get3A_618 = tpu.vector_load %arg10[%get3A_617] {strides = array<i32>} : memref<10368xi32, #tpu.memory_space<vmem>>, vector<16xi32>,
      %get3A_619 = vector.shape_cast %get3A_618 : vector<16xi32> to vector<16xi32>
      %swap3A_620 = arith.constant 96 : index
      %swap3A_621 = tpu.vector_load %arg13[%swap3A_620] {strides = array<i32>} : memref<128xi32, #tpu.memory_space<vmem>>, vector<16xi32>,
      %swap3A_622 = vector.shape_cast %swap3A_621 : vector<16xi32> to vector<16xi32>
      %swap3A_623 = vector.shape_cast %get3A_619 : vector<16xi32> to vector<16xi32>
      tpu.vector_store %arg13[%swap3A_620], %swap3A_623 {strides = array<i32>} : memref<128xi32, #tpu.memory_space<vmem>>, vector<16xi32>,
      %add3A_624 = arith.constant 112 : i32
      %add3A_625 = arith.addi %mul3A_560, %add3A_624 : i32
      %get3A_626 = arith.index_cast %add3A_625 : i32 to index
      %get3A_627 = tpu.vector_load %arg10[%get3A_626] {strides = array<i32>} : memref<10368xi32, #tpu.memory_space<vmem>>, vector<16xi32>,
      %get3A_628 = vector.shape_cast %get3A_627 : vector<16xi32> to vector<16xi32>
      %swap3A_629 = arith.constant 112 : index
      %swap3A_630 = tpu.vector_load %arg13[%swap3A_629] {strides = array<i32>} : memref<128xi32, #tpu.memory_space<vmem>>, vector<16xi32>,
      %swap3A_631 = vector.shape_cast %swap3A_630 : vector<16xi32> to vector<16xi32>
      %swap3A_632 = vector.shape_cast %get3A_628 : vector<16xi32> to vector<16xi32>
      tpu.vector_store %arg13[%swap3A_629], %swap3A_632 {strides = array<i32>} : memref<128xi32, #tpu.memory_space<vmem>>, vector<16xi32>,
      %parallel_loop3A_633 = arith.constant 0 : i32
      %parallel_loop3A_634 = arith.constant 128 : i32
      %parallel_loop3A_635 = arith.constant 1 : i32
      scf.for %parallel_loop3A_654 = %parallel_loop3A_633 to %parallel_loop3A_634 step %parallel_loop3A_635  : i32 {
        %parallel_loop3A_655 = arith.index_cast %parallel_loop3A_654 : i32 to index
        %parallel_loop3A_656 = arith.constant 32 : index
        %parallel_loop3A_657 = tpu.vector_load %arg16[%parallel_loop3A_655, %parallel_loop3A_656] {strides = array<i32>} : memref<128x48xf32, #tpu.memory_space<vmem>>, vector<1x16xf32>,
        %parallel_loop3A_658 = vector.shape_cast %parallel_loop3A_657 : vector<1x16xf32> to vector<16xf32>
        %parallel_loop3A_659 = arith.index_cast %parallel_loop3A_654 : i32 to index
        %parallel_loop3A_660 = arith.constant 0 : index
        %parallel_loop3A_661 = tpu.vector_load %arg19[%parallel_loop3A_659, %parallel_loop3A_660] {strides = array<i32>} : memref<128x16xf32, #tpu.memory_space<vmem>>, vector<1x16xf32>,
        %parallel_loop3A_662 = vector.shape_cast %parallel_loop3A_661 : vector<1x16xf32> to vector<16xf32>
        %parallel_loop3A_663 = arith.addf %parallel_loop3A_658, %parallel_loop3A_662 : vector<16xf32>
        %parallel_loop3A_664 = arith.constant 2.000000e-01 : f32
        %parallel_loop3A_665 = vector.broadcast %parallel_loop3A_664 : f32 to vector<16xf32>
        %parallel_loop3A_666 = arith.mulf %parallel_loop3A_665, %parallel_loop3A_663 : vector<16xf32>
        %parallel_loop3A_667 = arith.maximumf %parallel_loop3A_663, %parallel_loop3A_666 : vector<16xf32>
        %parallel_loop3A_668 = arith.subf %parallel_loop3A_667, %get3A_12 : vector<16xf32>
        %parallel_loop3A_669 = math.exp %parallel_loop3A_668 : vector<16xf32>
        %parallel_loop3A_670 = vector.shape_cast %broadcast_in_dim3A_13 : vector<16xi32> to vector<16x1xi32>
        %parallel_loop3A_671 = vector.shape_cast %parallel_loop3A_670 : vector<16x1xi32> to vector<16xi32>
        %parallel_loop3A_672 = tpu.dynamic_gather %parallel_loop3A_669[%parallel_loop3A_671] in [0] : vector<16xf32>, vector<16xi32> -> vector<16xf32>
        %parallel_loop3A_673 = arith.index_cast %parallel_loop3A_654 : i32 to index
        %parallel_loop3A_674 = arith.constant 0 : index
        %parallel_loop3A_675 = tpu.vector_load %arg16[%parallel_loop3A_673, %parallel_loop3A_674] {strides = array<i32>} : memref<128x48xf32, #tpu.memory_space<vmem>>, vector<1x16xf32>,
        %parallel_loop3A_676 = vector.shape_cast %parallel_loop3A_675 : vector<1x16xf32> to vector<16xf32>
        %parallel_loop3A_677 = arith.mulf %parallel_loop3A_676, %parallel_loop3A_672 : vector<16xf32>
        %parallel_loop3A_678 = arith.index_cast %parallel_loop3A_654 : i32 to index
        %parallel_loop3A_679 = arith.constant 0 : index
        %parallel_loop3A_680 = tpu.vector_load %arg16[%parallel_loop3A_678, %parallel_loop3A_679] {strides = array<i32>} : memref<128x48xf32, #tpu.memory_space<vmem>>, vector<1x16xf32>,
        %parallel_loop3A_681 = vector.shape_cast %parallel_loop3A_680 : vector<1x16xf32> to vector<16xf32>
        %parallel_loop3A_682 = vector.shape_cast %parallel_loop3A_677 : vector<16xf32> to vector<1x16xf32>
        tpu.vector_store %arg16[%parallel_loop3A_678, %parallel_loop3A_679], %parallel_loop3A_682 {strides = array<i32>} : memref<128x48xf32, #tpu.memory_space<vmem>>, vector<1x16xf32>,
        %parallel_loop3A_683 = arith.index_cast %parallel_loop3A_654 : i32 to index
        %parallel_loop3A_684 = arith.constant 16 : index
        %parallel_loop3A_685 = tpu.vector_load %arg16[%parallel_loop3A_683, %parallel_loop3A_684] {strides = array<i32>} : memref<128x48xf32, #tpu.memory_space<vmem>>, vector<1x16xf32>,
        %parallel_loop3A_686 = vector.shape_cast %parallel_loop3A_685 : vector<1x16xf32> to vector<16xf32>
        %parallel_loop3A_687 = arith.mulf %parallel_loop3A_686, %parallel_loop3A_672 : vector<16xf32>
        %parallel_loop3A_688 = arith.index_cast %parallel_loop3A_654 : i32 to index
        %parallel_loop3A_689 = arith.constant 16 : index
        %parallel_loop3A_690 = tpu.vector_load %arg16[%parallel_loop3A_688, %parallel_loop3A_689] {strides = array<i32>} : memref<128x48xf32, #tpu.memory_space<vmem>>, vector<1x16xf32>,
        %parallel_loop3A_691 = vector.shape_cast %parallel_loop3A_690 : vector<1x16xf32> to vector<16xf32>
        %parallel_loop3A_692 = vector.shape_cast %parallel_loop3A_687 : vector<16xf32> to vector<1x16xf32>
        tpu.vector_store %arg16[%parallel_loop3A_688, %parallel_loop3A_689], %parallel_loop3A_692 {strides = array<i32>} : memref<128x48xf32, #tpu.memory_space<vmem>>, vector<1x16xf32>,
        %parallel_loop3A_693 = arith.index_cast %parallel_loop3A_654 : i32 to index
        %parallel_loop3A_694 = arith.constant 32 : index
        %parallel_loop3A_695 = tpu.vector_load %arg16[%parallel_loop3A_693, %parallel_loop3A_694] {strides = array<i32>} : memref<128x48xf32, #tpu.memory_space<vmem>>, vector<1x16xf32>,
        %parallel_loop3A_696 = vector.shape_cast %parallel_loop3A_695 : vector<1x16xf32> to vector<16xf32>
        %parallel_loop3A_697 = arith.mulf %parallel_loop3A_696, %parallel_loop3A_672 : vector<16xf32>
        %parallel_loop3A_698 = arith.index_cast %parallel_loop3A_654 : i32 to index
        %parallel_loop3A_699 = arith.constant 32 : index
        %parallel_loop3A_700 = tpu.vector_load %arg16[%parallel_loop3A_698, %parallel_loop3A_699] {strides = array<i32>} : memref<128x48xf32, #tpu.memory_space<vmem>>, vector<1x16xf32>,
        %parallel_loop3A_701 = vector.shape_cast %parallel_loop3A_700 : vector<1x16xf32> to vector<16xf32>
        %parallel_loop3A_702 = vector.shape_cast %parallel_loop3A_697 : vector<16xf32> to vector<1x16xf32>
        tpu.vector_store %arg16[%parallel_loop3A_698, %parallel_loop3A_699], %parallel_loop3A_702 {strides = array<i32>} : memref<128x48xf32, #tpu.memory_space<vmem>>, vector<1x16xf32>,
      } {sc.loop_unroll_factor = 4 : i64, sc.parallel_access}
      %dma_start3A_636 = arith.constant 0 : i32
      %dma_start3A_637 = arith.constant 0 : i32
      %dma_start3A_638 = tpu.memref_slice %arg21[%dma_start3A_636, %dma_start3A_637] : memref<10112x48xf32, #tpu.memory_space<vmem_shared>> -> memref<10112x48xf32, #tpu.memory_space<vmem_shared>>
      tpu.enqueue_indirect_dma source(%arg16 : memref<128x48xf32, #tpu.memory_space<vmem>>) target(%dma_start3A_638 : memref<10112x48xf32, #tpu.memory_space<vmem_shared>>) offsets(%arg13 : memref<128xi32, #tpu.memory_space<vmem>>) semaphore(%arg27 : memref<!tpu.dma_semaphore, #tpu.memory_space<semaphore_mem>>) {add = true}
      %dma_wait3A_639 = arith.constant 0 : i32
      %dma_wait3A_640 = arith.constant 0 : i32
      %dma_wait3A_641 = tpu.memref_slice %arg21[%dma_wait3A_639, %dma_wait3A_640] : memref<10112x48xf32, #tpu.memory_space<vmem_shared>> -> memref<10112x48xf32, #tpu.memory_space<vmem_shared>>
      tpu.wait_indirect_dma semaphore(%arg26 : memref<!tpu.dma_semaphore, #tpu.memory_space<semaphore_mem>>) src(%arg15 : memref<128x48xf32, #tpu.memory_space<vmem>>) dst(%dma_wait3A_641 : memref<10112x48xf32, #tpu.memory_space<vmem_shared>>)
      %add3A_642 = arith.constant 4 : i32
      %add3A_643 = arith.addi %mul3A_334, %add3A_642 : i32
      %mul3A_644 = arith.constant 128 : i32
      %mul3A_645 = arith.muli %add3A_643, %mul3A_644 : i32
      %dma_start3A_646 = tpu.memref_slice %arg9[%mul3A_645] : memref<10368xi32, #tpu.memory_space<vmem>> -> memref<128xi32, #tpu.memory_space<vmem>>
      %dma_start3A_647 = arith.constant 0 : i32
      %dma_start3A_648 = arith.constant 0 : i32
      %dma_start3A_649 = tpu.memref_slice %arg2[%dma_start3A_647, %dma_start3A_648] : memref<10000x48xf32, #tpu.memory_space<hbm>> -> memref<10000x48xf32, #tpu.memory_space<hbm>>
      tpu.enqueue_indirect_dma source(%dma_start3A_649 : memref<10000x48xf32, #tpu.memory_space<hbm>>) target(%arg15 : memref<128x48xf32, #tpu.memory_space<vmem>>) offsets(%dma_start3A_646 : memref<128xi32, #tpu.memory_space<vmem>>) semaphore(%arg23 : memref<!tpu.dma_semaphore, #tpu.memory_space<semaphore_mem>>)
      %dma_start3A_650 = tpu.memref_slice %arg10[%mul3A_645] : memref<10368xi32, #tpu.memory_space<vmem>> -> memref<128xi32, #tpu.memory_space<vmem>>
      %dma_start3A_651 = arith.constant 0 : i32
      %dma_start3A_652 = arith.constant 0 : i32
      %dma_start3A_653 = tpu.memref_slice %arg3[%dma_start3A_651, %dma_start3A_652] : memref<10112x16xf32, #tpu.memory_space<hbm>> -> memref<10112x16xf32, #tpu.memory_space<hbm>>
      tpu.enqueue_indirect_dma source(%dma_start3A_653 : memref<10112x16xf32, #tpu.memory_space<hbm>>) target(%arg18 : memref<128x16xf32, #tpu.memory_space<vmem>>) offsets(%dma_start3A_650 : memref<128xi32, #tpu.memory_space<vmem>>) semaphore(%arg23 : memref<!tpu.dma_semaphore, #tpu.memory_space<semaphore_mem>>)
    }
    %scan3A_86 = arith.constant 26 : i32
    %dma_wait3A = arith.constant 0 : i32
    %dma_wait3A_87 = tpu.memref_slice %arg9[%dma_wait3A] : memref<10368xi32, #tpu.memory_space<vmem>> -> memref<128xi32, #tpu.memory_space<vmem>>
    %dma_wait3A_88 = arith.constant 0 : i32
    %dma_wait3A_89 = arith.constant 0 : i32
    %dma_wait3A_90 = tpu.memref_slice %arg2[%dma_wait3A_88, %dma_wait3A_89] : memref<10000x48xf32, #tpu.memory_space<hbm>> -> memref<10000x48xf32, #tpu.memory_space<hbm>>
    tpu.wait_indirect_dma semaphore(%arg22 : memref<!tpu.dma_semaphore, #tpu.memory_space<semaphore_mem>>) src(%dma_wait3A_90 : memref<10000x48xf32, #tpu.memory_space<hbm>>) dst(%arg14 : memref<128x48xf32, #tpu.memory_space<vmem>>)
    %dma_wait3A_91 = arith.constant 0 : i32
    %dma_wait3A_92 = tpu.memref_slice %arg10[%dma_wait3A_91] : memref<10368xi32, #tpu.memory_space<vmem>> -> memref<128xi32, #tpu.memory_space<vmem>>
    %dma_wait3A_93 = arith.constant 0 : i32
    %dma_wait3A_94 = arith.constant 0 : i32
    %dma_wait3A_95 = tpu.memref_slice %arg3[%dma_wait3A_93, %dma_wait3A_94] : memref<10112x16xf32, #tpu.memory_space<hbm>> -> memref<10112x16xf32, #tpu.memory_space<hbm>>
    tpu.wait_indirect_dma semaphore(%arg22 : memref<!tpu.dma_semaphore, #tpu.memory_space<semaphore_mem>>) src(%dma_wait3A_95 : memref<10112x16xf32, #tpu.memory_space<hbm>>) dst(%arg17 : memref<128x16xf32, #tpu.memory_space<vmem>>)
    %get3A_96 = arith.constant 9984 : index
    %get3A_97 = tpu.vector_load %arg10[%get3A_96] {strides = array<i32>} : memref<10368xi32, #tpu.memory_space<vmem>>, vector<16xi32>,
    %get3A_98 = vector.shape_cast %get3A_97 : vector<16xi32> to vector<16xi32>
    %swap3A_99 = arith.constant 0 : index
    %swap3A_100 = tpu.vector_load %arg11[%swap3A_99] {strides = array<i32>} : memref<128xi32, #tpu.memory_space<vmem>>, vector<16xi32>,
    %swap3A_101 = vector.shape_cast %swap3A_100 : vector<16xi32> to vector<16xi32>
    %swap3A_102 = vector.shape_cast %get3A_98 : vector<16xi32> to vector<16xi32>
    tpu.vector_store %arg11[%swap3A_99], %swap3A_102 {strides = array<i32>} : memref<128xi32, #tpu.memory_space<vmem>>, vector<16xi32>,
    %get3A_103 = arith.constant 10000 : index
    %get3A_104 = tpu.vector_load %arg10[%get3A_103] {strides = array<i32>} : memref<10368xi32, #tpu.memory_space<vmem>>, vector<16xi32>,
    %get3A_105 = vector.shape_cast %get3A_104 : vector<16xi32> to vector<16xi32>
    %swap3A_106 = arith.constant 16 : index
    %swap3A_107 = tpu.vector_load %arg11[%swap3A_106] {strides = array<i32>} : memref<128xi32, #tpu.memory_space<vmem>>, vector<16xi32>,
    %swap3A_108 = vector.shape_cast %swap3A_107 : vector<16xi32> to vector<16xi32>
    %swap3A_109 = vector.shape_cast %get3A_105 : vector<16xi32> to vector<16xi32>
    tpu.vector_store %arg11[%swap3A_106], %swap3A_109 {strides = array<i32>} : memref<128xi32, #tpu.memory_space<vmem>>, vector<16xi32>,
    %get3A_110 = arith.constant 10016 : index
    %get3A_111 = tpu.vector_load %arg10[%get3A_110] {strides = array<i32>} : memref<10368xi32, #tpu.memory_space<vmem>>, vector<16xi32>,
    %get3A_112 = vector.shape_cast %get3A_111 : vector<16xi32> to vector<16xi32>
    %swap3A_113 = arith.constant 32 : index
    %swap3A_114 = tpu.vector_load %arg11[%swap3A_113] {strides = array<i32>} : memref<128xi32, #tpu.memory_space<vmem>>, vector<16xi32>,
    %swap3A_115 = vector.shape_cast %swap3A_114 : vector<16xi32> to vector<16xi32>
    %swap3A_116 = vector.shape_cast %get3A_112 : vector<16xi32> to vector<16xi32>
    tpu.vector_store %arg11[%swap3A_113], %swap3A_116 {strides = array<i32>} : memref<128xi32, #tpu.memory_space<vmem>>, vector<16xi32>,
    %get3A_117 = arith.constant 10032 : index
    %get3A_118 = tpu.vector_load %arg10[%get3A_117] {strides = array<i32>} : memref<10368xi32, #tpu.memory_space<vmem>>, vector<16xi32>,
    %get3A_119 = vector.shape_cast %get3A_118 : vector<16xi32> to vector<16xi32>
    %swap3A_120 = arith.constant 48 : index
    %swap3A_121 = tpu.vector_load %arg11[%swap3A_120] {strides = array<i32>} : memref<128xi32, #tpu.memory_space<vmem>>, vector<16xi32>,
    %swap3A_122 = vector.shape_cast %swap3A_121 : vector<16xi32> to vector<16xi32>
    %swap3A_123 = vector.shape_cast %get3A_119 : vector<16xi32> to vector<16xi32>
    tpu.vector_store %arg11[%swap3A_120], %swap3A_123 {strides = array<i32>} : memref<128xi32, #tpu.memory_space<vmem>>, vector<16xi32>,
    %get3A_124 = arith.constant 10048 : index
    %get3A_125 = tpu.vector_load %arg10[%get3A_124] {strides = array<i32>} : memref<10368xi32, #tpu.memory_space<vmem>>, vector<16xi32>,
    %get3A_126 = vector.shape_cast %get3A_125 : vector<16xi32> to vector<16xi32>
    %swap3A_127 = arith.constant 64 : index
    %swap3A_128 = tpu.vector_load %arg11[%swap3A_127] {strides = array<i32>} : memref<128xi32, #tpu.memory_space<vmem>>, vector<16xi32>,
    %swap3A_129 = vector.shape_cast %swap3A_128 : vector<16xi32> to vector<16xi32>
    %swap3A_130 = vector.shape_cast %get3A_126 : vector<16xi32> to vector<16xi32>
    tpu.vector_store %arg11[%swap3A_127], %swap3A_130 {strides = array<i32>} : memref<128xi32, #tpu.memory_space<vmem>>, vector<16xi32>,
    %get3A_131 = arith.constant 10064 : index
    %get3A_132 = tpu.vector_load %arg10[%get3A_131] {strides = array<i32>} : memref<10368xi32, #tpu.memory_space<vmem>>, vector<16xi32>,
    %get3A_133 = vector.shape_cast %get3A_132 : vector<16xi32> to vector<16xi32>
    %swap3A_134 = arith.constant 80 : index
    %swap3A_135 = tpu.vector_load %arg11[%swap3A_134] {strides = array<i32>} : memref<128xi32, #tpu.memory_space<vmem>>, vector<16xi32>,
    %swap3A_136 = vector.shape_cast %swap3A_135 : vector<16xi32> to vector<16xi32>
    %swap3A_137 = vector.shape_cast %get3A_133 : vector<16xi32> to vector<16xi32>
    tpu.vector_store %arg11[%swap3A_134], %swap3A_137 {strides = array<i32>} : memref<128xi32, #tpu.memory_space<vmem>>, vector<16xi32>,
    %get3A_138 = arith.constant 10080 : index
    %get3A_139 = tpu.vector_load %arg10[%get3A_138] {strides = array<i32>} : memref<10368xi32, #tpu.memory_space<vmem>>, vector<16xi32>,
    %get3A_140 = vector.shape_cast %get3A_139 : vector<16xi32> to vector<16xi32>
    %swap3A_141 = arith.constant 96 : index
    %swap3A_142 = tpu.vector_load %arg11[%swap3A_141] {strides = array<i32>} : memref<128xi32, #tpu.memory_space<vmem>>, vector<16xi32>,
    %swap3A_143 = vector.shape_cast %swap3A_142 : vector<16xi32> to vector<16xi32>
    %swap3A_144 = vector.shape_cast %get3A_140 : vector<16xi32> to vector<16xi32>
    tpu.vector_store %arg11[%swap3A_141], %swap3A_144 {strides = array<i32>} : memref<128xi32, #tpu.memory_space<vmem>>, vector<16xi32>,
    %get3A_145 = arith.constant 10096 : index
    %get3A_146 = tpu.vector_load %arg10[%get3A_145] {strides = array<i32>} : memref<10368xi32, #tpu.memory_space<vmem>>, vector<16xi32>,
    %get3A_147 = vector.shape_cast %get3A_146 : vector<16xi32> to vector<16xi32>
    %swap3A_148 = arith.constant 112 : index
    %swap3A_149 = tpu.vector_load %arg11[%swap3A_148] {strides = array<i32>} : memref<128xi32, #tpu.memory_space<vmem>>, vector<16xi32>,
    %swap3A_150 = vector.shape_cast %swap3A_149 : vector<16xi32> to vector<16xi32>
    %swap3A_151 = vector.shape_cast %get3A_147 : vector<16xi32> to vector<16xi32>
    tpu.vector_store %arg11[%swap3A_148], %swap3A_151 {strides = array<i32>} : memref<128xi32, #tpu.memory_space<vmem>>, vector<16xi32>,
    %parallel_loop3A = arith.constant 0 : i32
    %parallel_loop3A_152 = arith.constant 128 : i32
    %parallel_loop3A_153 = arith.constant 1 : i32
    scf.for %parallel_loop3A_328 = %parallel_loop3A to %parallel_loop3A_152 step %parallel_loop3A_153  : i32 {
      %parallel_loop3A_329 = arith.index_cast %parallel_loop3A_328 : i32 to index
      %parallel_loop3A_330 = arith.constant 32 : index
      %parallel_loop3A_331 = tpu.vector_load %arg14[%parallel_loop3A_329, %parallel_loop3A_330] {strides = array<i32>} : memref<128x48xf32, #tpu.memory_space<vmem>>, vector<1x16xf32>,
      %parallel_loop3A_332 = vector.shape_cast %parallel_loop3A_331 : vector<1x16xf32> to vector<16xf32>
      %parallel_loop3A_333 = arith.index_cast %parallel_loop3A_328 : i32 to index
      %parallel_loop3A_334 = arith.constant 0 : index
      %parallel_loop3A_335 = tpu.vector_load %arg17[%parallel_loop3A_333, %parallel_loop3A_334] {strides = array<i32>} : memref<128x16xf32, #tpu.memory_space<vmem>>, vector<1x16xf32>,
      %parallel_loop3A_336 = vector.shape_cast %parallel_loop3A_335 : vector<1x16xf32> to vector<16xf32>
      %parallel_loop3A_337 = arith.addf %parallel_loop3A_332, %parallel_loop3A_336 : vector<16xf32>
      %parallel_loop3A_338 = arith.constant 2.000000e-01 : f32
      %parallel_loop3A_339 = vector.broadcast %parallel_loop3A_338 : f32 to vector<16xf32>
      %parallel_loop3A_340 = arith.mulf %parallel_loop3A_339, %parallel_loop3A_337 : vector<16xf32>
      %parallel_loop3A_341 = arith.maximumf %parallel_loop3A_337, %parallel_loop3A_340 : vector<16xf32>
      %parallel_loop3A_342 = arith.subf %parallel_loop3A_341, %get3A_12 : vector<16xf32>
      %parallel_loop3A_343 = math.exp %parallel_loop3A_342 : vector<16xf32>
      %parallel_loop3A_344 = vector.shape_cast %broadcast_in_dim3A_13 : vector<16xi32> to vector<16x1xi32>
      %parallel_loop3A_345 = vector.shape_cast %parallel_loop3A_344 : vector<16x1xi32> to vector<16xi32>
      %parallel_loop3A_346 = tpu.dynamic_gather %parallel_loop3A_343[%parallel_loop3A_345] in [0] : vector<16xf32>, vector<16xi32> -> vector<16xf32>
      %parallel_loop3A_347 = arith.index_cast %parallel_loop3A_328 : i32 to index
      %parallel_loop3A_348 = arith.constant 0 : index
      %parallel_loop3A_349 = tpu.vector_load %arg14[%parallel_loop3A_347, %parallel_loop3A_348] {strides = array<i32>} : memref<128x48xf32, #tpu.memory_space<vmem>>, vector<1x16xf32>,
      %parallel_loop3A_350 = vector.shape_cast %parallel_loop3A_349 : vector<1x16xf32> to vector<16xf32>
      %parallel_loop3A_351 = arith.mulf %parallel_loop3A_350, %parallel_loop3A_346 : vector<16xf32>
      %parallel_loop3A_352 = arith.index_cast %parallel_loop3A_328 : i32 to index
      %parallel_loop3A_353 = arith.constant 0 : index
      %parallel_loop3A_354 = tpu.vector_load %arg14[%parallel_loop3A_352, %parallel_loop3A_353] {strides = array<i32>} : memref<128x48xf32, #tpu.memory_space<vmem>>, vector<1x16xf32>,
      %parallel_loop3A_355 = vector.shape_cast %parallel_loop3A_354 : vector<1x16xf32> to vector<16xf32>
      %parallel_loop3A_356 = vector.shape_cast %parallel_loop3A_351 : vector<16xf32> to vector<1x16xf32>
      tpu.vector_store %arg14[%parallel_loop3A_352, %parallel_loop3A_353], %parallel_loop3A_356 {strides = array<i32>} : memref<128x48xf32, #tpu.memory_space<vmem>>, vector<1x16xf32>,
      %parallel_loop3A_357 = arith.index_cast %parallel_loop3A_328 : i32 to index
      %parallel_loop3A_358 = arith.constant 16 : index
      %parallel_loop3A_359 = tpu.vector_load %arg14[%parallel_loop3A_357, %parallel_loop3A_358] {strides = array<i32>} : memref<128x48xf32, #tpu.memory_space<vmem>>, vector<1x16xf32>,
      %parallel_loop3A_360 = vector.shape_cast %parallel_loop3A_359 : vector<1x16xf32> to vector<16xf32>
      %parallel_loop3A_361 = arith.mulf %parallel_loop3A_360, %parallel_loop3A_346 : vector<16xf32>
      %parallel_loop3A_362 = arith.index_cast %parallel_loop3A_328 : i32 to index
      %parallel_loop3A_363 = arith.constant 16 : index
      %parallel_loop3A_364 = tpu.vector_load %arg14[%parallel_loop3A_362, %parallel_loop3A_363] {strides = array<i32>} : memref<128x48xf32, #tpu.memory_space<vmem>>, vector<1x16xf32>,
      %parallel_loop3A_365 = vector.shape_cast %parallel_loop3A_364 : vector<1x16xf32> to vector<16xf32>
      %parallel_loop3A_366 = vector.shape_cast %parallel_loop3A_361 : vector<16xf32> to vector<1x16xf32>
      tpu.vector_store %arg14[%parallel_loop3A_362, %parallel_loop3A_363], %parallel_loop3A_366 {strides = array<i32>} : memref<128x48xf32, #tpu.memory_space<vmem>>, vector<1x16xf32>,
      %parallel_loop3A_367 = arith.index_cast %parallel_loop3A_328 : i32 to index
      %parallel_loop3A_368 = arith.constant 32 : index
      %parallel_loop3A_369 = tpu.vector_load %arg14[%parallel_loop3A_367, %parallel_loop3A_368] {strides = array<i32>} : memref<128x48xf32, #tpu.memory_space<vmem>>, vector<1x16xf32>,
      %parallel_loop3A_370 = vector.shape_cast %parallel_loop3A_369 : vector<1x16xf32> to vector<16xf32>
      %parallel_loop3A_371 = arith.mulf %parallel_loop3A_370, %parallel_loop3A_346 : vector<16xf32>
      %parallel_loop3A_372 = arith.index_cast %parallel_loop3A_328 : i32 to index
      %parallel_loop3A_373 = arith.constant 32 : index
      %parallel_loop3A_374 = tpu.vector_load %arg14[%parallel_loop3A_372, %parallel_loop3A_373] {strides = array<i32>} : memref<128x48xf32, #tpu.memory_space<vmem>>, vector<1x16xf32>,
      %parallel_loop3A_375 = vector.shape_cast %parallel_loop3A_374 : vector<1x16xf32> to vector<16xf32>
      %parallel_loop3A_376 = vector.shape_cast %parallel_loop3A_371 : vector<16xf32> to vector<1x16xf32>
      tpu.vector_store %arg14[%parallel_loop3A_372, %parallel_loop3A_373], %parallel_loop3A_376 {strides = array<i32>} : memref<128x48xf32, #tpu.memory_space<vmem>>, vector<1x16xf32>,
    } {sc.loop_unroll_factor = 4 : i64, sc.parallel_access}
    %dma_start3A_154 = arith.constant 0 : i32
    %dma_start3A_155 = arith.constant 0 : i32
    %dma_start3A_156 = tpu.memref_slice %arg21[%dma_start3A_154, %dma_start3A_155] : memref<10112x48xf32, #tpu.memory_space<vmem_shared>> -> memref<10112x48xf32, #tpu.memory_space<vmem_shared>>
    tpu.enqueue_indirect_dma source(%arg14 : memref<128x48xf32, #tpu.memory_space<vmem>>) target(%dma_start3A_156 : memref<10112x48xf32, #tpu.memory_space<vmem_shared>>) offsets(%arg11 : memref<128xi32, #tpu.memory_space<vmem>>) semaphore(%arg25 : memref<!tpu.dma_semaphore, #tpu.memory_space<semaphore_mem>>) {add = true}
    %dma_wait3A_157 = arith.constant 0 : i32
    %dma_wait3A_158 = arith.constant 0 : i32
    %dma_wait3A_159 = tpu.memref_slice %arg21[%dma_wait3A_157, %dma_wait3A_158] : memref<10112x48xf32, #tpu.memory_space<vmem_shared>> -> memref<10112x48xf32, #tpu.memory_space<vmem_shared>>
    tpu.wait_indirect_dma semaphore(%arg27 : memref<!tpu.dma_semaphore, #tpu.memory_space<semaphore_mem>>) src(%arg16 : memref<128x48xf32, #tpu.memory_space<vmem>>) dst(%dma_wait3A_159 : memref<10112x48xf32, #tpu.memory_space<vmem_shared>>)
    %dma_start3A_160 = arith.constant 10240 : i32
    %dma_start3A_161 = tpu.memref_slice %arg9[%dma_start3A_160] : memref<10368xi32, #tpu.memory_space<vmem>> -> memref<128xi32, #tpu.memory_space<vmem>>
    %dma_start3A_162 = arith.constant 0 : i32
    %dma_start3A_163 = arith.constant 0 : i32
    %dma_start3A_164 = tpu.memref_slice %arg2[%dma_start3A_162, %dma_start3A_163] : memref<10000x48xf32, #tpu.memory_space<hbm>> -> memref<10000x48xf32, #tpu.memory_space<hbm>>
    tpu.enqueue_indirect_dma source(%dma_start3A_164 : memref<10000x48xf32, #tpu.memory_space<hbm>>) target(%arg16 : memref<128x48xf32, #tpu.memory_space<vmem>>) offsets(%dma_start3A_161 : memref<128xi32, #tpu.memory_space<vmem>>) semaphore(%arg24 : memref<!tpu.dma_semaphore, #tpu.memory_space<semaphore_mem>>)
    %dma_start3A_165 = arith.constant 10240 : i32
    %dma_start3A_166 = tpu.memref_slice %arg10[%dma_start3A_165] : memref<10368xi32, #tpu.memory_space<vmem>> -> memref<128xi32, #tpu.memory_space<vmem>>
    %dma_start3A_167 = arith.constant 0 : i32
    %dma_start3A_168 = arith.constant 0 : i32
    %dma_start3A_169 = tpu.memref_slice %arg3[%dma_start3A_167, %dma_start3A_168] : memref<10112x16xf32, #tpu.memory_space<hbm>> -> memref<10112x16xf32, #tpu.memory_space<hbm>>
    tpu.enqueue_indirect_dma source(%dma_start3A_169 : memref<10112x16xf32, #tpu.memory_space<hbm>>) target(%arg19 : memref<128x16xf32, #tpu.memory_space<vmem>>) offsets(%dma_start3A_166 : memref<128xi32, #tpu.memory_space<vmem>>) semaphore(%arg24 : memref<!tpu.dma_semaphore, #tpu.memory_space<semaphore_mem>>)
    %dma_wait3A_170 = arith.constant 0 : i32
    %dma_wait3A_171 = tpu.memref_slice %arg9[%dma_wait3A_170] : memref<10368xi32, #tpu.memory_space<vmem>> -> memref<128xi32, #tpu.memory_space<vmem>>
    %dma_wait3A_172 = arith.constant 0 : i32
    %dma_wait3A_173 = arith.constant 0 : i32
    %dma_wait3A_174 = tpu.memref_slice %arg2[%dma_wait3A_172, %dma_wait3A_173] : memref<10000x48xf32, #tpu.memory_space<hbm>> -> memref<10000x48xf32, #tpu.memory_space<hbm>>
    tpu.wait_indirect_dma semaphore(%arg23 : memref<!tpu.dma_semaphore, #tpu.memory_space<semaphore_mem>>) src(%dma_wait3A_174 : memref<10000x48xf32, #tpu.memory_space<hbm>>) dst(%arg15 : memref<128x48xf32, #tpu.memory_space<vmem>>)
    %dma_wait3A_175 = arith.constant 0 : i32
    %dma_wait3A_176 = tpu.memref_slice %arg10[%dma_wait3A_175] : memref<10368xi32, #tpu.memory_space<vmem>> -> memref<128xi32, #tpu.memory_space<vmem>>
    %dma_wait3A_177 = arith.constant 0 : i32
    %dma_wait3A_178 = arith.constant 0 : i32
    %dma_wait3A_179 = tpu.memref_slice %arg3[%dma_wait3A_177, %dma_wait3A_178] : memref<10112x16xf32, #tpu.memory_space<hbm>> -> memref<10112x16xf32, #tpu.memory_space<hbm>>
    tpu.wait_indirect_dma semaphore(%arg23 : memref<!tpu.dma_semaphore, #tpu.memory_space<semaphore_mem>>) src(%dma_wait3A_179 : memref<10112x16xf32, #tpu.memory_space<hbm>>) dst(%arg18 : memref<128x16xf32, #tpu.memory_space<vmem>>)
    %get3A_180 = arith.constant 10112 : index
    %get3A_181 = tpu.vector_load %arg10[%get3A_180] {strides = array<i32>} : memref<10368xi32, #tpu.memory_space<vmem>>, vector<16xi32>,
    %get3A_182 = vector.shape_cast %get3A_181 : vector<16xi32> to vector<16xi32>
    %swap3A_183 = arith.constant 0 : index
    %swap3A_184 = tpu.vector_load %arg12[%swap3A_183] {strides = array<i32>} : memref<128xi32, #tpu.memory_space<vmem>>, vector<16xi32>,
    %swap3A_185 = vector.shape_cast %swap3A_184 : vector<16xi32> to vector<16xi32>
    %swap3A_186 = vector.shape_cast %get3A_182 : vector<16xi32> to vector<16xi32>
    tpu.vector_store %arg12[%swap3A_183], %swap3A_186 {strides = array<i32>} : memref<128xi32, #tpu.memory_space<vmem>>, vector<16xi32>,
    %get3A_187 = arith.constant 10128 : index
    %get3A_188 = tpu.vector_load %arg10[%get3A_187] {strides = array<i32>} : memref<10368xi32, #tpu.memory_space<vmem>>, vector<16xi32>,
    %get3A_189 = vector.shape_cast %get3A_188 : vector<16xi32> to vector<16xi32>
    %swap3A_190 = arith.constant 16 : index
    %swap3A_191 = tpu.vector_load %arg12[%swap3A_190] {strides = array<i32>} : memref<128xi32, #tpu.memory_space<vmem>>, vector<16xi32>,
    %swap3A_192 = vector.shape_cast %swap3A_191 : vector<16xi32> to vector<16xi32>
    %swap3A_193 = vector.shape_cast %get3A_189 : vector<16xi32> to vector<16xi32>
    tpu.vector_store %arg12[%swap3A_190], %swap3A_193 {strides = array<i32>} : memref<128xi32, #tpu.memory_space<vmem>>, vector<16xi32>,
    %get3A_194 = arith.constant 10144 : index
    %get3A_195 = tpu.vector_load %arg10[%get3A_194] {strides = array<i32>} : memref<10368xi32, #tpu.memory_space<vmem>>, vector<16xi32>,
    %get3A_196 = vector.shape_cast %get3A_195 : vector<16xi32> to vector<16xi32>
    %swap3A_197 = arith.constant 32 : index
    %swap3A_198 = tpu.vector_load %arg12[%swap3A_197] {strides = array<i32>} : memref<128xi32, #tpu.memory_space<vmem>>, vector<16xi32>,
    %swap3A_199 = vector.shape_cast %swap3A_198 : vector<16xi32> to vector<16xi32>
    %swap3A_200 = vector.shape_cast %get3A_196 : vector<16xi32> to vector<16xi32>
    tpu.vector_store %arg12[%swap3A_197], %swap3A_200 {strides = array<i32>} : memref<128xi32, #tpu.memory_space<vmem>>, vector<16xi32>,
    %get3A_201 = arith.constant 10160 : index
    %get3A_202 = tpu.vector_load %arg10[%get3A_201] {strides = array<i32>} : memref<10368xi32, #tpu.memory_space<vmem>>, vector<16xi32>,
    %get3A_203 = vector.shape_cast %get3A_202 : vector<16xi32> to vector<16xi32>
    %swap3A_204 = arith.constant 48 : index
    %swap3A_205 = tpu.vector_load %arg12[%swap3A_204] {strides = array<i32>} : memref<128xi32, #tpu.memory_space<vmem>>, vector<16xi32>,
    %swap3A_206 = vector.shape_cast %swap3A_205 : vector<16xi32> to vector<16xi32>
    %swap3A_207 = vector.shape_cast %get3A_203 : vector<16xi32> to vector<16xi32>
    tpu.vector_store %arg12[%swap3A_204], %swap3A_207 {strides = array<i32>} : memref<128xi32, #tpu.memory_space<vmem>>, vector<16xi32>,
    %get3A_208 = arith.constant 10176 : index
    %get3A_209 = tpu.vector_load %arg10[%get3A_208] {strides = array<i32>} : memref<10368xi32, #tpu.memory_space<vmem>>, vector<16xi32>,
    %get3A_210 = vector.shape_cast %get3A_209 : vector<16xi32> to vector<16xi32>
    %swap3A_211 = arith.constant 64 : index
    %swap3A_212 = tpu.vector_load %arg12[%swap3A_211] {strides = array<i32>} : memref<128xi32, #tpu.memory_space<vmem>>, vector<16xi32>,
    %swap3A_213 = vector.shape_cast %swap3A_212 : vector<16xi32> to vector<16xi32>
    %swap3A_214 = vector.shape_cast %get3A_210 : vector<16xi32> to vector<16xi32>
    tpu.vector_store %arg12[%swap3A_211], %swap3A_214 {strides = array<i32>} : memref<128xi32, #tpu.memory_space<vmem>>, vector<16xi32>,
    %get3A_215 = arith.constant 10192 : index
    %get3A_216 = tpu.vector_load %arg10[%get3A_215] {strides = array<i32>} : memref<10368xi32, #tpu.memory_space<vmem>>, vector<16xi32>,
    %get3A_217 = vector.shape_cast %get3A_216 : vector<16xi32> to vector<16xi32>
    %swap3A_218 = arith.constant 80 : index
    %swap3A_219 = tpu.vector_load %arg12[%swap3A_218] {strides = array<i32>} : memref<128xi32, #tpu.memory_space<vmem>>, vector<16xi32>,
    %swap3A_220 = vector.shape_cast %swap3A_219 : vector<16xi32> to vector<16xi32>
    %swap3A_221 = vector.shape_cast %get3A_217 : vector<16xi32> to vector<16xi32>
    tpu.vector_store %arg12[%swap3A_218], %swap3A_221 {strides = array<i32>} : memref<128xi32, #tpu.memory_space<vmem>>, vector<16xi32>,
    %get3A_222 = arith.constant 10208 : index
    %get3A_223 = tpu.vector_load %arg10[%get3A_222] {strides = array<i32>} : memref<10368xi32, #tpu.memory_space<vmem>>, vector<16xi32>,
    %get3A_224 = vector.shape_cast %get3A_223 : vector<16xi32> to vector<16xi32>
    %swap3A_225 = arith.constant 96 : index
    %swap3A_226 = tpu.vector_load %arg12[%swap3A_225] {strides = array<i32>} : memref<128xi32, #tpu.memory_space<vmem>>, vector<16xi32>,
    %swap3A_227 = vector.shape_cast %swap3A_226 : vector<16xi32> to vector<16xi32>
    %swap3A_228 = vector.shape_cast %get3A_224 : vector<16xi32> to vector<16xi32>
    tpu.vector_store %arg12[%swap3A_225], %swap3A_228 {strides = array<i32>} : memref<128xi32, #tpu.memory_space<vmem>>, vector<16xi32>,
    %get3A_229 = arith.constant 10224 : index
    %get3A_230 = tpu.vector_load %arg10[%get3A_229] {strides = array<i32>} : memref<10368xi32, #tpu.memory_space<vmem>>, vector<16xi32>,
    %get3A_231 = vector.shape_cast %get3A_230 : vector<16xi32> to vector<16xi32>
    %swap3A_232 = arith.constant 112 : index
    %swap3A_233 = tpu.vector_load %arg12[%swap3A_232] {strides = array<i32>} : memref<128xi32, #tpu.memory_space<vmem>>, vector<16xi32>,
    %swap3A_234 = vector.shape_cast %swap3A_233 : vector<16xi32> to vector<16xi32>
    %swap3A_235 = vector.shape_cast %get3A_231 : vector<16xi32> to vector<16xi32>
    tpu.vector_store %arg12[%swap3A_232], %swap3A_235 {strides = array<i32>} : memref<128xi32, #tpu.memory_space<vmem>>, vector<16xi32>,
    %parallel_loop3A_236 = arith.constant 0 : i32
    %parallel_loop3A_237 = arith.constant 128 : i32
    %parallel_loop3A_238 = arith.constant 1 : i32
    scf.for %parallel_loop3A_328 = %parallel_loop3A_236 to %parallel_loop3A_237 step %parallel_loop3A_238  : i32 {
      %parallel_loop3A_329 = arith.index_cast %parallel_loop3A_328 : i32 to index
      %parallel_loop3A_330 = arith.constant 32 : index
      %parallel_loop3A_331 = tpu.vector_load %arg15[%parallel_loop3A_329, %parallel_loop3A_330] {strides = array<i32>} : memref<128x48xf32, #tpu.memory_space<vmem>>, vector<1x16xf32>,
      %parallel_loop3A_332 = vector.shape_cast %parallel_loop3A_331 : vector<1x16xf32> to vector<16xf32>
      %parallel_loop3A_333 = arith.index_cast %parallel_loop3A_328 : i32 to index
      %parallel_loop3A_334 = arith.constant 0 : index
      %parallel_loop3A_335 = tpu.vector_load %arg18[%parallel_loop3A_333, %parallel_loop3A_334] {strides = array<i32>} : memref<128x16xf32, #tpu.memory_space<vmem>>, vector<1x16xf32>,
      %parallel_loop3A_336 = vector.shape_cast %parallel_loop3A_335 : vector<1x16xf32> to vector<16xf32>
      %parallel_loop3A_337 = arith.addf %parallel_loop3A_332, %parallel_loop3A_336 : vector<16xf32>
      %parallel_loop3A_338 = arith.constant 2.000000e-01 : f32
      %parallel_loop3A_339 = vector.broadcast %parallel_loop3A_338 : f32 to vector<16xf32>
      %parallel_loop3A_340 = arith.mulf %parallel_loop3A_339, %parallel_loop3A_337 : vector<16xf32>
      %parallel_loop3A_341 = arith.maximumf %parallel_loop3A_337, %parallel_loop3A_340 : vector<16xf32>
      %parallel_loop3A_342 = arith.subf %parallel_loop3A_341, %get3A_12 : vector<16xf32>
      %parallel_loop3A_343 = math.exp %parallel_loop3A_342 : vector<16xf32>
      %parallel_loop3A_344 = vector.shape_cast %broadcast_in_dim3A_13 : vector<16xi32> to vector<16x1xi32>
      %parallel_loop3A_345 = vector.shape_cast %parallel_loop3A_344 : vector<16x1xi32> to vector<16xi32>
      %parallel_loop3A_346 = tpu.dynamic_gather %parallel_loop3A_343[%parallel_loop3A_345] in [0] : vector<16xf32>, vector<16xi32> -> vector<16xf32>
      %parallel_loop3A_347 = arith.index_cast %parallel_loop3A_328 : i32 to index
      %parallel_loop3A_348 = arith.constant 0 : index
      %parallel_loop3A_349 = tpu.vector_load %arg15[%parallel_loop3A_347, %parallel_loop3A_348] {strides = array<i32>} : memref<128x48xf32, #tpu.memory_space<vmem>>, vector<1x16xf32>,
      %parallel_loop3A_350 = vector.shape_cast %parallel_loop3A_349 : vector<1x16xf32> to vector<16xf32>
      %parallel_loop3A_351 = arith.mulf %parallel_loop3A_350, %parallel_loop3A_346 : vector<16xf32>
      %parallel_loop3A_352 = arith.index_cast %parallel_loop3A_328 : i32 to index
      %parallel_loop3A_353 = arith.constant 0 : index
      %parallel_loop3A_354 = tpu.vector_load %arg15[%parallel_loop3A_352, %parallel_loop3A_353] {strides = array<i32>} : memref<128x48xf32, #tpu.memory_space<vmem>>, vector<1x16xf32>,
      %parallel_loop3A_355 = vector.shape_cast %parallel_loop3A_354 : vector<1x16xf32> to vector<16xf32>
      %parallel_loop3A_356 = vector.shape_cast %parallel_loop3A_351 : vector<16xf32> to vector<1x16xf32>
      tpu.vector_store %arg15[%parallel_loop3A_352, %parallel_loop3A_353], %parallel_loop3A_356 {strides = array<i32>} : memref<128x48xf32, #tpu.memory_space<vmem>>, vector<1x16xf32>,
      %parallel_loop3A_357 = arith.index_cast %parallel_loop3A_328 : i32 to index
      %parallel_loop3A_358 = arith.constant 16 : index
      %parallel_loop3A_359 = tpu.vector_load %arg15[%parallel_loop3A_357, %parallel_loop3A_358] {strides = array<i32>} : memref<128x48xf32, #tpu.memory_space<vmem>>, vector<1x16xf32>,
      %parallel_loop3A_360 = vector.shape_cast %parallel_loop3A_359 : vector<1x16xf32> to vector<16xf32>
      %parallel_loop3A_361 = arith.mulf %parallel_loop3A_360, %parallel_loop3A_346 : vector<16xf32>
      %parallel_loop3A_362 = arith.index_cast %parallel_loop3A_328 : i32 to index
      %parallel_loop3A_363 = arith.constant 16 : index
      %parallel_loop3A_364 = tpu.vector_load %arg15[%parallel_loop3A_362, %parallel_loop3A_363] {strides = array<i32>} : memref<128x48xf32, #tpu.memory_space<vmem>>, vector<1x16xf32>,
      %parallel_loop3A_365 = vector.shape_cast %parallel_loop3A_364 : vector<1x16xf32> to vector<16xf32>
      %parallel_loop3A_366 = vector.shape_cast %parallel_loop3A_361 : vector<16xf32> to vector<1x16xf32>
      tpu.vector_store %arg15[%parallel_loop3A_362, %parallel_loop3A_363], %parallel_loop3A_366 {strides = array<i32>} : memref<128x48xf32, #tpu.memory_space<vmem>>, vector<1x16xf32>,
      %parallel_loop3A_367 = arith.index_cast %parallel_loop3A_328 : i32 to index
      %parallel_loop3A_368 = arith.constant 32 : index
      %parallel_loop3A_369 = tpu.vector_load %arg15[%parallel_loop3A_367, %parallel_loop3A_368] {strides = array<i32>} : memref<128x48xf32, #tpu.memory_space<vmem>>, vector<1x16xf32>,
      %parallel_loop3A_370 = vector.shape_cast %parallel_loop3A_369 : vector<1x16xf32> to vector<16xf32>
      %parallel_loop3A_371 = arith.mulf %parallel_loop3A_370, %parallel_loop3A_346 : vector<16xf32>
      %parallel_loop3A_372 = arith.index_cast %parallel_loop3A_328 : i32 to index
      %parallel_loop3A_373 = arith.constant 32 : index
      %parallel_loop3A_374 = tpu.vector_load %arg15[%parallel_loop3A_372, %parallel_loop3A_373] {strides = array<i32>} : memref<128x48xf32, #tpu.memory_space<vmem>>, vector<1x16xf32>,
      %parallel_loop3A_375 = vector.shape_cast %parallel_loop3A_374 : vector<1x16xf32> to vector<16xf32>
      %parallel_loop3A_376 = vector.shape_cast %parallel_loop3A_371 : vector<16xf32> to vector<1x16xf32>
      tpu.vector_store %arg15[%parallel_loop3A_372, %parallel_loop3A_373], %parallel_loop3A_376 {strides = array<i32>} : memref<128x48xf32, #tpu.memory_space<vmem>>, vector<1x16xf32>,
    } {sc.loop_unroll_factor = 4 : i64, sc.parallel_access}
    %dma_start3A_239 = arith.constant 0 : i32
    %dma_start3A_240 = arith.constant 0 : i32
    %dma_start3A_241 = tpu.memref_slice %arg21[%dma_start3A_239, %dma_start3A_240] : memref<10112x48xf32, #tpu.memory_space<vmem_shared>> -> memref<10112x48xf32, #tpu.memory_space<vmem_shared>>
    tpu.enqueue_indirect_dma source(%arg15 : memref<128x48xf32, #tpu.memory_space<vmem>>) target(%dma_start3A_241 : memref<10112x48xf32, #tpu.memory_space<vmem_shared>>) offsets(%arg12 : memref<128xi32, #tpu.memory_space<vmem>>) semaphore(%arg26 : memref<!tpu.dma_semaphore, #tpu.memory_space<semaphore_mem>>) {add = true}
    %dma_wait3A_242 = arith.constant 0 : i32
    %dma_wait3A_243 = tpu.memref_slice %arg9[%dma_wait3A_242] : memref<10368xi32, #tpu.memory_space<vmem>> -> memref<128xi32, #tpu.memory_space<vmem>>
    %dma_wait3A_244 = arith.constant 0 : i32
    %dma_wait3A_245 = arith.constant 0 : i32
    %dma_wait3A_246 = tpu.memref_slice %arg2[%dma_wait3A_244, %dma_wait3A_245] : memref<10000x48xf32, #tpu.memory_space<hbm>> -> memref<10000x48xf32, #tpu.memory_space<hbm>>
    tpu.wait_indirect_dma semaphore(%arg24 : memref<!tpu.dma_semaphore, #tpu.memory_space<semaphore_mem>>) src(%dma_wait3A_246 : memref<10000x48xf32, #tpu.memory_space<hbm>>) dst(%arg16 : memref<128x48xf32, #tpu.memory_space<vmem>>)
    %dma_wait3A_247 = arith.constant 0 : i32
    %dma_wait3A_248 = tpu.memref_slice %arg10[%dma_wait3A_247] : memref<10368xi32, #tpu.memory_space<vmem>> -> memref<128xi32, #tpu.memory_space<vmem>>
    %dma_wait3A_249 = arith.constant 0 : i32
    %dma_wait3A_250 = arith.constant 0 : i32
    %dma_wait3A_251 = tpu.memref_slice %arg3[%dma_wait3A_249, %dma_wait3A_250] : memref<10112x16xf32, #tpu.memory_space<hbm>> -> memref<10112x16xf32, #tpu.memory_space<hbm>>
    tpu.wait_indirect_dma semaphore(%arg24 : memref<!tpu.dma_semaphore, #tpu.memory_space<semaphore_mem>>) src(%dma_wait3A_251 : memref<10112x16xf32, #tpu.memory_space<hbm>>) dst(%arg19 : memref<128x16xf32, #tpu.memory_space<vmem>>)
    %get3A_252 = arith.constant 10240 : index
    %get3A_253 = tpu.vector_load %arg10[%get3A_252] {strides = array<i32>} : memref<10368xi32, #tpu.memory_space<vmem>>, vector<16xi32>,
    %get3A_254 = vector.shape_cast %get3A_253 : vector<16xi32> to vector<16xi32>
    %swap3A_255 = arith.constant 0 : index
    %swap3A_256 = tpu.vector_load %arg13[%swap3A_255] {strides = array<i32>} : memref<128xi32, #tpu.memory_space<vmem>>, vector<16xi32>,
    %swap3A_257 = vector.shape_cast %swap3A_256 : vector<16xi32> to vector<16xi32>
    %swap3A_258 = vector.shape_cast %get3A_254 : vector<16xi32> to vector<16xi32>
    tpu.vector_store %arg13[%swap3A_255], %swap3A_258 {strides = array<i32>} : memref<128xi32, #tpu.memory_space<vmem>>, vector<16xi32>,
    %get3A_259 = arith.constant 10256 : index
    %get3A_260 = tpu.vector_load %arg10[%get3A_259] {strides = array<i32>} : memref<10368xi32, #tpu.memory_space<vmem>>, vector<16xi32>,
    %get3A_261 = vector.shape_cast %get3A_260 : vector<16xi32> to vector<16xi32>
    %swap3A_262 = arith.constant 16 : index
    %swap3A_263 = tpu.vector_load %arg13[%swap3A_262] {strides = array<i32>} : memref<128xi32, #tpu.memory_space<vmem>>, vector<16xi32>,
    %swap3A_264 = vector.shape_cast %swap3A_263 : vector<16xi32> to vector<16xi32>
    %swap3A_265 = vector.shape_cast %get3A_261 : vector<16xi32> to vector<16xi32>
    tpu.vector_store %arg13[%swap3A_262], %swap3A_265 {strides = array<i32>} : memref<128xi32, #tpu.memory_space<vmem>>, vector<16xi32>,
    %get3A_266 = arith.constant 10272 : index
    %get3A_267 = tpu.vector_load %arg10[%get3A_266] {strides = array<i32>} : memref<10368xi32, #tpu.memory_space<vmem>>, vector<16xi32>,
    %get3A_268 = vector.shape_cast %get3A_267 : vector<16xi32> to vector<16xi32>
    %swap3A_269 = arith.constant 32 : index
    %swap3A_270 = tpu.vector_load %arg13[%swap3A_269] {strides = array<i32>} : memref<128xi32, #tpu.memory_space<vmem>>, vector<16xi32>,
    %swap3A_271 = vector.shape_cast %swap3A_270 : vector<16xi32> to vector<16xi32>
    %swap3A_272 = vector.shape_cast %get3A_268 : vector<16xi32> to vector<16xi32>
    tpu.vector_store %arg13[%swap3A_269], %swap3A_272 {strides = array<i32>} : memref<128xi32, #tpu.memory_space<vmem>>, vector<16xi32>,
    %get3A_273 = arith.constant 10288 : index
    %get3A_274 = tpu.vector_load %arg10[%get3A_273] {strides = array<i32>} : memref<10368xi32, #tpu.memory_space<vmem>>, vector<16xi32>,
    %get3A_275 = vector.shape_cast %get3A_274 : vector<16xi32> to vector<16xi32>
    %swap3A_276 = arith.constant 48 : index
    %swap3A_277 = tpu.vector_load %arg13[%swap3A_276] {strides = array<i32>} : memref<128xi32, #tpu.memory_space<vmem>>, vector<16xi32>,
    %swap3A_278 = vector.shape_cast %swap3A_277 : vector<16xi32> to vector<16xi32>
    %swap3A_279 = vector.shape_cast %get3A_275 : vector<16xi32> to vector<16xi32>
    tpu.vector_store %arg13[%swap3A_276], %swap3A_279 {strides = array<i32>} : memref<128xi32, #tpu.memory_space<vmem>>, vector<16xi32>,
    %get3A_280 = arith.constant 10304 : index
    %get3A_281 = tpu.vector_load %arg10[%get3A_280] {strides = array<i32>} : memref<10368xi32, #tpu.memory_space<vmem>>, vector<16xi32>,
    %get3A_282 = vector.shape_cast %get3A_281 : vector<16xi32> to vector<16xi32>
    %swap3A_283 = arith.constant 64 : index
    %swap3A_284 = tpu.vector_load %arg13[%swap3A_283] {strides = array<i32>} : memref<128xi32, #tpu.memory_space<vmem>>, vector<16xi32>,
    %swap3A_285 = vector.shape_cast %swap3A_284 : vector<16xi32> to vector<16xi32>
    %swap3A_286 = vector.shape_cast %get3A_282 : vector<16xi32> to vector<16xi32>
    tpu.vector_store %arg13[%swap3A_283], %swap3A_286 {strides = array<i32>} : memref<128xi32, #tpu.memory_space<vmem>>, vector<16xi32>,
    %get3A_287 = arith.constant 10320 : index
    %get3A_288 = tpu.vector_load %arg10[%get3A_287] {strides = array<i32>} : memref<10368xi32, #tpu.memory_space<vmem>>, vector<16xi32>,
    %get3A_289 = vector.shape_cast %get3A_288 : vector<16xi32> to vector<16xi32>
    %swap3A_290 = arith.constant 80 : index
    %swap3A_291 = tpu.vector_load %arg13[%swap3A_290] {strides = array<i32>} : memref<128xi32, #tpu.memory_space<vmem>>, vector<16xi32>,
    %swap3A_292 = vector.shape_cast %swap3A_291 : vector<16xi32> to vector<16xi32>
    %swap3A_293 = vector.shape_cast %get3A_289 : vector<16xi32> to vector<16xi32>
    tpu.vector_store %arg13[%swap3A_290], %swap3A_293 {strides = array<i32>} : memref<128xi32, #tpu.memory_space<vmem>>, vector<16xi32>,
    %get3A_294 = arith.constant 10336 : index
    %get3A_295 = tpu.vector_load %arg10[%get3A_294] {strides = array<i32>} : memref<10368xi32, #tpu.memory_space<vmem>>, vector<16xi32>,
    %get3A_296 = vector.shape_cast %get3A_295 : vector<16xi32> to vector<16xi32>
    %swap3A_297 = arith.constant 96 : index
    %swap3A_298 = tpu.vector_load %arg13[%swap3A_297] {strides = array<i32>} : memref<128xi32, #tpu.memory_space<vmem>>, vector<16xi32>,
    %swap3A_299 = vector.shape_cast %swap3A_298 : vector<16xi32> to vector<16xi32>
    %swap3A_300 = vector.shape_cast %get3A_296 : vector<16xi32> to vector<16xi32>
    tpu.vector_store %arg13[%swap3A_297], %swap3A_300 {strides = array<i32>} : memref<128xi32, #tpu.memory_space<vmem>>, vector<16xi32>,
    %get3A_301 = arith.constant 10352 : index
    %get3A_302 = tpu.vector_load %arg10[%get3A_301] {strides = array<i32>} : memref<10368xi32, #tpu.memory_space<vmem>>, vector<16xi32>,
    %get3A_303 = vector.shape_cast %get3A_302 : vector<16xi32> to vector<16xi32>
    %swap3A_304 = arith.constant 112 : index
    %swap3A_305 = tpu.vector_load %arg13[%swap3A_304] {strides = array<i32>} : memref<128xi32, #tpu.memory_space<vmem>>, vector<16xi32>,
    %swap3A_306 = vector.shape_cast %swap3A_305 : vector<16xi32> to vector<16xi32>
    %swap3A_307 = vector.shape_cast %get3A_303 : vector<16xi32> to vector<16xi32>
    tpu.vector_store %arg13[%swap3A_304], %swap3A_307 {strides = array<i32>} : memref<128xi32, #tpu.memory_space<vmem>>, vector<16xi32>,
    %parallel_loop3A_308 = arith.constant 0 : i32
    %parallel_loop3A_309 = arith.constant 128 : i32
    %parallel_loop3A_310 = arith.constant 1 : i32
    scf.for %parallel_loop3A_328 = %parallel_loop3A_308 to %parallel_loop3A_309 step %parallel_loop3A_310  : i32 {
      %parallel_loop3A_329 = arith.index_cast %parallel_loop3A_328 : i32 to index
      %parallel_loop3A_330 = arith.constant 32 : index
      %parallel_loop3A_331 = tpu.vector_load %arg16[%parallel_loop3A_329, %parallel_loop3A_330] {strides = array<i32>} : memref<128x48xf32, #tpu.memory_space<vmem>>, vector<1x16xf32>,
      %parallel_loop3A_332 = vector.shape_cast %parallel_loop3A_331 : vector<1x16xf32> to vector<16xf32>
      %parallel_loop3A_333 = arith.index_cast %parallel_loop3A_328 : i32 to index
      %parallel_loop3A_334 = arith.constant 0 : index
      %parallel_loop3A_335 = tpu.vector_load %arg19[%parallel_loop3A_333, %parallel_loop3A_334] {strides = array<i32>} : memref<128x16xf32, #tpu.memory_space<vmem>>, vector<1x16xf32>,
      %parallel_loop3A_336 = vector.shape_cast %parallel_loop3A_335 : vector<1x16xf32> to vector<16xf32>
      %parallel_loop3A_337 = arith.addf %parallel_loop3A_332, %parallel_loop3A_336 : vector<16xf32>
      %parallel_loop3A_338 = arith.constant 2.000000e-01 : f32
      %parallel_loop3A_339 = vector.broadcast %parallel_loop3A_338 : f32 to vector<16xf32>
      %parallel_loop3A_340 = arith.mulf %parallel_loop3A_339, %parallel_loop3A_337 : vector<16xf32>
      %parallel_loop3A_341 = arith.maximumf %parallel_loop3A_337, %parallel_loop3A_340 : vector<16xf32>
      %parallel_loop3A_342 = arith.subf %parallel_loop3A_341, %get3A_12 : vector<16xf32>
      %parallel_loop3A_343 = math.exp %parallel_loop3A_342 : vector<16xf32>
      %parallel_loop3A_344 = vector.shape_cast %broadcast_in_dim3A_13 : vector<16xi32> to vector<16x1xi32>
      %parallel_loop3A_345 = vector.shape_cast %parallel_loop3A_344 : vector<16x1xi32> to vector<16xi32>
      %parallel_loop3A_346 = tpu.dynamic_gather %parallel_loop3A_343[%parallel_loop3A_345] in [0] : vector<16xf32>, vector<16xi32> -> vector<16xf32>
      %parallel_loop3A_347 = arith.index_cast %parallel_loop3A_328 : i32 to index
      %parallel_loop3A_348 = arith.constant 0 : index
      %parallel_loop3A_349 = tpu.vector_load %arg16[%parallel_loop3A_347, %parallel_loop3A_348] {strides = array<i32>} : memref<128x48xf32, #tpu.memory_space<vmem>>, vector<1x16xf32>,
      %parallel_loop3A_350 = vector.shape_cast %parallel_loop3A_349 : vector<1x16xf32> to vector<16xf32>
      %parallel_loop3A_351 = arith.mulf %parallel_loop3A_350, %parallel_loop3A_346 : vector<16xf32>
      %parallel_loop3A_352 = arith.index_cast %parallel_loop3A_328 : i32 to index
      %parallel_loop3A_353 = arith.constant 0 : index
      %parallel_loop3A_354 = tpu.vector_load %arg16[%parallel_loop3A_352, %parallel_loop3A_353] {strides = array<i32>} : memref<128x48xf32, #tpu.memory_space<vmem>>, vector<1x16xf32>,
      %parallel_loop3A_355 = vector.shape_cast %parallel_loop3A_354 : vector<1x16xf32> to vector<16xf32>
      %parallel_loop3A_356 = vector.shape_cast %parallel_loop3A_351 : vector<16xf32> to vector<1x16xf32>
      tpu.vector_store %arg16[%parallel_loop3A_352, %parallel_loop3A_353], %parallel_loop3A_356 {strides = array<i32>} : memref<128x48xf32, #tpu.memory_space<vmem>>, vector<1x16xf32>,
      %parallel_loop3A_357 = arith.index_cast %parallel_loop3A_328 : i32 to index
      %parallel_loop3A_358 = arith.constant 16 : index
      %parallel_loop3A_359 = tpu.vector_load %arg16[%parallel_loop3A_357, %parallel_loop3A_358] {strides = array<i32>} : memref<128x48xf32, #tpu.memory_space<vmem>>, vector<1x16xf32>,
      %parallel_loop3A_360 = vector.shape_cast %parallel_loop3A_359 : vector<1x16xf32> to vector<16xf32>
      %parallel_loop3A_361 = arith.mulf %parallel_loop3A_360, %parallel_loop3A_346 : vector<16xf32>
      %parallel_loop3A_362 = arith.index_cast %parallel_loop3A_328 : i32 to index
      %parallel_loop3A_363 = arith.constant 16 : index
      %parallel_loop3A_364 = tpu.vector_load %arg16[%parallel_loop3A_362, %parallel_loop3A_363] {strides = array<i32>} : memref<128x48xf32, #tpu.memory_space<vmem>>, vector<1x16xf32>,
      %parallel_loop3A_365 = vector.shape_cast %parallel_loop3A_364 : vector<1x16xf32> to vector<16xf32>
      %parallel_loop3A_366 = vector.shape_cast %parallel_loop3A_361 : vector<16xf32> to vector<1x16xf32>
      tpu.vector_store %arg16[%parallel_loop3A_362, %parallel_loop3A_363], %parallel_loop3A_366 {strides = array<i32>} : memref<128x48xf32, #tpu.memory_space<vmem>>, vector<1x16xf32>,
      %parallel_loop3A_367 = arith.index_cast %parallel_loop3A_328 : i32 to index
      %parallel_loop3A_368 = arith.constant 32 : index
      %parallel_loop3A_369 = tpu.vector_load %arg16[%parallel_loop3A_367, %parallel_loop3A_368] {strides = array<i32>} : memref<128x48xf32, #tpu.memory_space<vmem>>, vector<1x16xf32>,
      %parallel_loop3A_370 = vector.shape_cast %parallel_loop3A_369 : vector<1x16xf32> to vector<16xf32>
      %parallel_loop3A_371 = arith.mulf %parallel_loop3A_370, %parallel_loop3A_346 : vector<16xf32>
      %parallel_loop3A_372 = arith.index_cast %parallel_loop3A_328 : i32 to index
      %parallel_loop3A_373 = arith.constant 32 : index
      %parallel_loop3A_374 = tpu.vector_load %arg16[%parallel_loop3A_372, %parallel_loop3A_373] {strides = array<i32>} : memref<128x48xf32, #tpu.memory_space<vmem>>, vector<1x16xf32>,
      %parallel_loop3A_375 = vector.shape_cast %parallel_loop3A_374 : vector<1x16xf32> to vector<16xf32>
      %parallel_loop3A_376 = vector.shape_cast %parallel_loop3A_371 : vector<16xf32> to vector<1x16xf32>
      tpu.vector_store %arg16[%parallel_loop3A_372, %parallel_loop3A_373], %parallel_loop3A_376 {strides = array<i32>} : memref<128x48xf32, #tpu.memory_space<vmem>>, vector<1x16xf32>,
    } {sc.loop_unroll_factor = 4 : i64, sc.parallel_access}
    %dma_start3A_311 = arith.constant 0 : i32
    %dma_start3A_312 = arith.constant 0 : i32
    %dma_start3A_313 = tpu.memref_slice %arg21[%dma_start3A_311, %dma_start3A_312] : memref<10112x48xf32, #tpu.memory_space<vmem_shared>> -> memref<10112x48xf32, #tpu.memory_space<vmem_shared>>
    tpu.enqueue_indirect_dma source(%arg16 : memref<128x48xf32, #tpu.memory_space<vmem>>) target(%dma_start3A_313 : memref<10112x48xf32, #tpu.memory_space<vmem_shared>>) offsets(%arg13 : memref<128xi32, #tpu.memory_space<vmem>>) semaphore(%arg27 : memref<!tpu.dma_semaphore, #tpu.memory_space<semaphore_mem>>) {add = true}
    %dma_wait3A_314 = arith.constant 0 : i32
    %dma_wait3A_315 = arith.constant 0 : i32
    %dma_wait3A_316 = tpu.memref_slice %arg21[%dma_wait3A_314, %dma_wait3A_315] : memref<10112x48xf32, #tpu.memory_space<vmem_shared>> -> memref<10112x48xf32, #tpu.memory_space<vmem_shared>>
    tpu.wait_indirect_dma semaphore(%arg25 : memref<!tpu.dma_semaphore, #tpu.memory_space<semaphore_mem>>) src(%arg14 : memref<128x48xf32, #tpu.memory_space<vmem>>) dst(%dma_wait3A_316 : memref<10112x48xf32, #tpu.memory_space<vmem_shared>>)
    %dma_wait3A_317 = arith.constant 0 : i32
    %dma_wait3A_318 = arith.constant 0 : i32
    %dma_wait3A_319 = tpu.memref_slice %arg21[%dma_wait3A_317, %dma_wait3A_318] : memref<10112x48xf32, #tpu.memory_space<vmem_shared>> -> memref<10112x48xf32, #tpu.memory_space<vmem_shared>>
    tpu.wait_indirect_dma semaphore(%arg26 : memref<!tpu.dma_semaphore, #tpu.memory_space<semaphore_mem>>) src(%arg15 : memref<128x48xf32, #tpu.memory_space<vmem>>) dst(%dma_wait3A_319 : memref<10112x48xf32, #tpu.memory_space<vmem_shared>>)
    %dma_wait3A_320 = arith.constant 0 : i32
    %dma_wait3A_321 = arith.constant 0 : i32
    %dma_wait3A_322 = tpu.memref_slice %arg21[%dma_wait3A_320, %dma_wait3A_321] : memref<10112x48xf32, #tpu.memory_space<vmem_shared>> -> memref<10112x48xf32, #tpu.memory_space<vmem_shared>>
    tpu.wait_indirect_dma semaphore(%arg27 : memref<!tpu.dma_semaphore, #tpu.memory_space<semaphore_mem>>) src(%arg16 : memref<128x48xf32, #tpu.memory_space<vmem>>) dst(%dma_wait3A_322 : memref<10112x48xf32, #tpu.memory_space<vmem_shared>>)
    %barrier3A_323 = arith.constant 0 : index
    tpu.barrier barrier_id(%barrier3A_323)
    %mul3A_324 = arith.constant 632 : i32
    %mul3A_325 = arith.muli %arg1, %mul3A_324 : i32
    %mul3A_326 = arith.constant 632 : i32
    %mul3A_327 = arith.muli %arg1, %mul3A_326 : i32
    "tpu.region"() ({
      %run_scoped3A = tpu.sem_alloc : memref<!tpu.dma_semaphore, #tpu.memory_space<semaphore_mem>>
      %dma_start3A_328 = arith.constant 0 : i32
      %dma_start3A_329 = tpu.memref_slice %arg8[%arg0, %mul3A_327, %dma_start3A_328] : memref<2x10112x48xf32, #tpu.memory_space<hbm>> -> memref<1x632x48xf32, #tpu.memory_space<hbm>>
      %dma_start3A_330 = tpu.memref_squeeze %dma_start3A_329 : memref<1x632x48xf32, #tpu.memory_space<hbm>> -> memref<632x48xf32, #tpu.memory_space<hbm>>
      %dma_start3A_331 = arith.constant 0 : i32
      %dma_start3A_332 = tpu.memref_slice %arg21[%mul3A_325, %dma_start3A_331] : memref<10112x48xf32, #tpu.memory_space<vmem_shared>> -> memref<632x48xf32, #tpu.memory_space<vmem_shared>>
      tpu.enqueue_dma source(%dma_start3A_332 : memref<632x48xf32, #tpu.memory_space<vmem_shared>>) target(%dma_start3A_330 : memref<632x48xf32, #tpu.memory_space<hbm>>) target_semaphore(%run_scoped3A : memref<!tpu.dma_semaphore, #tpu.memory_space<semaphore_mem>>)
      %dma_wait3A_333 = arith.constant 0 : i32
      %dma_wait3A_334 = tpu.memref_slice %arg8[%arg0, %mul3A_327, %dma_wait3A_333] : memref<2x10112x48xf32, #tpu.memory_space<hbm>> -> memref<1x632x48xf32, #tpu.memory_space<hbm>>
      %dma_wait3A_335 = tpu.memref_squeeze %dma_wait3A_334 : memref<1x632x48xf32, #tpu.memory_space<hbm>> -> memref<632x48xf32, #tpu.memory_space<hbm>>
      %dma_wait3A_336 = arith.constant 0 : i32
      %dma_wait3A_337 = tpu.memref_slice %arg21[%mul3A_325, %dma_wait3A_336] : memref<10112x48xf32, #tpu.memory_space<vmem_shared>> -> memref<632x48xf32, #tpu.memory_space<vmem_shared>>
      tpu.wait_dma2 semaphore(%run_scoped3A : memref<!tpu.dma_semaphore, #tpu.memory_space<semaphore_mem>>) src(%dma_wait3A_337 : memref<632x48xf32, #tpu.memory_space<vmem_shared>>) dst(%dma_wait3A_335 : memref<632x48xf32, #tpu.memory_space<hbm>>)
      tpu.yield
    }) : () -> ()
    return
  }
}

module attributes {stable_mosaic.version = 14 : i64} {
  func.func @_tc1_body(%arg0: memref<10000x128xf32, #tpu.memory_space<vmem>>, %arg1: memref<128x64xf32, #tpu.memory_space<vmem>>, %arg2: memref<64x8xf32, #tpu.memory_space<vmem>>, %arg3: memref<64x8xf32, #tpu.memory_space<vmem>>, %arg4: memref<10000x80xf32, #tpu.memory_space<vmem>>, %arg5: memref<10000x16xf32, #tpu.memory_space<vmem>>, %arg6: memref<1x16xf32, #tpu.memory_space<vmem>>) attributes {dimension_semantics = [], scalar_prefetch = 0 : i64, scratch_operands = 0 : i64, tpu.core_type = #tpu.core_type<tc>} {
    %get3A = arith.constant 0 : index
    %get3A_0 = arith.constant 0 : index
    %get3A_1 = vector.load %arg0[%get3A, %get3A_0] : memref<10000x128xf32, #tpu.memory_space<vmem>>, vector<10000x128xf32>
    %get3A_2 = arith.constant 0 : index
    %get3A_3 = arith.constant 0 : index
    %get3A_4 = vector.load %arg1[%get3A_2, %get3A_3] : memref<128x64xf32, #tpu.memory_space<vmem>>, vector<128x64xf32>
    %dot_general3A = arith.constant dense<0.000000e+00> : vector<10000x64xf32>
    %dot_general3A_5 = tpu.matmul %get3A_1, %get3A_4, %dot_general3A {dimension_numbers = #tpu.dot_dimension_numbers<[1], [0], [0], [1], [0, 0, 1, 1], [], []>, transpose_lhs_hint = false} : vector<10000x128xf32>, vector<128x64xf32>, vector<10000x64xf32> -> vector<10000x64xf32>
    %get3A_6 = arith.constant 0 : index
    %get3A_7 = arith.constant 0 : index
    %get3A_8 = vector.load %arg2[%get3A_6, %get3A_7] : memref<64x8xf32, #tpu.memory_space<vmem>>, vector<64x8xf32>
    %dot_general3A_9 = arith.constant dense<0.000000e+00> : vector<10000x8xf32>
    %dot_general3A_10 = tpu.matmul %dot_general3A_5, %get3A_8, %dot_general3A_9 {dimension_numbers = #tpu.dot_dimension_numbers<[1], [0], [0], [1], [0, 0, 1, 1], [], []>, transpose_lhs_hint = false} : vector<10000x64xf32>, vector<64x8xf32>, vector<10000x8xf32> -> vector<10000x8xf32>
    %get3A_11 = arith.constant 0 : index
    %get3A_12 = arith.constant 0 : index
    %get3A_13 = vector.load %arg3[%get3A_11, %get3A_12] : memref<64x8xf32, #tpu.memory_space<vmem>>, vector<64x8xf32>
    %dot_general3A_14 = arith.constant dense<0.000000e+00> : vector<10000x8xf32>
    %dot_general3A_15 = tpu.matmul %dot_general3A_5, %get3A_13, %dot_general3A_14 {dimension_numbers = #tpu.dot_dimension_numbers<[1], [0], [0], [1], [0, 0, 1, 1], [], []>, transpose_lhs_hint = false} : vector<10000x64xf32>, vector<64x8xf32>, vector<10000x8xf32> -> vector<10000x8xf32>
    %broadcast_in_dim3A = arith.constant 0.000000e+00 : f32
    %broadcast_in_dim3A_16 = vector.broadcast %broadcast_in_dim3A : f32 to vector<10000x8xf32>
    %concatenate3A = tpu.concatenate %dot_general3A_5, %broadcast_in_dim3A_16, %dot_general3A_10 in 1 : vector<10000x64xf32>, vector<10000x8xf32>, vector<10000x8xf32> -> vector<10000x80xf32>
    %swap3A = arith.constant 0 : index
    %swap3A_17 = arith.constant 0 : index
    %swap3A_18 = vector.load %arg4[%swap3A, %swap3A_17] : memref<10000x80xf32, #tpu.memory_space<vmem>>, vector<10000x80xf32>
    tpu.vector_store %arg4[%swap3A, %swap3A_17], %concatenate3A {strides = array<i32>} : memref<10000x80xf32, #tpu.memory_space<vmem>>, vector<10000x80xf32>,
    %concatenate3A_19 = tpu.concatenate %dot_general3A_15, %dot_general3A_15 in 1 : vector<10000x8xf32>, vector<10000x8xf32> -> vector<10000x16xf32>
    %swap3A_20 = arith.constant 0 : index
    %swap3A_21 = arith.constant 0 : index
    %swap3A_22 = vector.load %arg5[%swap3A_20, %swap3A_21] : memref<10000x16xf32, #tpu.memory_space<vmem>>, vector<10000x16xf32>
    tpu.vector_store %arg5[%swap3A_20, %swap3A_21], %concatenate3A_19 {strides = array<i32>} : memref<10000x16xf32, #tpu.memory_space<vmem>>, vector<10000x16xf32>,
    %reduce_max3A = arith.constant dense<0xFF800000> : vector<8xf32>
    %reduce_max3A_23 = vector.multi_reduction <maximumf>, %dot_general3A_10, %reduce_max3A [0] : vector<10000x8xf32> to vector<8xf32>
    %broadcast_in_dim3A_24 = vector.shape_cast %reduce_max3A_23 : vector<8xf32> to vector<1x8xf32>
    %reduce_max3A_25 = arith.constant dense<0xFF800000> : vector<8xf32>
    %reduce_max3A_26 = vector.multi_reduction <maximumf>, %dot_general3A_15, %reduce_max3A_25 [0] : vector<10000x8xf32> to vector<8xf32>
    %broadcast_in_dim3A_27 = vector.shape_cast %reduce_max3A_26 : vector<8xf32> to vector<1x8xf32>
    %add3A = arith.addf %broadcast_in_dim3A_24, %broadcast_in_dim3A_27 : vector<1x8xf32>
    %concatenate3A_28 = tpu.concatenate %add3A, %add3A in 1 : vector<1x8xf32>, vector<1x8xf32> -> vector<1x16xf32>
    %swap3A_29 = arith.constant 0 : index
    %swap3A_30 = arith.constant 0 : index
    %swap3A_31 = vector.load %arg6[%swap3A_29, %swap3A_30] : memref<1x16xf32, #tpu.memory_space<vmem>>, vector<1x16xf32>
    tpu.vector_store %arg6[%swap3A_29, %swap3A_30], %concatenate3A_28 {strides = array<i32>} : memref<1x16xf32, #tpu.memory_space<vmem>>, vector<1x16xf32>,
    return
  }
}

module attributes {stable_mosaic.version = 14 : i64} {
  func.func @_tc2_body(%arg0: memref<2x10112x80xf32, #tpu.memory_space<vmem>>, %arg1: memref<64xf32, #tpu.memory_space<vmem>>, %arg2: memref<8x64xf32, #tpu.memory_space<vmem>>, %arg3: memref<64x40xf32, #tpu.memory_space<vmem>>, %arg4: memref<40x1xf32, #tpu.memory_space<vmem>>, %arg5: memref<40x16xf32, #tpu.memory_space<vmem>>, %arg6: memref<10000x48xf32, #tpu.memory_space<vmem>>, %arg7: memref<10000x16xf32, #tpu.memory_space<vmem>>, %arg8: memref<1x16xf32, #tpu.memory_space<vmem>>) attributes {dimension_semantics = [], scalar_prefetch = 0 : i64, scratch_operands = 0 : i64, tpu.core_type = #tpu.core_type<tc>} {
    %get3A = arith.constant 0 : index
    %get3A_0 = arith.constant 0 : index
    %get3A_1 = arith.constant 0 : index
    %get3A_2 = vector.load %arg0[%get3A, %get3A_0, %get3A_1] : memref<2x10112x80xf32, #tpu.memory_space<vmem>>, vector<1x10000x80xf32>
    %get3A_3 = vector.shape_cast %get3A_2 : vector<1x10000x80xf32> to vector<10000x80xf32>
    %get3A_4 = arith.constant 1 : index
    %get3A_5 = arith.constant 0 : index
    %get3A_6 = arith.constant 0 : index
    %get3A_7 = vector.load %arg0[%get3A_4, %get3A_5, %get3A_6] : memref<2x10112x80xf32, #tpu.memory_space<vmem>>, vector<1x10000x80xf32>
    %get3A_8 = vector.shape_cast %get3A_7 : vector<1x10000x80xf32> to vector<10000x80xf32>
    %add3A = arith.addf %get3A_3, %get3A_8 : vector<10000x80xf32>
    %slice3A = vector.extract_strided_slice %add3A {offsets = [0, 0], sizes = [10000, 64], strides = [1, 1]} : vector<10000x80xf32> to vector<10000x64xf32>
    %slice3A_9 = vector.extract_strided_slice %add3A {offsets = [0, 64], sizes = [10000, 8], strides = [1, 1]} : vector<10000x80xf32> to vector<10000x8xf32>
    %get3A_10 = arith.constant 0 : index
    %get3A_11 = arith.constant 0 : index
    %get3A_12 = vector.load %arg2[%get3A_10, %get3A_11] : memref<8x64xf32, #tpu.memory_space<vmem>>, vector<8x64xf32>
    %dot_general3A = arith.constant dense<0.000000e+00> : vector<10000x64xf32>
    %dot_general3A_13 = tpu.matmul %slice3A_9, %get3A_12, %dot_general3A {dimension_numbers = #tpu.dot_dimension_numbers<[1], [0], [0], [1], [0, 0, 1, 1], [], []>, transpose_lhs_hint = false} : vector<10000x8xf32>, vector<8x64xf32>, vector<10000x64xf32> -> vector<10000x64xf32>
    %div3A = arith.divf %slice3A, %dot_general3A_13 : vector<10000x64xf32>
    %get3A_14 = arith.constant 0 : index
    %get3A_15 = vector.load %arg1[%get3A_14] : memref<64xf32, #tpu.memory_space<vmem>>, vector<64xf32>
    %broadcast_in_dim3A = vector.shape_cast %get3A_15 : vector<64xf32> to vector<1x64xf32>
    %add3A_16 = vector.broadcast %broadcast_in_dim3A : vector<1x64xf32> to vector<10000x64xf32>
    %add3A_17 = arith.addf %div3A, %add3A_16 : vector<10000x64xf32>
    %gt3A = arith.constant 0.000000e+00 : f32
    %gt3A_18 = vector.broadcast %gt3A : f32 to vector<10000x64xf32>
    %gt3A_19 = arith.cmpf ogt, %add3A_17, %gt3A_18 : vector<10000x64xf32>
    %min3A = arith.constant 0.000000e+00 : f32
    %min3A_20 = vector.broadcast %min3A : f32 to vector<10000x64xf32>
    %min3A_21 = arith.minimumf %add3A_17, %min3A_20 : vector<10000x64xf32>
    %exp3A = math.exp %min3A_21 : vector<10000x64xf32>
    %sub3A = arith.constant 1.000000e+00 : f32
    %sub3A_22 = vector.broadcast %sub3A : f32 to vector<10000x64xf32>
    %sub3A_23 = arith.subf %exp3A, %sub3A_22 : vector<10000x64xf32>
    %select_n3A = arith.select %gt3A_19, %add3A_17, %sub3A_23 : vector<10000x64xi1>, vector<10000x64xf32>
    %get3A_24 = arith.constant 0 : index
    %get3A_25 = arith.constant 0 : index
    %get3A_26 = vector.load %arg3[%get3A_24, %get3A_25] : memref<64x40xf32, #tpu.memory_space<vmem>>, vector<64x40xf32>
    %dot_general3A_27 = arith.constant dense<0.000000e+00> : vector<10000x40xf32>
    %dot_general3A_28 = tpu.matmul %select_n3A, %get3A_26, %dot_general3A_27 {dimension_numbers = #tpu.dot_dimension_numbers<[1], [0], [0], [1], [0, 0, 1, 1], [], []>, transpose_lhs_hint = false} : vector<10000x64xf32>, vector<64x40xf32>, vector<10000x40xf32> -> vector<10000x40xf32>
    %get3A_29 = arith.constant 0 : index
    %get3A_30 = arith.constant 0 : index
    %get3A_31 = vector.load %arg4[%get3A_29, %get3A_30] : memref<40x1xf32, #tpu.memory_space<vmem>>, vector<40x1xf32>
    %dot_general3A_32 = arith.constant dense<0.000000e+00> : vector<10000x1xf32>
    %dot_general3A_33 = tpu.matmul %dot_general3A_28, %get3A_31, %dot_general3A_32 {dimension_numbers = #tpu.dot_dimension_numbers<[1], [0], [0], [1], [0, 0, 1, 1], [], []>, transpose_lhs_hint = false} : vector<10000x40xf32>, vector<40x1xf32>, vector<10000x1xf32> -> vector<10000x1xf32>
    %get3A_34 = arith.constant 0 : index
    %get3A_35 = arith.constant 0 : index
    %get3A_36 = vector.load %arg5[%get3A_34, %get3A_35] : memref<40x16xf32, #tpu.memory_space<vmem>>, vector<40x16xf32>
    %dot_general3A_37 = arith.constant dense<0.000000e+00> : vector<10000x16xf32>
    %dot_general3A_38 = tpu.matmul %dot_general3A_28, %get3A_36, %dot_general3A_37 {dimension_numbers = #tpu.dot_dimension_numbers<[1], [0], [0], [1], [0, 0, 1, 1], [], []>, transpose_lhs_hint = false} : vector<10000x40xf32>, vector<40x16xf32>, vector<10000x16xf32> -> vector<10000x16xf32>
    %broadcast_in_dim3A_39 = arith.constant 1.000000e+00 : f32
    %broadcast_in_dim3A_40 = vector.broadcast %broadcast_in_dim3A_39 : f32 to vector<10000x1xf32>
    %broadcast_in_dim3A_41 = arith.constant 0.000000e+00 : f32
    %broadcast_in_dim3A_42 = vector.broadcast %broadcast_in_dim3A_41 : f32 to vector<10000x6xf32>
    %concatenate3A = tpu.concatenate %dot_general3A_28, %broadcast_in_dim3A_40, %dot_general3A_33, %broadcast_in_dim3A_42 in 1 : vector<10000x40xf32>, vector<10000x1xf32>, vector<10000x1xf32>, vector<10000x6xf32> -> vector<10000x48xf32>
    %swap3A = arith.constant 0 : index
    %swap3A_43 = arith.constant 0 : index
    %swap3A_44 = vector.load %arg6[%swap3A, %swap3A_43] : memref<10000x48xf32, #tpu.memory_space<vmem>>, vector<10000x48xf32>
    tpu.vector_store %arg6[%swap3A, %swap3A_43], %concatenate3A {strides = array<i32>} : memref<10000x48xf32, #tpu.memory_space<vmem>>, vector<10000x48xf32>,
    %swap3A_45 = arith.constant 0 : index
    %swap3A_46 = arith.constant 0 : index
    %swap3A_47 = vector.load %arg7[%swap3A_45, %swap3A_46] : memref<10000x16xf32, #tpu.memory_space<vmem>>, vector<10000x16xf32>
    tpu.vector_store %arg7[%swap3A_45, %swap3A_46], %dot_general3A_38 {strides = array<i32>} : memref<10000x16xf32, #tpu.memory_space<vmem>>, vector<10000x16xf32>,
    %reduce_max3A = vector.shape_cast %dot_general3A_33 : vector<10000x1xf32> to vector<1x10000x1xf32>
    %reduce_max3A_48 = arith.constant dense<0xFF800000> : vector<1xf32>
    %reduce_max3A_49 = vector.multi_reduction <maximumf>, %reduce_max3A, %reduce_max3A_48 [1, 2] : vector<1x10000x1xf32> to vector<1xf32>
    %reduce_max3A_50 = vector.shape_cast %reduce_max3A_49 : vector<1xf32> to vector<1x1x1xf32>
    %reduce_max3A_51 = vector.extract %reduce_max3A_50[0, 0, 0] : f32 from vector<1x1x1xf32>
    %slice3A_52 = vector.extract_strided_slice %dot_general3A_38 {offsets = [0, 0], sizes = [10000, 1], strides = [1, 1]} : vector<10000x16xf32> to vector<10000x1xf32>
    %reduce_max3A_53 = vector.shape_cast %slice3A_52 : vector<10000x1xf32> to vector<1x10000x1xf32>
    %reduce_max3A_54 = arith.constant dense<0xFF800000> : vector<1xf32>
    %reduce_max3A_55 = vector.multi_reduction <maximumf>, %reduce_max3A_53, %reduce_max3A_54 [1, 2] : vector<1x10000x1xf32> to vector<1xf32>
    %reduce_max3A_56 = vector.shape_cast %reduce_max3A_55 : vector<1xf32> to vector<1x1x1xf32>
    %reduce_max3A_57 = vector.extract %reduce_max3A_56[0, 0, 0] : f32 from vector<1x1x1xf32>
    %add3A_58 = arith.addf %reduce_max3A_51, %reduce_max3A_57 : f32
    %broadcast_in_dim3A_59 = vector.broadcast %add3A_58 : f32 to vector<1x16xf32>
    %swap3A_60 = arith.constant 0 : index
    %swap3A_61 = arith.constant 0 : index
    %swap3A_62 = vector.load %arg8[%swap3A_60, %swap3A_61] : memref<1x16xf32, #tpu.memory_space<vmem>>, vector<1x16xf32>
    tpu.vector_store %arg8[%swap3A_60, %swap3A_61], %broadcast_in_dim3A_59 {strides = array<i32>} : memref<1x16xf32, #tpu.memory_space<vmem>>, vector<1x16xf32>,
    return
  }
}

module attributes {stable_mosaic.version = 14 : i64} {
  func.func @_tc3_body(%arg0: memref<2x10112x48xf32, #tpu.memory_space<vmem>>, %arg1: memref<40xf32, #tpu.memory_space<vmem>>, %arg2: memref<10000x40xf32, #tpu.memory_space<vmem>>) attributes {dimension_semantics = [], scalar_prefetch = 0 : i64, scratch_operands = 0 : i64, tpu.core_type = #tpu.core_type<tc>} {
    %get3A = arith.constant 0 : index
    %get3A_0 = arith.constant 0 : index
    %get3A_1 = arith.constant 0 : index
    %get3A_2 = vector.load %arg0[%get3A, %get3A_0, %get3A_1] : memref<2x10112x48xf32, #tpu.memory_space<vmem>>, vector<1x10000x48xf32>
    %get3A_3 = vector.shape_cast %get3A_2 : vector<1x10000x48xf32> to vector<10000x48xf32>
    %get3A_4 = arith.constant 1 : index
    %get3A_5 = arith.constant 0 : index
    %get3A_6 = arith.constant 0 : index
    %get3A_7 = vector.load %arg0[%get3A_4, %get3A_5, %get3A_6] : memref<2x10112x48xf32, #tpu.memory_space<vmem>>, vector<1x10000x48xf32>
    %get3A_8 = vector.shape_cast %get3A_7 : vector<1x10000x48xf32> to vector<10000x48xf32>
    %add3A = arith.addf %get3A_3, %get3A_8 : vector<10000x48xf32>
    %slice3A = vector.extract_strided_slice %add3A {offsets = [0, 0], sizes = [10000, 40], strides = [1, 1]} : vector<10000x48xf32> to vector<10000x40xf32>
    %slice3A_9 = vector.extract_strided_slice %add3A {offsets = [0, 40], sizes = [10000, 1], strides = [1, 1]} : vector<10000x48xf32> to vector<10000x1xf32>
    %div3A = vector.broadcast %slice3A_9 : vector<10000x1xf32> to vector<10000x40xf32>
    %div3A_10 = arith.divf %slice3A, %div3A : vector<10000x40xf32>
    %get3A_11 = arith.constant 0 : index
    %get3A_12 = vector.load %arg1[%get3A_11] : memref<40xf32, #tpu.memory_space<vmem>>, vector<40xf32>
    %broadcast_in_dim3A = vector.shape_cast %get3A_12 : vector<40xf32> to vector<1x40xf32>
    %add3A_13 = vector.broadcast %broadcast_in_dim3A : vector<1x40xf32> to vector<10000x40xf32>
    %add3A_14 = arith.addf %div3A_10, %add3A_13 : vector<10000x40xf32>
    %reduce_max3A = arith.constant dense<0xFF800000> : vector<10000xf32>
    %reduce_max3A_15 = vector.multi_reduction <maximumf>, %add3A_14, %reduce_max3A [1] : vector<10000x40xf32> to vector<10000xf32>
    %broadcast_in_dim3A_16 = vector.shape_cast %reduce_max3A_15 : vector<10000xf32> to vector<10000x1xf32>
    %sub3A = vector.broadcast %broadcast_in_dim3A_16 : vector<10000x1xf32> to vector<10000x40xf32>
    %sub3A_17 = arith.subf %add3A_14, %sub3A : vector<10000x40xf32>
    %exp3A = math.exp %sub3A_17 : vector<10000x40xf32>
    %reduce_sum3A = arith.constant dense<0.000000e+00> : vector<10000xf32>
    %reduce_sum3A_18 = vector.multi_reduction <add>, %exp3A, %reduce_sum3A [1] : vector<10000x40xf32> to vector<10000xf32>
    %broadcast_in_dim3A_19 = vector.shape_cast %reduce_sum3A_18 : vector<10000xf32> to vector<10000x1xf32>
    %log3A = math.log %broadcast_in_dim3A_19 : vector<10000x1xf32>
    %sub3A_20 = vector.broadcast %broadcast_in_dim3A_16 : vector<10000x1xf32> to vector<10000x40xf32>
    %sub3A_21 = arith.subf %add3A_14, %sub3A_20 : vector<10000x40xf32>
    %sub3A_22 = vector.broadcast %log3A : vector<10000x1xf32> to vector<10000x40xf32>
    %sub3A_23 = arith.subf %sub3A_21, %sub3A_22 : vector<10000x40xf32>
    %swap3A = arith.constant 0 : index
    %swap3A_24 = arith.constant 0 : index
    %swap3A_25 = vector.load %arg2[%swap3A, %swap3A_24] : memref<10000x40xf32, #tpu.memory_space<vmem>>, vector<10000x40xf32>
    tpu.vector_store %arg2[%swap3A, %swap3A_24], %sub3A_23 {strides = array<i32>} : memref<10000x40xf32, #tpu.memory_space<vmem>>, vector<10000x40xf32>,
    return
  }
}

</mosaic_0001>

<sc_bundles>
// kernel: kernel.10.cloned.1.call-start
scs
__scs_entry_jumppad:
0x0: {  	(pc) =	sbr.rel $0x88, $3  }
0x1: {  	(tag) =	ssettag $0x0;
	lr =	simm.s32 $0x1  }
0x2: {  	[smem:$0x3F97] =	sst lr;
	_ =	strace $0xD0000000  }
0x3: {  	_ = 	snop  }
0x4: {  	_ = 	snop  }
0x5: {  	_ = 	snop  }
0x6: {  	_ = 	snop  }
0x7: {  	_ = 	snop  }
__scs_overlays_trampoline_lowered:
0x8: {  	[smem:$0x3FA6] =	sst s0  }
0x9: {  	[smem:$0x3FA7] =	sst s1  }
0xa: {  	[smem:$0x3FA8] =	sst s2  }
0xb: {  	[smem:$0x3FA9] =	sst s3  }
0xc: {  	[smem:$0x3FAA] =	sst s4  }
0xd: {  	[smem:$0x3FAB] =	sst s5  }
0xe: {  	[smem:$0x3FAC] =	sst s6  }
0xf: {  	[smem:$0x3FAD] =	sst s7  }
0x10: {  	[smem:$0x3FAE] =	sst s8  }
0x11: {  	[smem:$0x3FAF] =	sst s9;
	s0 =	simm.s32 @!p0 $0x0  }
0x12: {  	s1 =	sld [smem:$0x3F95];
	s0 =	simm.s32 @p0 $0x1  }
0x13: {  	[smem:$0x3FB0] =	sst s0;
	s0 =	simm.s32 @!p1 $0x0  }
0x14: {  	s2 =	sld [smem:$0x3F94];
	s0 =	simm.s32 @p1 $0x1  }
0x15: {  	[smem:$0x3FB1] =	sst s0;
	s0 =	simm.s32 @!p2 $0x0  }
0x16: {  	s3 =	sld [smem:$0x3FDB];
	s0 =	simm.s32 @p2 $0x1  }
0x17: {  	s4 =	simm.s32 $0x1BF5;
	[smem:$0x3FB3] =	sst s0  }
0x18: {  	s0 =	sld [smem:$0x3F96];
	_ =	swait.ge [sflag:s4], $0x0  }
0x19: {  	s7 =	sld [smem:$0x3F97]  }
0x1a: {  	s8 =	sadd.s32 $0xFFFFE003, lr  }
0x1b: {  	s9 =	sadd.s32 $0xFFFFFEF7, lr;
	s5 =	simm.s32 $0xFFFFFFFF;
	p2 =	slt.u32 s8, $0xFFFFF086  }
0x1c: {  	p1 =	slt.u32 s9, $0xF7A;
	s5 =	simm.s32 @!p2 $0x0  }
0x1d: {  	s5 =	simm.s32 @p1 $0x1;
	p0 =	seq.s32 s7, s2  }
0x1e: {  	s7 =	smul.u32 @!p0 $0xF7A, s2;
	p2 =	seq.s32 @!p0 s5, $0x0  }
0x1f: {  	s9 =	smul.u32 $0xF7A, s1;
	s8 =	simm.s32 @!p0 $0x1BF5;
	p2 =	por !p2, p0  }
0x20: {  	[sflag:s8] =	ssyncset.s32 @!p0 $0xFFFFF086;
	s6 =	sadd.s32 @!p0 s3, s7;
	s7 =	simm.s32 @!p0 $0x108  }
0x21: {  	s3 =	sadd.s32 s3, s9;
	s6 =	sadd.s32 @!p0 $0x88, s6;
	s7 =	simm.s32 @p2 $0x1082  }
0x22: {  	[simem:s7], [sflag:s8] =	dma.local @!p0 [hbm:s6], $0xF7A  }
0x23: {  	s9 =	sor.u32 $0xD0000000, s2;
	s6 =	simm.s32 $0x108;
	_ =	swait.ge @!p0 [sflag:s8], $0x0  }
0x24: {  	s3 =	sadd.s32 $0x88, s3;
	s6 =	simm.s32 @!p1 $0x1082;
	[sflag:s4] =	ssyncset.s32 $0xFFFFF086  }
0x25: {  	[simem:s6], [sflag:s4] =	dma.local [hbm:s3], $0xF7A  }
0x26: {  	[smem:$0x3F97] =	sst s1;
	(tag) =	ssettag s2;
	_ =	strace s9  }
0x27: {  	s1 =	sld [smem:$0x3FA7]  }
0x28: {  	s2 =	sld [smem:$0x3FA8]  }
0x29: {  	s4 =	sld [smem:$0x3FAA]  }
0x2a: {  	p0 =	seq.s32 s5, $0x0;
	s5 =	sld [smem:$0x3FAB]  }
0x2b: {  	s6 =	sld [smem:$0x3FAC]  }
0x2c: {  	s7 =	sld [smem:$0x3FAD]  }
0x2d: {  	s3 =	simm.s32 $0x108;
	s8 =	sld [smem:$0x3FAE]  }
0x2e: {  	s3 =	simm.s32 @!p0 $0x1082;
	s9 =	sld [smem:$0x3FAF]  }
0x2f: {  	lr =	sadd.s32 s0, s3;
	s0 =	sld [smem:$0x3FA6]  }
0x30: {  	s3 =	sld [smem:$0x3FA9]  }
0x31: {  	[smem:$0x3FB2] =	sst s10  }
0x32: {  	s10 =	sld [smem:$0x3FB0];
	_ =	sdelay $0x3  }
0x33: {  	p0 =	seq.s32 s10, $0x1;
	s10 =	sld [smem:$0x3FB2];
	_ =	sdelay $0x3  }
0x34: {  	[smem:$0x3FB2] =	sst s10  }
0x35: {  	s10 =	sld [smem:$0x3FB1];
	_ =	sdelay $0x3  }
0x36: {  	p1 =	seq.s32 s10, $0x1;
	s10 =	sld [smem:$0x3FB2];
	_ =	sdelay $0x3  }
0x37: {  	[smem:$0x3FB2] =	sst s10  }
0x38: {  	s10 =	sld [smem:$0x3FB3]  }
0x39: {  	_ = 	snop;
	(pc) =	sbr.ind lr, $3  }
0x3a: {  	_ = 	snop  }
0x3b: {  	_ = 	snop  }
0x3c: {  	p2 =	seq.s32 s10, $0x1;
	s10 =	sld [smem:$0x3FB2]  }
0x3d: {  	_ =	shalt  }
0x3e: {  	_ =	shalt  }
0x3f: {  	_ =	shalt  }
0x40: {  	_ =	shalt  }
0x41: {  	_ =	shalt  }
0x42: {  	_ =	shalt  }
0x43: {  	_ =	shalt  }
0x44: {  	_ =	shalt  }
0x45: {  	_ =	shalt  }
0x46: {  	_ =	shalt  }
0x47: {  	_ =	shalt  }
0x48: {  	_ =	shalt  }
0x49: {  	_ =	shalt  }
0x4a: {  	_ =	shalt  }
0x4b: {  	_ =	shalt  }
0x4c: {  	_ =	shalt  }
0x4d: {  	_ =	shalt  }
0x4e: {  	_ =	shalt  }
0x4f: {  	_ =	shalt  }
0x50: {  	_ =	shalt  }
0x51: {  	_ =	shalt  }
0x52: {  	_ =	shalt  }
0x53: {  	_ =	shalt  }
0x54: {  	_ =	shalt  }
0x55: {  	_ =	shalt  }
0x56: {  	_ =	shalt  }
0x57: {  	_ =	shalt  }
0x58: {  	_ =	shalt  }
0x59: {  	_ =	shalt  }
0x5a: {  	_ =	shalt  }
0x5b: {  	_ =	shalt  }
0x5c: {  	_ =	shalt  }
0x5d: {  	_ =	shalt  }
0x5e: {  	_ =	shalt  }
0x5f: {  	_ =	shalt  }
0x60: {  	_ =	shalt  }
0x61: {  	_ =	shalt  }
0x62: {  	_ =	shalt  }
0x63: {  	_ =	shalt  }
0x64: {  	_ =	shalt  }
0x65: {  	_ =	shalt  }
0x66: {  	_ =	shalt  }
0x67: {  	_ =	shalt  }
0x68: {  	_ =	shalt  }
0x69: {  	_ =	shalt  }
0x6a: {  	_ =	shalt  }
0x6b: {  	_ =	shalt  }
0x6c: {  	_ =	shalt  }
0x6d: {  	_ =	shalt  }
0x6e: {  	_ =	shalt  }
0x6f: {  	_ =	shalt  }
0x70: {  	_ =	shalt  }
0x71: {  	_ =	shalt  }
0x72: {  	_ =	shalt  }
0x73: {  	_ =	shalt  }
0x74: {  	_ =	shalt  }
0x75: {  	_ =	shalt  }
0x76: {  	_ =	shalt  }
0x77: {  	_ =	shalt  }
0x78: {  	_ =	shalt  }
0x79: {  	_ =	shalt  }
0x7a: {  	_ =	shalt  }
0x7b: {  	_ =	shalt  }
0x7c: {  	_ =	shalt  }
0x7d: {  	_ =	shalt  }
0x7e: {  	_ =	shalt  }
0x7f: {  	_ =	shalt  }
0x80: {  	_ =	shalt  }
0x81: {  	_ =	shalt  }
0x82: {  	_ =	shalt  }
0x83: {  	_ =	shalt  }
0x84: {  	_ =	shalt  }
0x85: {  	_ =	shalt  }
0x86: {  	_ =	shalt  }
0x87: {  	_ =	shalt  }
.Lfunc_end0:
.L_simem_size_0:
called_computation.1_lowered:
.L_overlay_start_0:
0x88: {  	s2 =	sld [smem:$0x3FD9]  }
0x89: {  	s3 =	sld [smem:$0x3FFE];
	_ =	sdelay $0x1  }
0x8a: {  	s1 =	srdreg.scid  }
0x8b: {  	s0 =	sand.u32 $0x1, s1  }
0x8c: {  	s17 =	sshll.u32 s0, $0xA;
	s2 =	sadd.s32 s3, s2  }
0x8d: {  	s2 =	sadd.s32 s2, s17  }
0x8e: {  	[smem:$0x3FBE] =	sst s2  }
0x8f: {  	_ = 	snop  }
0x90: {  	s2 =	sld [smem:$0x3FD0];
	(tm) =	ssettm $0x1  }
0x91: {  	s18 =	sld [smem:$0x3FFB];
	_ =	sdelay $0x3  }
0x92: {  	_ =	strace s18  }
0x93: {  	s3 =	sld [smem:$0x3FFC];
	_ =	sdelay $0x3  }
0x94: {  	_ =	strace s3  }
0x95: {  	s3 =	sld [smem:$0x3FFD];
	_ =	sdelay $0x3  }
0x96: {  	_ =	strace s3  }
0x97: {  	_ =	strace $0x8FFFFFFF  }
0x98: {  	s19 =	sld [smem:$0x3FDB];
	_ =	sdelay $0x1  }
0x99: {  	s4 =	simm.s32 $_scs_section_size  }
0x9a: {  	s5 =	simm.s32 $_size__tile_overlayer_lowered;
	s6 =	simm.s32 $_tile_overlayer_lowered  }
0x9b: {  	s22 =	simm.s32 $0x1BFF;
	s21 =	sshll.u32 s6, $0x1;
	s3 =	sadd.s32 s4, s19  }
0x9c: {  	s7 =	simm.s32 $0x0;
	s20 =	sshll.u32 s5, $0x1;
	s5 =	sadd.s32 s21, s3  }
0x9d: {  	[timem:s7], [sflag:s22] =	dma.local [hbm:s5], s20  }
0x9e: {  	_ =	swait.ge [sflag:s22], s20  }
0x9f: {  	s4 =	ssub.s32 $0x0, s20;
	[sflag:s22] =	ssyncset.done $0x0  }
0xa0: {  	[sflag:s22] =	ssyncadd.s32 s4;
	_ =	sdelay $0x1  }
0xa1: {  	s23 =	simm.s32 $0x1B8B  }
0xa2: {  	_ =	swait.ge [sflag:s23], $0x1  }
0xa3: {  	[sflag:s23] =	ssyncset.done $0x0  }
0xa4: {  	s25 =	simm.s32 $0x1B8E;
	s24 =	sld [smem:$0x3FFE];
	[sflag:s23] =	ssyncadd.s32 $0xFFFFFFFF  }
0xa5: {  	s26 =	simm.s32 $execute0_lowered;
	[smem:$0x3FD2] =	sst s25  }
0xa6: {  	s5 =	sshll.u32 s26, $0x1;
	_ =	strace $0x80000049;
	[dreg:$0x1] =	wrdreg $0xFFFFFFFF  }
0xa7: {  	s28 =	simm.s32 $_size_execute0_lowered;
	s3 =	sadd.s32 s3, s5;
	[dreg:$0x0] =	wrdreg $0x0  }
0xa8: {  	s5 =	sshll.u32 s28, $0x1;
	[dreg:$0x2] =	wrdreg s3  }
0xa9: {  	[dreg:$0x3] =	wrdreg s5  }
0xaa: {  	[dreg:$0x4] =	wrdreg $0xC0  }
0xab: {  	_ =	task [dreg:s7], $0x5FFFF  }
0xac: {  	[dreg:$0x1] =	wrdreg $0xFFFFFFFF  }
0xad: {  	[dreg:$0x0] =	wrdreg $0x60  }
0xae: {  	[dreg:$0x2] =	wrdreg s24  }
0xaf: {  	[dreg:$0x3] =	wrdreg s2  }
0xb0: {  	[dreg:$0x4] =	wrdreg $0xB2900  }
0xb1: {  	[dreg:$0x5] =	wrdreg $0x9  }
0xb2: {  	_ =	task.clear_ibuf [dreg:s7], $0x6FFFF;
	_ =	strace $0x90000049  }
0xb3: {  	s29 =	simm.s32 $0x9;
	_ =	strace $0x8000004B  }
0xb4: {  	_ =	swait.ge [sflag:s29], $0x1  }
0xb5: {  	[sflag:s29] =	ssyncadd.s32 $0xFFFFFFFF  }
0xb6: {  	_ =	strace $0x9000004B  }
0xb7: {  	_ =	sfence  }
0xb8: {  	s30 =	sld [smem:$0x0];
	_ =	sdelay $0x2  }
0xb9: {  	s31 =	sshll.u32 s1, $0xD;
	s1 =	sshrl.u32 s1, $0x2  }
0xba: {  	s3 =	sand.u32 $0x4000, s31;
	s1 =	sadd.s32 s1, s30  }
0xbb: {  	s0 =	sor.u32 s3, s0;
	s1 =	sshll.u32 s1, $0x11  }
0xbc: {  	s0 =	sor.u32 s1, s0  }
0xbd: {  	s0 =	sadd.s32 $0x8F2B, s0  }
0xbe: {  	[sflag:s0] =	ssyncadd.remote.s32 $0x1  }
0xbf: {  	_ =	sfence.sel $0xFFFF  }
0xc0: {  	[dreg:$0x0] =	wrdreg $0xFFFFFFFF;
	(pc) =	sbr.abs _section_cstart, $3  }
0xc1: {  	[dreg:$0x1] =	wrdreg $0xFFFFFFFF  }
0xc2: {  	_ =	task.clear_ibuf [dreg:s7], $0x2FFFF;
	_ =	strace $0x9FFFFFFF  }
0xc3: {  	(tm) =	ssettm $0x7FFFFFFF  }
tec
execute0_lowered:
.L_overlay_start_1:
0x0: {  	(tag) =	ssettag $0x1  }
0x1: {  	s0 =	rddreg [dreg:$0x0];
	s1 =	srdreg.scid  }
0x2: {  	s11 =	stileid.u32;
	s3 =	rddreg [dreg:$0x1]  }
0x3: {  	s2 =	rddreg [dreg:$0x2];
	s5 =	simm.s32 $0x0;
	s14 =	simm.s32 $0x7  }
0x4: {  	s17 =	simm.s32 $0x80;
	s18 =	simm.s32 $0x5200;
	s19 =	simm.s32 $0x8280  }
0x5: {  	s20 =	simm.s32 $0x5280;
	s21 =	simm.s32 $0x9A80;
	s28 =	simm.s32 $0x6  }
0x6: {  	s29 =	simm.s32 $0xAA80;
	s30 =	simm.s32 $0x2;
	s31 =	simm.s32 $0x5180  }
0x7: {  	s15 =	simm.s32 $0x5;
	s1 =	sand.u32 $0x1, s1;
	s4 =	sshll.u32 s11, $0x1  }
0x8: {  	[smem:$0x7FF] =	sst s5;
	s7 =	smul.u32 $0x7680, s11;
	s5 =	sadd.s32 $0x1A00, s0  }
0x9: {  	s9 =	sadd.s32 $0x1800, s0;
	s10 =	sadd.s32 $0x15600, s0;
	s24 =	sshll.u32 s11, $0x6  }
0xa: {  	s4 =	sor.u32 s1, s4;
	_ =	strace $0x8000004A;
	[dreg:$0x4] =	wrdreg s9  }
0xb: {  	s8 =	smul.u32 $0x76800, s1;
	s1 =	ssub.s32 $0x2, s1;
	[dreg:$0x5] =	wrdreg s10  }
0xc: {  	s6 =	smul.u32 $0x510, s4;
	s4 =	sadd.s32 $0x6A00, s0;
	s23 =	sshrl.u32 s1, $0x1  }
0xd: {  	s8 =	sadd.s32 s7, s8;
	s1 =	ssub.s32 s1, s23;
	s7 =	sadd.s32 s7, s2  }
0xe: {  	s23 =	simm.s32 $0x0;
	s22 =	sadd.s32 s6, s0;
	s8 =	sshrl.u32 s8, $0x3  }
0xf: {  	s3 =	sadd.s32 s3, s6;
	s26 =	smax.u32 s1, $0x1;
	s6 =	sshrl.u32 s7, $0x3  }
0x10: {  	s1 =	simm.s32 $0x4;
	s0 =	sadd.s32 s8, s0;
	[dreg:$0x6] =	wrdreg s3  }
0x11: {  	s8 =	sor.u32 $0x1C07, s24;
	s25 =	sadd.s32 $0x1F200, s22;
	[dreg:$0x9] =	wrdreg s26  }
0x12: {  	s22 =	simm.s32 $0x6A80;
	s24 =	simm.s32 $0xA280;
	[dreg:$0xa] =	wrdreg s6  }
0x13: {  	s26 =	simm.s32 $0x5100;
	[dreg:$0x7] =	wrdreg s25;
	s0 =	sadd.s32 $0x29400, s0  }
0x14: {  	v0 =	vimm.s32 $0x2710;
	v1 =	vimm.s32 $0x9;
	s25 =	simm.s32 $0x1;
	[dreg:$0x8] =	wrdreg s0;
	s0 =	simm.s32 $0x3  }
.LBB2_1:
0x15: {  	s3 =	rddreg [dreg:$0x5]  }
0x16: {  	[spmem:s6], [sflag:s8] =	dma.local [hbm:s3], $0xED0  }
0x17: {  	_ =	swait.ge [sflag:s14], $0xED0  }
0x18: {  	s13 =	smov.u32 s8;
	s7 =	simm.s32 $0xB280;
	[sflag:s14] =	ssyncset.done $0x0  }
0x19: {  	s8 =	simm.s32 $0x0;
	s9 =	rddreg [dreg:$0x4];
	[sflag:s14] =	ssyncadd.s32 $0xFFFFF130  }
0x1a: {  	[tilespmem:s7], [sflag:$0x7] =	stream.linear.gather [hbm4b:s9+s8], $0x10, $0x38;
	[tilespmem:$0x12910] =	vst v63  }
0x1b: {  	_ =	swait.ge [sflag:s14], $0x10  }
0x1c: {  	[sflag:s14] =	ssyncset.done $0x0  }
0x1d: {  	s10 =	rddreg [dreg:$0x6];
	[sflag:s14] =	ssyncadd.s32 $0xFFFFFFF0  }
0x1e: {  	[tilespmem:s8], [sflag:$0x7] =	stream.linear.gather [hbm4b:s10+s8], $0x2880, $0x38;
	[tilespmem:$0x12910] =	vst v63  }
0x1f: {  	_ =	swait.ge [sflag:s14], $0x2880  }
0x20: {  	[sflag:s14] =	ssyncset.done $0x0  }
0x21: {  	s12 =	simm.s32 $0x2880;
	s11 =	rddreg [dreg:$0x7];
	[sflag:s14] =	ssyncadd.s32 $0xFFFFD780  }
0x22: {  	[tilespmem:s12], [sflag:$0x7] =	stream.linear.gather [hbm4b:s11+s8], $0x2880, $0x38;
	[tilespmem:$0x12910] =	vst v63  }
0x23: {  	_ =	swait.ge [sflag:s14], $0x2880  }
0x24: {  	[sflag:s14] =	ssyncset.done $0x0  }
0x25: {  	[sflag:s14] =	ssyncadd.s32 $0xFFFFD780  }
0x26: {  	[bflag:$0x0] =	sbarrier.arrive $0xFFFF  }
0x27: {  	[tilespmem:$0x5200] =	vst v0  }
0x28: {  	[tilespmem:$0x5210] =	vst v0  }
0x29: {  	[tilespmem:$0x5220] =	vst v0  }
0x2a: {  	[tilespmem:$0x5230] =	vst v0  }
0x2b: {  	[tilespmem:$0x5240] =	vst v0  }
0x2c: {  	[tilespmem:$0x5250] =	vst v0  }
0x2d: {  	[tilespmem:$0x5260] =	vst v0  }
0x2e: {  	[tilespmem:$0x5270] =	vst v0  }
0x2f: {  	v2 =	vld [tilespmem:$0xB280];
	[spmem:s2] =	stream.indirect.scatter.add.f32 [tilespmem:s19], [sflag:$0x6], $0x30, s18, s17, $0xb8  }
0x30: {  	_ = 	snop  }
0x31: {  	[tilespmem:s20], [sflag:$0x1] =	stream.indirect.gather [hbm4b:s4+s17], $0x30, s8, s17, $0xb8;
	[tilespmem:$0x12910] =	vst v63  }
0x32: {  	_ = 	snop  }
0x33: {  	[tilespmem:s21], [sflag:$0x1] =	stream.indirect.gather [hbm4b:s5+s17], $0x10, s12, s17, $0xb8;
	[tilespmem:$0x12910] =	vst v63  }
0x34: {  	_ = 	snop  }
0x35: {  	[tilespmem:s22], [sflag:$0x2] =	stream.indirect.gather [hbm4b:s4+s17], $0x30, s17, s17, $0xb8;
	[tilespmem:$0x12910] =	vst v63  }
0x36: {  	s16 =	simm.s32 $0x2900  }
0x37: {  	[tilespmem:s24], [sflag:$0x2] =	stream.indirect.gather [hbm4b:s5+s17], $0x10, s16, s17, $0xb8;
	[tilespmem:$0x12910] =	vst v63  }
0x38: {  	s16 =	simm.s32 $0x0  }
.LBB2_2:
0x39: {  	_ =	swait.ge [sflag:s25], $0x1800  }
0x3a: {  	[sflag:s25] =	ssyncset.done $0x0  }
0x3b: {  	[sflag:s25] =	ssyncadd.s32 $0xFFFFE800  }
0x3c: {  	_ =	swait.ge [sflag:s25], $0x800  }
0x3d: {  	s6 =	smul.u32 $0x180, s16;
	[sflag:s25] =	ssyncset.done $0x0  }
0x3e: {  	[sflag:s25] =	ssyncadd.s32 $0xFFFFF800  }
0x3f: {  	v3 =	vld [tilespmem:s6+$0x2880];
	_ =	sdelay $0x4  }
0x40: {  	[tilespmem:$0x5100] =	vst v3  }
0x41: {  	v3 =	vld [tilespmem:s6+$0x2890];
	_ =	sdelay $0x4  }
0x42: {  	[tilespmem:$0x5110] =	vst v3  }
0x43: {  	v3 =	vld [tilespmem:s6+$0x28A0];
	_ =	sdelay $0x4  }
0x44: {  	[tilespmem:$0x5120] =	vst v3  }
0x45: {  	v3 =	vld [tilespmem:s6+$0x28B0];
	_ =	sdelay $0x4  }
0x46: {  	[tilespmem:$0x5130] =	vst v3  }
0x47: {  	v3 =	vld [tilespmem:s6+$0x28C0];
	_ =	sdelay $0x4  }
0x48: {  	[tilespmem:$0x5140] =	vst v3  }
0x49: {  	v3 =	vld [tilespmem:s6+$0x28D0];
	_ =	sdelay $0x4  }
0x4a: {  	[tilespmem:$0x5150] =	vst v3  }
0x4b: {  	v3 =	vld [tilespmem:s6+$0x28E0];
	_ =	sdelay $0x4  }
0x4c: {  	[tilespmem:$0x5160] =	vst v3  }
0x4d: {  	v3 =	vld [tilespmem:s6+$0x28F0];
	_ =	sdelay $0x4  }
0x4e: {  	s9 =	simm.s32 $0x52E0;
	[tilespmem:$0x5170] =	vst v3  }
0x4f: {  	s3 =	simm.s32 $0x9AA0;
	v7 =	vld [tilespmem:s9+$0x50]  }
0x50: {  	v3 =	vld [tilespmem:s3+$0x10]  }
0x51: {  	v4 =	vld [tilespmem:s3+$0xFFFFFFE0]  }
0x52: {  	v17 =	vld [tilespmem:s9+$0xFFFFFFF0]  }
0x53: {  	v5 =	vld [tilespmem:s3+$0xFFFFFFF0]  }
0x54: {  	v21 =	vld [tilespmem:s9+$0x20]  }
0x55: {  	v6 =	vld [tilespmem:s3+$0x0]  }
0x56: {  	v16 =	vld [tilespmem:s9+$0xFFFFFFC0]  }
0x57: {  	v12 =	vld [tilespmem:s9+$0xFFFFFFA0];
	v3 =	vadd.f32 v3, v7  }
0x58: {  	v18 =	vld [tilespmem:s9+$0xFFFFFFB0]  }
0x59: {  	v19 =	vld [tilespmem:s9+$0xFFFFFFD0];
	v8 =	vmul.f32 $2.000000030e-01, v3  }
0x5a: {  	v20 =	vld [tilespmem:s9+$0xFFFFFFE0]  }
0x5b: {  	v22 =	vld [tilespmem:s9+$0x0];
	v5 =	vadd.f32 v5, v17;
	v3 =	vmax.f32 v3, v8  }
0x5c: {  	v23 =	vld [tilespmem:s9+$0x10];
	v6 =	vadd.f32 v6, v21;
	v3 =	vsub.f32 v3, v2  }
0x5d: {  	v11 =	vld [tilespmem:s9+$0x30];
	v4 =	vadd.f32 v4, v16;
	v8 =	vmul.f32 $2.000000030e-01, v5  }
0x5e: {  	s7 =	simm.s32 $0x53A0;
	v24 =	vld [tilespmem:s9+$0x40];
	v9 =	vmul.f32 $2.000000030e-01, v6;
	v3 =	vmul.f32 $1.442695020e+00, v3  }
0x5f: {  	s12 =	simm.s32 $0x9AE0;
	v25 =	vld [tilespmem:s7+$0x50];
	v10 =	vmul.f32 $2.000000030e-01, v4;
	v5 =	vmax.f32 v5, v8  }
0x60: {  	(erf) = vpow2.f32 v3;
	v3 =	vsub.f32 v5, v2;
	v5 =	vmax.f32 v6, v9;
	v6 =	vld [tilespmem:s12+$0x10]  }
0x61: {  	v13 =	vld [tilespmem:s12+$0xFFFFFFF0];
	v4 =	vmax.f32 v4, v10;
	v5 =	vsub.f32 v5, v2  }
0x62: {  	v14 =	vld [tilespmem:s12+$0x0];
	v8 =	vsub.f32 v4, v2;
	v3 =	vmul.f32 $1.442695020e+00, v3  }
0x63: {  	v4 =	vld [tilespmem:s7+$0xFFFFFFF0];
	v5 =	vmul.f32 $1.442695020e+00, v5  }
0x64: {  	v8 =	vmul.f32 $1.442695020e+00, v8;
	(erf) = vpow2.f32 v3;
	v3 =	vld [tilespmem:s7+$0x20]  }
0x65: {  	v9 =	vld [tilespmem:s12+$0xFFFFFFE0];
	(erf) = vpow2.f32 v5;
	v6 =	vadd.f32 v6, v25  }
0x66: {  	s11 =	simm.s32 $0x9B20;
	v5 =	vld [tilespmem:s7+$0xFFFFFFC0];
	(erf) = vpow2.f32 v8  }
0x67: {  	v53 =	vld [tilespmem:s11+$0x10];
	v15 =	vmul.f32 $2.000000030e-01, v6  }
0x68: {  	v36 =	vld [tilespmem:s11+$0xFFFFFFE0];
	v27 =	vadd.f32 v13, v4  }
0x69: {  	v10 =	vld [tilespmem:s7+$0xFFFFFFB0];
	v26 =	vpop (erf);
	v15 =	vmax.f32 v6, v15;
	v14 =	vadd.f32 v14, v3  }
0x6a: {  	v13 =	vld [tilespmem:s7+$0xFFFFFFD0];
	v30 =	vmul.f32 $2.000000030e-01, v27;
	v26 =	vperm.xlane v26, v1;
	v15 =	vsub.f32 v15, v2  }
0x6b: {  	v8 =	vld [tilespmem:s7+$0xFFFFFFA0];
	v29 =	vadd.f32 v9, v5;
	v31 =	vmul.f32 $2.000000030e-01, v14  }
0x6c: {  	v6 =	vld [tilespmem:s7+$0xFFFFFFE0];
	v15 =	vmul.f32 $1.442695020e+00, v15;
	v32 =	vmul.f32 v11, v26;
	v11 =	vmax.f32 v27, v30  }
0x6d: {  	v9 =	vld [tilespmem:s7+$0x0];
	v28 =	vmul.f32 v26, v7;
	v34 =	vmul.f32 $2.000000030e-01, v29;
	v33 =	vpop (erf);
	v35 =	vsub.f32 v11, v2  }
0x6e: {  	v7 =	vld [tilespmem:s7+$0x10];
	v14 =	vmax.f32 v14, v31;
	v27 =	vpop (erf);
	(erf) = vpow2.f32 v15;
	v31 =	vperm.xlane v33, v1  }
0x6f: {  	s10 =	simm.s32 $0x5460;
	v30 =	vld [tilespmem:s7+$0x30];
	v29 =	vmax.f32 v29, v34;
	v14 =	vsub.f32 v14, v2;
	v52 =	vpop (erf);
	v35 =	vmul.f32 $1.442695020e+00, v35  }
0x70: {  	v15 =	vld [tilespmem:s10+$0x50];
	v29 =	vsub.f32 v29, v2;
	v27 =	vperm.xlane v27, v1;
	v33 =	vperm.xlane v52, v1  }
0x71: {  	v11 =	vld [tilespmem:s7+$0x40];
	v37 =	vmul.f32 $1.442695020e+00, v14;
	v56 =	vmul.f32 v20, v31  }
0x72: {  	[tilespmem:s9+$0x50] =	vst v28;
	v14 =	vld [tilespmem:s10+$0xFFFFFFF0];
	v28 =	vmul.f32 $1.442695020e+00, v29;
	(erf) = vpow2.f32 v35  }
0x73: {  	[tilespmem:s9+$0x30] =	vst v32;
	v29 =	vld [tilespmem:s11+$0xFFFFFFF0];
	v12 =	vmul.f32 v12, v33;
	(erf) = vpow2.f32 v37  }
0x74: {  	v57 =	vmul.f32 v22, v27;
	[tilespmem:s9+$0xFFFFFFE0] =	vst v56;
	(erf) = vpow2.f32 v28;
	v28 =	vld [tilespmem:s11+$0x0]  }
0x75: {  	v58 =	vmul.f32 v23, v27;
	v60 =	vmul.f32 v27, v21;
	v55 =	vadd.f32 v53, v15;
	[tilespmem:s9+$0xFFFFFFA0] =	vst v12;
	v12 =	vld [tilespmem:s10+$0x20]  }
0x76: {  	v18 =	vmul.f32 v18, v33;
	v54 =	vmul.f32 v33, v16;
	v16 =	vld [tilespmem:s10+$0xFFFFFFC0];
	[tilespmem:s9+$0x0] =	vst v57  }
0x77: {  	v27 =	vmul.f32 v24, v26;
	v23 =	vld [tilespmem:s10+$0x0];
	[tilespmem:s9+$0x10] =	vst v58;
	v22 =	vmul.f32 $2.000000030e-01, v55  }
0x78: {  	v24 =	vld [tilespmem:s10+$0x10];
	[tilespmem:s9+$0xFFFFFFB0] =	vst v18;
	v18 =	vmul.f32 v19, v31;
	v31 =	vmul.f32 v31, v17;
	v59 =	vadd.f32 v29, v14;
	v17 =	vpop (erf)  }
0x79: {  	[tilespmem:s9+$0x20] =	vst v60;
	v19 =	vld [tilespmem:s10+$0xFFFFFFA0];
	v21 =	vmax.f32 v55, v22;
	v20 =	vperm.xlane v17, v1  }
0x7a: {  	[tilespmem:s9+$0xFFFFFFD0] =	vst v18;
	v18 =	vld [tilespmem:s10+$0xFFFFFFB0];
	v21 =	vsub.f32 v21, v2;
	v26 =	vmul.f32 $2.000000030e-01, v59;
	v61 =	vadd.f32 v28, v12  }
0x7b: {  	[tilespmem:s9+$0xFFFFFFC0] =	vst v54;
	v22 =	vld [tilespmem:s10+$0xFFFFFFE0];
	v29 =	vadd.f32 v36, v16;
	v25 =	vmul.f32 v20, v25;
	v62 =	vmul.f32 v30, v20  }
0x7c: {  	[tilespmem:s9+$0xFFFFFFF0] =	vst v31;
	v17 =	vld [tilespmem:s10+$0xFFFFFFD0];
	v31 =	vpop (erf);
	v38 =	vmul.f32 $1.442695020e+00, v21;
	v63 =	vmul.f32 $2.000000030e-01, v61  }
0x7d: {  	v30 =	vmul.f32 $2.000000030e-01, v29;
	v21 =	vld [tilespmem:s10+$0x30];
	v28 =	vpop (erf);
	[tilespmem:s7+$0x50] =	vst v25;
	v25 =	vmax.f32 v59, v26;
	v26 =	vperm.xlane v31, v1  }
0x7e: {  	s3 =	simm.s32 $0x5520;
	s12 =	simm.s32 $0x8;
	v32 =	vpop (erf);
	(erf) = vpow2.f32 v38;
	[tilespmem:s7+$0x30] =	vst v62;
	v31 =	vsub.f32 v25, v2;
	v33 =	vmax.f32 v61, v63;
	v25 =	vld [tilespmem:s10+$0x40]  }
.LBB2_3:
0x7f: {  	v34 =	vld [tilespmem:s3+$0x50];
	v29 =	vmax.f32 v29, v30;
	v30 =	vsub.f32 v33, v2;
	s11 =	sadd.s32 $0x40, s11;
	v32 =	vperm.xlane v32, v1;
	[tilespmem:s9+$0x40] =	vst v27;
	s9 =	smov.u32 s7;
	s7 =	smov.u32 s10  }
0x80: {  	s12 =	sadd.s32 $0x4, s12;
	v28 =	vperm.xlane v28, v1;
	v33 =	vmovc v6;
	v6 =	vmovc v22;
	s10 =	smov.u32 s3;
	v27 =	vld [tilespmem:s11+$0x10];
	v29 =	vsub.f32 v29, v2;
	v36 =	vmul.f32 $1.442695020e+00, v31  }
0x81: {  	p0 =	slt.u32 s12, $0x7C;
	v35 =	vld [tilespmem:s11+$0xFFFFFFE0];
	v22 =	vmul.f32 $1.442695020e+00, v30;
	v30 =	vmul.f32 v8, v32;
	v8 =	vmovc v19;
	v19 =	vmovc v9;
	v9 =	vmov v23  }
0x82: {  	v31 =	vmovc v7;
	v7 =	vmovc v24;
	v24 =	vmov v11;
	v23 =	vld [tilespmem:s3+$0xFFFFFFF0];
	v29 =	vmul.f32 $1.442695020e+00, v29;
	(erf) = vpow2.f32 v36  }
0x83: {  	v36 =	vld [tilespmem:s11+$0xFFFFFFF0];
	(erf) = vpow2.f32 v22;
	[tilespmem:s9+$0xFFFFFFA0] =	vst v30;
	v22 =	vmul.f32 v10, v32;
	v10 =	vmovc v18;
	v11 =	vmov v25  }
0x84: {  	v18 =	vmul.f32 v32, v5;
	v5 =	vmov v16;
	v25 =	vld [tilespmem:s3+$0x20];
	(erf) = vpow2.f32 v29  }
0x85: {  	v30 =	vmul.f32 v33, v26;
	v29 =	vld [tilespmem:s11+$0x0];
	v27 =	vadd.f32 v27, v34;
	[tilespmem:s9+$0xFFFFFFB0] =	vst v22;
	v22 =	vmul.f32 v13, v26  }
0x86: {  	v32 =	vmul.f32 v19, v28;
	v26 =	vmul.f32 v26, v4;
	v4 =	vmovc v14;
	v13 =	vmov v17;
	v16 =	vld [tilespmem:s3+$0xFFFFFFC0];
	[tilespmem:s9+$0xFFFFFFC0] =	vst v18  }
0x87: {  	v31 =	vmul.f32 v31, v28;
	v19 =	vld [tilespmem:s3+$0xFFFFFFA0];
	v33 =	vmul.f32 $2.000000030e-01, v27;
	v17 =	vpop (erf);
	[tilespmem:s9+$0xFFFFFFD0] =	vst v22;
	v14 =	vmov v23  }
0x88: {  	v38 =	vmul.f32 v28, v3;
	v18 =	vld [tilespmem:s3+$0xFFFFFFB0];
	v36 =	vadd.f32 v36, v14;
	v37 =	vperm.xlane v17, v1;
	[tilespmem:s9+$0xFFFFFFE0] =	vst v30  }
0x89: {  	v3 =	vmovc v12;
	v17 =	vld [tilespmem:s3+$0xFFFFFFD0];
	v23 =	vmax.f32 v27, v33;
	[tilespmem:s9+$0xFFFFFFF0] =	vst v26;
	v27 =	vmul.f32 v24, v20;
	v12 =	vmov v25  }
.Ltmp0:
0x8a: {  	v22 =	vld [tilespmem:s3+$0xFFFFFFE0];
	v20 =	vadd.f32 v29, v12;
	v25 =	vsub.f32 v23, v2;
	v30 =	vmul.f32 v37, v15;
	[tilespmem:s9+$0x0] =	vst v32;
	(pc) =	sbr.rel @p0 .LBB2_3-.Ltmp0, $4  }
0x8b: {  	v26 =	vmul.f32 $2.000000030e-01, v36;
	v29 =	vadd.f32 v35, v16;
	v23 =	vld [tilespmem:s3+$0x0];
	v35 =	vmul.f32 v21, v37;
	v32 =	vpop (erf);
	[tilespmem:s9+$0x10] =	vst v31  }
0x8c: {  	v15 =	vmov v34;
	v33 =	vmul.f32 $2.000000030e-01, v20;
	v24 =	vld [tilespmem:s3+$0x10];
	v39 =	vmul.f32 $1.442695020e+00, v25;
	[tilespmem:s7+$0x50] =	vst v30;
	v28 =	vpop (erf)  }
0x8d: {  	v25 =	vmax.f32 v36, v26;
	v26 =	vperm.xlane v32, v1;
	v30 =	vmul.f32 $2.000000030e-01, v29;
	v21 =	vld [tilespmem:s3+$0x30];
	v32 =	vpop (erf);
	[tilespmem:s9+$0x20] =	vst v38  }
0x8e: {  	v31 =	vsub.f32 v25, v2;
	s3 =	sadd.s32 $0xC0, s3;
	v33 =	vmax.f32 v20, v33;
	v25 =	vld [tilespmem:s10+$0x40];
	(erf) = vpow2.f32 v39;
	[tilespmem:s7+$0x30] =	vst v35;
	v20 =	vmovc v37  }
0x8f: {  	v29 =	vmax.f32 v29, v30;
	v30 =	vsub.f32 v33, v2  }
0x90: {  	v29 =	vsub.f32 v29, v2;
	v31 =	vmul.f32 $1.442695020e+00, v31  }
0x91: {  	v32 =	vperm.xlane v32, v1;
	v30 =	vmul.f32 $1.442695020e+00, v30  }
0x92: {  	v29 =	vmul.f32 $1.442695020e+00, v29;
	(erf) = vpow2.f32 v31  }
0x93: {  	v8 =	vmul.f32 v8, v32;
	(erf) = vpow2.f32 v30  }
0x94: {  	v10 =	vmul.f32 v10, v32;
	(erf) = vpow2.f32 v29  }
0x95: {  	v5 =	vmul.f32 v32, v5;
	[tilespmem:s7+$0xFFFFFFA0] =	vst v8  }
0x96: {  	[tilespmem:s7+$0xFFFFFFB0] =	vst v10;
	v8 =	vmul.f32 v13, v26;
	v10 =	vperm.xlane v28, v1  }
0x97: {  	[tilespmem:s9+$0x40] =	vst v27;
	v6 =	vmul.f32 v6, v26;
	v4 =	vmul.f32 v26, v4  }
0x98: {  	[tilespmem:s7+$0xFFFFFFD0] =	vst v8;
	v8 =	vmul.f32 v9, v10  }
0x99: {  	[tilespmem:s7+$0xFFFFFFE0] =	vst v6;
	v6 =	vmul.f32 v7, v10  }
0x9a: {  	[tilespmem:s7+$0xFFFFFFC0] =	vst v5;
	v5 =	vpop (erf)  }
0x9b: {  	[tilespmem:s7+$0xFFFFFFF0] =	vst v4;
	v5 =	vperm.xlane v5, v1;
	v4 =	vpop (erf)  }
0x9c: {  	v3 =	vmul.f32 v10, v3;
	[tilespmem:s7+$0x0] =	vst v8;
	v8 =	vpop (erf)  }
0x9d: {  	[tilespmem:s7+$0x10] =	vst v6;
	v7 =	vmul.f32 v5, v15;
	v6 =	vpop (erf)  }
0x9e: {  	[tilespmem:s7+$0x20] =	vst v3;
	v9 =	vmul.f32 v21, v5;
	v6 =	vperm.xlane v6, v1  }
0x9f: {  	[tilespmem:s10+$0x50] =	vst v7;
	v7 =	vmul.f32 v11, v20  }
0xa0: {  	[tilespmem:s10+$0x30] =	vst v9;
	v3 =	vmul.f32 v19, v6  }
0xa1: {  	v4 =	vperm.xlane v4, v1;
	[tilespmem:s7+$0x40] =	vst v7;
	v7 =	vmul.f32 v18, v6  }
0xa2: {  	[tilespmem:s10+$0xFFFFFFA0] =	vst v3;
	v3 =	vmul.f32 v6, v16  }
0xa3: {  	[tilespmem:s10+$0xFFFFFFB0] =	vst v7;
	v6 =	vmul.f32 v17, v4  }
0xa4: {  	v7 =	vperm.xlane v8, v1;
	v8 =	vmul.f32 v22, v4;
	[tilespmem:s10+$0xFFFFFFC0] =	vst v3  }
0xa5: {  	v3 =	vmul.f32 v4, v14;
	[tilespmem:s10+$0xFFFFFFD0] =	vst v6  }
0xa6: {  	v4 =	vmul.f32 v23, v7;
	[tilespmem:s10+$0xFFFFFFE0] =	vst v8  }
0xa7: {  	v6 =	vmul.f32 v24, v7;
	[tilespmem:s10+$0xFFFFFFF0] =	vst v3  }
0xa8: {  	v3 =	vmul.f32 v7, v12;
	[tilespmem:s10+$0x0] =	vst v4  }
0xa9: {  	v4 =	vmul.f32 v25, v5;
	[tilespmem:s10+$0x10] =	vst v6  }
0xaa: {  	[tilespmem:s10+$0x20] =	vst v3  }
0xab: {  	[tilespmem:s10+$0x40] =	vst v4  }
0xac: {  	[spmem:s2] =	stream.indirect.scatter.add.f32 [tilespmem:s20], [sflag:$0x4], $0x30, s26, s17, $0xb8;
	[tilespmem:$0x12910] =	vst v63  }
0xad: {  	_ =	swait.ge [sflag:s28], $0x1800  }
0xae: {  	[sflag:s28] =	ssyncset.done $0x0  }
0xaf: {  	s7 =	sadd.s32 $0x100, s6;
	[sflag:s28] =	ssyncadd.s32 $0xFFFFE800  }
0xb0: {  	[tilespmem:s19], [sflag:$0x3] =	stream.indirect.gather [hbm4b:s4+s17], $0x30, s7, s17, $0xb8;
	[tilespmem:$0x12910] =	vst v63  }
0xb1: {  	s3 =	sadd.s32 $0x2980, s6  }
0xb2: {  	[tilespmem:s29], [sflag:$0x3] =	stream.indirect.gather [hbm4b:s5+s17], $0x10, s3, s17, $0xb8;
	[tilespmem:$0x12910] =	vst v63  }
0xb3: {  	_ =	swait.ge [sflag:s30], $0x1800  }
0xb4: {  	[sflag:s30] =	ssyncset.done $0x0  }
0xb5: {  	[sflag:s30] =	ssyncadd.s32 $0xFFFFE800  }
0xb6: {  	_ =	swait.ge [sflag:s30], $0x800  }
0xb7: {  	[sflag:s30] =	ssyncset.done $0x0  }
0xb8: {  	[sflag:s30] =	ssyncadd.s32 $0xFFFFF800  }
0xb9: {  	v3 =	vld [tilespmem:s6+$0x2900];
	_ =	sdelay $0x4  }
0xba: {  	[tilespmem:$0x5180] =	vst v3  }
0xbb: {  	v3 =	vld [tilespmem:s6+$0x2910];
	_ =	sdelay $0x4  }
0xbc: {  	[tilespmem:$0x5190] =	vst v3  }
0xbd: {  	v3 =	vld [tilespmem:s6+$0x2920];
	_ =	sdelay $0x4  }
0xbe: {  	[tilespmem:$0x51A0] =	vst v3  }
0xbf: {  	v3 =	vld [tilespmem:s6+$0x2930];
	_ =	sdelay $0x4  }
0xc0: {  	[tilespmem:$0x51B0] =	vst v3  }
0xc1: {  	v3 =	vld [tilespmem:s6+$0x2940];
	_ =	sdelay $0x4  }
0xc2: {  	[tilespmem:$0x51C0] =	vst v3  }
0xc3: {  	v3 =	vld [tilespmem:s6+$0x2950];
	_ =	sdelay $0x4  }
0xc4: {  	[tilespmem:$0x51D0] =	vst v3  }
0xc5: {  	v3 =	vld [tilespmem:s6+$0x2960];
	_ =	sdelay $0x4  }
0xc6: {  	[tilespmem:$0x51E0] =	vst v3  }
0xc7: {  	v3 =	vld [tilespmem:s6+$0x2970];
	_ =	sdelay $0x4  }
0xc8: {  	s10 =	simm.s32 $0x6AE0;
	[tilespmem:$0x51F0] =	vst v3  }
0xc9: {  	s11 =	simm.s32 $0xA2A0;
	v7 =	vld [tilespmem:s10+$0x50]  }
0xca: {  	v3 =	vld [tilespmem:s11+$0x10]  }
0xcb: {  	v4 =	vld [tilespmem:s11+$0xFFFFFFE0]  }
0xcc: {  	v17 =	vld [tilespmem:s10+$0xFFFFFFF0]  }
0xcd: {  	v5 =	vld [tilespmem:s11+$0xFFFFFFF0]  }
0xce: {  	v21 =	vld [tilespmem:s10+$0x20]  }
0xcf: {  	v6 =	vld [tilespmem:s11+$0x0]  }
0xd0: {  	v16 =	vld [tilespmem:s10+$0xFFFFFFC0]  }
0xd1: {  	v12 =	vld [tilespmem:s10+$0xFFFFFFA0];
	v3 =	vadd.f32 v3, v7  }
0xd2: {  	v18 =	vld [tilespmem:s10+$0xFFFFFFB0]  }
0xd3: {  	v19 =	vld [tilespmem:s10+$0xFFFFFFD0];
	v8 =	vmul.f32 $2.000000030e-01, v3  }
0xd4: {  	v20 =	vld [tilespmem:s10+$0xFFFFFFE0]  }
0xd5: {  	v22 =	vld [tilespmem:s10+$0x0];
	v5 =	vadd.f32 v5, v17;
	v3 =	vmax.f32 v3, v8  }
0xd6: {  	v23 =	vld [tilespmem:s10+$0x10];
	v6 =	vadd.f32 v6, v21;
	v3 =	vsub.f32 v3, v2  }
0xd7: {  	v11 =	vld [tilespmem:s10+$0x30];
	v4 =	vadd.f32 v4, v16;
	v8 =	vmul.f32 $2.000000030e-01, v5  }
0xd8: {  	s9 =	simm.s32 $0x6BA0;
	v24 =	vld [tilespmem:s10+$0x40];
	v9 =	vmul.f32 $2.000000030e-01, v6;
	v3 =	vmul.f32 $1.442695020e+00, v3  }
0xd9: {  	s12 =	simm.s32 $0xA2E0;
	v25 =	vld [tilespmem:s9+$0x50];
	v10 =	vmul.f32 $2.000000030e-01, v4;
	v5 =	vmax.f32 v5, v8  }
0xda: {  	(erf) = vpow2.f32 v3;
	v3 =	vsub.f32 v5, v2;
	v5 =	vmax.f32 v6, v9;
	v6 =	vld [tilespmem:s12+$0x10]  }
0xdb: {  	v13 =	vld [tilespmem:s12+$0xFFFFFFF0];
	v4 =	vmax.f32 v4, v10;
	v5 =	vsub.f32 v5, v2  }
0xdc: {  	v14 =	vld [tilespmem:s12+$0x0];
	v8 =	vsub.f32 v4, v2;
	v3 =	vmul.f32 $1.442695020e+00, v3  }
0xdd: {  	v4 =	vld [tilespmem:s9+$0xFFFFFFF0];
	v5 =	vmul.f32 $1.442695020e+00, v5  }
0xde: {  	v8 =	vmul.f32 $1.442695020e+00, v8;
	(erf) = vpow2.f32 v3;
	v3 =	vld [tilespmem:s9+$0x20]  }
0xdf: {  	v9 =	vld [tilespmem:s12+$0xFFFFFFE0];
	(erf) = vpow2.f32 v5;
	v6 =	vadd.f32 v6, v25  }
0xe0: {  	v5 =	vld [tilespmem:s9+$0xFFFFFFC0];
	(erf) = vpow2.f32 v8  }
0xe1: {  	v10 =	vld [tilespmem:s9+$0xFFFFFFB0];
	s12 =	simm.s32 $0xA320;
	v15 =	vmul.f32 $2.000000030e-01, v6  }
0xe2: {  	v53 =	vld [tilespmem:s12+$0x10];
	v27 =	vadd.f32 v13, v4  }
0xe3: {  	v36 =	vld [tilespmem:s12+$0xFFFFFFE0];
	v26 =	vpop (erf);
	v15 =	vmax.f32 v6, v15;
	v14 =	vadd.f32 v14, v3  }
0xe4: {  	v13 =	vld [tilespmem:s9+$0xFFFFFFD0];
	v30 =	vmul.f32 $2.000000030e-01, v27;
	v26 =	vperm.xlane v26, v1;
	v15 =	vsub.f32 v15, v2  }
0xe5: {  	v8 =	vld [tilespmem:s9+$0xFFFFFFA0];
	v29 =	vadd.f32 v9, v5;
	v31 =	vmul.f32 $2.000000030e-01, v14  }
0xe6: {  	v6 =	vld [tilespmem:s9+$0xFFFFFFE0];
	v15 =	vmul.f32 $1.442695020e+00, v15;
	v50 =	vmul.f32 v11, v26;
	v11 =	vmax.f32 v27, v30  }
0xe7: {  	v9 =	vld [tilespmem:s9+$0x0];
	v28 =	vmul.f32 v26, v7;
	v34 =	vmul.f32 $2.000000030e-01, v29;
	v51 =	vpop (erf);
	v35 =	vsub.f32 v11, v2  }
0xe8: {  	v7 =	vld [tilespmem:s9+$0x10];
	v14 =	vmax.f32 v14, v31;
	v27 =	vpop (erf);
	(erf) = vpow2.f32 v15;
	v31 =	vperm.xlane v51, v1  }
0xe9: {  	s11 =	simm.s32 $0x6C60;
	v30 =	vld [tilespmem:s9+$0x30];
	v29 =	vmax.f32 v29, v34;
	v14 =	vsub.f32 v14, v2;
	v52 =	vpop (erf);
	v35 =	vmul.f32 $1.442695020e+00, v35  }
0xea: {  	v15 =	vld [tilespmem:s11+$0x50];
	v29 =	vsub.f32 v29, v2;
	v27 =	vperm.xlane v27, v1;
	v33 =	vperm.xlane v52, v1  }
0xeb: {  	v11 =	vld [tilespmem:s9+$0x40];
	v37 =	vmul.f32 $1.442695020e+00, v14;
	v56 =	vmul.f32 v20, v31  }
0xec: {  	[tilespmem:s10+$0x50] =	vst v28;
	v14 =	vld [tilespmem:s11+$0xFFFFFFF0];
	v28 =	vmul.f32 $1.442695020e+00, v29;
	(erf) = vpow2.f32 v35  }
0xed: {  	[tilespmem:s10+$0x30] =	vst v50;
	v29 =	vld [tilespmem:s12+$0xFFFFFFF0];
	v12 =	vmul.f32 v12, v33;
	(erf) = vpow2.f32 v37  }
0xee: {  	v57 =	vmul.f32 v22, v27;
	[tilespmem:s10+$0xFFFFFFE0] =	vst v56;
	(erf) = vpow2.f32 v28;
	v28 =	vld [tilespmem:s12+$0x0]  }
0xef: {  	v58 =	vmul.f32 v23, v27;
	v60 =	vmul.f32 v27, v21;
	v55 =	vadd.f32 v53, v15;
	[tilespmem:s10+$0xFFFFFFA0] =	vst v12;
	v12 =	vld [tilespmem:s11+$0x20]  }
0xf0: {  	v18 =	vmul.f32 v18, v33;
	v54 =	vmul.f32 v33, v16;
	v16 =	vld [tilespmem:s11+$0xFFFFFFC0];
	[tilespmem:s10+$0x0] =	vst v57  }
0xf1: {  	v27 =	vmul.f32 v24, v26;
	v23 =	vld [tilespmem:s11+$0x0];
	[tilespmem:s10+$0x10] =	vst v58;
	v22 =	vmul.f32 $2.000000030e-01, v55  }
0xf2: {  	v24 =	vld [tilespmem:s11+$0x10];
	[tilespmem:s10+$0xFFFFFFB0] =	vst v18;
	v18 =	vmul.f32 v19, v31;
	v31 =	vmul.f32 v31, v17;
	v59 =	vadd.f32 v29, v14;
	v17 =	vpop (erf)  }
0xf3: {  	[tilespmem:s10+$0x20] =	vst v60;
	v19 =	vld [tilespmem:s11+$0xFFFFFFA0];
	v21 =	vmax.f32 v55, v22;
	v20 =	vperm.xlane v17, v1  }
0xf4: {  	[tilespmem:s10+$0xFFFFFFD0] =	vst v18;
	v18 =	vld [tilespmem:s11+$0xFFFFFFB0];
	v21 =	vsub.f32 v21, v2;
	v26 =	vmul.f32 $2.000000030e-01, v59;
	v61 =	vadd.f32 v28, v12  }
0xf5: {  	[tilespmem:s10+$0xFFFFFFC0] =	vst v54;
	v22 =	vld [tilespmem:s11+$0xFFFFFFE0];
	v29 =	vadd.f32 v36, v16;
	v25 =	vmul.f32 v20, v25;
	v62 =	vmul.f32 v30, v20  }
0xf6: {  	[tilespmem:s10+$0xFFFFFFF0] =	vst v31;
	v17 =	vld [tilespmem:s11+$0xFFFFFFD0];
	v31 =	vpop (erf);
	v38 =	vmul.f32 $1.442695020e+00, v21;
	v63 =	vmul.f32 $2.000000030e-01, v61  }
0xf7: {  	v30 =	vmul.f32 $2.000000030e-01, v29;
	v21 =	vld [tilespmem:s11+$0x30];
	v28 =	vpop (erf);
	[tilespmem:s9+$0x50] =	vst v25;
	v25 =	vmax.f32 v59, v26;
	v26 =	vperm.xlane v31, v1  }
0xf8: {  	s8 =	simm.s32 $0x6D20;
	s3 =	simm.s32 $0x8;
	v32 =	vpop (erf);
	(erf) = vpow2.f32 v38;
	[tilespmem:s9+$0x30] =	vst v62;
	v31 =	vsub.f32 v25, v2;
	v33 =	vmax.f32 v61, v63;
	v25 =	vld [tilespmem:s11+$0x40]  }
.LBB2_5:
0xf9: {  	v34 =	vld [tilespmem:s8+$0x50];
	v29 =	vmax.f32 v29, v30;
	v30 =	vsub.f32 v33, v2;
	s12 =	sadd.s32 $0x40, s12;
	v32 =	vperm.xlane v32, v1;
	[tilespmem:s10+$0x40] =	vst v27;
	s10 =	smov.u32 s9;
	s9 =	smov.u32 s11  }
0xfa: {  	s3 =	sadd.s32 $0x4, s3;
	v28 =	vperm.xlane v28, v1;
	v33 =	vmovc v6;
	v6 =	vmovc v22;
	s11 =	smov.u32 s8;
	v27 =	vld [tilespmem:s12+$0x10];
	v29 =	vsub.f32 v29, v2;
	v36 =	vmul.f32 $1.442695020e+00, v31  }
0xfb: {  	p0 =	slt.u32 s3, $0x7C;
	v35 =	vld [tilespmem:s12+$0xFFFFFFE0];
	v22 =	vmul.f32 $1.442695020e+00, v30;
	v30 =	vmul.f32 v8, v32;
	v8 =	vmovc v19;
	v19 =	vmovc v9;
	v9 =	vmov v23  }
0xfc: {  	v31 =	vmovc v7;
	v7 =	vmovc v24;
	v24 =	vmov v11;
	v23 =	vld [tilespmem:s8+$0xFFFFFFF0];
	v29 =	vmul.f32 $1.442695020e+00, v29;
	(erf) = vpow2.f32 v36  }
0xfd: {  	v36 =	vld [tilespmem:s12+$0xFFFFFFF0];
	(erf) = vpow2.f32 v22;
	[tilespmem:s10+$0xFFFFFFA0] =	vst v30;
	v22 =	vmul.f32 v10, v32;
	v10 =	vmovc v18;
	v11 =	vmov v25  }
0xfe: {  	v18 =	vmul.f32 v32, v5;
	v5 =	vmov v16;
	v25 =	vld [tilespmem:s8+$0x20];
	(erf) = vpow2.f32 v29  }
0xff: {  	v30 =	vmul.f32 v33, v26;
	v29 =	vld [tilespmem:s12+$0x0];
	v27 =	vadd.f32 v27, v34;
	[tilespmem:s10+$0xFFFFFFB0] =	vst v22;
	v22 =	vmul.f32 v13, v26  }
0x100: {  	v32 =	vmul.f32 v19, v28;
	v26 =	vmul.f32 v26, v4;
	v4 =	vmovc v14;
	v13 =	vmov v17;
	v16 =	vld [tilespmem:s8+$0xFFFFFFC0];
	[tilespmem:s10+$0xFFFFFFC0] =	vst v18  }
0x101: {  	v31 =	vmul.f32 v31, v28;
	v19 =	vld [tilespmem:s8+$0xFFFFFFA0];
	v33 =	vmul.f32 $2.000000030e-01, v27;
	v17 =	vpop (erf);
	[tilespmem:s10+$0xFFFFFFD0] =	vst v22;
	v14 =	vmov v23  }
0x102: {  	v38 =	vmul.f32 v28, v3;
	v18 =	vld [tilespmem:s8+$0xFFFFFFB0];
	v36 =	vadd.f32 v36, v14;
	v37 =	vperm.xlane v17, v1;
	[tilespmem:s10+$0xFFFFFFE0] =	vst v30  }
0x103: {  	v3 =	vmovc v12;
	v17 =	vld [tilespmem:s8+$0xFFFFFFD0];
	v23 =	vmax.f32 v27, v33;
	[tilespmem:s10+$0xFFFFFFF0] =	vst v26;
	v27 =	vmul.f32 v24, v20;
	v12 =	vmov v25  }
.Ltmp1:
0x104: {  	v22 =	vld [tilespmem:s8+$0xFFFFFFE0];
	v20 =	vadd.f32 v29, v12;
	v25 =	vsub.f32 v23, v2;
	v30 =	vmul.f32 v37, v15;
	[tilespmem:s10+$0x0] =	vst v32;
	(pc) =	sbr.rel @p0 .LBB2_5-.Ltmp1, $4  }
0x105: {  	v26 =	vmul.f32 $2.000000030e-01, v36;
	v29 =	vadd.f32 v35, v16;
	v23 =	vld [tilespmem:s8+$0x0];
	v35 =	vmul.f32 v21, v37;
	v32 =	vpop (erf);
	[tilespmem:s10+$0x10] =	vst v31  }
0x106: {  	v15 =	vmov v34;
	v33 =	vmul.f32 $2.000000030e-01, v20;
	v24 =	vld [tilespmem:s8+$0x10];
	v39 =	vmul.f32 $1.442695020e+00, v25;
	[tilespmem:s9+$0x50] =	vst v30;
	v28 =	vpop (erf)  }
0x107: {  	v25 =	vmax.f32 v36, v26;
	v26 =	vperm.xlane v32, v1;
	v30 =	vmul.f32 $2.000000030e-01, v29;
	v21 =	vld [tilespmem:s8+$0x30];
	v32 =	vpop (erf);
	[tilespmem:s10+$0x20] =	vst v38  }
0x108: {  	v31 =	vsub.f32 v25, v2;
	s8 =	sadd.s32 $0xC0, s8;
	v33 =	vmax.f32 v20, v33;
	v25 =	vld [tilespmem:s11+$0x40];
	(erf) = vpow2.f32 v39;
	[tilespmem:s9+$0x30] =	vst v35;
	v20 =	vmovc v37  }
0x109: {  	v29 =	vmax.f32 v29, v30;
	v30 =	vsub.f32 v33, v2  }
0x10a: {  	v29 =	vsub.f32 v29, v2;
	v31 =	vmul.f32 $1.442695020e+00, v31  }
0x10b: {  	v32 =	vperm.xlane v32, v1;
	v30 =	vmul.f32 $1.442695020e+00, v30  }
0x10c: {  	v29 =	vmul.f32 $1.442695020e+00, v29;
	(erf) = vpow2.f32 v31  }
0x10d: {  	v8 =	vmul.f32 v8, v32;
	(erf) = vpow2.f32 v30  }
0x10e: {  	v10 =	vmul.f32 v10, v32;
	(erf) = vpow2.f32 v29  }
0x10f: {  	v5 =	vmul.f32 v32, v5;
	[tilespmem:s9+$0xFFFFFFA0] =	vst v8  }
0x110: {  	[tilespmem:s9+$0xFFFFFFB0] =	vst v10;
	v8 =	vmul.f32 v13, v26;
	v10 =	vperm.xlane v28, v1  }
0x111: {  	[tilespmem:s10+$0x40] =	vst v27;
	v6 =	vmul.f32 v6, v26;
	v4 =	vmul.f32 v26, v4  }
0x112: {  	[tilespmem:s9+$0xFFFFFFD0] =	vst v8;
	v8 =	vmul.f32 v9, v10  }
0x113: {  	[tilespmem:s9+$0xFFFFFFE0] =	vst v6;
	v6 =	vmul.f32 v7, v10  }
0x114: {  	[tilespmem:s9+$0xFFFFFFC0] =	vst v5;
	v5 =	vpop (erf)  }
0x115: {  	[tilespmem:s9+$0xFFFFFFF0] =	vst v4;
	v5 =	vperm.xlane v5, v1;
	v4 =	vpop (erf)  }
0x116: {  	v3 =	vmul.f32 v10, v3;
	[tilespmem:s9+$0x0] =	vst v8;
	v8 =	vpop (erf)  }
0x117: {  	[tilespmem:s9+$0x10] =	vst v6;
	v7 =	vmul.f32 v5, v15;
	v6 =	vpop (erf)  }
0x118: {  	[tilespmem:s9+$0x20] =	vst v3;
	v9 =	vmul.f32 v21, v5;
	v6 =	vperm.xlane v6, v1  }
0x119: {  	[tilespmem:s11+$0x50] =	vst v7;
	v7 =	vmul.f32 v11, v20  }
0x11a: {  	[tilespmem:s11+$0x30] =	vst v9;
	v3 =	vmul.f32 v19, v6  }
0x11b: {  	v4 =	vperm.xlane v4, v1;
	[tilespmem:s9+$0x40] =	vst v7;
	v7 =	vmul.f32 v18, v6  }
0x11c: {  	[tilespmem:s11+$0xFFFFFFA0] =	vst v3;
	v3 =	vmul.f32 v6, v16  }
0x11d: {  	[tilespmem:s11+$0xFFFFFFB0] =	vst v7;
	v6 =	vmul.f32 v17, v4  }
0x11e: {  	v7 =	vperm.xlane v8, v1;
	v8 =	vmul.f32 v22, v4;
	[tilespmem:s11+$0xFFFFFFC0] =	vst v3  }
0x11f: {  	v3 =	vmul.f32 v4, v14;
	[tilespmem:s11+$0xFFFFFFD0] =	vst v6  }
0x120: {  	v4 =	vmul.f32 v23, v7;
	[tilespmem:s11+$0xFFFFFFE0] =	vst v8  }
0x121: {  	v6 =	vmul.f32 v24, v7;
	[tilespmem:s11+$0xFFFFFFF0] =	vst v3  }
0x122: {  	v3 =	vmul.f32 v7, v12;
	[tilespmem:s11+$0x0] =	vst v4  }
0x123: {  	v4 =	vmul.f32 v25, v5;
	[tilespmem:s11+$0x10] =	vst v6  }
0x124: {  	[tilespmem:s11+$0x20] =	vst v3  }
0x125: {  	[tilespmem:s11+$0x40] =	vst v4  }
0x126: {  	[spmem:s2] =	stream.indirect.scatter.add.f32 [tilespmem:s22], [sflag:$0x5], $0x30, s31, s17, $0xb8;
	[tilespmem:$0x12910] =	vst v63  }
0x127: {  	_ =	swait.ge [sflag:s1], $0x1800  }
0x128: {  	[sflag:s1] =	ssyncset.done $0x0  }
0x129: {  	s3 =	sadd.s32 $0x180, s6;
	[sflag:s1] =	ssyncadd.s32 $0xFFFFE800  }
0x12a: {  	[tilespmem:s20], [sflag:$0x1] =	stream.indirect.gather [hbm4b:s4+s17], $0x30, s3, s17, $0xb8;
	[tilespmem:$0x12910] =	vst v63  }
0x12b: {  	s10 =	sadd.s32 $0x2A00, s6  }
0x12c: {  	[tilespmem:s21], [sflag:$0x1] =	stream.indirect.gather [hbm4b:s5+s17], $0x10, s10, s17, $0xb8;
	[tilespmem:$0x12910] =	vst v63  }
0x12d: {  	_ =	swait.ge [sflag:s0], $0x1800  }
0x12e: {  	[sflag:s0] =	ssyncset.done $0x0  }
0x12f: {  	[sflag:s0] =	ssyncadd.s32 $0xFFFFE800  }
0x130: {  	_ =	swait.ge [sflag:s0], $0x800  }
0x131: {  	[sflag:s0] =	ssyncset.done $0x0  }
0x132: {  	[sflag:s0] =	ssyncadd.s32 $0xFFFFF800  }
0x133: {  	v3 =	vld [tilespmem:s7+$0x2880];
	_ =	sdelay $0x4  }
0x134: {  	[tilespmem:$0x5200] =	vst v3  }
0x135: {  	v3 =	vld [tilespmem:s6+$0x2990];
	_ =	sdelay $0x4  }
0x136: {  	[tilespmem:$0x5210] =	vst v3  }
0x137: {  	v3 =	vld [tilespmem:s6+$0x29A0];
	_ =	sdelay $0x4  }
0x138: {  	[tilespmem:$0x5220] =	vst v3  }
0x139: {  	v3 =	vld [tilespmem:s6+$0x29B0];
	_ =	sdelay $0x4  }
0x13a: {  	[tilespmem:$0x5230] =	vst v3  }
0x13b: {  	v3 =	vld [tilespmem:s6+$0x29C0];
	_ =	sdelay $0x4  }
0x13c: {  	[tilespmem:$0x5240] =	vst v3  }
0x13d: {  	v3 =	vld [tilespmem:s6+$0x29D0];
	_ =	sdelay $0x4  }
0x13e: {  	[tilespmem:$0x5250] =	vst v3  }
0x13f: {  	v3 =	vld [tilespmem:s6+$0x29E0];
	_ =	sdelay $0x4  }
0x140: {  	[tilespmem:$0x5260] =	vst v3  }
0x141: {  	v3 =	vld [tilespmem:s6+$0x29F0];
	_ =	sdelay $0x4  }
0x142: {  	s9 =	simm.s32 $0x82E0;
	[tilespmem:$0x5270] =	vst v3  }
0x143: {  	s11 =	simm.s32 $0xAAA0;
	v7 =	vld [tilespmem:s9+$0x50]  }
0x144: {  	v3 =	vld [tilespmem:s11+$0x10]  }
0x145: {  	v4 =	vld [tilespmem:s11+$0xFFFFFFE0]  }
0x146: {  	v17 =	vld [tilespmem:s9+$0xFFFFFFF0]  }
0x147: {  	v5 =	vld [tilespmem:s11+$0xFFFFFFF0]  }
0x148: {  	v21 =	vld [tilespmem:s9+$0x20]  }
0x149: {  	v6 =	vld [tilespmem:s11+$0x0]  }
0x14a: {  	v16 =	vld [tilespmem:s9+$0xFFFFFFC0]  }
0x14b: {  	v12 =	vld [tilespmem:s9+$0xFFFFFFA0];
	v3 =	vadd.f32 v3, v7  }
0x14c: {  	v18 =	vld [tilespmem:s9+$0xFFFFFFB0]  }
0x14d: {  	v19 =	vld [tilespmem:s9+$0xFFFFFFD0];
	v8 =	vmul.f32 $2.000000030e-01, v3  }
0x14e: {  	v20 =	vld [tilespmem:s9+$0xFFFFFFE0]  }
0x14f: {  	v22 =	vld [tilespmem:s9+$0x0];
	v5 =	vadd.f32 v5, v17;
	v3 =	vmax.f32 v3, v8  }
0x150: {  	v23 =	vld [tilespmem:s9+$0x10];
	v6 =	vadd.f32 v6, v21;
	v3 =	vsub.f32 v3, v2  }
0x151: {  	v11 =	vld [tilespmem:s9+$0x30];
	v4 =	vadd.f32 v4, v16;
	v8 =	vmul.f32 $2.000000030e-01, v5  }
0x152: {  	s7 =	simm.s32 $0x83A0;
	v24 =	vld [tilespmem:s9+$0x40];
	v9 =	vmul.f32 $2.000000030e-01, v6;
	v3 =	vmul.f32 $1.442695020e+00, v3  }
0x153: {  	s12 =	simm.s32 $0xAAE0;
	v25 =	vld [tilespmem:s7+$0x50];
	v10 =	vmul.f32 $2.000000030e-01, v4;
	v5 =	vmax.f32 v5, v8  }
0x154: {  	(erf) = vpow2.f32 v3;
	v3 =	vsub.f32 v5, v2;
	v5 =	vmax.f32 v6, v9;
	v6 =	vld [tilespmem:s12+$0x10]  }
0x155: {  	v13 =	vld [tilespmem:s12+$0xFFFFFFF0];
	v4 =	vmax.f32 v4, v10;
	v5 =	vsub.f32 v5, v2  }
0x156: {  	v14 =	vld [tilespmem:s12+$0x0];
	v8 =	vsub.f32 v4, v2;
	v3 =	vmul.f32 $1.442695020e+00, v3  }
0x157: {  	v4 =	vld [tilespmem:s7+$0xFFFFFFF0];
	v5 =	vmul.f32 $1.442695020e+00, v5  }
0x158: {  	v8 =	vmul.f32 $1.442695020e+00, v8;
	(erf) = vpow2.f32 v3;
	v3 =	vld [tilespmem:s7+$0x20]  }
0x159: {  	v9 =	vld [tilespmem:s12+$0xFFFFFFE0];
	(erf) = vpow2.f32 v5;
	v6 =	vadd.f32 v6, v25  }
0x15a: {  	s11 =	simm.s32 $0xAB20;
	v5 =	vld [tilespmem:s7+$0xFFFFFFC0];
	(erf) = vpow2.f32 v8  }
0x15b: {  	v53 =	vld [tilespmem:s11+$0x10];
	v15 =	vmul.f32 $2.000000030e-01, v6  }
0x15c: {  	v36 =	vld [tilespmem:s11+$0xFFFFFFE0];
	v27 =	vadd.f32 v13, v4  }
0x15d: {  	v10 =	vld [tilespmem:s7+$0xFFFFFFB0];
	v26 =	vpop (erf);
	v15 =	vmax.f32 v6, v15;
	v14 =	vadd.f32 v14, v3  }
0x15e: {  	v13 =	vld [tilespmem:s7+$0xFFFFFFD0];
	v30 =	vmul.f32 $2.000000030e-01, v27;
	v26 =	vperm.xlane v26, v1;
	v15 =	vsub.f32 v15, v2  }
0x15f: {  	v8 =	vld [tilespmem:s7+$0xFFFFFFA0];
	v29 =	vadd.f32 v9, v5;
	v31 =	vmul.f32 $2.000000030e-01, v14  }
0x160: {  	v6 =	vld [tilespmem:s7+$0xFFFFFFE0];
	v15 =	vmul.f32 $1.442695020e+00, v15;
	v50 =	vmul.f32 v11, v26;
	v11 =	vmax.f32 v27, v30  }
0x161: {  	v9 =	vld [tilespmem:s7+$0x0];
	v28 =	vmul.f32 v26, v7;
	v34 =	vmul.f32 $2.000000030e-01, v29;
	v51 =	vpop (erf);
	v35 =	vsub.f32 v11, v2  }
0x162: {  	v7 =	vld [tilespmem:s7+$0x10];
	v14 =	vmax.f32 v14, v31;
	v27 =	vpop (erf);
	(erf) = vpow2.f32 v15;
	v31 =	vperm.xlane v51, v1  }
0x163: {  	s10 =	simm.s32 $0x8460;
	v30 =	vld [tilespmem:s7+$0x30];
	v29 =	vmax.f32 v29, v34;
	v14 =	vsub.f32 v14, v2;
	v52 =	vpop (erf);
	v35 =	vmul.f32 $1.442695020e+00, v35  }
0x164: {  	v15 =	vld [tilespmem:s10+$0x50];
	v29 =	vsub.f32 v29, v2;
	v27 =	vperm.xlane v27, v1;
	v33 =	vperm.xlane v52, v1  }
0x165: {  	v11 =	vld [tilespmem:s7+$0x40];
	v37 =	vmul.f32 $1.442695020e+00, v14;
	v56 =	vmul.f32 v20, v31  }
0x166: {  	[tilespmem:s9+$0x50] =	vst v28;
	v14 =	vld [tilespmem:s10+$0xFFFFFFF0];
	v28 =	vmul.f32 $1.442695020e+00, v29;
	(erf) = vpow2.f32 v35  }
0x167: {  	[tilespmem:s9+$0x30] =	vst v50;
	v29 =	vld [tilespmem:s11+$0xFFFFFFF0];
	v12 =	vmul.f32 v12, v33;
	(erf) = vpow2.f32 v37  }
0x168: {  	v57 =	vmul.f32 v22, v27;
	[tilespmem:s9+$0xFFFFFFE0] =	vst v56;
	(erf) = vpow2.f32 v28;
	v28 =	vld [tilespmem:s11+$0x0]  }
0x169: {  	v58 =	vmul.f32 v23, v27;
	v60 =	vmul.f32 v27, v21;
	v55 =	vadd.f32 v53, v15;
	[tilespmem:s9+$0xFFFFFFA0] =	vst v12;
	v12 =	vld [tilespmem:s10+$0x20]  }
0x16a: {  	v18 =	vmul.f32 v18, v33;
	v54 =	vmul.f32 v33, v16;
	v16 =	vld [tilespmem:s10+$0xFFFFFFC0];
	[tilespmem:s9+$0x0] =	vst v57  }
0x16b: {  	v27 =	vmul.f32 v24, v26;
	v23 =	vld [tilespmem:s10+$0x0];
	[tilespmem:s9+$0x10] =	vst v58;
	v22 =	vmul.f32 $2.000000030e-01, v55  }
0x16c: {  	v24 =	vld [tilespmem:s10+$0x10];
	[tilespmem:s9+$0xFFFFFFB0] =	vst v18;
	v18 =	vmul.f32 v19, v31;
	v31 =	vmul.f32 v31, v17;
	v59 =	vadd.f32 v29, v14;
	v17 =	vpop (erf)  }
0x16d: {  	[tilespmem:s9+$0x20] =	vst v60;
	v19 =	vld [tilespmem:s10+$0xFFFFFFA0];
	v21 =	vmax.f32 v55, v22;
	v20 =	vperm.xlane v17, v1  }
0x16e: {  	[tilespmem:s9+$0xFFFFFFD0] =	vst v18;
	v18 =	vld [tilespmem:s10+$0xFFFFFFB0];
	v21 =	vsub.f32 v21, v2;
	v26 =	vmul.f32 $2.000000030e-01, v59;
	v61 =	vadd.f32 v28, v12  }
0x16f: {  	[tilespmem:s9+$0xFFFFFFC0] =	vst v54;
	v22 =	vld [tilespmem:s10+$0xFFFFFFE0];
	v29 =	vadd.f32 v36, v16;
	v25 =	vmul.f32 v20, v25;
	v62 =	vmul.f32 v30, v20  }
0x170: {  	[tilespmem:s9+$0xFFFFFFF0] =	vst v31;
	v17 =	vld [tilespmem:s10+$0xFFFFFFD0];
	v31 =	vpop (erf);
	v38 =	vmul.f32 $1.442695020e+00, v21;
	v63 =	vmul.f32 $2.000000030e-01, v61  }
0x171: {  	v30 =	vmul.f32 $2.000000030e-01, v29;
	v21 =	vld [tilespmem:s10+$0x30];
	v28 =	vpop (erf);
	[tilespmem:s7+$0x50] =	vst v25;
	v25 =	vmax.f32 v59, v26;
	v26 =	vperm.xlane v31, v1  }
0x172: {  	s8 =	simm.s32 $0x8520;
	s3 =	simm.s32 $0x8;
	v32 =	vpop (erf);
	(erf) = vpow2.f32 v38;
	[tilespmem:s7+$0x30] =	vst v62;
	v31 =	vsub.f32 v25, v2;
	v33 =	vmax.f32 v61, v63;
	v25 =	vld [tilespmem:s10+$0x40]  }
.LBB2_7:
0x173: {  	v34 =	vld [tilespmem:s8+$0x50];
	v29 =	vmax.f32 v29, v30;
	v30 =	vsub.f32 v33, v2;
	s11 =	sadd.s32 $0x40, s11;
	v32 =	vperm.xlane v32, v1;
	[tilespmem:s9+$0x40] =	vst v27;
	s9 =	smov.u32 s7;
	s7 =	smov.u32 s10  }
0x174: {  	s3 =	sadd.s32 $0x4, s3;
	v28 =	vperm.xlane v28, v1;
	v33 =	vmovc v6;
	v6 =	vmovc v22;
	s10 =	smov.u32 s8;
	v27 =	vld [tilespmem:s11+$0x10];
	v29 =	vsub.f32 v29, v2;
	v36 =	vmul.f32 $1.442695020e+00, v31  }
0x175: {  	p0 =	slt.u32 s3, $0x7C;
	v35 =	vld [tilespmem:s11+$0xFFFFFFE0];
	v22 =	vmul.f32 $1.442695020e+00, v30;
	v30 =	vmul.f32 v8, v32;
	v8 =	vmovc v19;
	v19 =	vmovc v9;
	v9 =	vmov v23  }
0x176: {  	v31 =	vmovc v7;
	v7 =	vmovc v24;
	v24 =	vmov v11;
	v23 =	vld [tilespmem:s8+$0xFFFFFFF0];
	v29 =	vmul.f32 $1.442695020e+00, v29;
	(erf) = vpow2.f32 v36  }
0x177: {  	v36 =	vld [tilespmem:s11+$0xFFFFFFF0];
	(erf) = vpow2.f32 v22;
	[tilespmem:s9+$0xFFFFFFA0] =	vst v30;
	v22 =	vmul.f32 v10, v32;
	v10 =	vmovc v18;
	v11 =	vmov v25  }
0x178: {  	v18 =	vmul.f32 v32, v5;
	v5 =	vmov v16;
	v25 =	vld [tilespmem:s8+$0x20];
	(erf) = vpow2.f32 v29  }
0x179: {  	v30 =	vmul.f32 v33, v26;
	v29 =	vld [tilespmem:s11+$0x0];
	v27 =	vadd.f32 v27, v34;
	[tilespmem:s9+$0xFFFFFFB0] =	vst v22;
	v22 =	vmul.f32 v13, v26  }
0x17a: {  	v32 =	vmul.f32 v19, v28;
	v26 =	vmul.f32 v26, v4;
	v4 =	vmovc v14;
	v13 =	vmov v17;
	v16 =	vld [tilespmem:s8+$0xFFFFFFC0];
	[tilespmem:s9+$0xFFFFFFC0] =	vst v18  }
0x17b: {  	v31 =	vmul.f32 v31, v28;
	v19 =	vld [tilespmem:s8+$0xFFFFFFA0];
	v33 =	vmul.f32 $2.000000030e-01, v27;
	v17 =	vpop (erf);
	[tilespmem:s9+$0xFFFFFFD0] =	vst v22;
	v14 =	vmov v23  }
0x17c: {  	v38 =	vmul.f32 v28, v3;
	v18 =	vld [tilespmem:s8+$0xFFFFFFB0];
	v36 =	vadd.f32 v36, v14;
	v37 =	vperm.xlane v17, v1;
	[tilespmem:s9+$0xFFFFFFE0] =	vst v30  }
0x17d: {  	v3 =	vmovc v12;
	v17 =	vld [tilespmem:s8+$0xFFFFFFD0];
	v23 =	vmax.f32 v27, v33;
	[tilespmem:s9+$0xFFFFFFF0] =	vst v26;
	v27 =	vmul.f32 v24, v20;
	v12 =	vmov v25  }
.Ltmp2:
0x17e: {  	v22 =	vld [tilespmem:s8+$0xFFFFFFE0];
	v20 =	vadd.f32 v29, v12;
	v25 =	vsub.f32 v23, v2;
	v30 =	vmul.f32 v37, v15;
	[tilespmem:s9+$0x0] =	vst v32;
	(pc) =	sbr.rel @p0 .LBB2_7-.Ltmp2, $4  }
0x17f: {  	v26 =	vmul.f32 $2.000000030e-01, v36;
	v29 =	vadd.f32 v35, v16;
	v23 =	vld [tilespmem:s8+$0x0];
	v35 =	vmul.f32 v21, v37;
	v32 =	vpop (erf);
	[tilespmem:s9+$0x10] =	vst v31  }
0x180: {  	v15 =	vmov v34;
	v33 =	vmul.f32 $2.000000030e-01, v20;
	v24 =	vld [tilespmem:s8+$0x10];
	v39 =	vmul.f32 $1.442695020e+00, v25;
	[tilespmem:s7+$0x50] =	vst v30;
	v28 =	vpop (erf)  }
0x181: {  	v25 =	vmax.f32 v36, v26;
	v26 =	vperm.xlane v32, v1;
	v30 =	vmul.f32 $2.000000030e-01, v29;
	v21 =	vld [tilespmem:s8+$0x30];
	v32 =	vpop (erf);
	[tilespmem:s9+$0x20] =	vst v38  }
0x182: {  	v31 =	vsub.f32 v25, v2;
	s8 =	sadd.s32 $0xC0, s8;
	v33 =	vmax.f32 v20, v33;
	v25 =	vld [tilespmem:s10+$0x40];
	(erf) = vpow2.f32 v39;
	[tilespmem:s7+$0x30] =	vst v35;
	v20 =	vmovc v37  }
0x183: {  	v29 =	vmax.f32 v29, v30;
	v45 =	vsub.f32 v33, v2;
	v32 =	vperm.xlane v32, v1  }
0x184: {  	v46 =	vmul.f32 v13, v26;
	v29 =	vsub.f32 v29, v2;
	v31 =	vmul.f32 $1.442695020e+00, v31  }
0x185: {  	v6 =	vmul.f32 v6, v26;
	v30 =	vmul.f32 $1.442695020e+00, v45  }
0x186: {  	[tilespmem:s9+$0x40] =	vst v27;
	v29 =	vmul.f32 $1.442695020e+00, v29;
	(erf) = vpow2.f32 v31  }
0x187: {  	v4 =	vmul.f32 v26, v4;
	[tilespmem:s7+$0xFFFFFFD0] =	vst v46;
	(erf) = vpow2.f32 v30  }
0x188: {  	v56 =	vmul.f32 v11, v20;
	[tilespmem:s7+$0xFFFFFFE0] =	vst v6;
	(erf) = vpow2.f32 v29  }
0x189: {  	v8 =	vmul.f32 v8, v32;
	[tilespmem:s7+$0xFFFFFFF0] =	vst v4  }
0x18a: {  	v47 =	vperm.xlane v28, v1;
	v10 =	vmul.f32 v10, v32;
	[tilespmem:s7+$0x40] =	vst v56  }
0x18b: {  	v5 =	vmul.f32 v32, v5;
	[tilespmem:s7+$0xFFFFFFA0] =	vst v8  }
0x18c: {  	v49 =	vmul.f32 v9, v47;
	[tilespmem:s7+$0xFFFFFFB0] =	vst v10;
	v48 =	vpop (erf)  }
0x18d: {  	v50 =	vmul.f32 v7, v47;
	[tilespmem:s7+$0xFFFFFFC0] =	vst v5;
	v5 =	vperm.xlane v48, v1  }
0x18e: {  	v3 =	vmul.f32 v47, v3;
	[tilespmem:s7+$0x0] =	vst v49  }
0x18f: {  	[tilespmem:s7+$0x10] =	vst v50;
	v52 =	vmul.f32 v5, v15;
	v51 =	vpop (erf)  }
0x190: {  	[tilespmem:s7+$0x20] =	vst v3;
	v55 =	vmul.f32 v21, v5;
	v53 =	vpop (erf);
	v4 =	vperm.xlane v51, v1  }
0x191: {  	v63 =	vmul.f32 v25, v5;
	[tilespmem:s10+$0x50] =	vst v52;
	v54 =	vpop (erf)  }
0x192: {  	[tilespmem:s10+$0x30] =	vst v55;
	v6 =	vperm.xlane v54, v1;
	v58 =	vmul.f32 v17, v4  }
0x193: {  	[tilespmem:s10+$0x40] =	vst v63;
	v59 =	vperm.xlane v53, v1;
	v60 =	vmul.f32 v22, v4  }
0x194: {  	v3 =	vmul.f32 v19, v6;
	[tilespmem:s10+$0xFFFFFFD0] =	vst v58  }
0x195: {  	v61 =	vmul.f32 v23, v59;
	[tilespmem:s10+$0xFFFFFFE0] =	vst v60  }
0x196: {  	[tilespmem:s10+$0xFFFFFFA0] =	vst v3;
	v3 =	vmul.f32 v6, v16  }
0x197: {  	v62 =	vmul.f32 v24, v59;
	[tilespmem:s10+$0x0] =	vst v61  }
0x198: {  	[tilespmem:s10+$0xFFFFFFC0] =	vst v3;
	v3 =	vmul.f32 v4, v14  }
0x199: {  	v57 =	vmul.f32 v18, v6;
	[tilespmem:s10+$0x10] =	vst v62  }
0x19a: {  	[tilespmem:s10+$0xFFFFFFF0] =	vst v3;
	v3 =	vmul.f32 v59, v12  }
0x19b: {  	[tilespmem:s10+$0xFFFFFFB0] =	vst v57  }
0x19c: {  	s16 =	sadd.s32 $0x1, s16;
	[tilespmem:s10+$0x20] =	vst v3  }
0x19d: {  	[spmem:s2] =	stream.indirect.scatter.add.f32 [tilespmem:s19], [sflag:$0x6], $0x30, s18, s17, $0xb8;
	[tilespmem:$0x12910] =	vst v63  }
0x19e: {  	p0 =	sne.s32 s16, $0x1A;
	_ =	swait.ge [sflag:s15], $0x1800  }
.Ltmp3:
0x19f: {  	[sflag:s15] =	ssyncset.done $0x0;
	(pc) =	sbr.rel @p0 .LBB2_2-.Ltmp3, $4  }
0x1a0: {  	s3 =	sadd.s32 $0x200, s6;
	[sflag:s15] =	ssyncadd.s32 $0xFFFFE800  }
0x1a1: {  	[tilespmem:s22], [sflag:$0x2] =	stream.indirect.gather [hbm4b:s4+s17], $0x30, s3, s17, $0xb8;
	[tilespmem:$0x12910] =	vst v63  }
0x1a2: {  	s12 =	sadd.s32 $0x2A80, s6  }
0x1a3: {  	[tilespmem:s24], [sflag:$0x2] =	stream.indirect.gather [hbm4b:s5+s17], $0x10, s12, s17, $0xb8;
	[tilespmem:$0x12910] =	vst v63  }
0x1a4: {  	_ =	swait.ge [sflag:s25], $0x1800  }
0x1a5: {  	[sflag:s25] =	ssyncset.done $0x0  }
0x1a6: {  	[sflag:s25] =	ssyncadd.s32 $0xFFFFE800  }
0x1a7: {  	_ =	swait.ge [sflag:s25], $0x800  }
0x1a8: {  	[sflag:s25] =	ssyncset.done $0x0  }
0x1a9: {  	[sflag:s25] =	ssyncadd.s32 $0xFFFFF800  }
0x1aa: {  	v3 =	vld [tilespmem:$0x4F80]  }
0x1ab: {  	v4 =	vld [tilespmem:$0x4F90]  }
0x1ac: {  	v5 =	vld [tilespmem:$0x4FA0]  }
0x1ad: {  	v6 =	vld [tilespmem:$0x4FB0]  }
0x1ae: {  	v7 =	vld [tilespmem:$0x4FC0]  }
0x1af: {  	[tilespmem:$0x5100] =	vst v3;
	v3 =	vld [tilespmem:$0x4FD0]  }
0x1b0: {  	[tilespmem:$0x5110] =	vst v4;
	v4 =	vld [tilespmem:$0x4FE0]  }
0x1b1: {  	[tilespmem:$0x5120] =	vst v5;
	v5 =	vld [tilespmem:$0x4FF0]  }
0x1b2: {  	[tilespmem:$0x5130] =	vst v6  }
0x1b3: {  	[tilespmem:$0x5140] =	vst v7  }
0x1b4: {  	[tilespmem:$0x5150] =	vst v3  }
0x1b5: {  	[tilespmem:$0x5160] =	vst v4  }
0x1b6: {  	s7 =	simm.s32 $0x52E0;
	[tilespmem:$0x5170] =	vst v5  }
0x1b7: {  	s3 =	simm.s32 $0x9AA0;
	v7 =	vld [tilespmem:s7+$0x50]  }
0x1b8: {  	v3 =	vld [tilespmem:s3+$0x10]  }
0x1b9: {  	v4 =	vld [tilespmem:s3+$0xFFFFFFE0]  }
0x1ba: {  	v17 =	vld [tilespmem:s7+$0xFFFFFFF0]  }
0x1bb: {  	v5 =	vld [tilespmem:s3+$0xFFFFFFF0]  }
0x1bc: {  	v21 =	vld [tilespmem:s7+$0x20]  }
0x1bd: {  	v6 =	vld [tilespmem:s3+$0x0]  }
0x1be: {  	v16 =	vld [tilespmem:s7+$0xFFFFFFC0]  }
0x1bf: {  	v12 =	vld [tilespmem:s7+$0xFFFFFFA0];
	v3 =	vadd.f32 v3, v7  }
0x1c0: {  	v18 =	vld [tilespmem:s7+$0xFFFFFFB0]  }
0x1c1: {  	v19 =	vld [tilespmem:s7+$0xFFFFFFD0];
	v8 =	vmul.f32 $2.000000030e-01, v3  }
0x1c2: {  	v20 =	vld [tilespmem:s7+$0xFFFFFFE0]  }
0x1c3: {  	v22 =	vld [tilespmem:s7+$0x0];
	v5 =	vadd.f32 v5, v17;
	v3 =	vmax.f32 v3, v8  }
0x1c4: {  	v23 =	vld [tilespmem:s7+$0x10];
	v6 =	vadd.f32 v6, v21;
	v3 =	vsub.f32 v3, v2  }
0x1c5: {  	v11 =	vld [tilespmem:s7+$0x30];
	v4 =	vadd.f32 v4, v16;
	v8 =	vmul.f32 $2.000000030e-01, v5  }
0x1c6: {  	s6 =	simm.s32 $0x53A0;
	v24 =	vld [tilespmem:s7+$0x40];
	v9 =	vmul.f32 $2.000000030e-01, v6;
	v3 =	vmul.f32 $1.442695020e+00, v3  }
0x1c7: {  	s16 =	simm.s32 $0x9AE0;
	v25 =	vld [tilespmem:s6+$0x50];
	v10 =	vmul.f32 $2.000000030e-01, v4;
	v5 =	vmax.f32 v5, v8  }
0x1c8: {  	(erf) = vpow2.f32 v3;
	v3 =	vsub.f32 v5, v2;
	v5 =	vmax.f32 v6, v9;
	v6 =	vld [tilespmem:s16+$0x10]  }
0x1c9: {  	v13 =	vld [tilespmem:s16+$0xFFFFFFF0];
	v4 =	vmax.f32 v4, v10;
	v5 =	vsub.f32 v5, v2  }
0x1ca: {  	v14 =	vld [tilespmem:s16+$0x0];
	v8 =	vsub.f32 v4, v2;
	v3 =	vmul.f32 $1.442695020e+00, v3  }
0x1cb: {  	v4 =	vld [tilespmem:s6+$0xFFFFFFF0];
	v5 =	vmul.f32 $1.442695020e+00, v5  }
0x1cc: {  	v8 =	vmul.f32 $1.442695020e+00, v8;
	(erf) = vpow2.f32 v3;
	v3 =	vld [tilespmem:s6+$0x20]  }
0x1cd: {  	v9 =	vld [tilespmem:s16+$0xFFFFFFE0];
	(erf) = vpow2.f32 v5;
	v6 =	vadd.f32 v6, v25  }
0x1ce: {  	s10 =	simm.s32 $0x9B20;
	v5 =	vld [tilespmem:s6+$0xFFFFFFC0];
	(erf) = vpow2.f32 v8  }
0x1cf: {  	v53 =	vld [tilespmem:s10+$0x10];
	v15 =	vmul.f32 $2.000000030e-01, v6  }
0x1d0: {  	v36 =	vld [tilespmem:s10+$0xFFFFFFE0];
	v27 =	vadd.f32 v13, v4  }
0x1d1: {  	v10 =	vld [tilespmem:s6+$0xFFFFFFB0];
	v26 =	vpop (erf);
	v15 =	vmax.f32 v6, v15;
	v14 =	vadd.f32 v14, v3  }
0x1d2: {  	v13 =	vld [tilespmem:s6+$0xFFFFFFD0];
	v30 =	vmul.f32 $2.000000030e-01, v27;
	v26 =	vperm.xlane v26, v1;
	v15 =	vsub.f32 v15, v2  }
0x1d3: {  	v8 =	vld [tilespmem:s6+$0xFFFFFFA0];
	v29 =	vadd.f32 v9, v5;
	v31 =	vmul.f32 $2.000000030e-01, v14  }
0x1d4: {  	v6 =	vld [tilespmem:s6+$0xFFFFFFE0];
	v15 =	vmul.f32 $1.442695020e+00, v15;
	v32 =	vmul.f32 v11, v26;
	v11 =	vmax.f32 v27, v30  }
0x1d5: {  	v9 =	vld [tilespmem:s6+$0x0];
	v28 =	vmul.f32 v26, v7;
	v34 =	vmul.f32 $2.000000030e-01, v29;
	v33 =	vpop (erf);
	v35 =	vsub.f32 v11, v2  }
0x1d6: {  	v7 =	vld [tilespmem:s6+$0x10];
	v14 =	vmax.f32 v14, v31;
	v27 =	vpop (erf);
	(erf) = vpow2.f32 v15;
	v31 =	vperm.xlane v33, v1  }
0x1d7: {  	s9 =	simm.s32 $0x5460;
	v30 =	vld [tilespmem:s6+$0x30];
	v29 =	vmax.f32 v29, v34;
	v14 =	vsub.f32 v14, v2;
	v52 =	vpop (erf);
	v35 =	vmul.f32 $1.442695020e+00, v35  }
0x1d8: {  	v15 =	vld [tilespmem:s9+$0x50];
	v29 =	vsub.f32 v29, v2;
	v27 =	vperm.xlane v27, v1;
	v33 =	vperm.xlane v52, v1  }
0x1d9: {  	v11 =	vld [tilespmem:s6+$0x40];
	v37 =	vmul.f32 $1.442695020e+00, v14;
	v56 =	vmul.f32 v20, v31  }
0x1da: {  	[tilespmem:s7+$0x50] =	vst v28;
	v14 =	vld [tilespmem:s9+$0xFFFFFFF0];
	v28 =	vmul.f32 $1.442695020e+00, v29;
	(erf) = vpow2.f32 v35  }
0x1db: {  	[tilespmem:s7+$0x30] =	vst v32;
	v29 =	vld [tilespmem:s10+$0xFFFFFFF0];
	v12 =	vmul.f32 v12, v33;
	(erf) = vpow2.f32 v37  }
0x1dc: {  	v57 =	vmul.f32 v22, v27;
	[tilespmem:s7+$0xFFFFFFE0] =	vst v56;
	(erf) = vpow2.f32 v28;
	v28 =	vld [tilespmem:s10+$0x0]  }
0x1dd: {  	v58 =	vmul.f32 v23, v27;
	v60 =	vmul.f32 v27, v21;
	v55 =	vadd.f32 v53, v15;
	[tilespmem:s7+$0xFFFFFFA0] =	vst v12;
	v12 =	vld [tilespmem:s9+$0x20]  }
0x1de: {  	v18 =	vmul.f32 v18, v33;
	v54 =	vmul.f32 v33, v16;
	v16 =	vld [tilespmem:s9+$0xFFFFFFC0];
	[tilespmem:s7+$0x0] =	vst v57  }
0x1df: {  	v27 =	vmul.f32 v24, v26;
	v23 =	vld [tilespmem:s9+$0x0];
	[tilespmem:s7+$0x10] =	vst v58;
	v22 =	vmul.f32 $2.000000030e-01, v55  }
0x1e0: {  	v24 =	vld [tilespmem:s9+$0x10];
	[tilespmem:s7+$0xFFFFFFB0] =	vst v18;
	v18 =	vmul.f32 v19, v31;
	v31 =	vmul.f32 v31, v17;
	v59 =	vadd.f32 v29, v14;
	v17 =	vpop (erf)  }
0x1e1: {  	[tilespmem:s7+$0x20] =	vst v60;
	v19 =	vld [tilespmem:s9+$0xFFFFFFA0];
	v21 =	vmax.f32 v55, v22;
	v20 =	vperm.xlane v17, v1  }
0x1e2: {  	[tilespmem:s7+$0xFFFFFFD0] =	vst v18;
	v18 =	vld [tilespmem:s9+$0xFFFFFFB0];
	v21 =	vsub.f32 v21, v2;
	v26 =	vmul.f32 $2.000000030e-01, v59;
	v61 =	vadd.f32 v28, v12  }
0x1e3: {  	[tilespmem:s7+$0xFFFFFFC0] =	vst v54;
	v22 =	vld [tilespmem:s9+$0xFFFFFFE0];
	v29 =	vadd.f32 v36, v16;
	v25 =	vmul.f32 v20, v25;
	v62 =	vmul.f32 v30, v20  }
0x1e4: {  	[tilespmem:s7+$0xFFFFFFF0] =	vst v31;
	v17 =	vld [tilespmem:s9+$0xFFFFFFD0];
	v31 =	vpop (erf);
	v38 =	vmul.f32 $1.442695020e+00, v21;
	v63 =	vmul.f32 $2.000000030e-01, v61  }
0x1e5: {  	v30 =	vmul.f32 $2.000000030e-01, v29;
	v21 =	vld [tilespmem:s9+$0x30];
	v28 =	vpop (erf);
	[tilespmem:s6+$0x50] =	vst v25;
	v25 =	vmax.f32 v59, v26;
	v26 =	vperm.xlane v31, v1  }
0x1e6: {  	s8 =	simm.s32 $0x5520;
	s3 =	simm.s32 $0x8;
	v32 =	vpop (erf);
	(erf) = vpow2.f32 v38;
	[tilespmem:s6+$0x30] =	vst v62;
	v31 =	vsub.f32 v25, v2;
	v33 =	vmax.f32 v61, v63;
	v25 =	vld [tilespmem:s9+$0x40]  }
.LBB2_10:
0x1e7: {  	v34 =	vld [tilespmem:s8+$0x50];
	v29 =	vmax.f32 v29, v30;
	v30 =	vsub.f32 v33, v2;
	s10 =	sadd.s32 $0x40, s10;
	v32 =	vperm.xlane v32, v1;
	[tilespmem:s7+$0x40] =	vst v27;
	s7 =	smov.u32 s6;
	s6 =	smov.u32 s9  }
0x1e8: {  	s3 =	sadd.s32 $0x4, s3;
	v28 =	vperm.xlane v28, v1;
	v33 =	vmovc v6;
	v6 =	vmovc v22;
	s9 =	smov.u32 s8;
	v27 =	vld [tilespmem:s10+$0x10];
	v29 =	vsub.f32 v29, v2;
	v36 =	vmul.f32 $1.442695020e+00, v31  }
0x1e9: {  	p0 =	slt.u32 s3, $0x7C;
	v35 =	vld [tilespmem:s10+$0xFFFFFFE0];
	v22 =	vmul.f32 $1.442695020e+00, v30;
	v30 =	vmul.f32 v8, v32;
	v8 =	vmovc v19;
	v19 =	vmovc v9;
	v9 =	vmov v23  }
0x1ea: {  	v31 =	vmovc v7;
	v7 =	vmovc v24;
	v24 =	vmov v11;
	v23 =	vld [tilespmem:s8+$0xFFFFFFF0];
	v29 =	vmul.f32 $1.442695020e+00, v29;
	(erf) = vpow2.f32 v36  }
0x1eb: {  	v36 =	vld [tilespmem:s10+$0xFFFFFFF0];
	(erf) = vpow2.f32 v22;
	[tilespmem:s7+$0xFFFFFFA0] =	vst v30;
	v22 =	vmul.f32 v10, v32;
	v10 =	vmovc v18;
	v11 =	vmov v25  }
0x1ec: {  	v18 =	vmul.f32 v32, v5;
	v5 =	vmov v16;
	v25 =	vld [tilespmem:s8+$0x20];
	(erf) = vpow2.f32 v29  }
0x1ed: {  	v30 =	vmul.f32 v33, v26;
	v29 =	vld [tilespmem:s10+$0x0];
	v27 =	vadd.f32 v27, v34;
	[tilespmem:s7+$0xFFFFFFB0] =	vst v22;
	v22 =	vmul.f32 v13, v26  }
0x1ee: {  	v32 =	vmul.f32 v19, v28;
	v26 =	vmul.f32 v26, v4;
	v4 =	vmovc v14;
	v13 =	vmov v17;
	v16 =	vld [tilespmem:s8+$0xFFFFFFC0];
	[tilespmem:s7+$0xFFFFFFC0] =	vst v18  }
0x1ef: {  	v31 =	vmul.f32 v31, v28;
	v19 =	vld [tilespmem:s8+$0xFFFFFFA0];
	v33 =	vmul.f32 $2.000000030e-01, v27;
	v17 =	vpop (erf);
	[tilespmem:s7+$0xFFFFFFD0] =	vst v22;
	v14 =	vmov v23  }
0x1f0: {  	v38 =	vmul.f32 v28, v3;
	v18 =	vld [tilespmem:s8+$0xFFFFFFB0];
	v36 =	vadd.f32 v36, v14;
	v37 =	vperm.xlane v17, v1;
	[tilespmem:s7+$0xFFFFFFE0] =	vst v30  }
0x1f1: {  	v3 =	vmovc v12;
	v17 =	vld [tilespmem:s8+$0xFFFFFFD0];
	v23 =	vmax.f32 v27, v33;
	[tilespmem:s7+$0xFFFFFFF0] =	vst v26;
	v27 =	vmul.f32 v24, v20;
	v12 =	vmov v25  }
.Ltmp4:
0x1f2: {  	v22 =	vld [tilespmem:s8+$0xFFFFFFE0];
	v20 =	vadd.f32 v29, v12;
	v25 =	vsub.f32 v23, v2;
	v30 =	vmul.f32 v37, v15;
	[tilespmem:s7+$0x0] =	vst v32;
	(pc) =	sbr.rel @p0 .LBB2_10-.Ltmp4, $4  }
0x1f3: {  	v26 =	vmul.f32 $2.000000030e-01, v36;
	v29 =	vadd.f32 v35, v16;
	v23 =	vld [tilespmem:s8+$0x0];
	v35 =	vmul.f32 v21, v37;
	v32 =	vpop (erf);
	[tilespmem:s7+$0x10] =	vst v31  }
0x1f4: {  	v15 =	vmov v34;
	v33 =	vmul.f32 $2.000000030e-01, v20;
	v24 =	vld [tilespmem:s8+$0x10];
	v39 =	vmul.f32 $1.442695020e+00, v25;
	[tilespmem:s6+$0x50] =	vst v30;
	v28 =	vpop (erf)  }
0x1f5: {  	v25 =	vmax.f32 v36, v26;
	v26 =	vperm.xlane v32, v1;
	v30 =	vmul.f32 $2.000000030e-01, v29;
	v21 =	vld [tilespmem:s8+$0x30];
	v32 =	vpop (erf);
	[tilespmem:s7+$0x20] =	vst v38  }
0x1f6: {  	v31 =	vsub.f32 v25, v2;
	s8 =	sadd.s32 $0xC0, s8;
	v33 =	vmax.f32 v20, v33;
	v25 =	vld [tilespmem:s9+$0x40];
	(erf) = vpow2.f32 v39;
	[tilespmem:s6+$0x30] =	vst v35;
	v20 =	vmovc v37  }
0x1f7: {  	v29 =	vmax.f32 v29, v30;
	v30 =	vsub.f32 v33, v2  }
0x1f8: {  	v29 =	vsub.f32 v29, v2;
	v31 =	vmul.f32 $1.442695020e+00, v31  }
0x1f9: {  	v32 =	vperm.xlane v32, v1;
	v30 =	vmul.f32 $1.442695020e+00, v30  }
0x1fa: {  	v29 =	vmul.f32 $1.442695020e+00, v29;
	(erf) = vpow2.f32 v31  }
0x1fb: {  	v8 =	vmul.f32 v8, v32;
	(erf) = vpow2.f32 v30  }
0x1fc: {  	v10 =	vmul.f32 v10, v32;
	(erf) = vpow2.f32 v29  }
0x1fd: {  	v5 =	vmul.f32 v32, v5;
	[tilespmem:s6+$0xFFFFFFA0] =	vst v8  }
0x1fe: {  	[tilespmem:s6+$0xFFFFFFB0] =	vst v10;
	v8 =	vmul.f32 v13, v26;
	v10 =	vperm.xlane v28, v1  }
0x1ff: {  	[tilespmem:s7+$0x40] =	vst v27;
	v6 =	vmul.f32 v6, v26;
	v4 =	vmul.f32 v26, v4  }
0x200: {  	[tilespmem:s6+$0xFFFFFFD0] =	vst v8;
	v8 =	vmul.f32 v9, v10  }
0x201: {  	[tilespmem:s6+$0xFFFFFFE0] =	vst v6;
	v6 =	vmul.f32 v7, v10  }
0x202: {  	[tilespmem:s6+$0xFFFFFFC0] =	vst v5;
	v5 =	vpop (erf)  }
0x203: {  	[tilespmem:s6+$0xFFFFFFF0] =	vst v4;
	v5 =	vperm.xlane v5, v1;
	v4 =	vpop (erf)  }
0x204: {  	v3 =	vmul.f32 v10, v3;
	[tilespmem:s6+$0x0] =	vst v8;
	v8 =	vpop (erf)  }
0x205: {  	[tilespmem:s6+$0x10] =	vst v6;
	v7 =	vmul.f32 v5, v15;
	v6 =	vpop (erf)  }
0x206: {  	[tilespmem:s6+$0x20] =	vst v3;
	v9 =	vmul.f32 v21, v5;
	v6 =	vperm.xlane v6, v1  }
0x207: {  	[tilespmem:s9+$0x50] =	vst v7;
	v7 =	vmul.f32 v11, v20  }
0x208: {  	[tilespmem:s9+$0x30] =	vst v9;
	v3 =	vmul.f32 v19, v6  }
0x209: {  	v4 =	vperm.xlane v4, v1;
	[tilespmem:s6+$0x40] =	vst v7;
	v7 =	vmul.f32 v18, v6  }
0x20a: {  	[tilespmem:s9+$0xFFFFFFA0] =	vst v3;
	v3 =	vmul.f32 v6, v16  }
0x20b: {  	[tilespmem:s9+$0xFFFFFFB0] =	vst v7;
	v6 =	vmul.f32 v17, v4  }
0x20c: {  	v7 =	vperm.xlane v8, v1;
	v8 =	vmul.f32 v22, v4;
	[tilespmem:s9+$0xFFFFFFC0] =	vst v3  }
0x20d: {  	v3 =	vmul.f32 v4, v14;
	[tilespmem:s9+$0xFFFFFFD0] =	vst v6  }
0x20e: {  	v4 =	vmul.f32 v23, v7;
	[tilespmem:s9+$0xFFFFFFE0] =	vst v8  }
0x20f: {  	v6 =	vmul.f32 v24, v7;
	[tilespmem:s9+$0xFFFFFFF0] =	vst v3  }
0x210: {  	v3 =	vmul.f32 v7, v12;
	[tilespmem:s9+$0x0] =	vst v4  }
0x211: {  	v4 =	vmul.f32 v25, v5;
	[tilespmem:s9+$0x10] =	vst v6  }
0x212: {  	[tilespmem:s9+$0x20] =	vst v3  }
0x213: {  	[tilespmem:s9+$0x40] =	vst v4  }
0x214: {  	[spmem:s2] =	stream.indirect.scatter.add.f32 [tilespmem:s20], [sflag:$0x4], $0x30, s26, s17, $0xb8;
	[tilespmem:$0x12910] =	vst v63  }
0x215: {  	_ =	swait.ge [sflag:s28], $0x1800  }
0x216: {  	[sflag:s28] =	ssyncset.done $0x0  }
0x217: {  	s3 =	simm.s32 $0x2800;
	[sflag:s28] =	ssyncadd.s32 $0xFFFFE800  }
0x218: {  	[tilespmem:s19], [sflag:$0x3] =	stream.indirect.gather [hbm4b:s4+s17], $0x30, s3, s17, $0xb8;
	[tilespmem:$0x12910] =	vst v63  }
0x219: {  	s11 =	simm.s32 $0x5080  }
0x21a: {  	[tilespmem:s29], [sflag:$0x3] =	stream.indirect.gather [hbm4b:s5+s17], $0x10, s11, s17, $0xb8;
	[tilespmem:$0x12910] =	vst v63  }
0x21b: {  	_ =	swait.ge [sflag:s30], $0x1800  }
0x21c: {  	[sflag:s30] =	ssyncset.done $0x0  }
0x21d: {  	[sflag:s30] =	ssyncadd.s32 $0xFFFFE800  }
0x21e: {  	_ =	swait.ge [sflag:s30], $0x800  }
0x21f: {  	[sflag:s30] =	ssyncset.done $0x0  }
0x220: {  	[sflag:s30] =	ssyncadd.s32 $0xFFFFF800  }
0x221: {  	v3 =	vld [tilespmem:$0x5000]  }
0x222: {  	v4 =	vld [tilespmem:$0x5010]  }
0x223: {  	v5 =	vld [tilespmem:$0x5020]  }
0x224: {  	v6 =	vld [tilespmem:$0x5030]  }
0x225: {  	v7 =	vld [tilespmem:$0x5040]  }
0x226: {  	[tilespmem:$0x5180] =	vst v3;
	v3 =	vld [tilespmem:$0x5050]  }
0x227: {  	[tilespmem:$0x5190] =	vst v4;
	v4 =	vld [tilespmem:$0x5060]  }
0x228: {  	[tilespmem:$0x51A0] =	vst v5;
	v5 =	vld [tilespmem:$0x5070]  }
0x229: {  	[tilespmem:$0x51B0] =	vst v6  }
0x22a: {  	[tilespmem:$0x51C0] =	vst v7  }
0x22b: {  	[tilespmem:$0x51D0] =	vst v3  }
0x22c: {  	[tilespmem:$0x51E0] =	vst v4  }
0x22d: {  	s7 =	simm.s32 $0x6AE0;
	[tilespmem:$0x51F0] =	vst v5  }
0x22e: {  	s12 =	simm.s32 $0xA2A0;
	v7 =	vld [tilespmem:s7+$0x50]  }
0x22f: {  	v3 =	vld [tilespmem:s12+$0x10]  }
0x230: {  	v4 =	vld [tilespmem:s12+$0xFFFFFFE0]  }
0x231: {  	v17 =	vld [tilespmem:s7+$0xFFFFFFF0]  }
0x232: {  	v5 =	vld [tilespmem:s12+$0xFFFFFFF0]  }
0x233: {  	v21 =	vld [tilespmem:s7+$0x20]  }
0x234: {  	v6 =	vld [tilespmem:s12+$0x0]  }
0x235: {  	v16 =	vld [tilespmem:s7+$0xFFFFFFC0]  }
0x236: {  	v12 =	vld [tilespmem:s7+$0xFFFFFFA0];
	v3 =	vadd.f32 v3, v7  }
0x237: {  	v18 =	vld [tilespmem:s7+$0xFFFFFFB0]  }
0x238: {  	v19 =	vld [tilespmem:s7+$0xFFFFFFD0];
	v8 =	vmul.f32 $2.000000030e-01, v3  }
0x239: {  	v20 =	vld [tilespmem:s7+$0xFFFFFFE0]  }
0x23a: {  	v22 =	vld [tilespmem:s7+$0x0];
	v5 =	vadd.f32 v5, v17;
	v3 =	vmax.f32 v3, v8  }
0x23b: {  	v23 =	vld [tilespmem:s7+$0x10];
	v6 =	vadd.f32 v6, v21;
	v3 =	vsub.f32 v3, v2  }
0x23c: {  	v11 =	vld [tilespmem:s7+$0x30];
	v4 =	vadd.f32 v4, v16;
	v8 =	vmul.f32 $2.000000030e-01, v5  }
0x23d: {  	s6 =	simm.s32 $0x6BA0;
	v24 =	vld [tilespmem:s7+$0x40];
	v9 =	vmul.f32 $2.000000030e-01, v6;
	v3 =	vmul.f32 $1.442695020e+00, v3  }
0x23e: {  	s16 =	simm.s32 $0xA2E0;
	v25 =	vld [tilespmem:s6+$0x50];
	v10 =	vmul.f32 $2.000000030e-01, v4;
	v5 =	vmax.f32 v5, v8  }
0x23f: {  	(erf) = vpow2.f32 v3;
	v3 =	vsub.f32 v5, v2;
	v5 =	vmax.f32 v6, v9;
	v6 =	vld [tilespmem:s16+$0x10]  }
0x240: {  	v13 =	vld [tilespmem:s16+$0xFFFFFFF0];
	v4 =	vmax.f32 v4, v10;
	v5 =	vsub.f32 v5, v2  }
0x241: {  	v14 =	vld [tilespmem:s16+$0x0];
	v8 =	vsub.f32 v4, v2;
	v3 =	vmul.f32 $1.442695020e+00, v3  }
0x242: {  	v4 =	vld [tilespmem:s6+$0xFFFFFFF0];
	v5 =	vmul.f32 $1.442695020e+00, v5  }
0x243: {  	v8 =	vmul.f32 $1.442695020e+00, v8;
	(erf) = vpow2.f32 v3;
	v3 =	vld [tilespmem:s6+$0x20]  }
0x244: {  	v9 =	vld [tilespmem:s16+$0xFFFFFFE0];
	(erf) = vpow2.f32 v5;
	v6 =	vadd.f32 v6, v25  }
0x245: {  	s10 =	simm.s32 $0xA320;
	v5 =	vld [tilespmem:s6+$0xFFFFFFC0];
	(erf) = vpow2.f32 v8  }
0x246: {  	v53 =	vld [tilespmem:s10+$0x10];
	v15 =	vmul.f32 $2.000000030e-01, v6  }
0x247: {  	v36 =	vld [tilespmem:s10+$0xFFFFFFE0];
	v27 =	vadd.f32 v13, v4  }
0x248: {  	v10 =	vld [tilespmem:s6+$0xFFFFFFB0];
	v26 =	vpop (erf);
	v15 =	vmax.f32 v6, v15;
	v14 =	vadd.f32 v14, v3  }
0x249: {  	v13 =	vld [tilespmem:s6+$0xFFFFFFD0];
	v30 =	vmul.f32 $2.000000030e-01, v27;
	v26 =	vperm.xlane v26, v1;
	v15 =	vsub.f32 v15, v2  }
0x24a: {  	v8 =	vld [tilespmem:s6+$0xFFFFFFA0];
	v29 =	vadd.f32 v9, v5;
	v31 =	vmul.f32 $2.000000030e-01, v14  }
0x24b: {  	v6 =	vld [tilespmem:s6+$0xFFFFFFE0];
	v15 =	vmul.f32 $1.442695020e+00, v15;
	v50 =	vmul.f32 v11, v26;
	v11 =	vmax.f32 v27, v30  }
0x24c: {  	v9 =	vld [tilespmem:s6+$0x0];
	v28 =	vmul.f32 v26, v7;
	v34 =	vmul.f32 $2.000000030e-01, v29;
	v51 =	vpop (erf);
	v35 =	vsub.f32 v11, v2  }
0x24d: {  	v7 =	vld [tilespmem:s6+$0x10];
	v14 =	vmax.f32 v14, v31;
	v27 =	vpop (erf);
	(erf) = vpow2.f32 v15;
	v31 =	vperm.xlane v51, v1  }
0x24e: {  	s9 =	simm.s32 $0x6C60;
	v30 =	vld [tilespmem:s6+$0x30];
	v29 =	vmax.f32 v29, v34;
	v14 =	vsub.f32 v14, v2;
	v52 =	vpop (erf);
	v35 =	vmul.f32 $1.442695020e+00, v35  }
0x24f: {  	v15 =	vld [tilespmem:s9+$0x50];
	v29 =	vsub.f32 v29, v2;
	v27 =	vperm.xlane v27, v1;
	v33 =	vperm.xlane v52, v1  }
0x250: {  	v11 =	vld [tilespmem:s6+$0x40];
	v37 =	vmul.f32 $1.442695020e+00, v14;
	v56 =	vmul.f32 v20, v31  }
0x251: {  	[tilespmem:s7+$0x50] =	vst v28;
	v14 =	vld [tilespmem:s9+$0xFFFFFFF0];
	v28 =	vmul.f32 $1.442695020e+00, v29;
	(erf) = vpow2.f32 v35  }
0x252: {  	[tilespmem:s7+$0x30] =	vst v50;
	v29 =	vld [tilespmem:s10+$0xFFFFFFF0];
	v12 =	vmul.f32 v12, v33;
	(erf) = vpow2.f32 v37  }
0x253: {  	v57 =	vmul.f32 v22, v27;
	[tilespmem:s7+$0xFFFFFFE0] =	vst v56;
	(erf) = vpow2.f32 v28;
	v28 =	vld [tilespmem:s10+$0x0]  }
0x254: {  	v58 =	vmul.f32 v23, v27;
	v60 =	vmul.f32 v27, v21;
	v55 =	vadd.f32 v53, v15;
	[tilespmem:s7+$0xFFFFFFA0] =	vst v12;
	v12 =	vld [tilespmem:s9+$0x20]  }
0x255: {  	v18 =	vmul.f32 v18, v33;
	v54 =	vmul.f32 v33, v16;
	v16 =	vld [tilespmem:s9+$0xFFFFFFC0];
	[tilespmem:s7+$0x0] =	vst v57  }
0x256: {  	v27 =	vmul.f32 v24, v26;
	v23 =	vld [tilespmem:s9+$0x0];
	[tilespmem:s7+$0x10] =	vst v58;
	v22 =	vmul.f32 $2.000000030e-01, v55  }
0x257: {  	v24 =	vld [tilespmem:s9+$0x10];
	[tilespmem:s7+$0xFFFFFFB0] =	vst v18;
	v18 =	vmul.f32 v19, v31;
	v31 =	vmul.f32 v31, v17;
	v59 =	vadd.f32 v29, v14;
	v17 =	vpop (erf)  }
0x258: {  	[tilespmem:s7+$0x20] =	vst v60;
	v19 =	vld [tilespmem:s9+$0xFFFFFFA0];
	v21 =	vmax.f32 v55, v22;
	v20 =	vperm.xlane v17, v1  }
0x259: {  	[tilespmem:s7+$0xFFFFFFD0] =	vst v18;
	v18 =	vld [tilespmem:s9+$0xFFFFFFB0];
	v21 =	vsub.f32 v21, v2;
	v26 =	vmul.f32 $2.000000030e-01, v59;
	v61 =	vadd.f32 v28, v12  }
0x25a: {  	[tilespmem:s7+$0xFFFFFFC0] =	vst v54;
	v22 =	vld [tilespmem:s9+$0xFFFFFFE0];
	v29 =	vadd.f32 v36, v16;
	v25 =	vmul.f32 v20, v25;
	v62 =	vmul.f32 v30, v20  }
0x25b: {  	[tilespmem:s7+$0xFFFFFFF0] =	vst v31;
	v17 =	vld [tilespmem:s9+$0xFFFFFFD0];
	v31 =	vpop (erf);
	v38 =	vmul.f32 $1.442695020e+00, v21;
	v63 =	vmul.f32 $2.000000030e-01, v61  }
0x25c: {  	v30 =	vmul.f32 $2.000000030e-01, v29;
	v21 =	vld [tilespmem:s9+$0x30];
	v28 =	vpop (erf);
	[tilespmem:s6+$0x50] =	vst v25;
	v25 =	vmax.f32 v59, v26;
	v26 =	vperm.xlane v31, v1  }
0x25d: {  	s8 =	simm.s32 $0x6D20;
	s3 =	simm.s32 $0x8;
	v32 =	vpop (erf);
	(erf) = vpow2.f32 v38;
	[tilespmem:s6+$0x30] =	vst v62;
	v31 =	vsub.f32 v25, v2;
	v33 =	vmax.f32 v61, v63;
	v25 =	vld [tilespmem:s9+$0x40]  }
.LBB2_12:
0x25e: {  	v34 =	vld [tilespmem:s8+$0x50];
	v29 =	vmax.f32 v29, v30;
	v30 =	vsub.f32 v33, v2;
	s10 =	sadd.s32 $0x40, s10;
	v32 =	vperm.xlane v32, v1;
	[tilespmem:s7+$0x40] =	vst v27;
	s7 =	smov.u32 s6;
	s6 =	smov.u32 s9  }
0x25f: {  	s3 =	sadd.s32 $0x4, s3;
	v28 =	vperm.xlane v28, v1;
	v33 =	vmovc v6;
	v6 =	vmovc v22;
	s9 =	smov.u32 s8;
	v27 =	vld [tilespmem:s10+$0x10];
	v29 =	vsub.f32 v29, v2;
	v36 =	vmul.f32 $1.442695020e+00, v31  }
0x260: {  	p0 =	slt.u32 s3, $0x7C;
	v35 =	vld [tilespmem:s10+$0xFFFFFFE0];
	v22 =	vmul.f32 $1.442695020e+00, v30;
	v30 =	vmul.f32 v8, v32;
	v8 =	vmovc v19;
	v19 =	vmovc v9;
	v9 =	vmov v23  }
0x261: {  	v31 =	vmovc v7;
	v7 =	vmovc v24;
	v24 =	vmov v11;
	v23 =	vld [tilespmem:s8+$0xFFFFFFF0];
	v29 =	vmul.f32 $1.442695020e+00, v29;
	(erf) = vpow2.f32 v36  }
0x262: {  	v36 =	vld [tilespmem:s10+$0xFFFFFFF0];
	(erf) = vpow2.f32 v22;
	[tilespmem:s7+$0xFFFFFFA0] =	vst v30;
	v22 =	vmul.f32 v10, v32;
	v10 =	vmovc v18;
	v11 =	vmov v25  }
0x263: {  	v18 =	vmul.f32 v32, v5;
	v5 =	vmov v16;
	v25 =	vld [tilespmem:s8+$0x20];
	(erf) = vpow2.f32 v29  }
0x264: {  	v30 =	vmul.f32 v33, v26;
	v29 =	vld [tilespmem:s10+$0x0];
	v27 =	vadd.f32 v27, v34;
	[tilespmem:s7+$0xFFFFFFB0] =	vst v22;
	v22 =	vmul.f32 v13, v26  }
0x265: {  	v32 =	vmul.f32 v19, v28;
	v26 =	vmul.f32 v26, v4;
	v4 =	vmovc v14;
	v13 =	vmov v17;
	v16 =	vld [tilespmem:s8+$0xFFFFFFC0];
	[tilespmem:s7+$0xFFFFFFC0] =	vst v18  }
0x266: {  	v31 =	vmul.f32 v31, v28;
	v19 =	vld [tilespmem:s8+$0xFFFFFFA0];
	v33 =	vmul.f32 $2.000000030e-01, v27;
	v17 =	vpop (erf);
	[tilespmem:s7+$0xFFFFFFD0] =	vst v22;
	v14 =	vmov v23  }
0x267: {  	v38 =	vmul.f32 v28, v3;
	v18 =	vld [tilespmem:s8+$0xFFFFFFB0];
	v36 =	vadd.f32 v36, v14;
	v37 =	vperm.xlane v17, v1;
	[tilespmem:s7+$0xFFFFFFE0] =	vst v30  }
0x268: {  	v3 =	vmovc v12;
	v17 =	vld [tilespmem:s8+$0xFFFFFFD0];
	v23 =	vmax.f32 v27, v33;
	[tilespmem:s7+$0xFFFFFFF0] =	vst v26;
	v27 =	vmul.f32 v24, v20;
	v12 =	vmov v25  }
.Ltmp5:
0x269: {  	v22 =	vld [tilespmem:s8+$0xFFFFFFE0];
	v20 =	vadd.f32 v29, v12;
	v25 =	vsub.f32 v23, v2;
	v30 =	vmul.f32 v37, v15;
	[tilespmem:s7+$0x0] =	vst v32;
	(pc) =	sbr.rel @p0 .LBB2_12-.Ltmp5, $4  }
0x26a: {  	v26 =	vmul.f32 $2.000000030e-01, v36;
	v29 =	vadd.f32 v35, v16;
	v23 =	vld [tilespmem:s8+$0x0];
	v35 =	vmul.f32 v21, v37;
	v32 =	vpop (erf);
	[tilespmem:s7+$0x10] =	vst v31  }
0x26b: {  	v15 =	vmov v34;
	v33 =	vmul.f32 $2.000000030e-01, v20;
	v24 =	vld [tilespmem:s8+$0x10];
	v39 =	vmul.f32 $1.442695020e+00, v25;
	[tilespmem:s6+$0x50] =	vst v30;
	v28 =	vpop (erf)  }
0x26c: {  	v25 =	vmax.f32 v36, v26;
	v26 =	vperm.xlane v32, v1;
	v30 =	vmul.f32 $2.000000030e-01, v29;
	v21 =	vld [tilespmem:s8+$0x30];
	v32 =	vpop (erf);
	[tilespmem:s7+$0x20] =	vst v38  }
0x26d: {  	v31 =	vsub.f32 v25, v2;
	s8 =	sadd.s32 $0xC0, s8;
	v33 =	vmax.f32 v20, v33;
	v25 =	vld [tilespmem:s9+$0x40];
	(erf) = vpow2.f32 v39;
	[tilespmem:s6+$0x30] =	vst v35;
	v20 =	vmovc v37  }
0x26e: {  	v29 =	vmax.f32 v29, v30;
	v30 =	vsub.f32 v33, v2  }
0x26f: {  	v29 =	vsub.f32 v29, v2;
	v31 =	vmul.f32 $1.442695020e+00, v31  }
0x270: {  	v32 =	vperm.xlane v32, v1;
	v30 =	vmul.f32 $1.442695020e+00, v30  }
0x271: {  	v29 =	vmul.f32 $1.442695020e+00, v29;
	(erf) = vpow2.f32 v31  }
0x272: {  	v8 =	vmul.f32 v8, v32;
	(erf) = vpow2.f32 v30  }
0x273: {  	v10 =	vmul.f32 v10, v32;
	(erf) = vpow2.f32 v29  }
0x274: {  	v5 =	vmul.f32 v32, v5;
	[tilespmem:s6+$0xFFFFFFA0] =	vst v8  }
0x275: {  	[tilespmem:s6+$0xFFFFFFB0] =	vst v10;
	v8 =	vmul.f32 v13, v26;
	v10 =	vperm.xlane v28, v1  }
0x276: {  	[tilespmem:s7+$0x40] =	vst v27;
	v6 =	vmul.f32 v6, v26;
	v4 =	vmul.f32 v26, v4  }
0x277: {  	[tilespmem:s6+$0xFFFFFFD0] =	vst v8;
	v8 =	vmul.f32 v9, v10  }
0x278: {  	[tilespmem:s6+$0xFFFFFFE0] =	vst v6;
	v6 =	vmul.f32 v7, v10  }
0x279: {  	[tilespmem:s6+$0xFFFFFFC0] =	vst v5;
	v5 =	vpop (erf)  }
0x27a: {  	[tilespmem:s6+$0xFFFFFFF0] =	vst v4;
	v5 =	vperm.xlane v5, v1;
	v4 =	vpop (erf)  }
0x27b: {  	v3 =	vmul.f32 v10, v3;
	[tilespmem:s6+$0x0] =	vst v8;
	v8 =	vpop (erf)  }
0x27c: {  	[tilespmem:s6+$0x10] =	vst v6;
	v7 =	vmul.f32 v5, v15;
	v6 =	vpop (erf)  }
0x27d: {  	[tilespmem:s6+$0x20] =	vst v3;
	v9 =	vmul.f32 v21, v5;
	v6 =	vperm.xlane v6, v1  }
0x27e: {  	[tilespmem:s9+$0x50] =	vst v7;
	v7 =	vmul.f32 v11, v20  }
0x27f: {  	[tilespmem:s9+$0x30] =	vst v9;
	v3 =	vmul.f32 v19, v6  }
0x280: {  	v4 =	vperm.xlane v4, v1;
	[tilespmem:s6+$0x40] =	vst v7;
	v7 =	vmul.f32 v18, v6  }
0x281: {  	[tilespmem:s9+$0xFFFFFFA0] =	vst v3;
	v3 =	vmul.f32 v6, v16  }
0x282: {  	[tilespmem:s9+$0xFFFFFFB0] =	vst v7;
	v6 =	vmul.f32 v17, v4  }
0x283: {  	v7 =	vperm.xlane v8, v1;
	v8 =	vmul.f32 v22, v4;
	[tilespmem:s9+$0xFFFFFFC0] =	vst v3  }
0x284: {  	v3 =	vmul.f32 v4, v14;
	[tilespmem:s9+$0xFFFFFFD0] =	vst v6  }
0x285: {  	v4 =	vmul.f32 v23, v7;
	[tilespmem:s9+$0xFFFFFFE0] =	vst v8  }
0x286: {  	v6 =	vmul.f32 v24, v7;
	[tilespmem:s9+$0xFFFFFFF0] =	vst v3  }
0x287: {  	v3 =	vmul.f32 v7, v12;
	[tilespmem:s9+$0x0] =	vst v4  }
0x288: {  	v4 =	vmul.f32 v25, v5;
	[tilespmem:s9+$0x10] =	vst v6  }
0x289: {  	[tilespmem:s9+$0x20] =	vst v3  }
0x28a: {  	[tilespmem:s9+$0x40] =	vst v4  }
0x28b: {  	[spmem:s2] =	stream.indirect.scatter.add.f32 [tilespmem:s22], [sflag:$0x5], $0x30, s31, s17, $0xb8;
	[tilespmem:$0x12910] =	vst v63  }
0x28c: {  	_ =	swait.ge [sflag:s0], $0x1800  }
0x28d: {  	[sflag:s0] =	ssyncset.done $0x0  }
0x28e: {  	[sflag:s0] =	ssyncadd.s32 $0xFFFFE800  }
0x28f: {  	_ =	swait.ge [sflag:s0], $0x800  }
0x290: {  	[sflag:s0] =	ssyncset.done $0x0  }
0x291: {  	[sflag:s0] =	ssyncadd.s32 $0xFFFFF800  }
0x292: {  	v3 =	vld [tilespmem:$0x5080]  }
0x293: {  	v4 =	vld [tilespmem:$0x5090]  }
0x294: {  	v5 =	vld [tilespmem:$0x50A0]  }
0x295: {  	v6 =	vld [tilespmem:$0x50B0]  }
0x296: {  	v7 =	vld [tilespmem:$0x50C0]  }
0x297: {  	[tilespmem:$0x5200] =	vst v3;
	v3 =	vld [tilespmem:$0x50D0]  }
0x298: {  	[tilespmem:$0x5210] =	vst v4;
	v4 =	vld [tilespmem:$0x50E0]  }
0x299: {  	[tilespmem:$0x5220] =	vst v5;
	v5 =	vld [tilespmem:$0x50F0]  }
0x29a: {  	[tilespmem:$0x5230] =	vst v6  }
0x29b: {  	[tilespmem:$0x5240] =	vst v7  }
0x29c: {  	[tilespmem:$0x5250] =	vst v3  }
0x29d: {  	[tilespmem:$0x5260] =	vst v4  }
0x29e: {  	s7 =	simm.s32 $0x82E0;
	[tilespmem:$0x5270] =	vst v5  }
0x29f: {  	s3 =	simm.s32 $0xAAA0;
	v7 =	vld [tilespmem:s7+$0x50]  }
0x2a0: {  	v3 =	vld [tilespmem:s3+$0x10]  }
0x2a1: {  	v4 =	vld [tilespmem:s3+$0xFFFFFFE0]  }
0x2a2: {  	v17 =	vld [tilespmem:s7+$0xFFFFFFF0]  }
0x2a3: {  	v5 =	vld [tilespmem:s3+$0xFFFFFFF0]  }
0x2a4: {  	v21 =	vld [tilespmem:s7+$0x20]  }
0x2a5: {  	v6 =	vld [tilespmem:s3+$0x0]  }
0x2a6: {  	v16 =	vld [tilespmem:s7+$0xFFFFFFC0]  }
0x2a7: {  	v12 =	vld [tilespmem:s7+$0xFFFFFFA0];
	v3 =	vadd.f32 v3, v7  }
0x2a8: {  	v18 =	vld [tilespmem:s7+$0xFFFFFFB0]  }
0x2a9: {  	v19 =	vld [tilespmem:s7+$0xFFFFFFD0];
	v8 =	vmul.f32 $2.000000030e-01, v3  }
0x2aa: {  	v20 =	vld [tilespmem:s7+$0xFFFFFFE0]  }
0x2ab: {  	v22 =	vld [tilespmem:s7+$0x0];
	v5 =	vadd.f32 v5, v17;
	v3 =	vmax.f32 v3, v8  }
0x2ac: {  	v23 =	vld [tilespmem:s7+$0x10];
	v6 =	vadd.f32 v6, v21;
	v3 =	vsub.f32 v3, v2  }
0x2ad: {  	v11 =	vld [tilespmem:s7+$0x30];
	v4 =	vadd.f32 v4, v16;
	v8 =	vmul.f32 $2.000000030e-01, v5  }
0x2ae: {  	s6 =	simm.s32 $0x83A0;
	v24 =	vld [tilespmem:s7+$0x40];
	v9 =	vmul.f32 $2.000000030e-01, v6;
	v3 =	vmul.f32 $1.442695020e+00, v3  }
0x2af: {  	s16 =	simm.s32 $0xAAE0;
	v25 =	vld [tilespmem:s6+$0x50];
	v10 =	vmul.f32 $2.000000030e-01, v4;
	v5 =	vmax.f32 v5, v8  }
0x2b0: {  	(erf) = vpow2.f32 v3;
	v3 =	vsub.f32 v5, v2;
	v5 =	vmax.f32 v6, v9;
	v6 =	vld [tilespmem:s16+$0x10]  }
0x2b1: {  	v13 =	vld [tilespmem:s16+$0xFFFFFFF0];
	v4 =	vmax.f32 v4, v10;
	v5 =	vsub.f32 v5, v2  }
0x2b2: {  	v14 =	vld [tilespmem:s16+$0x0];
	v8 =	vsub.f32 v4, v2;
	v3 =	vmul.f32 $1.442695020e+00, v3  }
0x2b3: {  	v4 =	vld [tilespmem:s6+$0xFFFFFFF0];
	v5 =	vmul.f32 $1.442695020e+00, v5  }
0x2b4: {  	v8 =	vmul.f32 $1.442695020e+00, v8;
	(erf) = vpow2.f32 v3;
	v3 =	vld [tilespmem:s6+$0x20]  }
0x2b5: {  	v9 =	vld [tilespmem:s16+$0xFFFFFFE0];
	(erf) = vpow2.f32 v5;
	v6 =	vadd.f32 v6, v25  }
0x2b6: {  	s10 =	simm.s32 $0xAB20;
	v5 =	vld [tilespmem:s6+$0xFFFFFFC0];
	(erf) = vpow2.f32 v8  }
0x2b7: {  	v53 =	vld [tilespmem:s10+$0x10];
	v15 =	vmul.f32 $2.000000030e-01, v6  }
0x2b8: {  	v36 =	vld [tilespmem:s10+$0xFFFFFFE0];
	v27 =	vadd.f32 v13, v4  }
0x2b9: {  	v10 =	vld [tilespmem:s6+$0xFFFFFFB0];
	v26 =	vpop (erf);
	v15 =	vmax.f32 v6, v15;
	v14 =	vadd.f32 v14, v3  }
0x2ba: {  	v13 =	vld [tilespmem:s6+$0xFFFFFFD0];
	v30 =	vmul.f32 $2.000000030e-01, v27;
	v26 =	vperm.xlane v26, v1;
	v15 =	vsub.f32 v15, v2  }
0x2bb: {  	v8 =	vld [tilespmem:s6+$0xFFFFFFA0];
	v29 =	vadd.f32 v9, v5;
	v31 =	vmul.f32 $2.000000030e-01, v14  }
0x2bc: {  	v6 =	vld [tilespmem:s6+$0xFFFFFFE0];
	v15 =	vmul.f32 $1.442695020e+00, v15;
	v50 =	vmul.f32 v11, v26;
	v11 =	vmax.f32 v27, v30  }
0x2bd: {  	v9 =	vld [tilespmem:s6+$0x0];
	v28 =	vmul.f32 v26, v7;
	v34 =	vmul.f32 $2.000000030e-01, v29;
	v51 =	vpop (erf);
	v35 =	vsub.f32 v11, v2  }
0x2be: {  	v7 =	vld [tilespmem:s6+$0x10];
	v14 =	vmax.f32 v14, v31;
	v27 =	vpop (erf);
	(erf) = vpow2.f32 v15;
	v31 =	vperm.xlane v51, v1  }
0x2bf: {  	s9 =	simm.s32 $0x8460;
	v30 =	vld [tilespmem:s6+$0x30];
	v29 =	vmax.f32 v29, v34;
	v14 =	vsub.f32 v14, v2;
	v52 =	vpop (erf);
	v35 =	vmul.f32 $1.442695020e+00, v35  }
0x2c0: {  	v15 =	vld [tilespmem:s9+$0x50];
	v29 =	vsub.f32 v29, v2;
	v27 =	vperm.xlane v27, v1;
	v33 =	vperm.xlane v52, v1  }
0x2c1: {  	v11 =	vld [tilespmem:s6+$0x40];
	v37 =	vmul.f32 $1.442695020e+00, v14;
	v56 =	vmul.f32 v20, v31  }
0x2c2: {  	[tilespmem:s7+$0x50] =	vst v28;
	v14 =	vld [tilespmem:s9+$0xFFFFFFF0];
	v28 =	vmul.f32 $1.442695020e+00, v29;
	(erf) = vpow2.f32 v35  }
0x2c3: {  	[tilespmem:s7+$0x30] =	vst v50;
	v29 =	vld [tilespmem:s10+$0xFFFFFFF0];
	v12 =	vmul.f32 v12, v33;
	(erf) = vpow2.f32 v37  }
0x2c4: {  	v57 =	vmul.f32 v22, v27;
	[tilespmem:s7+$0xFFFFFFE0] =	vst v56;
	(erf) = vpow2.f32 v28;
	v28 =	vld [tilespmem:s10+$0x0]  }
0x2c5: {  	v58 =	vmul.f32 v23, v27;
	v60 =	vmul.f32 v27, v21;
	v55 =	vadd.f32 v53, v15;
	[tilespmem:s7+$0xFFFFFFA0] =	vst v12;
	v12 =	vld [tilespmem:s9+$0x20]  }
0x2c6: {  	v18 =	vmul.f32 v18, v33;
	v54 =	vmul.f32 v33, v16;
	v16 =	vld [tilespmem:s9+$0xFFFFFFC0];
	[tilespmem:s7+$0x0] =	vst v57  }
0x2c7: {  	v27 =	vmul.f32 v24, v26;
	v23 =	vld [tilespmem:s9+$0x0];
	[tilespmem:s7+$0x10] =	vst v58;
	v22 =	vmul.f32 $2.000000030e-01, v55  }
0x2c8: {  	v24 =	vld [tilespmem:s9+$0x10];
	[tilespmem:s7+$0xFFFFFFB0] =	vst v18;
	v18 =	vmul.f32 v19, v31;
	v31 =	vmul.f32 v31, v17;
	v59 =	vadd.f32 v29, v14;
	v17 =	vpop (erf)  }
0x2c9: {  	[tilespmem:s7+$0x20] =	vst v60;
	v19 =	vld [tilespmem:s9+$0xFFFFFFA0];
	v21 =	vmax.f32 v55, v22;
	v20 =	vperm.xlane v17, v1  }
0x2ca: {  	[tilespmem:s7+$0xFFFFFFD0] =	vst v18;
	v18 =	vld [tilespmem:s9+$0xFFFFFFB0];
	v21 =	vsub.f32 v21, v2;
	v26 =	vmul.f32 $2.000000030e-01, v59;
	v61 =	vadd.f32 v28, v12  }
0x2cb: {  	[tilespmem:s7+$0xFFFFFFC0] =	vst v54;
	v22 =	vld [tilespmem:s9+$0xFFFFFFE0];
	v29 =	vadd.f32 v36, v16;
	v25 =	vmul.f32 v20, v25;
	v62 =	vmul.f32 v30, v20  }
0x2cc: {  	[tilespmem:s7+$0xFFFFFFF0] =	vst v31;
	v17 =	vld [tilespmem:s9+$0xFFFFFFD0];
	v31 =	vpop (erf);
	v38 =	vmul.f32 $1.442695020e+00, v21;
	v63 =	vmul.f32 $2.000000030e-01, v61  }
0x2cd: {  	v30 =	vmul.f32 $2.000000030e-01, v29;
	v21 =	vld [tilespmem:s9+$0x30];
	v28 =	vpop (erf);
	[tilespmem:s6+$0x50] =	vst v25;
	v25 =	vmax.f32 v59, v26;
	v26 =	vperm.xlane v31, v1  }
0x2ce: {  	s8 =	simm.s32 $0x8520;
	s3 =	simm.s32 $0x8;
	v32 =	vpop (erf);
	(erf) = vpow2.f32 v38;
	[tilespmem:s6+$0x30] =	vst v62;
	v31 =	vsub.f32 v25, v2;
	v33 =	vmax.f32 v61, v63;
	v25 =	vld [tilespmem:s9+$0x40]  }
.LBB2_14:
0x2cf: {  	v34 =	vld [tilespmem:s8+$0x50];
	v29 =	vmax.f32 v29, v30;
	v30 =	vsub.f32 v33, v2;
	s10 =	sadd.s32 $0x40, s10;
	v32 =	vperm.xlane v32, v1;
	[tilespmem:s7+$0x40] =	vst v27;
	s7 =	smov.u32 s6;
	s6 =	smov.u32 s9  }
0x2d0: {  	s3 =	sadd.s32 $0x4, s3;
	v28 =	vperm.xlane v28, v1;
	v33 =	vmovc v6;
	v6 =	vmovc v22;
	s9 =	smov.u32 s8;
	v27 =	vld [tilespmem:s10+$0x10];
	v29 =	vsub.f32 v29, v2;
	v36 =	vmul.f32 $1.442695020e+00, v31  }
0x2d1: {  	p0 =	slt.u32 s3, $0x7C;
	v35 =	vld [tilespmem:s10+$0xFFFFFFE0];
	v22 =	vmul.f32 $1.442695020e+00, v30;
	v30 =	vmul.f32 v8, v32;
	v8 =	vmovc v19;
	v19 =	vmovc v9;
	v9 =	vmov v23  }
0x2d2: {  	v31 =	vmovc v7;
	v7 =	vmovc v24;
	v24 =	vmov v11;
	v23 =	vld [tilespmem:s8+$0xFFFFFFF0];
	v29 =	vmul.f32 $1.442695020e+00, v29;
	(erf) = vpow2.f32 v36  }
0x2d3: {  	v36 =	vld [tilespmem:s10+$0xFFFFFFF0];
	(erf) = vpow2.f32 v22;
	[tilespmem:s7+$0xFFFFFFA0] =	vst v30;
	v22 =	vmul.f32 v10, v32;
	v10 =	vmovc v18;
	v11 =	vmov v25  }
0x2d4: {  	v18 =	vmul.f32 v32, v5;
	v5 =	vmov v16;
	v25 =	vld [tilespmem:s8+$0x20];
	(erf) = vpow2.f32 v29  }
0x2d5: {  	v30 =	vmul.f32 v33, v26;
	v29 =	vld [tilespmem:s10+$0x0];
	v27 =	vadd.f32 v27, v34;
	[tilespmem:s7+$0xFFFFFFB0] =	vst v22;
	v22 =	vmul.f32 v13, v26  }
0x2d6: {  	v32 =	vmul.f32 v19, v28;
	v26 =	vmul.f32 v26, v4;
	v4 =	vmovc v14;
	v13 =	vmov v17;
	v16 =	vld [tilespmem:s8+$0xFFFFFFC0];
	[tilespmem:s7+$0xFFFFFFC0] =	vst v18  }
0x2d7: {  	v31 =	vmul.f32 v31, v28;
	v19 =	vld [tilespmem:s8+$0xFFFFFFA0];
	v33 =	vmul.f32 $2.000000030e-01, v27;
	v17 =	vpop (erf);
	[tilespmem:s7+$0xFFFFFFD0] =	vst v22;
	v14 =	vmov v23  }
0x2d8: {  	v38 =	vmul.f32 v28, v3;
	v18 =	vld [tilespmem:s8+$0xFFFFFFB0];
	v36 =	vadd.f32 v36, v14;
	v37 =	vperm.xlane v17, v1;
	[tilespmem:s7+$0xFFFFFFE0] =	vst v30  }
0x2d9: {  	v3 =	vmovc v12;
	v17 =	vld [tilespmem:s8+$0xFFFFFFD0];
	v23 =	vmax.f32 v27, v33;
	[tilespmem:s7+$0xFFFFFFF0] =	vst v26;
	v27 =	vmul.f32 v24, v20;
	v12 =	vmov v25  }
.Ltmp6:
0x2da: {  	v22 =	vld [tilespmem:s8+$0xFFFFFFE0];
	v20 =	vadd.f32 v29, v12;
	v25 =	vsub.f32 v23, v2;
	v30 =	vmul.f32 v37, v15;
	[tilespmem:s7+$0x0] =	vst v32;
	(pc) =	sbr.rel @p0 .LBB2_14-.Ltmp6, $4  }
0x2db: {  	v26 =	vmul.f32 $2.000000030e-01, v36;
	v29 =	vadd.f32 v35, v16;
	v23 =	vld [tilespmem:s8+$0x0];
	v35 =	vmul.f32 v21, v37;
	v32 =	vpop (erf);
	[tilespmem:s7+$0x10] =	vst v31  }
0x2dc: {  	v15 =	vmov v34;
	v33 =	vmul.f32 $2.000000030e-01, v20;
	v24 =	vld [tilespmem:s8+$0x10];
	v39 =	vmul.f32 $1.442695020e+00, v25;
	[tilespmem:s6+$0x50] =	vst v30;
	v28 =	vpop (erf)  }
0x2dd: {  	v25 =	vmax.f32 v36, v26;
	v26 =	vperm.xlane v32, v1;
	v30 =	vmul.f32 $2.000000030e-01, v29;
	v21 =	vld [tilespmem:s8+$0x30];
	v32 =	vpop (erf);
	[tilespmem:s7+$0x20] =	vst v38  }
0x2de: {  	v31 =	vsub.f32 v25, v2;
	s8 =	sadd.s32 $0xC0, s8;
	v33 =	vmax.f32 v20, v33;
	v25 =	vld [tilespmem:s9+$0x40];
	(erf) = vpow2.f32 v39;
	[tilespmem:s6+$0x30] =	vst v35;
	v20 =	vmovc v37  }
0x2df: {  	_ = 	snop  }
0x2e0: {  	v29 =	vmax.f32 v29, v30;
	v48 =	vsub.f32 v33, v2;
	v49 =	vmul.f32 $1.442695020e+00, v31  }
0x2e1: {  	v50 =	vperm.xlane v32, v1;
	v6 =	vmul.f32 v6, v26;
	v2 =	vsub.f32 v29, v2  }
0x2e2: {  	v30 =	vmul.f32 $1.442695020e+00, v48;
	(erf) = vpow2.f32 v49  }
0x2e3: {  	[tilespmem:s7+$0x40] =	vst v27;
	v4 =	vmul.f32 v26, v4;
	v2 =	vmul.f32 $1.442695020e+00, v2  }
0x2e4: {  	v58 =	vmul.f32 v11, v20;
	[tilespmem:s6+$0xFFFFFFE0] =	vst v6;
	(erf) = vpow2.f32 v30  }
0x2e5: {  	[tilespmem:s6+$0xFFFFFFF0] =	vst v4;
	(erf) = vpow2.f32 v2;
	v2 =	vmul.f32 v10, v50  }
0x2e6: {  	v8 =	vmul.f32 v8, v50;
	[tilespmem:s6+$0x40] =	vst v58  }
0x2e7: {  	v51 =	vperm.xlane v28, v1;
	[tilespmem:s6+$0xFFFFFFB0] =	vst v2;
	v2 =	vmul.f32 v13, v26  }
0x2e8: {  	v5 =	vmul.f32 v50, v5;
	[tilespmem:s6+$0xFFFFFFA0] =	vst v8  }
0x2e9: {  	v53 =	vmul.f32 v7, v51;
	v52 =	vpop (erf);
	[tilespmem:s6+$0xFFFFFFD0] =	vst v2;
	v2 =	vmul.f32 v9, v51  }
0x2ea: {  	v3 =	vmul.f32 v51, v3;
	[tilespmem:s6+$0xFFFFFFC0] =	vst v5;
	v5 =	vperm.xlane v52, v1  }
0x2eb: {  	[tilespmem:s6+$0x10] =	vst v53;
	v54 =	vpop (erf)  }
0x2ec: {  	[tilespmem:s6+$0x20] =	vst v3;
	v55 =	vmul.f32 v5, v15;
	v4 =	vperm.xlane v54, v1  }
0x2ed: {  	[tilespmem:s6+$0x0] =	vst v2;
	v57 =	vmul.f32 v21, v5;
	v2 =	vpop (erf)  }
0x2ee: {  	[tilespmem:s9+$0x50] =	vst v55;
	v56 =	vpop (erf);
	v2 =	vperm.xlane v2, v1;
	v60 =	vmul.f32 v17, v4  }
0x2ef: {  	[tilespmem:s9+$0x30] =	vst v57;
	v6 =	vperm.xlane v56, v1;
	v61 =	vmul.f32 v22, v4  }
0x2f0: {  	v62 =	vmul.f32 v23, v2;
	[tilespmem:s9+$0xFFFFFFD0] =	vst v60  }
0x2f1: {  	v3 =	vmul.f32 v19, v6;
	[tilespmem:s9+$0xFFFFFFE0] =	vst v61  }
0x2f2: {  	v63 =	vmul.f32 v24, v2;
	[tilespmem:s9+$0x0] =	vst v62  }
0x2f3: {  	[tilespmem:s9+$0xFFFFFFA0] =	vst v3;
	v3 =	vmul.f32 v6, v16  }
0x2f4: {  	v2 =	vmul.f32 v2, v12;
	[tilespmem:s9+$0x10] =	vst v63  }
0x2f5: {  	[tilespmem:s9+$0xFFFFFFC0] =	vst v3;
	v3 =	vmul.f32 v4, v14  }
0x2f6: {  	v59 =	vmul.f32 v18, v6;
	[tilespmem:s9+$0x20] =	vst v2  }
0x2f7: {  	[tilespmem:s9+$0xFFFFFFF0] =	vst v3;
	v3 =	vmul.f32 v25, v5  }
0x2f8: {  	[tilespmem:s9+$0xFFFFFFB0] =	vst v59  }
0x2f9: {  	[tilespmem:s9+$0x40] =	vst v3  }
0x2fa: {  	[spmem:s2] =	stream.indirect.scatter.add.f32 [tilespmem:s19], [sflag:$0x6], $0x30, s18, s17, $0xb8;
	[tilespmem:$0x12910] =	vst v63  }
0x2fb: {  	_ =	swait.ge [sflag:s1], $0x1800  }
0x2fc: {  	[sflag:s1] =	ssyncset.done $0x0  }
0x2fd: {  	[sflag:s1] =	ssyncadd.s32 $0xFFFFE800  }
0x2fe: {  	_ =	swait.ge [sflag:s15], $0x1800  }
0x2ff: {  	[sflag:s15] =	ssyncset.done $0x0  }
0x300: {  	[sflag:s15] =	ssyncadd.s32 $0xFFFFE800  }
0x301: {  	_ =	swait.ge [sflag:s28], $0x1800  }
0x302: {  	[sflag:s28] =	ssyncset.done $0x0  }
0x303: {  	[sflag:s28] =	ssyncadd.s32 $0xFFFFE800  }
0x304: {  	[bflag:$0x0] =	sbarrier.arrive $0xFFFF  }
0x305: {  	s3 =	rddreg [dreg:$0x8]  }
0x306: {  	s6 =	rddreg [dreg:$0xa]  }
0x307: {  	[hbm:s3], [sflag:s13] =	dma.local [spmem:s6], $0xED0  }
0x308: {  	_ =	swait.ge [sflag:s14], $0xED0  }
0x309: {  	s23 =	sadd.s32 $0x1, s23;
	s16 =	rddreg [dreg:$0x9]  }
0x30a: {  	p0 =	sne.s32 s23, s16  }
.Ltmp7:
0x30b: {  	_ = 	snop;
	(pc) =	sbr.rel @p0 .LBB2_1-.Ltmp7, $3  }
0x30c: {  	_ =	sdelay $0x1  }
0x30d: {  	[sflag:s14] =	ssyncset.done $0x0  }
0x30e: {  	s8 =	smov.u32 s13;
	[sflag:s14] =	ssyncadd.s32 $0xFFFFF130  }
0x30f: {  	_ =	sfence.sel $0x180000  }
0x310: {  	[bflag:$0x0] =	sbarrier.arrive $0xFFFF  }
0x311: {  	_ =	strace $0x9000004A  }
0x312: {  	s0 =	stileid.u32;
	[bflag:$0x2] =	sbarrier.arrive $0xFFFF  }
0x313: {  	p0 =	sne.s32 s0, $0x0;
	s0 =	rddreg [dreg:$0x3]  }
0x314: {  	s0 =	sadd.s32 @!p0 $0x100000, s0  }
0x315: {  	[sflag:s0] =	ssyncadd.tile.s32 @!p0 $0x1;
	_ =	shalt  }
.Lfunc_end2:
_tile_overlayer_lowered:
.L_overlay_start_2:
0x316: {  	(tag) =	ssettag $0x2  }
0x317: {  	s0 =	rddreg [dreg:$0x0];
	s2 =	stileid.u32  }
0x318: {  	s1 =	rddreg [dreg:$0x1];
	p0 =	sne.s32 s2, $0x0  }
0x319: {  	s3 =	rddreg [dreg:$0x2];
	[bflag:$0x3] =	sbarrier.arrive $0xFFFF;
	s2 =	simm.s32 @!p0 $0x1C07  }
0x31a: {  	[timem:s3], [sflag:s2] =	dma.local @!p0 [hbm:s0], s1  }
0x31b: {  	s0 =	simm.s32 @!p0 $0x7  }
0x31c: {  	_ =	swait.ge @!p0 [sflag:s0], s1  }
0x31d: {  	s1 =	ssub.s32 @!p0 $0x0, s1;
	[sflag:s0] =	ssyncset.done @!p0 $0x0  }
0x31e: {  	[sflag:s0] =	ssyncadd.s32 @!p0 s1  }
0x31f: {  	[bflag:$0x3] =	sbarrier.arrive $0xFFFF  }
0x320: {  	_ =	shalt  }

// kernel: kernel.7.cloned.1.call-start
scs
__scs_entry_jumppad:
0x0: {  	(pc) =	sbr.rel $0x88, $3  }
0x1: {  	(tag) =	ssettag $0x0;
	lr =	simm.s32 $0x1  }
0x2: {  	[smem:$0x3F97] =	sst lr;
	_ =	strace $0xD0000000  }
0x3: {  	_ = 	snop  }
0x4: {  	_ = 	snop  }
0x5: {  	_ = 	snop  }
0x6: {  	_ = 	snop  }
0x7: {  	_ = 	snop  }
__scs_overlays_trampoline_lowered:
0x8: {  	[smem:$0x3FA6] =	sst s0  }
0x9: {  	[smem:$0x3FA7] =	sst s1  }
0xa: {  	[smem:$0x3FA8] =	sst s2  }
0xb: {  	[smem:$0x3FA9] =	sst s3  }
0xc: {  	[smem:$0x3FAA] =	sst s4  }
0xd: {  	[smem:$0x3FAB] =	sst s5  }
0xe: {  	[smem:$0x3FAC] =	sst s6  }
0xf: {  	[smem:$0x3FAD] =	sst s7  }
0x10: {  	[smem:$0x3FAE] =	sst s8  }
0x11: {  	[smem:$0x3FAF] =	sst s9;
	s0 =	simm.s32 @!p0 $0x0  }
0x12: {  	s1 =	sld [smem:$0x3F95];
	s0 =	simm.s32 @p0 $0x1  }
0x13: {  	[smem:$0x3FB0] =	sst s0;
	s0 =	simm.s32 @!p1 $0x0  }
0x14: {  	s2 =	sld [smem:$0x3F94];
	s0 =	simm.s32 @p1 $0x1  }
0x15: {  	[smem:$0x3FB1] =	sst s0;
	s0 =	simm.s32 @!p2 $0x0  }
0x16: {  	s3 =	sld [smem:$0x3FDB];
	s0 =	simm.s32 @p2 $0x1  }
0x17: {  	s4 =	simm.s32 $0x1BF5;
	[smem:$0x3FB3] =	sst s0  }
0x18: {  	s0 =	sld [smem:$0x3F96];
	_ =	swait.ge [sflag:s4], $0x0  }
0x19: {  	s7 =	sld [smem:$0x3F97]  }
0x1a: {  	s8 =	sadd.s32 $0xFFFFE003, lr  }
0x1b: {  	s9 =	sadd.s32 $0xFFFFFEF7, lr;
	s5 =	simm.s32 $0xFFFFFFFF;
	p2 =	slt.u32 s8, $0xFFFFF086  }
0x1c: {  	p1 =	slt.u32 s9, $0xF7A;
	s5 =	simm.s32 @!p2 $0x0  }
0x1d: {  	s5 =	simm.s32 @p1 $0x1;
	p0 =	seq.s32 s7, s2  }
0x1e: {  	s7 =	smul.u32 @!p0 $0xF7A, s2;
	p2 =	seq.s32 @!p0 s5, $0x0  }
0x1f: {  	s9 =	smul.u32 $0xF7A, s1;
	s8 =	simm.s32 @!p0 $0x1BF5;
	p2 =	por !p2, p0  }
0x20: {  	[sflag:s8] =	ssyncset.s32 @!p0 $0xFFFFF086;
	s6 =	sadd.s32 @!p0 s3, s7;
	s7 =	simm.s32 @!p0 $0x108  }
0x21: {  	s3 =	sadd.s32 s3, s9;
	s6 =	sadd.s32 @!p0 $0x88, s6;
	s7 =	simm.s32 @p2 $0x1082  }
0x22: {  	[simem:s7], [sflag:s8] =	dma.local @!p0 [hbm:s6], $0xF7A  }
0x23: {  	s9 =	sor.u32 $0xD0000000, s2;
	s6 =	simm.s32 $0x108;
	_ =	swait.ge @!p0 [sflag:s8], $0x0  }
0x24: {  	s3 =	sadd.s32 $0x88, s3;
	s6 =	simm.s32 @!p1 $0x1082;
	[sflag:s4] =	ssyncset.s32 $0xFFFFF086  }
0x25: {  	[simem:s6], [sflag:s4] =	dma.local [hbm:s3], $0xF7A  }
0x26: {  	[smem:$0x3F97] =	sst s1;
	(tag) =	ssettag s2;
	_ =	strace s9  }
0x27: {  	s1 =	sld [smem:$0x3FA7]  }
0x28: {  	s2 =	sld [smem:$0x3FA8]  }
0x29: {  	s4 =	sld [smem:$0x3FAA]  }
0x2a: {  	p0 =	seq.s32 s5, $0x0;
	s5 =	sld [smem:$0x3FAB]  }
0x2b: {  	s6 =	sld [smem:$0x3FAC]  }
0x2c: {  	s7 =	sld [smem:$0x3FAD]  }
0x2d: {  	s3 =	simm.s32 $0x108;
	s8 =	sld [smem:$0x3FAE]  }
0x2e: {  	s3 =	simm.s32 @!p0 $0x1082;
	s9 =	sld [smem:$0x3FAF]  }
0x2f: {  	lr =	sadd.s32 s0, s3;
	s0 =	sld [smem:$0x3FA6]  }
0x30: {  	s3 =	sld [smem:$0x3FA9]  }
0x31: {  	[smem:$0x3FB2] =	sst s10  }
0x32: {  	s10 =	sld [smem:$0x3FB0];
	_ =	sdelay $0x3  }
0x33: {  	p0 =	seq.s32 s10, $0x1;
	s10 =	sld [smem:$0x3FB2];
	_ =	sdelay $0x3  }
0x34: {  	[smem:$0x3FB2] =	sst s10  }
0x35: {  	s10 =	sld [smem:$0x3FB1];
	_ =	sdelay $0x3  }
0x36: {  	p1 =	seq.s32 s10, $0x1;
	s10 =	sld [smem:$0x3FB2];
	_ =	sdelay $0x3  }
0x37: {  	[smem:$0x3FB2] =	sst s10  }
0x38: {  	s10 =	sld [smem:$0x3FB3]  }
0x39: {  	_ = 	snop;
	(pc) =	sbr.ind lr, $3  }
0x3a: {  	_ = 	snop  }
0x3b: {  	_ = 	snop  }
0x3c: {  	p2 =	seq.s32 s10, $0x1;
	s10 =	sld [smem:$0x3FB2]  }
0x3d: {  	_ =	shalt  }
0x3e: {  	_ =	shalt  }
0x3f: {  	_ =	shalt  }
0x40: {  	_ =	shalt  }
0x41: {  	_ =	shalt  }
0x42: {  	_ =	shalt  }
0x43: {  	_ =	shalt  }
0x44: {  	_ =	shalt  }
0x45: {  	_ =	shalt  }
0x46: {  	_ =	shalt  }
0x47: {  	_ =	shalt  }
0x48: {  	_ =	shalt  }
0x49: {  	_ =	shalt  }
0x4a: {  	_ =	shalt  }
0x4b: {  	_ =	shalt  }
0x4c: {  	_ =	shalt  }
0x4d: {  	_ =	shalt  }
0x4e: {  	_ =	shalt  }
0x4f: {  	_ =	shalt  }
0x50: {  	_ =	shalt  }
0x51: {  	_ =	shalt  }
0x52: {  	_ =	shalt  }
0x53: {  	_ =	shalt  }
0x54: {  	_ =	shalt  }
0x55: {  	_ =	shalt  }
0x56: {  	_ =	shalt  }
0x57: {  	_ =	shalt  }
0x58: {  	_ =	shalt  }
0x59: {  	_ =	shalt  }
0x5a: {  	_ =	shalt  }
0x5b: {  	_ =	shalt  }
0x5c: {  	_ =	shalt  }
0x5d: {  	_ =	shalt  }
0x5e: {  	_ =	shalt  }
0x5f: {  	_ =	shalt  }
0x60: {  	_ =	shalt  }
0x61: {  	_ =	shalt  }
0x62: {  	_ =	shalt  }
0x63: {  	_ =	shalt  }
0x64: {  	_ =	shalt  }
0x65: {  	_ =	shalt  }
0x66: {  	_ =	shalt  }
0x67: {  	_ =	shalt  }
0x68: {  	_ =	shalt  }
0x69: {  	_ =	shalt  }
0x6a: {  	_ =	shalt  }
0x6b: {  	_ =	shalt  }
0x6c: {  	_ =	shalt  }
0x6d: {  	_ =	shalt  }
0x6e: {  	_ =	shalt  }
0x6f: {  	_ =	shalt  }
0x70: {  	_ =	shalt  }
0x71: {  	_ =	shalt  }
0x72: {  	_ =	shalt  }
0x73: {  	_ =	shalt  }
0x74: {  	_ =	shalt  }
0x75: {  	_ =	shalt  }
0x76: {  	_ =	shalt  }
0x77: {  	_ =	shalt  }
0x78: {  	_ =	shalt  }
0x79: {  	_ =	shalt  }
0x7a: {  	_ =	shalt  }
0x7b: {  	_ =	shalt  }
0x7c: {  	_ =	shalt  }
0x7d: {  	_ =	shalt  }
0x7e: {  	_ =	shalt  }
0x7f: {  	_ =	shalt  }
0x80: {  	_ =	shalt  }
0x81: {  	_ =	shalt  }
0x82: {  	_ =	shalt  }
0x83: {  	_ =	shalt  }
0x84: {  	_ =	shalt  }
0x85: {  	_ =	shalt  }
0x86: {  	_ =	shalt  }
0x87: {  	_ =	shalt  }
.Lfunc_end0:
.L_simem_size_0:
called_computation_lowered:
.L_overlay_start_0:
0x88: {  	s2 =	sld [smem:$0x3FD9]  }
0x89: {  	s3 =	sld [smem:$0x3FFE];
	_ =	sdelay $0x1  }
0x8a: {  	s1 =	srdreg.scid  }
0x8b: {  	s0 =	sand.u32 $0x1, s1  }
0x8c: {  	s17 =	sshll.u32 s0, $0xA;
	s2 =	sadd.s32 s3, s2  }
0x8d: {  	s2 =	sadd.s32 s2, s17  }
0x8e: {  	[smem:$0x3FBE] =	sst s2  }
0x8f: {  	_ = 	snop  }
0x90: {  	s2 =	sld [smem:$0x3FD0];
	(tm) =	ssettm $0x1  }
0x91: {  	s18 =	sld [smem:$0x3FFB];
	_ =	sdelay $0x3  }
0x92: {  	_ =	strace s18  }
0x93: {  	s3 =	sld [smem:$0x3FFC];
	_ =	sdelay $0x3  }
0x94: {  	_ =	strace s3  }
0x95: {  	s3 =	sld [smem:$0x3FFD];
	_ =	sdelay $0x3  }
0x96: {  	_ =	strace s3  }
0x97: {  	_ =	strace $0x8FFFFFFF  }
0x98: {  	s19 =	sld [smem:$0x3FDB];
	_ =	sdelay $0x1  }
0x99: {  	s4 =	simm.s32 $_scs_section_size  }
0x9a: {  	s5 =	simm.s32 $_size__tile_overlayer_lowered;
	s6 =	simm.s32 $_tile_overlayer_lowered  }
0x9b: {  	s22 =	simm.s32 $0x1BFF;
	s21 =	sshll.u32 s6, $0x1;
	s3 =	sadd.s32 s4, s19  }
0x9c: {  	s7 =	simm.s32 $0x0;
	s20 =	sshll.u32 s5, $0x1;
	s5 =	sadd.s32 s21, s3  }
0x9d: {  	[timem:s7], [sflag:s22] =	dma.local [hbm:s5], s20  }
0x9e: {  	_ =	swait.ge [sflag:s22], s20  }
0x9f: {  	s4 =	ssub.s32 $0x0, s20;
	[sflag:s22] =	ssyncset.done $0x0  }
0xa0: {  	[sflag:s22] =	ssyncadd.s32 s4;
	_ =	sdelay $0x1  }
0xa1: {  	s23 =	simm.s32 $0x1B8B  }
0xa2: {  	_ =	swait.ge [sflag:s23], $0x1  }
0xa3: {  	[sflag:s23] =	ssyncset.done $0x0  }
0xa4: {  	s25 =	simm.s32 $0x1B8E;
	s24 =	sld [smem:$0x3FFE];
	[sflag:s23] =	ssyncadd.s32 $0xFFFFFFFF  }
0xa5: {  	s26 =	simm.s32 $execute0_lowered;
	[smem:$0x3FD2] =	sst s25  }
0xa6: {  	s5 =	sshll.u32 s26, $0x1;
	_ =	strace $0x80000046;
	[dreg:$0x1] =	wrdreg $0xFFFFFFFF  }
0xa7: {  	s28 =	simm.s32 $_size_execute0_lowered;
	s3 =	sadd.s32 s3, s5;
	[dreg:$0x0] =	wrdreg $0x0  }
0xa8: {  	s5 =	sshll.u32 s28, $0x1;
	[dreg:$0x2] =	wrdreg s3  }
0xa9: {  	[dreg:$0x3] =	wrdreg s5  }
0xaa: {  	[dreg:$0x4] =	wrdreg $0xC0  }
0xab: {  	_ =	task [dreg:s7], $0x5FFFF  }
0xac: {  	[dreg:$0x1] =	wrdreg $0xFFFFFFFF  }
0xad: {  	[dreg:$0x0] =	wrdreg $0x60  }
0xae: {  	[dreg:$0x2] =	wrdreg s24  }
0xaf: {  	[dreg:$0x3] =	wrdreg s2  }
0xb0: {  	[dreg:$0x4] =	wrdreg $0xE2900  }
0xb1: {  	[dreg:$0x5] =	wrdreg $0x9  }
0xb2: {  	_ =	task.clear_ibuf [dreg:s7], $0x6FFFF;
	_ =	strace $0x90000046  }
0xb3: {  	s29 =	simm.s32 $0x9;
	_ =	strace $0x80000048  }
0xb4: {  	_ =	swait.ge [sflag:s29], $0x1  }
0xb5: {  	[sflag:s29] =	ssyncadd.s32 $0xFFFFFFFF  }
0xb6: {  	_ =	strace $0x90000048  }
0xb7: {  	_ =	sfence  }
0xb8: {  	s30 =	sld [smem:$0x0];
	_ =	sdelay $0x2  }
0xb9: {  	s31 =	sshll.u32 s1, $0xD;
	s1 =	sshrl.u32 s1, $0x2  }
0xba: {  	s3 =	sand.u32 $0x4000, s31;
	s1 =	sadd.s32 s1, s30  }
0xbb: {  	s0 =	sor.u32 s3, s0;
	s1 =	sshll.u32 s1, $0x11  }
0xbc: {  	s0 =	sor.u32 s1, s0  }
0xbd: {  	s0 =	sadd.s32 $0x8F2B, s0  }
0xbe: {  	[sflag:s0] =	ssyncadd.remote.s32 $0x1  }
0xbf: {  	_ =	sfence.sel $0xFFFF  }
0xc0: {  	[dreg:$0x0] =	wrdreg $0xFFFFFFFF;
	(pc) =	sbr.abs _section_cstart, $3  }
0xc1: {  	[dreg:$0x1] =	wrdreg $0xFFFFFFFF  }
0xc2: {  	_ =	task.clear_ibuf [dreg:s7], $0x2FFFF;
	_ =	strace $0x9FFFFFFF  }
0xc3: {  	(tm) =	ssettm $0x7FFFFFFF  }
tec
execute0_lowered:
.L_overlay_start_1:
0x0: {  	(tag) =	ssettag $0x1  }
0x1: {  	s0 =	rddreg [dreg:$0x0]  }
0x2: {  	s1 =	srdreg.scid;
	s3 =	rddreg [dreg:$0x1]  }
0x3: {  	s11 =	stileid.u32;
	s2 =	rddreg [dreg:$0x2];
	s5 =	simm.s32 $0x0  }
0x4: {  	s14 =	simm.s32 $0x7;
	s17 =	simm.s32 $0x80;
	s18 =	simm.s32 $0x5200  }
0x5: {  	s19 =	simm.s32 $0xA280;
	s20 =	simm.s32 $0x5280;
	s21 =	simm.s32 $0xCA80  }
0x6: {  	s28 =	simm.s32 $0x6;
	s29 =	simm.s32 $0xDA80;
	s30 =	simm.s32 $0x2  }
0x7: {  	s31 =	simm.s32 $0x5180;
	s15 =	simm.s32 $0x5;
	s1 =	sand.u32 $0x1, s1  }
0x8: {  	s4 =	sshll.u32 s11, $0x1;
	[smem:$0x7FF] =	sst s5;
	s7 =	smul.u32 $0xC580, s11  }
0x9: {  	s5 =	sadd.s32 $0x1A00, s0;
	s9 =	sadd.s32 $0x1800, s0;
	s10 =	sadd.s32 $0x29400, s0  }
0xa: {  	s24 =	sshll.u32 s11, $0x6;
	s4 =	sor.u32 s1, s4;
	_ =	strace $0x80000047  }
0xb: {  	s8 =	smul.u32 $0xC5800, s1;
	[dreg:$0x4] =	wrdreg s9;
	s1 =	ssub.s32 $0x2, s1  }
0xc: {  	[dreg:$0x5] =	wrdreg s10;
	s6 =	smul.u32 $0x510, s4;
	s23 =	sshrl.u32 s1, $0x1  }
0xd: {  	s4 =	sadd.s32 $0x6A00, s0;
	s8 =	sadd.s32 s7, s8;
	s1 =	ssub.s32 s1, s23  }
0xe: {  	s7 =	sadd.s32 s7, s2;
	s23 =	simm.s32 $0x0;
	s22 =	sadd.s32 s6, s0  }
0xf: {  	s8 =	sshrl.u32 s8, $0x3;
	s3 =	sadd.s32 s3, s6;
	s26 =	smax.u32 s1, $0x1  }
0x10: {  	s13 =	sshrl.u32 s7, $0x3;
	s1 =	simm.s32 $0x4;
	s0 =	sadd.s32 s8, s0  }
0x11: {  	v5 =	vlaneseq.u32;
	s8 =	sor.u32 $0x1C07, s24;
	[dreg:$0x6] =	wrdreg s3;
	s25 =	sadd.s32 $0x1F200, s22  }
0x12: {  	v4 =	vshrl.u32 v5, $0x3;
	[dreg:$0x9] =	wrdreg s26;
	s22 =	simm.s32 $0x7A80;
	s24 =	simm.s32 $0xD280  }
0x13: {  	v0 =	vimm.s32 $0x2710;
	v5 =	vor.u32 $0x8, v5;
	v1 =	vor.u32 $0x8, v4;
	s26 =	simm.s32 $0x5100;
	[dreg:$0x7] =	wrdreg s25;
	s0 =	sadd.s32 $0x2AE00, s0  }
0x14: {  	v2 =	vor.u32 $0xA, v4;
	v3 =	vor.u32 $0xC, v4;
	v4 =	vor.u32 $0xE, v4;
	s25 =	simm.s32 $0x1;
	[dreg:$0x8] =	wrdreg s0;
	s0 =	simm.s32 $0x3  }
.LBB2_1:
0x15: {  	s3 =	rddreg [dreg:$0x5]  }
0x16: {  	[spmem:s13], [sflag:s8] =	dma.local [hbm:s3], $0x18B0  }
0x17: {  	_ =	swait.ge [sflag:s14], $0x18B0  }
0x18: {  	s9 =	simm.s32 $0x0;
	[sflag:s14] =	ssyncset.done $0x0  }
0x19: {  	s7 =	simm.s32 $0xE280;
	s6 =	rddreg [dreg:$0x4];
	[sflag:s14] =	ssyncadd.s32 $0xFFFFE750  }
0x1a: {  	[tilespmem:s7], [sflag:$0x7] =	stream.linear.gather [hbm4b:s6+s9], $0x10, $0x38;
	[tilespmem:$0x1A810] =	vst v63  }
0x1b: {  	_ =	swait.ge [sflag:s14], $0x10  }
0x1c: {  	[sflag:s14] =	ssyncset.done $0x0  }
0x1d: {  	s10 =	rddreg [dreg:$0x6];
	[sflag:s14] =	ssyncadd.s32 $0xFFFFFFF0  }
0x1e: {  	[tilespmem:s9], [sflag:$0x7] =	stream.linear.gather [hbm4b:s10+s9], $0x2880, $0x38;
	[tilespmem:$0x1A810] =	vst v63  }
0x1f: {  	_ =	swait.ge [sflag:s14], $0x2880  }
0x20: {  	[sflag:s14] =	ssyncset.done $0x0  }
0x21: {  	s12 =	simm.s32 $0x2880;
	s11 =	rddreg [dreg:$0x7];
	[sflag:s14] =	ssyncadd.s32 $0xFFFFD780  }
0x22: {  	[tilespmem:s12], [sflag:$0x7] =	stream.linear.gather [hbm4b:s11+s9], $0x2880, $0x38;
	[tilespmem:$0x1A810] =	vst v63  }
0x23: {  	_ =	swait.ge [sflag:s14], $0x2880  }
0x24: {  	[sflag:s14] =	ssyncset.done $0x0  }
0x25: {  	[sflag:s14] =	ssyncadd.s32 $0xFFFFD780  }
0x26: {  	[bflag:$0x0] =	sbarrier.arrive $0xFFFF  }
0x27: {  	[tilespmem:$0x5200] =	vst v0  }
0x28: {  	[tilespmem:$0x5210] =	vst v0  }
0x29: {  	[tilespmem:$0x5220] =	vst v0  }
0x2a: {  	[tilespmem:$0x5230] =	vst v0  }
0x2b: {  	[tilespmem:$0x5240] =	vst v0  }
0x2c: {  	[tilespmem:$0x5250] =	vst v0  }
0x2d: {  	[tilespmem:$0x5260] =	vst v0  }
0x2e: {  	[tilespmem:$0x5270] =	vst v0  }
0x2f: {  	v6 =	vld [tilespmem:$0xE280];
	[spmem:s2] =	stream.indirect.scatter.add.f32 [tilespmem:s19], [sflag:$0x6], $0x50, s18, s17, $0xb8  }
0x30: {  	_ = 	snop  }
0x31: {  	[tilespmem:s20], [sflag:$0x1] =	stream.indirect.gather [hbm4b:s4+s17], $0x50, s9, s17, $0xb8;
	[tilespmem:$0x1A810] =	vst v63  }
0x32: {  	_ = 	snop  }
0x33: {  	[tilespmem:s21], [sflag:$0x1] =	stream.indirect.gather [hbm4b:s5+s17], $0x10, s12, s17, $0xb8;
	[tilespmem:$0x1A810] =	vst v63  }
0x34: {  	_ = 	snop  }
0x35: {  	[tilespmem:s22], [sflag:$0x2] =	stream.indirect.gather [hbm4b:s4+s17], $0x50, s17, s17, $0xb8;
	[tilespmem:$0x1A810] =	vst v63  }
0x36: {  	s16 =	simm.s32 $0x2900  }
0x37: {  	[tilespmem:s24], [sflag:$0x2] =	stream.indirect.gather [hbm4b:s5+s17], $0x10, s16, s17, $0xb8;
	[tilespmem:$0x1A810] =	vst v63  }
0x38: {  	s16 =	simm.s32 $0x0  }
.LBB2_2:
0x39: {  	_ =	swait.ge [sflag:s25], $0x2800  }
0x3a: {  	[sflag:s25] =	ssyncset.done $0x0  }
0x3b: {  	[sflag:s25] =	ssyncadd.s32 $0xFFFFD800  }
0x3c: {  	_ =	swait.ge [sflag:s25], $0x800  }
0x3d: {  	s6 =	smul.u32 $0x180, s16;
	[sflag:s25] =	ssyncset.done $0x0  }
0x3e: {  	[sflag:s25] =	ssyncadd.s32 $0xFFFFF800  }
0x3f: {  	v7 =	vld [tilespmem:s6+$0x2880];
	_ =	sdelay $0x4  }
0x40: {  	[tilespmem:$0x5100] =	vst v7  }
0x41: {  	v7 =	vld [tilespmem:s6+$0x2890];
	_ =	sdelay $0x4  }
0x42: {  	[tilespmem:$0x5110] =	vst v7  }
0x43: {  	v7 =	vld [tilespmem:s6+$0x28A0];
	_ =	sdelay $0x4  }
0x44: {  	[tilespmem:$0x5120] =	vst v7  }
0x45: {  	v7 =	vld [tilespmem:s6+$0x28B0];
	_ =	sdelay $0x4  }
0x46: {  	[tilespmem:$0x5130] =	vst v7  }
0x47: {  	v7 =	vld [tilespmem:s6+$0x28C0];
	_ =	sdelay $0x4  }
0x48: {  	[tilespmem:$0x5140] =	vst v7  }
0x49: {  	v7 =	vld [tilespmem:s6+$0x28D0];
	_ =	sdelay $0x4  }
0x4a: {  	[tilespmem:$0x5150] =	vst v7  }
0x4b: {  	v7 =	vld [tilespmem:s6+$0x28E0];
	_ =	sdelay $0x4  }
0x4c: {  	[tilespmem:$0x5160] =	vst v7  }
0x4d: {  	v7 =	vld [tilespmem:s6+$0x28F0];
	_ =	sdelay $0x4  }
0x4e: {  	s7 =	simm.s32 $0x5320;
	[tilespmem:$0x5170] =	vst v7  }
0x4f: {  	s3 =	simm.s32 $0xCAA0;
	v7 =	vld [tilespmem:s7+$0x90]  }
0x50: {  	v8 =	vld [tilespmem:s3+$0x10]  }
0x51: {  	v9 =	vld [tilespmem:s3+$0xFFFFFFE0]  }
0x52: {  	v10 =	vld [tilespmem:s7+$0xFFFFFFF0]  }
0x53: {  	v11 =	vld [tilespmem:s3+$0xFFFFFFF0]  }
0x54: {  	v12 =	vld [tilespmem:s7+$0x40]  }
0x55: {  	v13 =	vld [tilespmem:s3+$0x0];
	v7 =	vadd.f32 v8, v7  }
0x56: {  	v8 =	vld [tilespmem:s7+$0xFFFFFFA0]  }
0x57: {  	v14 =	vmul.f32 $2.000000030e-01, v7  }
0x58: {  	v10 =	vadd.f32 v11, v10  }
0x59: {  	v16 =	vld [tilespmem:s7+$0xFFFFFF90];
	v7 =	vmax.f32 v7, v14  }
0x5a: {  	v18 =	vld [tilespmem:s7+$0xFFFFFFC0];
	v12 =	vadd.f32 v13, v12;
	v15 =	vmul.f32 $2.000000030e-01, v10;
	v7 =	vsub.f32 v7, v6  }
0x5b: {  	v20 =	vld [tilespmem:s7+$0x10];
	v8 =	vadd.f32 v9, v8  }
0x5c: {  	v21 =	vld [tilespmem:s7+$0x20];
	v9 =	vmax.f32 v10, v15;
	v10 =	vmul.f32 $2.000000030e-01, v12;
	v7 =	vmul.f32 $1.442695020e+00, v7  }
0x5d: {  	v23 =	vld [tilespmem:s7+$0x30];
	v9 =	vsub.f32 v9, v6;
	v17 =	vmul.f32 $2.000000030e-01, v8  }
0x5e: {  	s10 =	simm.s32 $0xCAE0;
	v24 =	vld [tilespmem:s7+$0x60];
	v10 =	vmax.f32 v12, v10;
	(erf) = vpow2.f32 v7  }
0x5f: {  	v25 =	vld [tilespmem:s10+$0x10];
	v7 =	vmax.f32 v8, v17;
	v8 =	vmul.f32 $1.442695020e+00, v9;
	v9 =	vsub.f32 v10, v6  }
0x60: {  	v28 =	vld [tilespmem:s10+$0xFFFFFFE0]  }
0x61: {  	s9 =	simm.s32 $0x5460;
	v32 =	vld [tilespmem:s10+$0xFFFFFFF0];
	v9 =	vmul.f32 $1.442695020e+00, v9  }
0x62: {  	v43 =	vld [tilespmem:s9+$0xFFFFFFA0];
	v7 =	vsub.f32 v7, v6;
	(erf) = vpow2.f32 v8  }
0x63: {  	(erf) = vpow2.f32 v9;
	v9 =	vld [tilespmem:s9+$0x90]  }
0x64: {  	v36 =	vld [tilespmem:s9+$0x40];
	v7 =	vmul.f32 $1.442695020e+00, v7  }
0x65: {  	v8 =	vld [tilespmem:s7+$0x50]  }
0x66: {  	(erf) = vpow2.f32 v7;
	v7 =	vld [tilespmem:s7+$0x80]  }
0x67: {  	v40 =	vld [tilespmem:s10+$0x0]  }
0x68: {  	v46 =	vld [tilespmem:s7+$0x70];
	v28 =	vadd.f32 v28, v43;
	v29 =	vpop (erf);
	v25 =	vadd.f32 v25, v9  }
0x69: {  	v11 =	vld [tilespmem:s7+$0xFFFFFF60];
	v19 =	vperm.xlane v29, v1;
	v22 =	vperm.xlane v29, v4  }
0x6a: {  	v62 =	vmul.f32 $2.000000030e-01, v28;
	v15 =	vld [tilespmem:s7+$0xFFFFFFB0];
	v47 =	vmul.f32 $2.000000030e-01, v25  }
0x6b: {  	v10 =	vld [tilespmem:s7+$0xFFFFFFE0];
	v30 =	vpop (erf);
	v8 =	vmul.f32 v8, v19;
	v7 =	vmul.f32 v7, v22  }
0x6c: {  	v19 =	vld [tilespmem:s9+$0xFFFFFFF0];
	v22 =	vperm.xlane v30, v1;
	v31 =	vperm.xlane v30, v2  }
0x6d: {  	v13 =	vld [tilespmem:s7+$0xFFFFFF80];
	v33 =	vperm.xlane v30, v3;
	v34 =	vperm.xlane v30, v4;
	v35 =	vpop (erf)  }
0x6e: {  	v14 =	vld [tilespmem:s7+$0xFFFFFF70];
	v37 =	vperm.xlane v35, v1;
	v38 =	vperm.xlane v35, v2  }
0x6f: {  	v17 =	vld [tilespmem:s7+$0x0];
	v25 =	vmax.f32 v25, v47;
	v48 =	vperm.xlane v35, v3;
	v22 =	vmul.f32 v15, v22  }
0x70: {  	v12 =	vld [tilespmem:s7+$0xFFFFFFD0];
	v39 =	vpop (erf);
	[tilespmem:s7+$0x80] =	vst v7;
	v25 =	vsub.f32 v25, v6;
	v18 =	vmul.f32 v18, v31;
	v10 =	vmul.f32 v10, v34  }
0x71: {  	v9 =	vld [tilespmem:s9+$0xFFFFFF60];
	[tilespmem:s7+$0x50] =	vst v8;
	v41 =	vperm.xlane v39, v1;
	v42 =	vperm.xlane v39, v2;
	v19 =	vadd.f32 v32, v19  }
0x72: {  	v7 =	vld [tilespmem:s9+$0xFFFFFF80];
	v44 =	vperm.xlane v39, v3;
	v45 =	vperm.xlane v39, v4;
	[tilespmem:s7+$0xFFFFFFB0] =	vst v22  }
0x73: {  	v36 =	vadd.f32 v40, v36;
	v8 =	vld [tilespmem:s9+$0xFFFFFFB0];
	v25 =	vmul.f32 $1.442695020e+00, v25;
	[tilespmem:s7+$0xFFFFFFC0] =	vst v18;
	v61 =	vmul.f32 $2.000000030e-01, v19  }
0x74: {  	v22 =	vmax.f32 v28, v62;
	v17 =	vmul.f32 v17, v37;
	v18 =	vld [tilespmem:s9+$0x20];
	[tilespmem:s7+$0xFFFFFFE0] =	vst v10;
	v10 =	vmul.f32 v20, v38  }
0x75: {  	v20 =	vld [tilespmem:s9+$0x30];
	v16 =	vmul.f32 v16, v45;
	v15 =	vmax.f32 v19, v61;
	v19 =	vmul.f32 $2.000000030e-01, v36  }
0x76: {  	v58 =	vmul.f32 v11, v41;
	v11 =	vld [tilespmem:s9+$0xFFFFFF70];
	v14 =	vmul.f32 v14, v42;
	v63 =	vsub.f32 v15, v6  }
0x77: {  	v60 =	vmul.f32 v13, v44;
	v13 =	vld [tilespmem:s9+$0xFFFFFF90];
	(erf) = vpow2.f32 v25;
	[tilespmem:s7+$0xFFFFFF90] =	vst v16;
	v16 =	vmax.f32 v36, v19  }
0x78: {  	v25 =	vmul.f32 v12, v33;
	v12 =	vld [tilespmem:s9+$0xFFFFFFE0];
	[tilespmem:s7+$0x0] =	vst v17;
	v28 =	vmul.f32 $1.442695020e+00, v63;
	v31 =	vsub.f32 v16, v6  }
0x79: {  	v59 =	vperm.xlane v35, v4;
	v22 =	vsub.f32 v22, v6;
	v17 =	vmul.f32 v21, v48;
	v21 =	vld [tilespmem:s9+$0x60];
	[tilespmem:s7+$0xFFFFFF70] =	vst v14  }
0x7a: {  	v14 =	vld [tilespmem:s9+$0xFFFFFFC0];
	[tilespmem:s7+$0xFFFFFFD0] =	vst v25;
	v25 =	vmul.f32 $1.442695020e+00, v31;
	(erf) = vpow2.f32 v28  }
0x7b: {  	v26 =	vperm.xlane v29, v2;
	[tilespmem:s7+$0x20] =	vst v17;
	v17 =	vld [tilespmem:s9+$0x70];
	v28 =	vmul.f32 $1.442695020e+00, v22  }
0x7c: {  	[tilespmem:s7+$0x10] =	vst v10;
	v10 =	vmul.f32 v23, v59;
	v15 =	vld [tilespmem:s9+$0xFFFFFFD0];
	(erf) = vpow2.f32 v25  }
0x7d: {  	v27 =	vperm.xlane v29, v3;
	[tilespmem:s7+$0xFFFFFF60] =	vst v58;
	v22 =	vld [tilespmem:s9+$0x50];
	(erf) = vpow2.f32 v28  }
0x7e: {  	v23 =	vperm.xlane v29, v5;
	[tilespmem:s7+$0xFFFFFF80] =	vst v60;
	v31 =	vmul.f32 v24, v26;
	v24 =	vld [tilespmem:s9+$0x80]  }
0x7f: {  	[tilespmem:s7+$0x30] =	vst v10;
	v19 =	vld [tilespmem:s9+$0x0];
	v26 =	vperm.xlane v35, v5;
	v28 =	vmul.f32 v46, v27  }
0x80: {  	s11 =	simm.s32 $0x4;
	s12 =	simm.s32 $0x55A0;
	v16 =	vld [tilespmem:s9+$0x10];
	v10 =	vpop (erf);
	v25 =	vperm.xlane v30, v5;
	[tilespmem:s7+$0x60] =	vst v31;
	v27 =	vperm.xlane v39, v5  }
.LBB2_3:
0x81: {  	v29 =	vld [tilespmem:s12+$0x90];
	v34 =	vperm.xlane v10, v1;
	v31 =	vperm.xlane v10, v4;
	s10 =	sadd.s32 $0x40, s10;
	[tilespmem:s7+$0x70] =	vst v28  }
0x82: {  	s11 =	sadd.s32 $0x4, s11;
	v32 =	vperm.xlane v10, v2;
	v33 =	vperm.xlane v10, v3;
	v28 =	vld [tilespmem:s10+$0x10];
	[tilespmem:s7+$0xFFFFFFA0] =	vst v27;
	v27 =	vmov v21  }
0x83: {  	p0 =	slt.u32 s11, $0x7C;
	v21 =	vld [tilespmem:s10+$0xFFFFFFE0];
	v22 =	vmul.f32 v22, v34;
	v24 =	vmul.f32 v24, v31;
	v30 =	vpop (erf);
	[tilespmem:s7+$0xFFFFFFF0] =	vst v25  }
0x84: {  	v25 =	vld [tilespmem:s12+$0xFFFFFFF0];
	v31 =	vperm.xlane v30, v1;
	v34 =	vperm.xlane v30, v2;
	[tilespmem:s7+$0x40] =	vst v26  }
0x85: {  	v35 =	vperm.xlane v30, v3;
	v36 =	vperm.xlane v30, v4;
	v26 =	vld [tilespmem:s10+$0xFFFFFFF0];
	[tilespmem:s9+$0x80] =	vst v24;
	v37 =	vpop (erf)  }
0x86: {  	v24 =	vld [tilespmem:s12+$0x40];
	v38 =	vperm.xlane v37, v1;
	v39 =	vperm.xlane v37, v2;
	[tilespmem:s9+$0x50] =	vst v22;
	v40 =	vpop (erf)  }
0x87: {  	v22 =	vld [tilespmem:s10+$0x0];
	v28 =	vadd.f32 v28, v29;
	v29 =	vperm.xlane v40, v1;
	v41 =	vperm.xlane v40, v2;
	[tilespmem:s7+$0x90] =	vst v23;
	s7 =	smov.u32 s9;
	s9 =	smov.u32 s12  }
0x88: {  	v42 =	vperm.xlane v40, v3;
	v43 =	vperm.xlane v40, v4;
	v23 =	vld [tilespmem:s12+$0xFFFFFFA0]  }
0x89: {  	v46 =	vperm.xlane v37, v3;
	v44 =	vld [tilespmem:s12+$0xFFFFFF60];
	v45 =	vmul.f32 $2.000000030e-01, v28  }
0x8a: {  	v9 =	vmul.f32 v9, v29;
	v47 =	vld [tilespmem:s12+$0xFFFFFF70];
	v25 =	vadd.f32 v26, v25;
	v26 =	vperm.xlane v37, v4  }
0x8b: {  	v11 =	vmul.f32 v11, v41;
	v29 =	vmul.f32 v7, v42;
	v28 =	vmax.f32 v28, v45;
	v7 =	vld [tilespmem:s12+$0xFFFFFF80]  }
0x8c: {  	v41 =	vld [tilespmem:s12+$0xFFFFFF90];
	v42 =	vmul.f32 $2.000000030e-01, v25;
	v22 =	vadd.f32 v22, v24;
	v24 =	vsub.f32 v28, v6;
	[tilespmem:s7+$0xFFFFFF60] =	vst v9  }
0x8d: {  	v43 =	vmul.f32 v13, v43;
	v13 =	vmul.f32 v8, v31;
	v21 =	vadd.f32 v21, v23;
	[tilespmem:s7+$0xFFFFFF70] =	vst v11;
	v8 =	vld [tilespmem:s12+$0xFFFFFFB0]  }
0x8e: {  	v23 =	vmax.f32 v25, v42;
	v25 =	vld [tilespmem:s12+$0xFFFFFFC0];
	v28 =	vmul.f32 $2.000000030e-01, v22;
	v24 =	vmul.f32 $1.442695020e+00, v24;
	[tilespmem:s7+$0xFFFFFF80] =	vst v29;
	v9 =	vmovc v44  }
0x8f: {  	v14 =	vmul.f32 v14, v34;
	v29 =	vmul.f32 $2.000000030e-01, v21;
	v23 =	vsub.f32 v23, v6;
	v31 =	vld [tilespmem:s12+$0xFFFFFFD0];
	[tilespmem:s7+$0xFFFFFF90] =	vst v43;
	v11 =	vmovc v47  }
0x90: {  	v15 =	vmul.f32 v15, v35;
	v34 =	vld [tilespmem:s12+$0xFFFFFFE0];
	v22 =	vmax.f32 v22, v28;
	(erf) = vpow2.f32 v24;
	[tilespmem:s7+$0xFFFFFFB0] =	vst v13  }
0x91: {  	v21 =	vmax.f32 v21, v29;
	v23 =	vmul.f32 $1.442695020e+00, v23;
	v22 =	vsub.f32 v22, v6;
	v24 =	vld [tilespmem:s12+$0x0];
	[tilespmem:s7+$0xFFFFFFC0] =	vst v14;
	v13 =	vmovc v41  }
0x92: {  	v19 =	vmul.f32 v19, v38;
	v41 =	vmul.f32 v12, v36;
	v21 =	vsub.f32 v21, v6;
	v29 =	vld [tilespmem:s12+$0x10];
	[tilespmem:s7+$0xFFFFFFD0] =	vst v15  }
0x93: {  	v28 =	vmul.f32 $1.442695020e+00, v22;
	v35 =	vld [tilespmem:s12+$0x20];
	(erf) = vpow2.f32 v23;
	v14 =	vmov v25  }
0x94: {  	v25 =	vmul.f32 v16, v39;
	v23 =	vmul.f32 $1.442695020e+00, v21;
	v36 =	vld [tilespmem:s12+$0x30];
	[tilespmem:s7+$0xFFFFFFE0] =	vst v41;
	v15 =	vmov v31  }
.Ltmp0:
0x95: {  	v38 =	vmul.f32 v18, v46;
	v22 =	vld [tilespmem:s12+$0x50];
	(erf) = vpow2.f32 v28;
	[tilespmem:s7+$0x0] =	vst v19;
	v12 =	vmov v34;
	(pc) =	sbr.rel @p0 .LBB2_3-.Ltmp0, $4  }
0x96: {  	v34 =	vmul.f32 v20, v26;
	v21 =	vld [tilespmem:s12+$0x60];
	(erf) = vpow2.f32 v23;
	[tilespmem:s7+$0x10] =	vst v25;
	v19 =	vmov v24  }
0x97: {  	v31 =	vmul.f32 v27, v32;
	v28 =	vmul.f32 v17, v33;
	v24 =	vld [tilespmem:s12+$0x80];
	[tilespmem:s7+$0x20] =	vst v38;
	v16 =	vmov v29  }
0x98: {  	v27 =	vperm.xlane v40, v5;
	v25 =	vperm.xlane v30, v5;
	v17 =	vld [tilespmem:s12+$0x70];
	[tilespmem:s7+$0x30] =	vst v34;
	v18 =	vmov v35  }
0x99: {  	v26 =	vperm.xlane v37, v5;
	v23 =	vperm.xlane v10, v5;
	s12 =	sadd.s32 $0x140, s12;
	v10 =	vpop (erf);
	[tilespmem:s7+$0x60] =	vst v31;
	v20 =	vmov v36  }
0x9a: {  	_ =	sdelay $0x2  }
0x9b: {  	v29 =	vperm.xlane v10, v4;
	[tilespmem:s7+$0x70] =	vst v28;
	v28 =	vpop (erf)  }
0x9c: {  	v30 =	vperm.xlane v10, v1;
	[tilespmem:s7+$0xFFFFFFA0] =	vst v27;
	v27 =	vpop (erf)  }
0x9d: {  	[tilespmem:s7+$0xFFFFFFF0] =	vst v25;
	v24 =	vmul.f32 v24, v29;
	v25 =	vpop (erf)  }
0x9e: {  	[tilespmem:s7+$0x40] =	vst v26;
	v22 =	vmul.f32 v22, v30;
	v26 =	vperm.xlane v25, v1  }
0x9f: {  	[tilespmem:s9+$0x80] =	vst v24;
	v24 =	vperm.xlane v25, v2  }
0xa0: {  	[tilespmem:s9+$0x50] =	vst v22;
	v22 =	vperm.xlane v25, v3;
	v9 =	vmul.f32 v9, v26  }
0xa1: {  	[tilespmem:s7+$0x90] =	vst v23;
	v23 =	vperm.xlane v25, v4;
	v11 =	vmul.f32 v11, v24  }
0xa2: {  	v24 =	vperm.xlane v28, v1;
	v7 =	vmul.f32 v7, v22;
	[tilespmem:s9+$0xFFFFFF60] =	vst v9  }
0xa3: {  	v9 =	vperm.xlane v28, v2;
	[tilespmem:s9+$0xFFFFFF70] =	vst v11;
	v11 =	vmul.f32 v13, v23  }
0xa4: {  	v13 =	vperm.xlane v28, v3;
	v8 =	vmul.f32 v8, v24;
	[tilespmem:s9+$0xFFFFFF80] =	vst v7  }
0xa5: {  	v7 =	vperm.xlane v28, v4;
	[tilespmem:s9+$0xFFFFFF90] =	vst v11;
	v9 =	vmul.f32 v14, v9  }
0xa6: {  	v11 =	vperm.xlane v27, v1;
	[tilespmem:s9+$0xFFFFFFB0] =	vst v8;
	v8 =	vmul.f32 v15, v13  }
0xa7: {  	v13 =	vperm.xlane v27, v2;
	v7 =	vmul.f32 v12, v7;
	[tilespmem:s9+$0xFFFFFFC0] =	vst v9  }
0xa8: {  	v9 =	vperm.xlane v27, v3;
	[tilespmem:s9+$0xFFFFFFD0] =	vst v8;
	v8 =	vmul.f32 v19, v11  }
0xa9: {  	v11 =	vperm.xlane v27, v4;
	[tilespmem:s9+$0xFFFFFFE0] =	vst v7;
	v7 =	vmul.f32 v16, v13  }
0xaa: {  	v12 =	vperm.xlane v10, v2;
	[tilespmem:s9+$0x0] =	vst v8;
	v8 =	vmul.f32 v18, v9  }
0xab: {  	v9 =	vperm.xlane v10, v3;
	[tilespmem:s9+$0x10] =	vst v7;
	v7 =	vmul.f32 v20, v11  }
0xac: {  	[tilespmem:s9+$0x20] =	vst v8;
	v8 =	vmul.f32 v21, v12  }
0xad: {  	v9 =	vmul.f32 v17, v9;
	[tilespmem:s9+$0x30] =	vst v7  }
0xae: {  	v7 =	vperm.xlane v25, v5;
	[tilespmem:s9+$0x60] =	vst v8  }
0xaf: {  	v8 =	vperm.xlane v28, v5;
	[tilespmem:s9+$0x70] =	vst v9  }
0xb0: {  	v9 =	vperm.xlane v27, v5;
	[tilespmem:s9+$0xFFFFFFA0] =	vst v7  }
0xb1: {  	v7 =	vperm.xlane v10, v5;
	[tilespmem:s9+$0xFFFFFFF0] =	vst v8  }
0xb2: {  	[tilespmem:s9+$0x40] =	vst v9  }
0xb3: {  	[tilespmem:s9+$0x90] =	vst v7  }
0xb4: {  	[spmem:s2] =	stream.indirect.scatter.add.f32 [tilespmem:s20], [sflag:$0x4], $0x50, s26, s17, $0xb8;
	[tilespmem:$0x1A810] =	vst v63  }
0xb5: {  	_ =	swait.ge [sflag:s28], $0x2800  }
0xb6: {  	[sflag:s28] =	ssyncset.done $0x0  }
0xb7: {  	s7 =	sadd.s32 $0x100, s6;
	[sflag:s28] =	ssyncadd.s32 $0xFFFFD800  }
0xb8: {  	[tilespmem:s19], [sflag:$0x3] =	stream.indirect.gather [hbm4b:s4+s17], $0x50, s7, s17, $0xb8;
	[tilespmem:$0x1A810] =	vst v63  }
0xb9: {  	s3 =	sadd.s32 $0x2980, s6  }
0xba: {  	[tilespmem:s29], [sflag:$0x3] =	stream.indirect.gather [hbm4b:s5+s17], $0x10, s3, s17, $0xb8;
	[tilespmem:$0x1A810] =	vst v63  }
0xbb: {  	_ =	swait.ge [sflag:s30], $0x2800  }
0xbc: {  	[sflag:s30] =	ssyncset.done $0x0  }
0xbd: {  	[sflag:s30] =	ssyncadd.s32 $0xFFFFD800  }
0xbe: {  	_ =	swait.ge [sflag:s30], $0x800  }
0xbf: {  	[sflag:s30] =	ssyncset.done $0x0  }
0xc0: {  	[sflag:s30] =	ssyncadd.s32 $0xFFFFF800  }
0xc1: {  	v7 =	vld [tilespmem:s6+$0x2900];
	_ =	sdelay $0x4  }
0xc2: {  	[tilespmem:$0x5180] =	vst v7  }
0xc3: {  	v7 =	vld [tilespmem:s6+$0x2910];
	_ =	sdelay $0x4  }
0xc4: {  	[tilespmem:$0x5190] =	vst v7  }
0xc5: {  	v7 =	vld [tilespmem:s6+$0x2920];
	_ =	sdelay $0x4  }
0xc6: {  	[tilespmem:$0x51A0] =	vst v7  }
0xc7: {  	v7 =	vld [tilespmem:s6+$0x2930];
	_ =	sdelay $0x4  }
0xc8: {  	[tilespmem:$0x51B0] =	vst v7  }
0xc9: {  	v7 =	vld [tilespmem:s6+$0x2940];
	_ =	sdelay $0x4  }
0xca: {  	[tilespmem:$0x51C0] =	vst v7  }
0xcb: {  	v7 =	vld [tilespmem:s6+$0x2950];
	_ =	sdelay $0x4  }
0xcc: {  	[tilespmem:$0x51D0] =	vst v7  }
0xcd: {  	v7 =	vld [tilespmem:s6+$0x2960];
	_ =	sdelay $0x4  }
0xce: {  	[tilespmem:$0x51E0] =	vst v7  }
0xcf: {  	v7 =	vld [tilespmem:s6+$0x2970];
	_ =	sdelay $0x4  }
0xd0: {  	s9 =	simm.s32 $0x7B20;
	[tilespmem:$0x51F0] =	vst v7  }
0xd1: {  	s12 =	simm.s32 $0xD2A0;
	v7 =	vld [tilespmem:s9+$0x90]  }
0xd2: {  	v8 =	vld [tilespmem:s12+$0x10]  }
0xd3: {  	v9 =	vld [tilespmem:s12+$0xFFFFFFE0]  }
0xd4: {  	v10 =	vld [tilespmem:s9+$0xFFFFFFF0]  }
0xd5: {  	v11 =	vld [tilespmem:s12+$0xFFFFFFF0]  }
0xd6: {  	v12 =	vld [tilespmem:s9+$0x40]  }
0xd7: {  	v13 =	vld [tilespmem:s12+$0x0];
	v7 =	vadd.f32 v8, v7  }
0xd8: {  	v8 =	vld [tilespmem:s9+$0xFFFFFFA0]  }
0xd9: {  	v14 =	vmul.f32 $2.000000030e-01, v7  }
0xda: {  	v10 =	vadd.f32 v11, v10  }
0xdb: {  	v16 =	vld [tilespmem:s9+$0xFFFFFF90];
	v7 =	vmax.f32 v7, v14  }
0xdc: {  	v18 =	vld [tilespmem:s9+$0xFFFFFFC0];
	v12 =	vadd.f32 v13, v12;
	v15 =	vmul.f32 $2.000000030e-01, v10;
	v7 =	vsub.f32 v7, v6  }
0xdd: {  	v20 =	vld [tilespmem:s9+$0x10];
	v8 =	vadd.f32 v9, v8  }
0xde: {  	v21 =	vld [tilespmem:s9+$0x20];
	v9 =	vmax.f32 v10, v15;
	v10 =	vmul.f32 $2.000000030e-01, v12;
	v7 =	vmul.f32 $1.442695020e+00, v7  }
0xdf: {  	v23 =	vld [tilespmem:s9+$0x30];
	v9 =	vsub.f32 v9, v6;
	v17 =	vmul.f32 $2.000000030e-01, v8  }
0xe0: {  	s11 =	simm.s32 $0xD2E0;
	v24 =	vld [tilespmem:s9+$0x60];
	v10 =	vmax.f32 v12, v10;
	(erf) = vpow2.f32 v7  }
0xe1: {  	v25 =	vld [tilespmem:s11+$0x10];
	v7 =	vmax.f32 v8, v17;
	v8 =	vmul.f32 $1.442695020e+00, v9;
	v9 =	vsub.f32 v10, v6  }
0xe2: {  	v28 =	vld [tilespmem:s11+$0xFFFFFFE0]  }
0xe3: {  	s10 =	simm.s32 $0x7C60;
	v32 =	vld [tilespmem:s11+$0xFFFFFFF0];
	v9 =	vmul.f32 $1.442695020e+00, v9  }
0xe4: {  	v43 =	vld [tilespmem:s10+$0xFFFFFFA0];
	v7 =	vsub.f32 v7, v6;
	(erf) = vpow2.f32 v8  }
0xe5: {  	(erf) = vpow2.f32 v9;
	v9 =	vld [tilespmem:s10+$0x90]  }
0xe6: {  	v36 =	vld [tilespmem:s10+$0x40];
	v7 =	vmul.f32 $1.442695020e+00, v7  }
0xe7: {  	v8 =	vld [tilespmem:s9+$0x50]  }
0xe8: {  	(erf) = vpow2.f32 v7;
	v7 =	vld [tilespmem:s9+$0x80]  }
0xe9: {  	v40 =	vld [tilespmem:s11+$0x0]  }
0xea: {  	v46 =	vld [tilespmem:s9+$0x70];
	v28 =	vadd.f32 v28, v43;
	v29 =	vpop (erf);
	v25 =	vadd.f32 v25, v9  }
0xeb: {  	v11 =	vld [tilespmem:s9+$0xFFFFFF60];
	v19 =	vperm.xlane v29, v1;
	v22 =	vperm.xlane v29, v4  }
0xec: {  	v62 =	vmul.f32 $2.000000030e-01, v28;
	v15 =	vld [tilespmem:s9+$0xFFFFFFB0];
	v47 =	vmul.f32 $2.000000030e-01, v25  }
0xed: {  	v10 =	vld [tilespmem:s9+$0xFFFFFFE0];
	v30 =	vpop (erf);
	v8 =	vmul.f32 v8, v19;
	v7 =	vmul.f32 v7, v22  }
0xee: {  	v19 =	vld [tilespmem:s10+$0xFFFFFFF0];
	v22 =	vperm.xlane v30, v1;
	v31 =	vperm.xlane v30, v2  }
0xef: {  	v13 =	vld [tilespmem:s9+$0xFFFFFF80];
	v33 =	vperm.xlane v30, v3;
	v34 =	vperm.xlane v30, v4;
	v35 =	vpop (erf)  }
0xf0: {  	v14 =	vld [tilespmem:s9+$0xFFFFFF70];
	v37 =	vperm.xlane v35, v1;
	v38 =	vperm.xlane v35, v2  }
0xf1: {  	v17 =	vld [tilespmem:s9+$0x0];
	v25 =	vmax.f32 v25, v47;
	v48 =	vperm.xlane v35, v3;
	v22 =	vmul.f32 v15, v22  }
0xf2: {  	v12 =	vld [tilespmem:s9+$0xFFFFFFD0];
	v39 =	vpop (erf);
	[tilespmem:s9+$0x80] =	vst v7;
	v25 =	vsub.f32 v25, v6;
	v18 =	vmul.f32 v18, v31;
	v10 =	vmul.f32 v10, v34  }
0xf3: {  	v9 =	vld [tilespmem:s10+$0xFFFFFF60];
	[tilespmem:s9+$0x50] =	vst v8;
	v41 =	vperm.xlane v39, v1;
	v42 =	vperm.xlane v39, v2;
	v19 =	vadd.f32 v32, v19  }
0xf4: {  	v7 =	vld [tilespmem:s10+$0xFFFFFF80];
	v44 =	vperm.xlane v39, v3;
	v45 =	vperm.xlane v39, v4;
	[tilespmem:s9+$0xFFFFFFB0] =	vst v22  }
0xf5: {  	v36 =	vadd.f32 v40, v36;
	v8 =	vld [tilespmem:s10+$0xFFFFFFB0];
	v25 =	vmul.f32 $1.442695020e+00, v25;
	[tilespmem:s9+$0xFFFFFFC0] =	vst v18;
	v61 =	vmul.f32 $2.000000030e-01, v19  }
0xf6: {  	v22 =	vmax.f32 v28, v62;
	v17 =	vmul.f32 v17, v37;
	v18 =	vld [tilespmem:s10+$0x20];
	[tilespmem:s9+$0xFFFFFFE0] =	vst v10;
	v10 =	vmul.f32 v20, v38  }
0xf7: {  	v20 =	vld [tilespmem:s10+$0x30];
	v16 =	vmul.f32 v16, v45;
	v15 =	vmax.f32 v19, v61;
	v19 =	vmul.f32 $2.000000030e-01, v36  }
0xf8: {  	v58 =	vmul.f32 v11, v41;
	v11 =	vld [tilespmem:s10+$0xFFFFFF70];
	v14 =	vmul.f32 v14, v42;
	v63 =	vsub.f32 v15, v6  }
0xf9: {  	v60 =	vmul.f32 v13, v44;
	v13 =	vld [tilespmem:s10+$0xFFFFFF90];
	(erf) = vpow2.f32 v25;
	[tilespmem:s9+$0xFFFFFF90] =	vst v16;
	v16 =	vmax.f32 v36, v19  }
0xfa: {  	v25 =	vmul.f32 v12, v33;
	v12 =	vld [tilespmem:s10+$0xFFFFFFE0];
	[tilespmem:s9+$0x0] =	vst v17;
	v28 =	vmul.f32 $1.442695020e+00, v63;
	v31 =	vsub.f32 v16, v6  }
0xfb: {  	v59 =	vperm.xlane v35, v4;
	v22 =	vsub.f32 v22, v6;
	v17 =	vmul.f32 v21, v48;
	v21 =	vld [tilespmem:s10+$0x60];
	[tilespmem:s9+$0xFFFFFF70] =	vst v14  }
0xfc: {  	v14 =	vld [tilespmem:s10+$0xFFFFFFC0];
	[tilespmem:s9+$0xFFFFFFD0] =	vst v25;
	v25 =	vmul.f32 $1.442695020e+00, v31;
	(erf) = vpow2.f32 v28  }
0xfd: {  	v26 =	vperm.xlane v29, v2;
	[tilespmem:s9+$0x20] =	vst v17;
	v17 =	vld [tilespmem:s10+$0x70];
	v28 =	vmul.f32 $1.442695020e+00, v22  }
0xfe: {  	[tilespmem:s9+$0x10] =	vst v10;
	v10 =	vmul.f32 v23, v59;
	v15 =	vld [tilespmem:s10+$0xFFFFFFD0];
	(erf) = vpow2.f32 v25  }
0xff: {  	v27 =	vperm.xlane v29, v3;
	[tilespmem:s9+$0xFFFFFF60] =	vst v58;
	v22 =	vld [tilespmem:s10+$0x50];
	(erf) = vpow2.f32 v28  }
0x100: {  	v23 =	vperm.xlane v29, v5;
	[tilespmem:s9+$0xFFFFFF80] =	vst v60;
	v31 =	vmul.f32 v24, v26;
	v24 =	vld [tilespmem:s10+$0x80]  }
0x101: {  	[tilespmem:s9+$0x30] =	vst v10;
	v19 =	vld [tilespmem:s10+$0x0];
	v26 =	vperm.xlane v35, v5;
	v28 =	vmul.f32 v46, v27  }
0x102: {  	s3 =	simm.s32 $0x7DA0;
	s12 =	simm.s32 $0x4;
	v16 =	vld [tilespmem:s10+$0x10];
	v10 =	vpop (erf);
	v25 =	vperm.xlane v30, v5;
	[tilespmem:s9+$0x60] =	vst v31;
	v27 =	vperm.xlane v39, v5  }
.LBB2_5:
0x103: {  	v29 =	vld [tilespmem:s3+$0x90];
	v34 =	vperm.xlane v10, v1;
	v31 =	vperm.xlane v10, v4;
	s11 =	sadd.s32 $0x40, s11;
	[tilespmem:s9+$0x70] =	vst v28  }
0x104: {  	s12 =	sadd.s32 $0x4, s12;
	v32 =	vperm.xlane v10, v2;
	v33 =	vperm.xlane v10, v3;
	v28 =	vld [tilespmem:s11+$0x10];
	[tilespmem:s9+$0xFFFFFFA0] =	vst v27;
	v27 =	vmov v21  }
0x105: {  	p0 =	slt.u32 s12, $0x7C;
	v21 =	vld [tilespmem:s11+$0xFFFFFFE0];
	v22 =	vmul.f32 v22, v34;
	v24 =	vmul.f32 v24, v31;
	v30 =	vpop (erf);
	[tilespmem:s9+$0xFFFFFFF0] =	vst v25  }
0x106: {  	v25 =	vld [tilespmem:s3+$0xFFFFFFF0];
	v31 =	vperm.xlane v30, v1;
	v34 =	vperm.xlane v30, v2;
	[tilespmem:s9+$0x40] =	vst v26  }
0x107: {  	v35 =	vperm.xlane v30, v3;
	v36 =	vperm.xlane v30, v4;
	v26 =	vld [tilespmem:s11+$0xFFFFFFF0];
	[tilespmem:s10+$0x80] =	vst v24;
	v37 =	vpop (erf)  }
0x108: {  	v24 =	vld [tilespmem:s3+$0x40];
	v38 =	vperm.xlane v37, v1;
	v39 =	vperm.xlane v37, v2;
	[tilespmem:s10+$0x50] =	vst v22;
	v40 =	vpop (erf)  }
0x109: {  	v22 =	vld [tilespmem:s11+$0x0];
	v28 =	vadd.f32 v28, v29;
	v29 =	vperm.xlane v40, v1;
	v41 =	vperm.xlane v40, v2;
	[tilespmem:s9+$0x90] =	vst v23;
	s9 =	smov.u32 s10;
	s10 =	smov.u32 s3  }
0x10a: {  	v42 =	vperm.xlane v40, v3;
	v43 =	vperm.xlane v40, v4;
	v23 =	vld [tilespmem:s3+$0xFFFFFFA0]  }
0x10b: {  	v46 =	vperm.xlane v37, v3;
	v44 =	vld [tilespmem:s3+$0xFFFFFF60];
	v45 =	vmul.f32 $2.000000030e-01, v28  }
0x10c: {  	v9 =	vmul.f32 v9, v29;
	v47 =	vld [tilespmem:s3+$0xFFFFFF70];
	v25 =	vadd.f32 v26, v25;
	v26 =	vperm.xlane v37, v4  }
0x10d: {  	v11 =	vmul.f32 v11, v41;
	v29 =	vmul.f32 v7, v42;
	v28 =	vmax.f32 v28, v45;
	v7 =	vld [tilespmem:s3+$0xFFFFFF80]  }
0x10e: {  	v41 =	vld [tilespmem:s3+$0xFFFFFF90];
	v42 =	vmul.f32 $2.000000030e-01, v25;
	v22 =	vadd.f32 v22, v24;
	v24 =	vsub.f32 v28, v6;
	[tilespmem:s9+$0xFFFFFF60] =	vst v9  }
0x10f: {  	v43 =	vmul.f32 v13, v43;
	v13 =	vmul.f32 v8, v31;
	v21 =	vadd.f32 v21, v23;
	[tilespmem:s9+$0xFFFFFF70] =	vst v11;
	v8 =	vld [tilespmem:s3+$0xFFFFFFB0]  }
0x110: {  	v23 =	vmax.f32 v25, v42;
	v25 =	vld [tilespmem:s3+$0xFFFFFFC0];
	v28 =	vmul.f32 $2.000000030e-01, v22;
	v24 =	vmul.f32 $1.442695020e+00, v24;
	[tilespmem:s9+$0xFFFFFF80] =	vst v29;
	v9 =	vmovc v44  }
0x111: {  	v14 =	vmul.f32 v14, v34;
	v29 =	vmul.f32 $2.000000030e-01, v21;
	v23 =	vsub.f32 v23, v6;
	v31 =	vld [tilespmem:s3+$0xFFFFFFD0];
	[tilespmem:s9+$0xFFFFFF90] =	vst v43;
	v11 =	vmovc v47  }
0x112: {  	v15 =	vmul.f32 v15, v35;
	v34 =	vld [tilespmem:s3+$0xFFFFFFE0];
	v22 =	vmax.f32 v22, v28;
	(erf) = vpow2.f32 v24;
	[tilespmem:s9+$0xFFFFFFB0] =	vst v13  }
0x113: {  	v21 =	vmax.f32 v21, v29;
	v23 =	vmul.f32 $1.442695020e+00, v23;
	v22 =	vsub.f32 v22, v6;
	v24 =	vld [tilespmem:s3+$0x0];
	[tilespmem:s9+$0xFFFFFFC0] =	vst v14;
	v13 =	vmovc v41  }
0x114: {  	v19 =	vmul.f32 v19, v38;
	v41 =	vmul.f32 v12, v36;
	v21 =	vsub.f32 v21, v6;
	v29 =	vld [tilespmem:s3+$0x10];
	[tilespmem:s9+$0xFFFFFFD0] =	vst v15  }
0x115: {  	v28 =	vmul.f32 $1.442695020e+00, v22;
	v35 =	vld [tilespmem:s3+$0x20];
	(erf) = vpow2.f32 v23;
	v14 =	vmov v25  }
0x116: {  	v25 =	vmul.f32 v16, v39;
	v23 =	vmul.f32 $1.442695020e+00, v21;
	v36 =	vld [tilespmem:s3+$0x30];
	[tilespmem:s9+$0xFFFFFFE0] =	vst v41;
	v15 =	vmov v31  }
.Ltmp1:
0x117: {  	v38 =	vmul.f32 v18, v46;
	v22 =	vld [tilespmem:s3+$0x50];
	(erf) = vpow2.f32 v28;
	[tilespmem:s9+$0x0] =	vst v19;
	v12 =	vmov v34;
	(pc) =	sbr.rel @p0 .LBB2_5-.Ltmp1, $4  }
0x118: {  	v34 =	vmul.f32 v20, v26;
	v21 =	vld [tilespmem:s3+$0x60];
	(erf) = vpow2.f32 v23;
	[tilespmem:s9+$0x10] =	vst v25;
	v19 =	vmov v24  }
0x119: {  	v31 =	vmul.f32 v27, v32;
	v28 =	vmul.f32 v17, v33;
	v24 =	vld [tilespmem:s3+$0x80];
	[tilespmem:s9+$0x20] =	vst v38;
	v16 =	vmov v29  }
0x11a: {  	v27 =	vperm.xlane v40, v5;
	v25 =	vperm.xlane v30, v5;
	v17 =	vld [tilespmem:s3+$0x70];
	[tilespmem:s9+$0x30] =	vst v34;
	v18 =	vmov v35  }
0x11b: {  	v26 =	vperm.xlane v37, v5;
	v23 =	vperm.xlane v10, v5;
	s3 =	sadd.s32 $0x140, s3;
	v10 =	vpop (erf);
	[tilespmem:s9+$0x60] =	vst v31;
	v20 =	vmov v36  }
0x11c: {  	_ =	sdelay $0x2  }
0x11d: {  	v29 =	vperm.xlane v10, v4;
	[tilespmem:s9+$0x70] =	vst v28;
	v28 =	vpop (erf)  }
0x11e: {  	v30 =	vperm.xlane v10, v1;
	[tilespmem:s9+$0xFFFFFFA0] =	vst v27;
	v27 =	vpop (erf)  }
0x11f: {  	[tilespmem:s9+$0xFFFFFFF0] =	vst v25;
	v24 =	vmul.f32 v24, v29;
	v25 =	vpop (erf)  }
0x120: {  	[tilespmem:s9+$0x40] =	vst v26;
	v22 =	vmul.f32 v22, v30;
	v26 =	vperm.xlane v25, v1  }
0x121: {  	[tilespmem:s10+$0x80] =	vst v24;
	v24 =	vperm.xlane v25, v2  }
0x122: {  	[tilespmem:s10+$0x50] =	vst v22;
	v22 =	vperm.xlane v25, v3;
	v9 =	vmul.f32 v9, v26  }
0x123: {  	[tilespmem:s9+$0x90] =	vst v23;
	v23 =	vperm.xlane v25, v4;
	v11 =	vmul.f32 v11, v24  }
0x124: {  	v24 =	vperm.xlane v28, v1;
	v7 =	vmul.f32 v7, v22;
	[tilespmem:s10+$0xFFFFFF60] =	vst v9  }
0x125: {  	v9 =	vperm.xlane v28, v2;
	[tilespmem:s10+$0xFFFFFF70] =	vst v11;
	v11 =	vmul.f32 v13, v23  }
0x126: {  	v13 =	vperm.xlane v28, v3;
	v8 =	vmul.f32 v8, v24;
	[tilespmem:s10+$0xFFFFFF80] =	vst v7  }
0x127: {  	v7 =	vperm.xlane v28, v4;
	[tilespmem:s10+$0xFFFFFF90] =	vst v11;
	v9 =	vmul.f32 v14, v9  }
0x128: {  	v11 =	vperm.xlane v27, v1;
	[tilespmem:s10+$0xFFFFFFB0] =	vst v8;
	v8 =	vmul.f32 v15, v13  }
0x129: {  	v13 =	vperm.xlane v27, v2;
	v7 =	vmul.f32 v12, v7;
	[tilespmem:s10+$0xFFFFFFC0] =	vst v9  }
0x12a: {  	v9 =	vperm.xlane v27, v3;
	[tilespmem:s10+$0xFFFFFFD0] =	vst v8;
	v8 =	vmul.f32 v19, v11  }
0x12b: {  	v11 =	vperm.xlane v27, v4;
	[tilespmem:s10+$0xFFFFFFE0] =	vst v7;
	v7 =	vmul.f32 v16, v13  }
0x12c: {  	v12 =	vperm.xlane v10, v2;
	[tilespmem:s10+$0x0] =	vst v8;
	v8 =	vmul.f32 v18, v9  }
0x12d: {  	v9 =	vperm.xlane v10, v3;
	[tilespmem:s10+$0x10] =	vst v7;
	v7 =	vmul.f32 v20, v11  }
0x12e: {  	[tilespmem:s10+$0x20] =	vst v8;
	v8 =	vmul.f32 v21, v12  }
0x12f: {  	v9 =	vmul.f32 v17, v9;
	[tilespmem:s10+$0x30] =	vst v7  }
0x130: {  	v7 =	vperm.xlane v25, v5;
	[tilespmem:s10+$0x60] =	vst v8  }
0x131: {  	v8 =	vperm.xlane v28, v5;
	[tilespmem:s10+$0x70] =	vst v9  }
0x132: {  	v9 =	vperm.xlane v27, v5;
	[tilespmem:s10+$0xFFFFFFA0] =	vst v7  }
0x133: {  	v7 =	vperm.xlane v10, v5;
	[tilespmem:s10+$0xFFFFFFF0] =	vst v8  }
0x134: {  	[tilespmem:s10+$0x40] =	vst v9  }
0x135: {  	[tilespmem:s10+$0x90] =	vst v7  }
0x136: {  	[spmem:s2] =	stream.indirect.scatter.add.f32 [tilespmem:s22], [sflag:$0x5], $0x50, s31, s17, $0xb8;
	[tilespmem:$0x1A810] =	vst v63  }
0x137: {  	_ =	swait.ge [sflag:s1], $0x2800  }
0x138: {  	[sflag:s1] =	ssyncset.done $0x0  }
0x139: {  	s3 =	sadd.s32 $0x180, s6;
	[sflag:s1] =	ssyncadd.s32 $0xFFFFD800  }
0x13a: {  	[tilespmem:s20], [sflag:$0x1] =	stream.indirect.gather [hbm4b:s4+s17], $0x50, s3, s17, $0xb8;
	[tilespmem:$0x1A810] =	vst v63  }
0x13b: {  	s11 =	sadd.s32 $0x2A00, s6  }
0x13c: {  	[tilespmem:s21], [sflag:$0x1] =	stream.indirect.gather [hbm4b:s5+s17], $0x10, s11, s17, $0xb8;
	[tilespmem:$0x1A810] =	vst v63  }
0x13d: {  	_ =	swait.ge [sflag:s0], $0x2800  }
0x13e: {  	[sflag:s0] =	ssyncset.done $0x0  }
0x13f: {  	[sflag:s0] =	ssyncadd.s32 $0xFFFFD800  }
0x140: {  	_ =	swait.ge [sflag:s0], $0x800  }
0x141: {  	[sflag:s0] =	ssyncset.done $0x0  }
0x142: {  	[sflag:s0] =	ssyncadd.s32 $0xFFFFF800  }
0x143: {  	v7 =	vld [tilespmem:s7+$0x2880];
	_ =	sdelay $0x4  }
0x144: {  	[tilespmem:$0x5200] =	vst v7  }
0x145: {  	v7 =	vld [tilespmem:s6+$0x2990];
	_ =	sdelay $0x4  }
0x146: {  	[tilespmem:$0x5210] =	vst v7  }
0x147: {  	v7 =	vld [tilespmem:s6+$0x29A0];
	_ =	sdelay $0x4  }
0x148: {  	[tilespmem:$0x5220] =	vst v7  }
0x149: {  	v7 =	vld [tilespmem:s6+$0x29B0];
	_ =	sdelay $0x4  }
0x14a: {  	[tilespmem:$0x5230] =	vst v7  }
0x14b: {  	v7 =	vld [tilespmem:s6+$0x29C0];
	_ =	sdelay $0x4  }
0x14c: {  	[tilespmem:$0x5240] =	vst v7  }
0x14d: {  	v7 =	vld [tilespmem:s6+$0x29D0];
	_ =	sdelay $0x4  }
0x14e: {  	[tilespmem:$0x5250] =	vst v7  }
0x14f: {  	v7 =	vld [tilespmem:s6+$0x29E0];
	_ =	sdelay $0x4  }
0x150: {  	[tilespmem:$0x5260] =	vst v7  }
0x151: {  	v7 =	vld [tilespmem:s6+$0x29F0];
	_ =	sdelay $0x4  }
0x152: {  	s7 =	simm.s32 $0xA320;
	[tilespmem:$0x5270] =	vst v7  }
0x153: {  	s12 =	simm.s32 $0xDAA0;
	v7 =	vld [tilespmem:s7+$0x90]  }
0x154: {  	v8 =	vld [tilespmem:s12+$0x10]  }
0x155: {  	v9 =	vld [tilespmem:s12+$0xFFFFFFE0]  }
0x156: {  	v10 =	vld [tilespmem:s7+$0xFFFFFFF0]  }
0x157: {  	v11 =	vld [tilespmem:s12+$0xFFFFFFF0]  }
0x158: {  	v12 =	vld [tilespmem:s7+$0x40]  }
0x159: {  	v13 =	vld [tilespmem:s12+$0x0];
	v7 =	vadd.f32 v8, v7  }
0x15a: {  	v8 =	vld [tilespmem:s7+$0xFFFFFFA0]  }
0x15b: {  	v14 =	vmul.f32 $2.000000030e-01, v7  }
0x15c: {  	v10 =	vadd.f32 v11, v10  }
0x15d: {  	v16 =	vld [tilespmem:s7+$0xFFFFFF90];
	v7 =	vmax.f32 v7, v14  }
0x15e: {  	v18 =	vld [tilespmem:s7+$0xFFFFFFC0];
	v12 =	vadd.f32 v13, v12;
	v15 =	vmul.f32 $2.000000030e-01, v10;
	v7 =	vsub.f32 v7, v6  }
0x15f: {  	v20 =	vld [tilespmem:s7+$0x10];
	v8 =	vadd.f32 v9, v8  }
0x160: {  	v21 =	vld [tilespmem:s7+$0x20];
	v9 =	vmax.f32 v10, v15;
	v10 =	vmul.f32 $2.000000030e-01, v12;
	v7 =	vmul.f32 $1.442695020e+00, v7  }
0x161: {  	v23 =	vld [tilespmem:s7+$0x30];
	v9 =	vsub.f32 v9, v6;
	v17 =	vmul.f32 $2.000000030e-01, v8  }
0x162: {  	s10 =	simm.s32 $0xDAE0;
	v24 =	vld [tilespmem:s7+$0x60];
	v10 =	vmax.f32 v12, v10;
	(erf) = vpow2.f32 v7  }
0x163: {  	v25 =	vld [tilespmem:s10+$0x10];
	v7 =	vmax.f32 v8, v17;
	v8 =	vmul.f32 $1.442695020e+00, v9;
	v9 =	vsub.f32 v10, v6  }
0x164: {  	v28 =	vld [tilespmem:s10+$0xFFFFFFE0]  }
0x165: {  	s9 =	simm.s32 $0xA460;
	v32 =	vld [tilespmem:s10+$0xFFFFFFF0];
	v9 =	vmul.f32 $1.442695020e+00, v9  }
0x166: {  	v43 =	vld [tilespmem:s9+$0xFFFFFFA0];
	v7 =	vsub.f32 v7, v6;
	(erf) = vpow2.f32 v8  }
0x167: {  	(erf) = vpow2.f32 v9;
	v9 =	vld [tilespmem:s9+$0x90]  }
0x168: {  	v36 =	vld [tilespmem:s9+$0x40];
	v7 =	vmul.f32 $1.442695020e+00, v7  }
0x169: {  	v8 =	vld [tilespmem:s7+$0x50]  }
0x16a: {  	(erf) = vpow2.f32 v7;
	v7 =	vld [tilespmem:s7+$0x80]  }
0x16b: {  	v40 =	vld [tilespmem:s10+$0x0]  }
0x16c: {  	v46 =	vld [tilespmem:s7+$0x70];
	v28 =	vadd.f32 v28, v43;
	v29 =	vpop (erf);
	v25 =	vadd.f32 v25, v9  }
0x16d: {  	v11 =	vld [tilespmem:s7+$0xFFFFFF60];
	v19 =	vperm.xlane v29, v1;
	v22 =	vperm.xlane v29, v4  }
0x16e: {  	v62 =	vmul.f32 $2.000000030e-01, v28;
	v15 =	vld [tilespmem:s7+$0xFFFFFFB0];
	v47 =	vmul.f32 $2.000000030e-01, v25  }
0x16f: {  	v10 =	vld [tilespmem:s7+$0xFFFFFFE0];
	v30 =	vpop (erf);
	v8 =	vmul.f32 v8, v19;
	v7 =	vmul.f32 v7, v22  }
0x170: {  	v19 =	vld [tilespmem:s9+$0xFFFFFFF0];
	v22 =	vperm.xlane v30, v1;
	v31 =	vperm.xlane v30, v2  }
0x171: {  	v13 =	vld [tilespmem:s7+$0xFFFFFF80];
	v33 =	vperm.xlane v30, v3;
	v34 =	vperm.xlane v30, v4;
	v35 =	vpop (erf)  }
0x172: {  	v14 =	vld [tilespmem:s7+$0xFFFFFF70];
	v37 =	vperm.xlane v35, v1;
	v38 =	vperm.xlane v35, v2  }
0x173: {  	v17 =	vld [tilespmem:s7+$0x0];
	v25 =	vmax.f32 v25, v47;
	v48 =	vperm.xlane v35, v3;
	v22 =	vmul.f32 v15, v22  }
0x174: {  	v12 =	vld [tilespmem:s7+$0xFFFFFFD0];
	v39 =	vpop (erf);
	[tilespmem:s7+$0x80] =	vst v7;
	v25 =	vsub.f32 v25, v6;
	v18 =	vmul.f32 v18, v31;
	v10 =	vmul.f32 v10, v34  }
0x175: {  	v9 =	vld [tilespmem:s9+$0xFFFFFF60];
	[tilespmem:s7+$0x50] =	vst v8;
	v41 =	vperm.xlane v39, v1;
	v42 =	vperm.xlane v39, v2;
	v19 =	vadd.f32 v32, v19  }
0x176: {  	v7 =	vld [tilespmem:s9+$0xFFFFFF80];
	v44 =	vperm.xlane v39, v3;
	v45 =	vperm.xlane v39, v4;
	[tilespmem:s7+$0xFFFFFFB0] =	vst v22  }
0x177: {  	v36 =	vadd.f32 v40, v36;
	v8 =	vld [tilespmem:s9+$0xFFFFFFB0];
	v25 =	vmul.f32 $1.442695020e+00, v25;
	[tilespmem:s7+$0xFFFFFFC0] =	vst v18;
	v61 =	vmul.f32 $2.000000030e-01, v19  }
0x178: {  	v22 =	vmax.f32 v28, v62;
	v17 =	vmul.f32 v17, v37;
	v18 =	vld [tilespmem:s9+$0x20];
	[tilespmem:s7+$0xFFFFFFE0] =	vst v10;
	v10 =	vmul.f32 v20, v38  }
0x179: {  	v20 =	vld [tilespmem:s9+$0x30];
	v16 =	vmul.f32 v16, v45;
	v15 =	vmax.f32 v19, v61;
	v19 =	vmul.f32 $2.000000030e-01, v36  }
0x17a: {  	v58 =	vmul.f32 v11, v41;
	v11 =	vld [tilespmem:s9+$0xFFFFFF70];
	v14 =	vmul.f32 v14, v42;
	v63 =	vsub.f32 v15, v6  }
0x17b: {  	v60 =	vmul.f32 v13, v44;
	v13 =	vld [tilespmem:s9+$0xFFFFFF90];
	(erf) = vpow2.f32 v25;
	[tilespmem:s7+$0xFFFFFF90] =	vst v16;
	v16 =	vmax.f32 v36, v19  }
0x17c: {  	v25 =	vmul.f32 v12, v33;
	v12 =	vld [tilespmem:s9+$0xFFFFFFE0];
	[tilespmem:s7+$0x0] =	vst v17;
	v28 =	vmul.f32 $1.442695020e+00, v63;
	v31 =	vsub.f32 v16, v6  }
0x17d: {  	v59 =	vperm.xlane v35, v4;
	v22 =	vsub.f32 v22, v6;
	v17 =	vmul.f32 v21, v48;
	v21 =	vld [tilespmem:s9+$0x60];
	[tilespmem:s7+$0xFFFFFF70] =	vst v14  }
0x17e: {  	v14 =	vld [tilespmem:s9+$0xFFFFFFC0];
	[tilespmem:s7+$0xFFFFFFD0] =	vst v25;
	v25 =	vmul.f32 $1.442695020e+00, v31;
	(erf) = vpow2.f32 v28  }
0x17f: {  	v26 =	vperm.xlane v29, v2;
	[tilespmem:s7+$0x20] =	vst v17;
	v17 =	vld [tilespmem:s9+$0x70];
	v28 =	vmul.f32 $1.442695020e+00, v22  }
0x180: {  	[tilespmem:s7+$0x10] =	vst v10;
	v10 =	vmul.f32 v23, v59;
	v15 =	vld [tilespmem:s9+$0xFFFFFFD0];
	(erf) = vpow2.f32 v25  }
0x181: {  	v27 =	vperm.xlane v29, v3;
	[tilespmem:s7+$0xFFFFFF60] =	vst v58;
	v22 =	vld [tilespmem:s9+$0x50];
	(erf) = vpow2.f32 v28  }
0x182: {  	v23 =	vperm.xlane v29, v5;
	[tilespmem:s7+$0xFFFFFF80] =	vst v60;
	v31 =	vmul.f32 v24, v26;
	v24 =	vld [tilespmem:s9+$0x80]  }
0x183: {  	[tilespmem:s7+$0x30] =	vst v10;
	v19 =	vld [tilespmem:s9+$0x0];
	v26 =	vperm.xlane v35, v5;
	v28 =	vmul.f32 v46, v27  }
0x184: {  	s3 =	simm.s32 $0xA5A0;
	s11 =	simm.s32 $0x4;
	v16 =	vld [tilespmem:s9+$0x10];
	v10 =	vpop (erf);
	v25 =	vperm.xlane v30, v5;
	[tilespmem:s7+$0x60] =	vst v31;
	v27 =	vperm.xlane v39, v5  }
.LBB2_7:
0x185: {  	v29 =	vld [tilespmem:s3+$0x90];
	v34 =	vperm.xlane v10, v1;
	v31 =	vperm.xlane v10, v4;
	s10 =	sadd.s32 $0x40, s10;
	[tilespmem:s7+$0x70] =	vst v28  }
0x186: {  	s11 =	sadd.s32 $0x4, s11;
	v32 =	vperm.xlane v10, v2;
	v33 =	vperm.xlane v10, v3;
	v28 =	vld [tilespmem:s10+$0x10];
	[tilespmem:s7+$0xFFFFFFA0] =	vst v27;
	v27 =	vmov v21  }
0x187: {  	p0 =	slt.u32 s11, $0x7C;
	v21 =	vld [tilespmem:s10+$0xFFFFFFE0];
	v22 =	vmul.f32 v22, v34;
	v24 =	vmul.f32 v24, v31;
	v30 =	vpop (erf);
	[tilespmem:s7+$0xFFFFFFF0] =	vst v25  }
0x188: {  	v25 =	vld [tilespmem:s3+$0xFFFFFFF0];
	v31 =	vperm.xlane v30, v1;
	v34 =	vperm.xlane v30, v2;
	[tilespmem:s7+$0x40] =	vst v26  }
0x189: {  	v35 =	vperm.xlane v30, v3;
	v36 =	vperm.xlane v30, v4;
	v26 =	vld [tilespmem:s10+$0xFFFFFFF0];
	[tilespmem:s9+$0x80] =	vst v24;
	v37 =	vpop (erf)  }
0x18a: {  	v24 =	vld [tilespmem:s3+$0x40];
	v38 =	vperm.xlane v37, v1;
	v39 =	vperm.xlane v37, v2;
	[tilespmem:s9+$0x50] =	vst v22;
	v40 =	vpop (erf)  }
0x18b: {  	v22 =	vld [tilespmem:s10+$0x0];
	v28 =	vadd.f32 v28, v29;
	v29 =	vperm.xlane v40, v1;
	v41 =	vperm.xlane v40, v2;
	[tilespmem:s7+$0x90] =	vst v23;
	s7 =	smov.u32 s9;
	s9 =	smov.u32 s3  }
0x18c: {  	v42 =	vperm.xlane v40, v3;
	v43 =	vperm.xlane v40, v4;
	v23 =	vld [tilespmem:s3+$0xFFFFFFA0]  }
0x18d: {  	v46 =	vperm.xlane v37, v3;
	v44 =	vld [tilespmem:s3+$0xFFFFFF60];
	v45 =	vmul.f32 $2.000000030e-01, v28  }
0x18e: {  	v9 =	vmul.f32 v9, v29;
	v47 =	vld [tilespmem:s3+$0xFFFFFF70];
	v25 =	vadd.f32 v26, v25;
	v26 =	vperm.xlane v37, v4  }
0x18f: {  	v11 =	vmul.f32 v11, v41;
	v29 =	vmul.f32 v7, v42;
	v28 =	vmax.f32 v28, v45;
	v7 =	vld [tilespmem:s3+$0xFFFFFF80]  }
0x190: {  	v41 =	vld [tilespmem:s3+$0xFFFFFF90];
	v42 =	vmul.f32 $2.000000030e-01, v25;
	v22 =	vadd.f32 v22, v24;
	v24 =	vsub.f32 v28, v6;
	[tilespmem:s7+$0xFFFFFF60] =	vst v9  }
0x191: {  	v43 =	vmul.f32 v13, v43;
	v13 =	vmul.f32 v8, v31;
	v21 =	vadd.f32 v21, v23;
	[tilespmem:s7+$0xFFFFFF70] =	vst v11;
	v8 =	vld [tilespmem:s3+$0xFFFFFFB0]  }
0x192: {  	v23 =	vmax.f32 v25, v42;
	v25 =	vld [tilespmem:s3+$0xFFFFFFC0];
	v28 =	vmul.f32 $2.000000030e-01, v22;
	v24 =	vmul.f32 $1.442695020e+00, v24;
	[tilespmem:s7+$0xFFFFFF80] =	vst v29;
	v9 =	vmovc v44  }
0x193: {  	v14 =	vmul.f32 v14, v34;
	v29 =	vmul.f32 $2.000000030e-01, v21;
	v23 =	vsub.f32 v23, v6;
	v31 =	vld [tilespmem:s3+$0xFFFFFFD0];
	[tilespmem:s7+$0xFFFFFF90] =	vst v43;
	v11 =	vmovc v47  }
0x194: {  	v15 =	vmul.f32 v15, v35;
	v34 =	vld [tilespmem:s3+$0xFFFFFFE0];
	v22 =	vmax.f32 v22, v28;
	(erf) = vpow2.f32 v24;
	[tilespmem:s7+$0xFFFFFFB0] =	vst v13  }
0x195: {  	v21 =	vmax.f32 v21, v29;
	v23 =	vmul.f32 $1.442695020e+00, v23;
	v22 =	vsub.f32 v22, v6;
	v24 =	vld [tilespmem:s3+$0x0];
	[tilespmem:s7+$0xFFFFFFC0] =	vst v14;
	v13 =	vmovc v41  }
0x196: {  	v19 =	vmul.f32 v19, v38;
	v41 =	vmul.f32 v12, v36;
	v21 =	vsub.f32 v21, v6;
	v29 =	vld [tilespmem:s3+$0x10];
	[tilespmem:s7+$0xFFFFFFD0] =	vst v15  }
0x197: {  	v28 =	vmul.f32 $1.442695020e+00, v22;
	v35 =	vld [tilespmem:s3+$0x20];
	(erf) = vpow2.f32 v23;
	v14 =	vmov v25  }
0x198: {  	v25 =	vmul.f32 v16, v39;
	v23 =	vmul.f32 $1.442695020e+00, v21;
	v36 =	vld [tilespmem:s3+$0x30];
	[tilespmem:s7+$0xFFFFFFE0] =	vst v41;
	v15 =	vmov v31  }
.Ltmp2:
0x199: {  	v38 =	vmul.f32 v18, v46;
	v22 =	vld [tilespmem:s3+$0x50];
	(erf) = vpow2.f32 v28;
	[tilespmem:s7+$0x0] =	vst v19;
	v12 =	vmov v34;
	(pc) =	sbr.rel @p0 .LBB2_7-.Ltmp2, $4  }
0x19a: {  	v34 =	vmul.f32 v20, v26;
	v21 =	vld [tilespmem:s3+$0x60];
	(erf) = vpow2.f32 v23;
	[tilespmem:s7+$0x10] =	vst v25;
	v19 =	vmov v24  }
0x19b: {  	v31 =	vmul.f32 v27, v32;
	v28 =	vmul.f32 v17, v33;
	v24 =	vld [tilespmem:s3+$0x80];
	[tilespmem:s7+$0x20] =	vst v38;
	v16 =	vmov v29  }
0x19c: {  	v27 =	vperm.xlane v40, v5;
	v25 =	vperm.xlane v30, v5;
	v17 =	vld [tilespmem:s3+$0x70];
	[tilespmem:s7+$0x30] =	vst v34;
	v18 =	vmov v35  }
0x19d: {  	v26 =	vperm.xlane v37, v5;
	v23 =	vperm.xlane v10, v5;
	s3 =	sadd.s32 $0x140, s3;
	v10 =	vpop (erf);
	[tilespmem:s7+$0x60] =	vst v31;
	v20 =	vmov v36  }
0x19e: {  	[tilespmem:s7+$0x70] =	vst v28  }
0x19f: {  	v29 =	vperm.xlane v10, v4;
	[tilespmem:s7+$0xFFFFFFA0] =	vst v27  }
0x1a0: {  	v30 =	vperm.xlane v10, v1;
	[tilespmem:s7+$0xFFFFFFF0] =	vst v25;
	v46 =	vpop (erf)  }
0x1a1: {  	[tilespmem:s7+$0x40] =	vst v26;
	v24 =	vmul.f32 v24, v29;
	v53 =	vperm.xlane v46, v1  }
0x1a2: {  	[tilespmem:s7+$0x90] =	vst v23;
	v22 =	vmul.f32 v22, v30;
	v47 =	vpop (erf)  }
0x1a3: {  	v56 =	vperm.xlane v46, v3;
	[tilespmem:s9+$0x80] =	vst v24;
	v48 =	vpop (erf);
	v8 =	vmul.f32 v8, v53  }
0x1a4: {  	[tilespmem:s9+$0x50] =	vst v22;
	v63 =	vperm.xlane v47, v5;
	v49 =	vperm.xlane v48, v1  }
0x1a5: {  	v50 =	vperm.xlane v48, v2;
	[tilespmem:s9+$0xFFFFFFB0] =	vst v8;
	v8 =	vmul.f32 v15, v56  }
0x1a6: {  	v51 =	vperm.xlane v48, v3;
	[tilespmem:s9+$0x40] =	vst v63;
	v9 =	vmul.f32 v9, v49  }
0x1a7: {  	v52 =	vperm.xlane v48, v4;
	v11 =	vmul.f32 v11, v50;
	[tilespmem:s9+$0xFFFFFFD0] =	vst v8  }
0x1a8: {  	v57 =	vperm.xlane v47, v1;
	v7 =	vmul.f32 v7, v51;
	[tilespmem:s9+$0xFFFFFF60] =	vst v9  }
0x1a9: {  	v54 =	vperm.xlane v46, v2;
	v55 =	vmul.f32 v13, v52;
	[tilespmem:s9+$0xFFFFFF70] =	vst v11  }
0x1aa: {  	v8 =	vmul.f32 v19, v57;
	[tilespmem:s9+$0xFFFFFF80] =	vst v7;
	v7 =	vperm.xlane v46, v4  }
0x1ab: {  	v59 =	vperm.xlane v47, v3;
	[tilespmem:s9+$0xFFFFFF90] =	vst v55;
	v9 =	vmul.f32 v14, v54  }
0x1ac: {  	v58 =	vperm.xlane v47, v2;
	[tilespmem:s9+$0x0] =	vst v8;
	v7 =	vmul.f32 v12, v7  }
0x1ad: {  	v62 =	vperm.xlane v10, v3;
	v8 =	vmul.f32 v18, v59;
	[tilespmem:s9+$0xFFFFFFC0] =	vst v9  }
0x1ae: {  	v60 =	vperm.xlane v47, v4;
	[tilespmem:s9+$0xFFFFFFE0] =	vst v7;
	v7 =	vmul.f32 v16, v58  }
0x1af: {  	v61 =	vperm.xlane v10, v2;
	v9 =	vmul.f32 v17, v62;
	[tilespmem:s9+$0x20] =	vst v8  }
0x1b0: {  	[tilespmem:s9+$0x10] =	vst v7;
	v7 =	vmul.f32 v20, v60  }
0x1b1: {  	v8 =	vmul.f32 v21, v61;
	[tilespmem:s9+$0x70] =	vst v9  }
0x1b2: {  	[tilespmem:s9+$0x30] =	vst v7;
	v7 =	vperm.xlane v48, v5  }
0x1b3: {  	[tilespmem:s9+$0x60] =	vst v8;
	v8 =	vperm.xlane v46, v5  }
0x1b4: {  	[tilespmem:s9+$0xFFFFFFA0] =	vst v7;
	v7 =	vperm.xlane v10, v5  }
0x1b5: {  	[tilespmem:s9+$0xFFFFFFF0] =	vst v8  }
0x1b6: {  	s16 =	sadd.s32 $0x1, s16;
	[tilespmem:s9+$0x90] =	vst v7  }
0x1b7: {  	[spmem:s2] =	stream.indirect.scatter.add.f32 [tilespmem:s19], [sflag:$0x6], $0x50, s18, s17, $0xb8;
	[tilespmem:$0x1A810] =	vst v63  }
0x1b8: {  	p0 =	sne.s32 s16, $0x1A;
	_ =	swait.ge [sflag:s15], $0x2800  }
.Ltmp3:
0x1b9: {  	[sflag:s15] =	ssyncset.done $0x0;
	(pc) =	sbr.rel @p0 .LBB2_2-.Ltmp3, $4  }
0x1ba: {  	s3 =	sadd.s32 $0x200, s6;
	[sflag:s15] =	ssyncadd.s32 $0xFFFFD800  }
0x1bb: {  	[tilespmem:s22], [sflag:$0x2] =	stream.indirect.gather [hbm4b:s4+s17], $0x50, s3, s17, $0xb8;
	[tilespmem:$0x1A810] =	vst v63  }
0x1bc: {  	s12 =	sadd.s32 $0x2A80, s6  }
0x1bd: {  	[tilespmem:s24], [sflag:$0x2] =	stream.indirect.gather [hbm4b:s5+s17], $0x10, s12, s17, $0xb8;
	[tilespmem:$0x1A810] =	vst v63  }
0x1be: {  	_ =	swait.ge [sflag:s25], $0x2800  }
0x1bf: {  	[sflag:s25] =	ssyncset.done $0x0  }
0x1c0: {  	[sflag:s25] =	ssyncadd.s32 $0xFFFFD800  }
0x1c1: {  	_ =	swait.ge [sflag:s25], $0x800  }
0x1c2: {  	[sflag:s25] =	ssyncset.done $0x0  }
0x1c3: {  	[sflag:s25] =	ssyncadd.s32 $0xFFFFF800  }
0x1c4: {  	v7 =	vld [tilespmem:$0x4F80]  }
0x1c5: {  	v8 =	vld [tilespmem:$0x4F90]  }
0x1c6: {  	v9 =	vld [tilespmem:$0x4FA0]  }
0x1c7: {  	v10 =	vld [tilespmem:$0x4FB0]  }
0x1c8: {  	v11 =	vld [tilespmem:$0x4FC0]  }
0x1c9: {  	[tilespmem:$0x5100] =	vst v7;
	v7 =	vld [tilespmem:$0x4FD0]  }
0x1ca: {  	[tilespmem:$0x5110] =	vst v8;
	v8 =	vld [tilespmem:$0x4FE0]  }
0x1cb: {  	[tilespmem:$0x5120] =	vst v9;
	v9 =	vld [tilespmem:$0x4FF0]  }
0x1cc: {  	[tilespmem:$0x5130] =	vst v10  }
0x1cd: {  	[tilespmem:$0x5140] =	vst v11  }
0x1ce: {  	[tilespmem:$0x5150] =	vst v7  }
0x1cf: {  	[tilespmem:$0x5160] =	vst v8  }
0x1d0: {  	s6 =	simm.s32 $0x5320;
	[tilespmem:$0x5170] =	vst v9  }
0x1d1: {  	s3 =	simm.s32 $0xCAA0;
	v7 =	vld [tilespmem:s6+$0x90]  }
0x1d2: {  	v8 =	vld [tilespmem:s3+$0x10]  }
0x1d3: {  	v9 =	vld [tilespmem:s3+$0xFFFFFFE0]  }
0x1d4: {  	v10 =	vld [tilespmem:s6+$0xFFFFFFF0]  }
0x1d5: {  	v11 =	vld [tilespmem:s3+$0xFFFFFFF0]  }
0x1d6: {  	v12 =	vld [tilespmem:s6+$0x40]  }
0x1d7: {  	v13 =	vld [tilespmem:s3+$0x0];
	v7 =	vadd.f32 v8, v7  }
0x1d8: {  	v8 =	vld [tilespmem:s6+$0xFFFFFFA0]  }
0x1d9: {  	v14 =	vmul.f32 $2.000000030e-01, v7  }
0x1da: {  	v10 =	vadd.f32 v11, v10  }
0x1db: {  	v16 =	vld [tilespmem:s6+$0xFFFFFF90];
	v7 =	vmax.f32 v7, v14  }
0x1dc: {  	v18 =	vld [tilespmem:s6+$0xFFFFFFC0];
	v12 =	vadd.f32 v13, v12;
	v15 =	vmul.f32 $2.000000030e-01, v10;
	v7 =	vsub.f32 v7, v6  }
0x1dd: {  	v20 =	vld [tilespmem:s6+$0x10];
	v8 =	vadd.f32 v9, v8  }
0x1de: {  	v21 =	vld [tilespmem:s6+$0x20];
	v9 =	vmax.f32 v10, v15;
	v10 =	vmul.f32 $2.000000030e-01, v12;
	v7 =	vmul.f32 $1.442695020e+00, v7  }
0x1df: {  	v23 =	vld [tilespmem:s6+$0x30];
	v9 =	vsub.f32 v9, v6;
	v17 =	vmul.f32 $2.000000030e-01, v8  }
0x1e0: {  	s9 =	simm.s32 $0xCAE0;
	v24 =	vld [tilespmem:s6+$0x60];
	v10 =	vmax.f32 v12, v10;
	(erf) = vpow2.f32 v7  }
0x1e1: {  	v25 =	vld [tilespmem:s9+$0x10];
	v7 =	vmax.f32 v8, v17;
	v8 =	vmul.f32 $1.442695020e+00, v9;
	v9 =	vsub.f32 v10, v6  }
0x1e2: {  	v28 =	vld [tilespmem:s9+$0xFFFFFFE0]  }
0x1e3: {  	s7 =	simm.s32 $0x5460;
	v32 =	vld [tilespmem:s9+$0xFFFFFFF0];
	v9 =	vmul.f32 $1.442695020e+00, v9  }
0x1e4: {  	v43 =	vld [tilespmem:s7+$0xFFFFFFA0];
	v7 =	vsub.f32 v7, v6;
	(erf) = vpow2.f32 v8  }
0x1e5: {  	(erf) = vpow2.f32 v9;
	v9 =	vld [tilespmem:s7+$0x90]  }
0x1e6: {  	v36 =	vld [tilespmem:s7+$0x40];
	v7 =	vmul.f32 $1.442695020e+00, v7  }
0x1e7: {  	v8 =	vld [tilespmem:s6+$0x50]  }
0x1e8: {  	(erf) = vpow2.f32 v7;
	v7 =	vld [tilespmem:s6+$0x80]  }
0x1e9: {  	v40 =	vld [tilespmem:s9+$0x0]  }
0x1ea: {  	v46 =	vld [tilespmem:s6+$0x70];
	v28 =	vadd.f32 v28, v43;
	v29 =	vpop (erf);
	v25 =	vadd.f32 v25, v9  }
0x1eb: {  	v11 =	vld [tilespmem:s6+$0xFFFFFF60];
	v19 =	vperm.xlane v29, v1;
	v22 =	vperm.xlane v29, v4  }
0x1ec: {  	v62 =	vmul.f32 $2.000000030e-01, v28;
	v15 =	vld [tilespmem:s6+$0xFFFFFFB0];
	v47 =	vmul.f32 $2.000000030e-01, v25  }
0x1ed: {  	v10 =	vld [tilespmem:s6+$0xFFFFFFE0];
	v30 =	vpop (erf);
	v8 =	vmul.f32 v8, v19;
	v7 =	vmul.f32 v7, v22  }
0x1ee: {  	v19 =	vld [tilespmem:s7+$0xFFFFFFF0];
	v22 =	vperm.xlane v30, v1;
	v31 =	vperm.xlane v30, v2  }
0x1ef: {  	v13 =	vld [tilespmem:s6+$0xFFFFFF80];
	v33 =	vperm.xlane v30, v3;
	v34 =	vperm.xlane v30, v4;
	v35 =	vpop (erf)  }
0x1f0: {  	v14 =	vld [tilespmem:s6+$0xFFFFFF70];
	v37 =	vperm.xlane v35, v1;
	v38 =	vperm.xlane v35, v2  }
0x1f1: {  	v17 =	vld [tilespmem:s6+$0x0];
	v25 =	vmax.f32 v25, v47;
	v48 =	vperm.xlane v35, v3;
	v22 =	vmul.f32 v15, v22  }
0x1f2: {  	v12 =	vld [tilespmem:s6+$0xFFFFFFD0];
	v39 =	vpop (erf);
	[tilespmem:s6+$0x80] =	vst v7;
	v25 =	vsub.f32 v25, v6;
	v18 =	vmul.f32 v18, v31;
	v10 =	vmul.f32 v10, v34  }
0x1f3: {  	v9 =	vld [tilespmem:s7+$0xFFFFFF60];
	[tilespmem:s6+$0x50] =	vst v8;
	v41 =	vperm.xlane v39, v1;
	v42 =	vperm.xlane v39, v2;
	v19 =	vadd.f32 v32, v19  }
0x1f4: {  	v7 =	vld [tilespmem:s7+$0xFFFFFF80];
	v44 =	vperm.xlane v39, v3;
	v45 =	vperm.xlane v39, v4;
	[tilespmem:s6+$0xFFFFFFB0] =	vst v22  }
0x1f5: {  	v36 =	vadd.f32 v40, v36;
	v8 =	vld [tilespmem:s7+$0xFFFFFFB0];
	v25 =	vmul.f32 $1.442695020e+00, v25;
	[tilespmem:s6+$0xFFFFFFC0] =	vst v18;
	v61 =	vmul.f32 $2.000000030e-01, v19  }
0x1f6: {  	v22 =	vmax.f32 v28, v62;
	v17 =	vmul.f32 v17, v37;
	v18 =	vld [tilespmem:s7+$0x20];
	[tilespmem:s6+$0xFFFFFFE0] =	vst v10;
	v10 =	vmul.f32 v20, v38  }
0x1f7: {  	v20 =	vld [tilespmem:s7+$0x30];
	v16 =	vmul.f32 v16, v45;
	v15 =	vmax.f32 v19, v61;
	v19 =	vmul.f32 $2.000000030e-01, v36  }
0x1f8: {  	v58 =	vmul.f32 v11, v41;
	v11 =	vld [tilespmem:s7+$0xFFFFFF70];
	v14 =	vmul.f32 v14, v42;
	v63 =	vsub.f32 v15, v6  }
0x1f9: {  	v60 =	vmul.f32 v13, v44;
	v13 =	vld [tilespmem:s7+$0xFFFFFF90];
	(erf) = vpow2.f32 v25;
	[tilespmem:s6+$0xFFFFFF90] =	vst v16;
	v16 =	vmax.f32 v36, v19  }
0x1fa: {  	v25 =	vmul.f32 v12, v33;
	v12 =	vld [tilespmem:s7+$0xFFFFFFE0];
	[tilespmem:s6+$0x0] =	vst v17;
	v28 =	vmul.f32 $1.442695020e+00, v63;
	v31 =	vsub.f32 v16, v6  }
0x1fb: {  	v59 =	vperm.xlane v35, v4;
	v22 =	vsub.f32 v22, v6;
	v17 =	vmul.f32 v21, v48;
	v21 =	vld [tilespmem:s7+$0x60];
	[tilespmem:s6+$0xFFFFFF70] =	vst v14  }
0x1fc: {  	v14 =	vld [tilespmem:s7+$0xFFFFFFC0];
	[tilespmem:s6+$0xFFFFFFD0] =	vst v25;
	v25 =	vmul.f32 $1.442695020e+00, v31;
	(erf) = vpow2.f32 v28  }
0x1fd: {  	v26 =	vperm.xlane v29, v2;
	[tilespmem:s6+$0x20] =	vst v17;
	v17 =	vld [tilespmem:s7+$0x70];
	v28 =	vmul.f32 $1.442695020e+00, v22  }
0x1fe: {  	[tilespmem:s6+$0x10] =	vst v10;
	v10 =	vmul.f32 v23, v59;
	v15 =	vld [tilespmem:s7+$0xFFFFFFD0];
	(erf) = vpow2.f32 v25  }
0x1ff: {  	v27 =	vperm.xlane v29, v3;
	[tilespmem:s6+$0xFFFFFF60] =	vst v58;
	v22 =	vld [tilespmem:s7+$0x50];
	(erf) = vpow2.f32 v28  }
0x200: {  	v23 =	vperm.xlane v29, v5;
	[tilespmem:s6+$0xFFFFFF80] =	vst v60;
	v31 =	vmul.f32 v24, v26;
	v24 =	vld [tilespmem:s7+$0x80]  }
0x201: {  	[tilespmem:s6+$0x30] =	vst v10;
	v19 =	vld [tilespmem:s7+$0x0];
	v26 =	vperm.xlane v35, v5;
	v28 =	vmul.f32 v46, v27  }
0x202: {  	s10 =	simm.s32 $0x4;
	s3 =	simm.s32 $0x55A0;
	v16 =	vld [tilespmem:s7+$0x10];
	v10 =	vpop (erf);
	v25 =	vperm.xlane v30, v5;
	[tilespmem:s6+$0x60] =	vst v31;
	v27 =	vperm.xlane v39, v5  }
.LBB2_10:
0x203: {  	v29 =	vld [tilespmem:s3+$0x90];
	v34 =	vperm.xlane v10, v1;
	v31 =	vperm.xlane v10, v4;
	s9 =	sadd.s32 $0x40, s9;
	[tilespmem:s6+$0x70] =	vst v28  }
0x204: {  	s10 =	sadd.s32 $0x4, s10;
	v32 =	vperm.xlane v10, v2;
	v33 =	vperm.xlane v10, v3;
	v28 =	vld [tilespmem:s9+$0x10];
	[tilespmem:s6+$0xFFFFFFA0] =	vst v27;
	v27 =	vmov v21  }
0x205: {  	p0 =	slt.u32 s10, $0x7C;
	v21 =	vld [tilespmem:s9+$0xFFFFFFE0];
	v22 =	vmul.f32 v22, v34;
	v24 =	vmul.f32 v24, v31;
	v30 =	vpop (erf);
	[tilespmem:s6+$0xFFFFFFF0] =	vst v25  }
0x206: {  	v25 =	vld [tilespmem:s3+$0xFFFFFFF0];
	v31 =	vperm.xlane v30, v1;
	v34 =	vperm.xlane v30, v2;
	[tilespmem:s6+$0x40] =	vst v26  }
0x207: {  	v35 =	vperm.xlane v30, v3;
	v36 =	vperm.xlane v30, v4;
	v26 =	vld [tilespmem:s9+$0xFFFFFFF0];
	[tilespmem:s7+$0x80] =	vst v24;
	v37 =	vpop (erf)  }
0x208: {  	v24 =	vld [tilespmem:s3+$0x40];
	v38 =	vperm.xlane v37, v1;
	v39 =	vperm.xlane v37, v2;
	[tilespmem:s7+$0x50] =	vst v22;
	v40 =	vpop (erf)  }
0x209: {  	v22 =	vld [tilespmem:s9+$0x0];
	v28 =	vadd.f32 v28, v29;
	v29 =	vperm.xlane v40, v1;
	v41 =	vperm.xlane v40, v2;
	[tilespmem:s6+$0x90] =	vst v23;
	s6 =	smov.u32 s7;
	s7 =	smov.u32 s3  }
0x20a: {  	v42 =	vperm.xlane v40, v3;
	v43 =	vperm.xlane v40, v4;
	v23 =	vld [tilespmem:s3+$0xFFFFFFA0]  }
0x20b: {  	v46 =	vperm.xlane v37, v3;
	v44 =	vld [tilespmem:s3+$0xFFFFFF60];
	v45 =	vmul.f32 $2.000000030e-01, v28  }
0x20c: {  	v9 =	vmul.f32 v9, v29;
	v47 =	vld [tilespmem:s3+$0xFFFFFF70];
	v25 =	vadd.f32 v26, v25;
	v26 =	vperm.xlane v37, v4  }
0x20d: {  	v11 =	vmul.f32 v11, v41;
	v29 =	vmul.f32 v7, v42;
	v28 =	vmax.f32 v28, v45;
	v7 =	vld [tilespmem:s3+$0xFFFFFF80]  }
0x20e: {  	v41 =	vld [tilespmem:s3+$0xFFFFFF90];
	v42 =	vmul.f32 $2.000000030e-01, v25;
	v22 =	vadd.f32 v22, v24;
	v24 =	vsub.f32 v28, v6;
	[tilespmem:s6+$0xFFFFFF60] =	vst v9  }
0x20f: {  	v43 =	vmul.f32 v13, v43;
	v13 =	vmul.f32 v8, v31;
	v21 =	vadd.f32 v21, v23;
	[tilespmem:s6+$0xFFFFFF70] =	vst v11;
	v8 =	vld [tilespmem:s3+$0xFFFFFFB0]  }
0x210: {  	v23 =	vmax.f32 v25, v42;
	v25 =	vld [tilespmem:s3+$0xFFFFFFC0];
	v28 =	vmul.f32 $2.000000030e-01, v22;
	v24 =	vmul.f32 $1.442695020e+00, v24;
	[tilespmem:s6+$0xFFFFFF80] =	vst v29;
	v9 =	vmovc v44  }
0x211: {  	v14 =	vmul.f32 v14, v34;
	v29 =	vmul.f32 $2.000000030e-01, v21;
	v23 =	vsub.f32 v23, v6;
	v31 =	vld [tilespmem:s3+$0xFFFFFFD0];
	[tilespmem:s6+$0xFFFFFF90] =	vst v43;
	v11 =	vmovc v47  }
0x212: {  	v15 =	vmul.f32 v15, v35;
	v34 =	vld [tilespmem:s3+$0xFFFFFFE0];
	v22 =	vmax.f32 v22, v28;
	(erf) = vpow2.f32 v24;
	[tilespmem:s6+$0xFFFFFFB0] =	vst v13  }
0x213: {  	v21 =	vmax.f32 v21, v29;
	v23 =	vmul.f32 $1.442695020e+00, v23;
	v22 =	vsub.f32 v22, v6;
	v24 =	vld [tilespmem:s3+$0x0];
	[tilespmem:s6+$0xFFFFFFC0] =	vst v14;
	v13 =	vmovc v41  }
0x214: {  	v19 =	vmul.f32 v19, v38;
	v41 =	vmul.f32 v12, v36;
	v21 =	vsub.f32 v21, v6;
	v29 =	vld [tilespmem:s3+$0x10];
	[tilespmem:s6+$0xFFFFFFD0] =	vst v15  }
0x215: {  	v28 =	vmul.f32 $1.442695020e+00, v22;
	v35 =	vld [tilespmem:s3+$0x20];
	(erf) = vpow2.f32 v23;
	v14 =	vmov v25  }
0x216: {  	v25 =	vmul.f32 v16, v39;
	v23 =	vmul.f32 $1.442695020e+00, v21;
	v36 =	vld [tilespmem:s3+$0x30];
	[tilespmem:s6+$0xFFFFFFE0] =	vst v41;
	v15 =	vmov v31  }
.Ltmp4:
0x217: {  	v38 =	vmul.f32 v18, v46;
	v22 =	vld [tilespmem:s3+$0x50];
	(erf) = vpow2.f32 v28;
	[tilespmem:s6+$0x0] =	vst v19;
	v12 =	vmov v34;
	(pc) =	sbr.rel @p0 .LBB2_10-.Ltmp4, $4  }
0x218: {  	v34 =	vmul.f32 v20, v26;
	v21 =	vld [tilespmem:s3+$0x60];
	(erf) = vpow2.f32 v23;
	[tilespmem:s6+$0x10] =	vst v25;
	v19 =	vmov v24  }
0x219: {  	v31 =	vmul.f32 v27, v32;
	v28 =	vmul.f32 v17, v33;
	v24 =	vld [tilespmem:s3+$0x80];
	[tilespmem:s6+$0x20] =	vst v38;
	v16 =	vmov v29  }
0x21a: {  	v27 =	vperm.xlane v40, v5;
	v25 =	vperm.xlane v30, v5;
	v17 =	vld [tilespmem:s3+$0x70];
	[tilespmem:s6+$0x30] =	vst v34;
	v18 =	vmov v35  }
0x21b: {  	v26 =	vperm.xlane v37, v5;
	v23 =	vperm.xlane v10, v5;
	s3 =	sadd.s32 $0x140, s3;
	v10 =	vpop (erf);
	[tilespmem:s6+$0x60] =	vst v31;
	v20 =	vmov v36  }
0x21c: {  	_ =	sdelay $0x2  }
0x21d: {  	v29 =	vperm.xlane v10, v4;
	[tilespmem:s6+$0x70] =	vst v28;
	v28 =	vpop (erf)  }
0x21e: {  	v30 =	vperm.xlane v10, v1;
	[tilespmem:s6+$0xFFFFFFA0] =	vst v27;
	v27 =	vpop (erf)  }
0x21f: {  	[tilespmem:s6+$0xFFFFFFF0] =	vst v25;
	v24 =	vmul.f32 v24, v29;
	v25 =	vpop (erf)  }
0x220: {  	[tilespmem:s6+$0x40] =	vst v26;
	v22 =	vmul.f32 v22, v30;
	v26 =	vperm.xlane v25, v1  }
0x221: {  	[tilespmem:s7+$0x80] =	vst v24;
	v24 =	vperm.xlane v25, v2  }
0x222: {  	[tilespmem:s7+$0x50] =	vst v22;
	v22 =	vperm.xlane v25, v3;
	v9 =	vmul.f32 v9, v26  }
0x223: {  	[tilespmem:s6+$0x90] =	vst v23;
	v23 =	vperm.xlane v25, v4;
	v11 =	vmul.f32 v11, v24  }
0x224: {  	v24 =	vperm.xlane v28, v1;
	v7 =	vmul.f32 v7, v22;
	[tilespmem:s7+$0xFFFFFF60] =	vst v9  }
0x225: {  	v9 =	vperm.xlane v28, v2;
	[tilespmem:s7+$0xFFFFFF70] =	vst v11;
	v11 =	vmul.f32 v13, v23  }
0x226: {  	v13 =	vperm.xlane v28, v3;
	v8 =	vmul.f32 v8, v24;
	[tilespmem:s7+$0xFFFFFF80] =	vst v7  }
0x227: {  	v7 =	vperm.xlane v28, v4;
	[tilespmem:s7+$0xFFFFFF90] =	vst v11;
	v9 =	vmul.f32 v14, v9  }
0x228: {  	v11 =	vperm.xlane v27, v1;
	[tilespmem:s7+$0xFFFFFFB0] =	vst v8;
	v8 =	vmul.f32 v15, v13  }
0x229: {  	v13 =	vperm.xlane v27, v2;
	v7 =	vmul.f32 v12, v7;
	[tilespmem:s7+$0xFFFFFFC0] =	vst v9  }
0x22a: {  	v9 =	vperm.xlane v27, v3;
	[tilespmem:s7+$0xFFFFFFD0] =	vst v8;
	v8 =	vmul.f32 v19, v11  }
0x22b: {  	v11 =	vperm.xlane v27, v4;
	[tilespmem:s7+$0xFFFFFFE0] =	vst v7;
	v7 =	vmul.f32 v16, v13  }
0x22c: {  	v12 =	vperm.xlane v10, v2;
	[tilespmem:s7+$0x0] =	vst v8;
	v8 =	vmul.f32 v18, v9  }
0x22d: {  	v9 =	vperm.xlane v10, v3;
	[tilespmem:s7+$0x10] =	vst v7;
	v7 =	vmul.f32 v20, v11  }
0x22e: {  	[tilespmem:s7+$0x20] =	vst v8;
	v8 =	vmul.f32 v21, v12  }
0x22f: {  	v9 =	vmul.f32 v17, v9;
	[tilespmem:s7+$0x30] =	vst v7  }
0x230: {  	v7 =	vperm.xlane v25, v5;
	[tilespmem:s7+$0x60] =	vst v8  }
0x231: {  	v8 =	vperm.xlane v28, v5;
	[tilespmem:s7+$0x70] =	vst v9  }
0x232: {  	v9 =	vperm.xlane v27, v5;
	[tilespmem:s7+$0xFFFFFFA0] =	vst v7  }
0x233: {  	v7 =	vperm.xlane v10, v5;
	[tilespmem:s7+$0xFFFFFFF0] =	vst v8  }
0x234: {  	[tilespmem:s7+$0x40] =	vst v9  }
0x235: {  	[tilespmem:s7+$0x90] =	vst v7  }
0x236: {  	[spmem:s2] =	stream.indirect.scatter.add.f32 [tilespmem:s20], [sflag:$0x4], $0x50, s26, s17, $0xb8;
	[tilespmem:$0x1A810] =	vst v63  }
0x237: {  	_ =	swait.ge [sflag:s28], $0x2800  }
0x238: {  	[sflag:s28] =	ssyncset.done $0x0  }
0x239: {  	s3 =	simm.s32 $0x2800;
	[sflag:s28] =	ssyncadd.s32 $0xFFFFD800  }
0x23a: {  	[tilespmem:s19], [sflag:$0x3] =	stream.indirect.gather [hbm4b:s4+s17], $0x50, s3, s17, $0xb8;
	[tilespmem:$0x1A810] =	vst v63  }
0x23b: {  	s12 =	simm.s32 $0x5080  }
0x23c: {  	[tilespmem:s29], [sflag:$0x3] =	stream.indirect.gather [hbm4b:s5+s17], $0x10, s12, s17, $0xb8;
	[tilespmem:$0x1A810] =	vst v63  }
0x23d: {  	_ =	swait.ge [sflag:s30], $0x2800  }
0x23e: {  	[sflag:s30] =	ssyncset.done $0x0  }
0x23f: {  	[sflag:s30] =	ssyncadd.s32 $0xFFFFD800  }
0x240: {  	_ =	swait.ge [sflag:s30], $0x800  }
0x241: {  	[sflag:s30] =	ssyncset.done $0x0  }
0x242: {  	[sflag:s30] =	ssyncadd.s32 $0xFFFFF800  }
0x243: {  	v7 =	vld [tilespmem:$0x5000]  }
0x244: {  	v8 =	vld [tilespmem:$0x5010]  }
0x245: {  	v9 =	vld [tilespmem:$0x5020]  }
0x246: {  	v10 =	vld [tilespmem:$0x5030]  }
0x247: {  	v11 =	vld [tilespmem:$0x5040]  }
0x248: {  	[tilespmem:$0x5180] =	vst v7;
	v7 =	vld [tilespmem:$0x5050]  }
0x249: {  	[tilespmem:$0x5190] =	vst v8;
	v8 =	vld [tilespmem:$0x5060]  }
0x24a: {  	[tilespmem:$0x51A0] =	vst v9;
	v9 =	vld [tilespmem:$0x5070]  }
0x24b: {  	[tilespmem:$0x51B0] =	vst v10  }
0x24c: {  	[tilespmem:$0x51C0] =	vst v11  }
0x24d: {  	[tilespmem:$0x51D0] =	vst v7  }
0x24e: {  	[tilespmem:$0x51E0] =	vst v8  }
0x24f: {  	s6 =	simm.s32 $0x7B20;
	[tilespmem:$0x51F0] =	vst v9  }
0x250: {  	s16 =	simm.s32 $0xD2A0;
	v7 =	vld [tilespmem:s6+$0x90]  }
0x251: {  	v8 =	vld [tilespmem:s16+$0x10]  }
0x252: {  	v9 =	vld [tilespmem:s16+$0xFFFFFFE0]  }
0x253: {  	v10 =	vld [tilespmem:s6+$0xFFFFFFF0]  }
0x254: {  	v11 =	vld [tilespmem:s16+$0xFFFFFFF0]  }
0x255: {  	v12 =	vld [tilespmem:s6+$0x40]  }
0x256: {  	v13 =	vld [tilespmem:s16+$0x0];
	v7 =	vadd.f32 v8, v7  }
0x257: {  	v8 =	vld [tilespmem:s6+$0xFFFFFFA0]  }
0x258: {  	v14 =	vmul.f32 $2.000000030e-01, v7  }
0x259: {  	v10 =	vadd.f32 v11, v10  }
0x25a: {  	v16 =	vld [tilespmem:s6+$0xFFFFFF90];
	v7 =	vmax.f32 v7, v14  }
0x25b: {  	v18 =	vld [tilespmem:s6+$0xFFFFFFC0];
	v12 =	vadd.f32 v13, v12;
	v15 =	vmul.f32 $2.000000030e-01, v10;
	v7 =	vsub.f32 v7, v6  }
0x25c: {  	v20 =	vld [tilespmem:s6+$0x10];
	v8 =	vadd.f32 v9, v8  }
0x25d: {  	v21 =	vld [tilespmem:s6+$0x20];
	v9 =	vmax.f32 v10, v15;
	v10 =	vmul.f32 $2.000000030e-01, v12;
	v7 =	vmul.f32 $1.442695020e+00, v7  }
0x25e: {  	v23 =	vld [tilespmem:s6+$0x30];
	v9 =	vsub.f32 v9, v6;
	v17 =	vmul.f32 $2.000000030e-01, v8  }
0x25f: {  	s9 =	simm.s32 $0xD2E0;
	v24 =	vld [tilespmem:s6+$0x60];
	v10 =	vmax.f32 v12, v10;
	(erf) = vpow2.f32 v7  }
0x260: {  	v25 =	vld [tilespmem:s9+$0x10];
	v7 =	vmax.f32 v8, v17;
	v8 =	vmul.f32 $1.442695020e+00, v9;
	v9 =	vsub.f32 v10, v6  }
0x261: {  	v28 =	vld [tilespmem:s9+$0xFFFFFFE0]  }
0x262: {  	s7 =	simm.s32 $0x7C60;
	v32 =	vld [tilespmem:s9+$0xFFFFFFF0];
	v9 =	vmul.f32 $1.442695020e+00, v9  }
0x263: {  	v43 =	vld [tilespmem:s7+$0xFFFFFFA0];
	v7 =	vsub.f32 v7, v6;
	(erf) = vpow2.f32 v8  }
0x264: {  	(erf) = vpow2.f32 v9;
	v9 =	vld [tilespmem:s7+$0x90]  }
0x265: {  	v36 =	vld [tilespmem:s7+$0x40];
	v7 =	vmul.f32 $1.442695020e+00, v7  }
0x266: {  	v8 =	vld [tilespmem:s6+$0x50]  }
0x267: {  	(erf) = vpow2.f32 v7;
	v7 =	vld [tilespmem:s6+$0x80]  }
0x268: {  	v40 =	vld [tilespmem:s9+$0x0]  }
0x269: {  	v46 =	vld [tilespmem:s6+$0x70];
	v28 =	vadd.f32 v28, v43;
	v29 =	vpop (erf);
	v25 =	vadd.f32 v25, v9  }
0x26a: {  	v11 =	vld [tilespmem:s6+$0xFFFFFF60];
	v19 =	vperm.xlane v29, v1;
	v22 =	vperm.xlane v29, v4  }
0x26b: {  	v62 =	vmul.f32 $2.000000030e-01, v28;
	v15 =	vld [tilespmem:s6+$0xFFFFFFB0];
	v47 =	vmul.f32 $2.000000030e-01, v25  }
0x26c: {  	v10 =	vld [tilespmem:s6+$0xFFFFFFE0];
	v30 =	vpop (erf);
	v8 =	vmul.f32 v8, v19;
	v7 =	vmul.f32 v7, v22  }
0x26d: {  	v19 =	vld [tilespmem:s7+$0xFFFFFFF0];
	v22 =	vperm.xlane v30, v1;
	v31 =	vperm.xlane v30, v2  }
0x26e: {  	v13 =	vld [tilespmem:s6+$0xFFFFFF80];
	v33 =	vperm.xlane v30, v3;
	v34 =	vperm.xlane v30, v4;
	v35 =	vpop (erf)  }
0x26f: {  	v14 =	vld [tilespmem:s6+$0xFFFFFF70];
	v37 =	vperm.xlane v35, v1;
	v38 =	vperm.xlane v35, v2  }
0x270: {  	v17 =	vld [tilespmem:s6+$0x0];
	v25 =	vmax.f32 v25, v47;
	v48 =	vperm.xlane v35, v3;
	v22 =	vmul.f32 v15, v22  }
0x271: {  	v12 =	vld [tilespmem:s6+$0xFFFFFFD0];
	v39 =	vpop (erf);
	[tilespmem:s6+$0x80] =	vst v7;
	v25 =	vsub.f32 v25, v6;
	v18 =	vmul.f32 v18, v31;
	v10 =	vmul.f32 v10, v34  }
0x272: {  	v9 =	vld [tilespmem:s7+$0xFFFFFF60];
	[tilespmem:s6+$0x50] =	vst v8;
	v41 =	vperm.xlane v39, v1;
	v42 =	vperm.xlane v39, v2;
	v19 =	vadd.f32 v32, v19  }
0x273: {  	v7 =	vld [tilespmem:s7+$0xFFFFFF80];
	v44 =	vperm.xlane v39, v3;
	v45 =	vperm.xlane v39, v4;
	[tilespmem:s6+$0xFFFFFFB0] =	vst v22  }
0x274: {  	v36 =	vadd.f32 v40, v36;
	v8 =	vld [tilespmem:s7+$0xFFFFFFB0];
	v25 =	vmul.f32 $1.442695020e+00, v25;
	[tilespmem:s6+$0xFFFFFFC0] =	vst v18;
	v61 =	vmul.f32 $2.000000030e-01, v19  }
0x275: {  	v22 =	vmax.f32 v28, v62;
	v17 =	vmul.f32 v17, v37;
	v18 =	vld [tilespmem:s7+$0x20];
	[tilespmem:s6+$0xFFFFFFE0] =	vst v10;
	v10 =	vmul.f32 v20, v38  }
0x276: {  	v20 =	vld [tilespmem:s7+$0x30];
	v16 =	vmul.f32 v16, v45;
	v15 =	vmax.f32 v19, v61;
	v19 =	vmul.f32 $2.000000030e-01, v36  }
0x277: {  	v58 =	vmul.f32 v11, v41;
	v11 =	vld [tilespmem:s7+$0xFFFFFF70];
	v14 =	vmul.f32 v14, v42;
	v63 =	vsub.f32 v15, v6  }
0x278: {  	v60 =	vmul.f32 v13, v44;
	v13 =	vld [tilespmem:s7+$0xFFFFFF90];
	(erf) = vpow2.f32 v25;
	[tilespmem:s6+$0xFFFFFF90] =	vst v16;
	v16 =	vmax.f32 v36, v19  }
0x279: {  	v25 =	vmul.f32 v12, v33;
	v12 =	vld [tilespmem:s7+$0xFFFFFFE0];
	[tilespmem:s6+$0x0] =	vst v17;
	v28 =	vmul.f32 $1.442695020e+00, v63;
	v31 =	vsub.f32 v16, v6  }
0x27a: {  	v59 =	vperm.xlane v35, v4;
	v22 =	vsub.f32 v22, v6;
	v17 =	vmul.f32 v21, v48;
	v21 =	vld [tilespmem:s7+$0x60];
	[tilespmem:s6+$0xFFFFFF70] =	vst v14  }
0x27b: {  	v14 =	vld [tilespmem:s7+$0xFFFFFFC0];
	[tilespmem:s6+$0xFFFFFFD0] =	vst v25;
	v25 =	vmul.f32 $1.442695020e+00, v31;
	(erf) = vpow2.f32 v28  }
0x27c: {  	v26 =	vperm.xlane v29, v2;
	[tilespmem:s6+$0x20] =	vst v17;
	v17 =	vld [tilespmem:s7+$0x70];
	v28 =	vmul.f32 $1.442695020e+00, v22  }
0x27d: {  	[tilespmem:s6+$0x10] =	vst v10;
	v10 =	vmul.f32 v23, v59;
	v15 =	vld [tilespmem:s7+$0xFFFFFFD0];
	(erf) = vpow2.f32 v25  }
0x27e: {  	v27 =	vperm.xlane v29, v3;
	[tilespmem:s6+$0xFFFFFF60] =	vst v58;
	v22 =	vld [tilespmem:s7+$0x50];
	(erf) = vpow2.f32 v28  }
0x27f: {  	v23 =	vperm.xlane v29, v5;
	[tilespmem:s6+$0xFFFFFF80] =	vst v60;
	v31 =	vmul.f32 v24, v26;
	v24 =	vld [tilespmem:s7+$0x80]  }
0x280: {  	[tilespmem:s6+$0x30] =	vst v10;
	v19 =	vld [tilespmem:s7+$0x0];
	v26 =	vperm.xlane v35, v5;
	v28 =	vmul.f32 v46, v27  }
0x281: {  	s10 =	simm.s32 $0x4;
	s3 =	simm.s32 $0x7DA0;
	v16 =	vld [tilespmem:s7+$0x10];
	v10 =	vpop (erf);
	v25 =	vperm.xlane v30, v5;
	[tilespmem:s6+$0x60] =	vst v31;
	v27 =	vperm.xlane v39, v5  }
.LBB2_12:
0x282: {  	v29 =	vld [tilespmem:s3+$0x90];
	v34 =	vperm.xlane v10, v1;
	v31 =	vperm.xlane v10, v4;
	s9 =	sadd.s32 $0x40, s9;
	[tilespmem:s6+$0x70] =	vst v28  }
0x283: {  	s10 =	sadd.s32 $0x4, s10;
	v32 =	vperm.xlane v10, v2;
	v33 =	vperm.xlane v10, v3;
	v28 =	vld [tilespmem:s9+$0x10];
	[tilespmem:s6+$0xFFFFFFA0] =	vst v27;
	v27 =	vmov v21  }
0x284: {  	p0 =	slt.u32 s10, $0x7C;
	v21 =	vld [tilespmem:s9+$0xFFFFFFE0];
	v22 =	vmul.f32 v22, v34;
	v24 =	vmul.f32 v24, v31;
	v30 =	vpop (erf);
	[tilespmem:s6+$0xFFFFFFF0] =	vst v25  }
0x285: {  	v25 =	vld [tilespmem:s3+$0xFFFFFFF0];
	v31 =	vperm.xlane v30, v1;
	v34 =	vperm.xlane v30, v2;
	[tilespmem:s6+$0x40] =	vst v26  }
0x286: {  	v35 =	vperm.xlane v30, v3;
	v36 =	vperm.xlane v30, v4;
	v26 =	vld [tilespmem:s9+$0xFFFFFFF0];
	[tilespmem:s7+$0x80] =	vst v24;
	v37 =	vpop (erf)  }
0x287: {  	v24 =	vld [tilespmem:s3+$0x40];
	v38 =	vperm.xlane v37, v1;
	v39 =	vperm.xlane v37, v2;
	[tilespmem:s7+$0x50] =	vst v22;
	v40 =	vpop (erf)  }
0x288: {  	v22 =	vld [tilespmem:s9+$0x0];
	v28 =	vadd.f32 v28, v29;
	v29 =	vperm.xlane v40, v1;
	v41 =	vperm.xlane v40, v2;
	[tilespmem:s6+$0x90] =	vst v23;
	s6 =	smov.u32 s7;
	s7 =	smov.u32 s3  }
0x289: {  	v42 =	vperm.xlane v40, v3;
	v43 =	vperm.xlane v40, v4;
	v23 =	vld [tilespmem:s3+$0xFFFFFFA0]  }
0x28a: {  	v46 =	vperm.xlane v37, v3;
	v44 =	vld [tilespmem:s3+$0xFFFFFF60];
	v45 =	vmul.f32 $2.000000030e-01, v28  }
0x28b: {  	v9 =	vmul.f32 v9, v29;
	v47 =	vld [tilespmem:s3+$0xFFFFFF70];
	v25 =	vadd.f32 v26, v25;
	v26 =	vperm.xlane v37, v4  }
0x28c: {  	v11 =	vmul.f32 v11, v41;
	v29 =	vmul.f32 v7, v42;
	v28 =	vmax.f32 v28, v45;
	v7 =	vld [tilespmem:s3+$0xFFFFFF80]  }
0x28d: {  	v41 =	vld [tilespmem:s3+$0xFFFFFF90];
	v42 =	vmul.f32 $2.000000030e-01, v25;
	v22 =	vadd.f32 v22, v24;
	v24 =	vsub.f32 v28, v6;
	[tilespmem:s6+$0xFFFFFF60] =	vst v9  }
0x28e: {  	v43 =	vmul.f32 v13, v43;
	v13 =	vmul.f32 v8, v31;
	v21 =	vadd.f32 v21, v23;
	[tilespmem:s6+$0xFFFFFF70] =	vst v11;
	v8 =	vld [tilespmem:s3+$0xFFFFFFB0]  }
0x28f: {  	v23 =	vmax.f32 v25, v42;
	v25 =	vld [tilespmem:s3+$0xFFFFFFC0];
	v28 =	vmul.f32 $2.000000030e-01, v22;
	v24 =	vmul.f32 $1.442695020e+00, v24;
	[tilespmem:s6+$0xFFFFFF80] =	vst v29;
	v9 =	vmovc v44  }
0x290: {  	v14 =	vmul.f32 v14, v34;
	v29 =	vmul.f32 $2.000000030e-01, v21;
	v23 =	vsub.f32 v23, v6;
	v31 =	vld [tilespmem:s3+$0xFFFFFFD0];
	[tilespmem:s6+$0xFFFFFF90] =	vst v43;
	v11 =	vmovc v47  }
0x291: {  	v15 =	vmul.f32 v15, v35;
	v34 =	vld [tilespmem:s3+$0xFFFFFFE0];
	v22 =	vmax.f32 v22, v28;
	(erf) = vpow2.f32 v24;
	[tilespmem:s6+$0xFFFFFFB0] =	vst v13  }
0x292: {  	v21 =	vmax.f32 v21, v29;
	v23 =	vmul.f32 $1.442695020e+00, v23;
	v22 =	vsub.f32 v22, v6;
	v24 =	vld [tilespmem:s3+$0x0];
	[tilespmem:s6+$0xFFFFFFC0] =	vst v14;
	v13 =	vmovc v41  }
0x293: {  	v19 =	vmul.f32 v19, v38;
	v41 =	vmul.f32 v12, v36;
	v21 =	vsub.f32 v21, v6;
	v29 =	vld [tilespmem:s3+$0x10];
	[tilespmem:s6+$0xFFFFFFD0] =	vst v15  }
0x294: {  	v28 =	vmul.f32 $1.442695020e+00, v22;
	v35 =	vld [tilespmem:s3+$0x20];
	(erf) = vpow2.f32 v23;
	v14 =	vmov v25  }
0x295: {  	v25 =	vmul.f32 v16, v39;
	v23 =	vmul.f32 $1.442695020e+00, v21;
	v36 =	vld [tilespmem:s3+$0x30];
	[tilespmem:s6+$0xFFFFFFE0] =	vst v41;
	v15 =	vmov v31  }
.Ltmp5:
0x296: {  	v38 =	vmul.f32 v18, v46;
	v22 =	vld [tilespmem:s3+$0x50];
	(erf) = vpow2.f32 v28;
	[tilespmem:s6+$0x0] =	vst v19;
	v12 =	vmov v34;
	(pc) =	sbr.rel @p0 .LBB2_12-.Ltmp5, $4  }
0x297: {  	v34 =	vmul.f32 v20, v26;
	v21 =	vld [tilespmem:s3+$0x60];
	(erf) = vpow2.f32 v23;
	[tilespmem:s6+$0x10] =	vst v25;
	v19 =	vmov v24  }
0x298: {  	v31 =	vmul.f32 v27, v32;
	v28 =	vmul.f32 v17, v33;
	v24 =	vld [tilespmem:s3+$0x80];
	[tilespmem:s6+$0x20] =	vst v38;
	v16 =	vmov v29  }
0x299: {  	v27 =	vperm.xlane v40, v5;
	v25 =	vperm.xlane v30, v5;
	v17 =	vld [tilespmem:s3+$0x70];
	[tilespmem:s6+$0x30] =	vst v34;
	v18 =	vmov v35  }
0x29a: {  	v26 =	vperm.xlane v37, v5;
	v23 =	vperm.xlane v10, v5;
	s3 =	sadd.s32 $0x140, s3;
	v10 =	vpop (erf);
	[tilespmem:s6+$0x60] =	vst v31;
	v20 =	vmov v36  }
0x29b: {  	_ =	sdelay $0x2  }
0x29c: {  	v29 =	vperm.xlane v10, v4;
	[tilespmem:s6+$0x70] =	vst v28;
	v28 =	vpop (erf)  }
0x29d: {  	v30 =	vperm.xlane v10, v1;
	[tilespmem:s6+$0xFFFFFFA0] =	vst v27;
	v27 =	vpop (erf)  }
0x29e: {  	[tilespmem:s6+$0xFFFFFFF0] =	vst v25;
	v24 =	vmul.f32 v24, v29;
	v25 =	vpop (erf)  }
0x29f: {  	[tilespmem:s6+$0x40] =	vst v26;
	v22 =	vmul.f32 v22, v30;
	v26 =	vperm.xlane v25, v1  }
0x2a0: {  	[tilespmem:s7+$0x80] =	vst v24;
	v24 =	vperm.xlane v25, v2  }
0x2a1: {  	[tilespmem:s7+$0x50] =	vst v22;
	v22 =	vperm.xlane v25, v3;
	v9 =	vmul.f32 v9, v26  }
0x2a2: {  	[tilespmem:s6+$0x90] =	vst v23;
	v23 =	vperm.xlane v25, v4;
	v11 =	vmul.f32 v11, v24  }
0x2a3: {  	v24 =	vperm.xlane v28, v1;
	v7 =	vmul.f32 v7, v22;
	[tilespmem:s7+$0xFFFFFF60] =	vst v9  }
0x2a4: {  	v9 =	vperm.xlane v28, v2;
	[tilespmem:s7+$0xFFFFFF70] =	vst v11;
	v11 =	vmul.f32 v13, v23  }
0x2a5: {  	v13 =	vperm.xlane v28, v3;
	v8 =	vmul.f32 v8, v24;
	[tilespmem:s7+$0xFFFFFF80] =	vst v7  }
0x2a6: {  	v7 =	vperm.xlane v28, v4;
	[tilespmem:s7+$0xFFFFFF90] =	vst v11;
	v9 =	vmul.f32 v14, v9  }
0x2a7: {  	v11 =	vperm.xlane v27, v1;
	[tilespmem:s7+$0xFFFFFFB0] =	vst v8;
	v8 =	vmul.f32 v15, v13  }
0x2a8: {  	v13 =	vperm.xlane v27, v2;
	v7 =	vmul.f32 v12, v7;
	[tilespmem:s7+$0xFFFFFFC0] =	vst v9  }
0x2a9: {  	v9 =	vperm.xlane v27, v3;
	[tilespmem:s7+$0xFFFFFFD0] =	vst v8;
	v8 =	vmul.f32 v19, v11  }
0x2aa: {  	v11 =	vperm.xlane v27, v4;
	[tilespmem:s7+$0xFFFFFFE0] =	vst v7;
	v7 =	vmul.f32 v16, v13  }
0x2ab: {  	v12 =	vperm.xlane v10, v2;
	[tilespmem:s7+$0x0] =	vst v8;
	v8 =	vmul.f32 v18, v9  }
0x2ac: {  	v9 =	vperm.xlane v10, v3;
	[tilespmem:s7+$0x10] =	vst v7;
	v7 =	vmul.f32 v20, v11  }
0x2ad: {  	[tilespmem:s7+$0x20] =	vst v8;
	v8 =	vmul.f32 v21, v12  }
0x2ae: {  	v9 =	vmul.f32 v17, v9;
	[tilespmem:s7+$0x30] =	vst v7  }
0x2af: {  	v7 =	vperm.xlane v25, v5;
	[tilespmem:s7+$0x60] =	vst v8  }
0x2b0: {  	v8 =	vperm.xlane v28, v5;
	[tilespmem:s7+$0x70] =	vst v9  }
0x2b1: {  	v9 =	vperm.xlane v27, v5;
	[tilespmem:s7+$0xFFFFFFA0] =	vst v7  }
0x2b2: {  	v7 =	vperm.xlane v10, v5;
	[tilespmem:s7+$0xFFFFFFF0] =	vst v8  }
0x2b3: {  	[tilespmem:s7+$0x40] =	vst v9  }
0x2b4: {  	[tilespmem:s7+$0x90] =	vst v7  }
0x2b5: {  	[spmem:s2] =	stream.indirect.scatter.add.f32 [tilespmem:s22], [sflag:$0x5], $0x50, s31, s17, $0xb8;
	[tilespmem:$0x1A810] =	vst v63  }
0x2b6: {  	_ =	swait.ge [sflag:s0], $0x2800  }
0x2b7: {  	[sflag:s0] =	ssyncset.done $0x0  }
0x2b8: {  	[sflag:s0] =	ssyncadd.s32 $0xFFFFD800  }
0x2b9: {  	_ =	swait.ge [sflag:s0], $0x800  }
0x2ba: {  	[sflag:s0] =	ssyncset.done $0x0  }
0x2bb: {  	[sflag:s0] =	ssyncadd.s32 $0xFFFFF800  }
0x2bc: {  	v7 =	vld [tilespmem:$0x5080]  }
0x2bd: {  	v8 =	vld [tilespmem:$0x5090]  }
0x2be: {  	v9 =	vld [tilespmem:$0x50A0]  }
0x2bf: {  	v10 =	vld [tilespmem:$0x50B0]  }
0x2c0: {  	v11 =	vld [tilespmem:$0x50C0]  }
0x2c1: {  	[tilespmem:$0x5200] =	vst v7;
	v7 =	vld [tilespmem:$0x50D0]  }
0x2c2: {  	[tilespmem:$0x5210] =	vst v8;
	v8 =	vld [tilespmem:$0x50E0]  }
0x2c3: {  	[tilespmem:$0x5220] =	vst v9;
	v9 =	vld [tilespmem:$0x50F0]  }
0x2c4: {  	[tilespmem:$0x5230] =	vst v10  }
0x2c5: {  	[tilespmem:$0x5240] =	vst v11  }
0x2c6: {  	[tilespmem:$0x5250] =	vst v7  }
0x2c7: {  	[tilespmem:$0x5260] =	vst v8  }
0x2c8: {  	s6 =	simm.s32 $0xA320;
	[tilespmem:$0x5270] =	vst v9  }
0x2c9: {  	s3 =	simm.s32 $0xDAA0;
	v7 =	vld [tilespmem:s6+$0x90]  }
0x2ca: {  	v8 =	vld [tilespmem:s3+$0x10]  }
0x2cb: {  	v9 =	vld [tilespmem:s3+$0xFFFFFFE0]  }
0x2cc: {  	v10 =	vld [tilespmem:s6+$0xFFFFFFF0]  }
0x2cd: {  	v11 =	vld [tilespmem:s3+$0xFFFFFFF0]  }
0x2ce: {  	v12 =	vld [tilespmem:s6+$0x40]  }
0x2cf: {  	v13 =	vld [tilespmem:s3+$0x0];
	v7 =	vadd.f32 v8, v7  }
0x2d0: {  	v8 =	vld [tilespmem:s6+$0xFFFFFFA0]  }
0x2d1: {  	v14 =	vmul.f32 $2.000000030e-01, v7  }
0x2d2: {  	v10 =	vadd.f32 v11, v10  }
0x2d3: {  	v16 =	vld [tilespmem:s6+$0xFFFFFF90];
	v7 =	vmax.f32 v7, v14  }
0x2d4: {  	v18 =	vld [tilespmem:s6+$0xFFFFFFC0];
	v12 =	vadd.f32 v13, v12;
	v15 =	vmul.f32 $2.000000030e-01, v10;
	v7 =	vsub.f32 v7, v6  }
0x2d5: {  	v20 =	vld [tilespmem:s6+$0x10];
	v8 =	vadd.f32 v9, v8  }
0x2d6: {  	v21 =	vld [tilespmem:s6+$0x20];
	v9 =	vmax.f32 v10, v15;
	v10 =	vmul.f32 $2.000000030e-01, v12;
	v7 =	vmul.f32 $1.442695020e+00, v7  }
0x2d7: {  	v23 =	vld [tilespmem:s6+$0x30];
	v9 =	vsub.f32 v9, v6;
	v17 =	vmul.f32 $2.000000030e-01, v8  }
0x2d8: {  	s9 =	simm.s32 $0xDAE0;
	v24 =	vld [tilespmem:s6+$0x60];
	v10 =	vmax.f32 v12, v10;
	(erf) = vpow2.f32 v7  }
0x2d9: {  	v25 =	vld [tilespmem:s9+$0x10];
	v7 =	vmax.f32 v8, v17;
	v8 =	vmul.f32 $1.442695020e+00, v9;
	v9 =	vsub.f32 v10, v6  }
0x2da: {  	v28 =	vld [tilespmem:s9+$0xFFFFFFE0]  }
0x2db: {  	s7 =	simm.s32 $0xA460;
	v32 =	vld [tilespmem:s9+$0xFFFFFFF0];
	v9 =	vmul.f32 $1.442695020e+00, v9  }
0x2dc: {  	v43 =	vld [tilespmem:s7+$0xFFFFFFA0];
	v7 =	vsub.f32 v7, v6;
	(erf) = vpow2.f32 v8  }
0x2dd: {  	(erf) = vpow2.f32 v9;
	v9 =	vld [tilespmem:s7+$0x90]  }
0x2de: {  	v36 =	vld [tilespmem:s7+$0x40];
	v7 =	vmul.f32 $1.442695020e+00, v7  }
0x2df: {  	v8 =	vld [tilespmem:s6+$0x50]  }
0x2e0: {  	(erf) = vpow2.f32 v7;
	v7 =	vld [tilespmem:s6+$0x80]  }
0x2e1: {  	v40 =	vld [tilespmem:s9+$0x0]  }
0x2e2: {  	v46 =	vld [tilespmem:s6+$0x70];
	v28 =	vadd.f32 v28, v43;
	v29 =	vpop (erf);
	v25 =	vadd.f32 v25, v9  }
0x2e3: {  	v11 =	vld [tilespmem:s6+$0xFFFFFF60];
	v19 =	vperm.xlane v29, v1;
	v22 =	vperm.xlane v29, v4  }
0x2e4: {  	v62 =	vmul.f32 $2.000000030e-01, v28;
	v15 =	vld [tilespmem:s6+$0xFFFFFFB0];
	v47 =	vmul.f32 $2.000000030e-01, v25  }
0x2e5: {  	v10 =	vld [tilespmem:s6+$0xFFFFFFE0];
	v30 =	vpop (erf);
	v8 =	vmul.f32 v8, v19;
	v7 =	vmul.f32 v7, v22  }
0x2e6: {  	v19 =	vld [tilespmem:s7+$0xFFFFFFF0];
	v22 =	vperm.xlane v30, v1;
	v31 =	vperm.xlane v30, v2  }
0x2e7: {  	v13 =	vld [tilespmem:s6+$0xFFFFFF80];
	v33 =	vperm.xlane v30, v3;
	v34 =	vperm.xlane v30, v4;
	v35 =	vpop (erf)  }
0x2e8: {  	v14 =	vld [tilespmem:s6+$0xFFFFFF70];
	v37 =	vperm.xlane v35, v1;
	v38 =	vperm.xlane v35, v2  }
0x2e9: {  	v17 =	vld [tilespmem:s6+$0x0];
	v25 =	vmax.f32 v25, v47;
	v48 =	vperm.xlane v35, v3;
	v22 =	vmul.f32 v15, v22  }
0x2ea: {  	v12 =	vld [tilespmem:s6+$0xFFFFFFD0];
	v39 =	vpop (erf);
	[tilespmem:s6+$0x80] =	vst v7;
	v25 =	vsub.f32 v25, v6;
	v18 =	vmul.f32 v18, v31;
	v10 =	vmul.f32 v10, v34  }
0x2eb: {  	v9 =	vld [tilespmem:s7+$0xFFFFFF60];
	[tilespmem:s6+$0x50] =	vst v8;
	v41 =	vperm.xlane v39, v1;
	v42 =	vperm.xlane v39, v2;
	v19 =	vadd.f32 v32, v19  }
0x2ec: {  	v7 =	vld [tilespmem:s7+$0xFFFFFF80];
	v44 =	vperm.xlane v39, v3;
	v45 =	vperm.xlane v39, v4;
	[tilespmem:s6+$0xFFFFFFB0] =	vst v22  }
0x2ed: {  	v36 =	vadd.f32 v40, v36;
	v8 =	vld [tilespmem:s7+$0xFFFFFFB0];
	v25 =	vmul.f32 $1.442695020e+00, v25;
	[tilespmem:s6+$0xFFFFFFC0] =	vst v18;
	v61 =	vmul.f32 $2.000000030e-01, v19  }
0x2ee: {  	v22 =	vmax.f32 v28, v62;
	v17 =	vmul.f32 v17, v37;
	v18 =	vld [tilespmem:s7+$0x20];
	[tilespmem:s6+$0xFFFFFFE0] =	vst v10;
	v10 =	vmul.f32 v20, v38  }
0x2ef: {  	v20 =	vld [tilespmem:s7+$0x30];
	v16 =	vmul.f32 v16, v45;
	v15 =	vmax.f32 v19, v61;
	v19 =	vmul.f32 $2.000000030e-01, v36  }
0x2f0: {  	v58 =	vmul.f32 v11, v41;
	v11 =	vld [tilespmem:s7+$0xFFFFFF70];
	v14 =	vmul.f32 v14, v42;
	v63 =	vsub.f32 v15, v6  }
0x2f1: {  	v60 =	vmul.f32 v13, v44;
	v13 =	vld [tilespmem:s7+$0xFFFFFF90];
	(erf) = vpow2.f32 v25;
	[tilespmem:s6+$0xFFFFFF90] =	vst v16;
	v16 =	vmax.f32 v36, v19  }
0x2f2: {  	v25 =	vmul.f32 v12, v33;
	v12 =	vld [tilespmem:s7+$0xFFFFFFE0];
	[tilespmem:s6+$0x0] =	vst v17;
	v28 =	vmul.f32 $1.442695020e+00, v63;
	v31 =	vsub.f32 v16, v6  }
0x2f3: {  	v59 =	vperm.xlane v35, v4;
	v22 =	vsub.f32 v22, v6;
	v17 =	vmul.f32 v21, v48;
	v21 =	vld [tilespmem:s7+$0x60];
	[tilespmem:s6+$0xFFFFFF70] =	vst v14  }
0x2f4: {  	v14 =	vld [tilespmem:s7+$0xFFFFFFC0];
	[tilespmem:s6+$0xFFFFFFD0] =	vst v25;
	v25 =	vmul.f32 $1.442695020e+00, v31;
	(erf) = vpow2.f32 v28  }
0x2f5: {  	v26 =	vperm.xlane v29, v2;
	[tilespmem:s6+$0x20] =	vst v17;
	v17 =	vld [tilespmem:s7+$0x70];
	v28 =	vmul.f32 $1.442695020e+00, v22  }
0x2f6: {  	[tilespmem:s6+$0x10] =	vst v10;
	v10 =	vmul.f32 v23, v59;
	v15 =	vld [tilespmem:s7+$0xFFFFFFD0];
	(erf) = vpow2.f32 v25  }
0x2f7: {  	v27 =	vperm.xlane v29, v3;
	[tilespmem:s6+$0xFFFFFF60] =	vst v58;
	v22 =	vld [tilespmem:s7+$0x50];
	(erf) = vpow2.f32 v28  }
0x2f8: {  	v23 =	vperm.xlane v29, v5;
	[tilespmem:s6+$0xFFFFFF80] =	vst v60;
	v31 =	vmul.f32 v24, v26;
	v24 =	vld [tilespmem:s7+$0x80]  }
0x2f9: {  	[tilespmem:s6+$0x30] =	vst v10;
	v19 =	vld [tilespmem:s7+$0x0];
	v26 =	vperm.xlane v35, v5;
	v28 =	vmul.f32 v46, v27  }
0x2fa: {  	s10 =	simm.s32 $0x4;
	s3 =	simm.s32 $0xA5A0;
	v16 =	vld [tilespmem:s7+$0x10];
	v10 =	vpop (erf);
	v25 =	vperm.xlane v30, v5;
	[tilespmem:s6+$0x60] =	vst v31;
	v27 =	vperm.xlane v39, v5  }
.LBB2_14:
0x2fb: {  	v29 =	vld [tilespmem:s3+$0x90];
	v34 =	vperm.xlane v10, v1;
	v31 =	vperm.xlane v10, v4;
	s9 =	sadd.s32 $0x40, s9;
	[tilespmem:s6+$0x70] =	vst v28  }
0x2fc: {  	s10 =	sadd.s32 $0x4, s10;
	v32 =	vperm.xlane v10, v2;
	v33 =	vperm.xlane v10, v3;
	v28 =	vld [tilespmem:s9+$0x10];
	[tilespmem:s6+$0xFFFFFFA0] =	vst v27;
	v27 =	vmov v21  }
0x2fd: {  	p0 =	slt.u32 s10, $0x7C;
	v21 =	vld [tilespmem:s9+$0xFFFFFFE0];
	v22 =	vmul.f32 v22, v34;
	v24 =	vmul.f32 v24, v31;
	v30 =	vpop (erf);
	[tilespmem:s6+$0xFFFFFFF0] =	vst v25  }
0x2fe: {  	v25 =	vld [tilespmem:s3+$0xFFFFFFF0];
	v31 =	vperm.xlane v30, v1;
	v34 =	vperm.xlane v30, v2;
	[tilespmem:s6+$0x40] =	vst v26  }
0x2ff: {  	v35 =	vperm.xlane v30, v3;
	v36 =	vperm.xlane v30, v4;
	v26 =	vld [tilespmem:s9+$0xFFFFFFF0];
	[tilespmem:s7+$0x80] =	vst v24;
	v37 =	vpop (erf)  }
0x300: {  	v24 =	vld [tilespmem:s3+$0x40];
	v38 =	vperm.xlane v37, v1;
	v39 =	vperm.xlane v37, v2;
	[tilespmem:s7+$0x50] =	vst v22;
	v40 =	vpop (erf)  }
0x301: {  	v22 =	vld [tilespmem:s9+$0x0];
	v28 =	vadd.f32 v28, v29;
	v29 =	vperm.xlane v40, v1;
	v41 =	vperm.xlane v40, v2;
	[tilespmem:s6+$0x90] =	vst v23;
	s6 =	smov.u32 s7;
	s7 =	smov.u32 s3  }
0x302: {  	v42 =	vperm.xlane v40, v3;
	v43 =	vperm.xlane v40, v4;
	v23 =	vld [tilespmem:s3+$0xFFFFFFA0]  }
0x303: {  	v46 =	vperm.xlane v37, v3;
	v44 =	vld [tilespmem:s3+$0xFFFFFF60];
	v45 =	vmul.f32 $2.000000030e-01, v28  }
0x304: {  	v9 =	vmul.f32 v9, v29;
	v47 =	vld [tilespmem:s3+$0xFFFFFF70];
	v25 =	vadd.f32 v26, v25;
	v26 =	vperm.xlane v37, v4  }
0x305: {  	v11 =	vmul.f32 v11, v41;
	v29 =	vmul.f32 v7, v42;
	v28 =	vmax.f32 v28, v45;
	v7 =	vld [tilespmem:s3+$0xFFFFFF80]  }
0x306: {  	v41 =	vld [tilespmem:s3+$0xFFFFFF90];
	v42 =	vmul.f32 $2.000000030e-01, v25;
	v22 =	vadd.f32 v22, v24;
	v24 =	vsub.f32 v28, v6;
	[tilespmem:s6+$0xFFFFFF60] =	vst v9  }
0x307: {  	v43 =	vmul.f32 v13, v43;
	v13 =	vmul.f32 v8, v31;
	v21 =	vadd.f32 v21, v23;
	[tilespmem:s6+$0xFFFFFF70] =	vst v11;
	v8 =	vld [tilespmem:s3+$0xFFFFFFB0]  }
0x308: {  	v23 =	vmax.f32 v25, v42;
	v25 =	vld [tilespmem:s3+$0xFFFFFFC0];
	v28 =	vmul.f32 $2.000000030e-01, v22;
	v24 =	vmul.f32 $1.442695020e+00, v24;
	[tilespmem:s6+$0xFFFFFF80] =	vst v29;
	v9 =	vmovc v44  }
0x309: {  	v14 =	vmul.f32 v14, v34;
	v29 =	vmul.f32 $2.000000030e-01, v21;
	v23 =	vsub.f32 v23, v6;
	v31 =	vld [tilespmem:s3+$0xFFFFFFD0];
	[tilespmem:s6+$0xFFFFFF90] =	vst v43;
	v11 =	vmovc v47  }
0x30a: {  	v15 =	vmul.f32 v15, v35;
	v34 =	vld [tilespmem:s3+$0xFFFFFFE0];
	v22 =	vmax.f32 v22, v28;
	(erf) = vpow2.f32 v24;
	[tilespmem:s6+$0xFFFFFFB0] =	vst v13  }
0x30b: {  	v21 =	vmax.f32 v21, v29;
	v23 =	vmul.f32 $1.442695020e+00, v23;
	v22 =	vsub.f32 v22, v6;
	v24 =	vld [tilespmem:s3+$0x0];
	[tilespmem:s6+$0xFFFFFFC0] =	vst v14;
	v13 =	vmovc v41  }
0x30c: {  	v19 =	vmul.f32 v19, v38;
	v41 =	vmul.f32 v12, v36;
	v21 =	vsub.f32 v21, v6;
	v29 =	vld [tilespmem:s3+$0x10];
	[tilespmem:s6+$0xFFFFFFD0] =	vst v15  }
0x30d: {  	v28 =	vmul.f32 $1.442695020e+00, v22;
	v35 =	vld [tilespmem:s3+$0x20];
	(erf) = vpow2.f32 v23;
	v14 =	vmov v25  }
0x30e: {  	v25 =	vmul.f32 v16, v39;
	v23 =	vmul.f32 $1.442695020e+00, v21;
	v36 =	vld [tilespmem:s3+$0x30];
	[tilespmem:s6+$0xFFFFFFE0] =	vst v41;
	v15 =	vmov v31  }
.Ltmp6:
0x30f: {  	v38 =	vmul.f32 v18, v46;
	v22 =	vld [tilespmem:s3+$0x50];
	(erf) = vpow2.f32 v28;
	[tilespmem:s6+$0x0] =	vst v19;
	v12 =	vmov v34;
	(pc) =	sbr.rel @p0 .LBB2_14-.Ltmp6, $4  }
0x310: {  	v34 =	vmul.f32 v20, v26;
	v21 =	vld [tilespmem:s3+$0x60];
	(erf) = vpow2.f32 v23;
	[tilespmem:s6+$0x10] =	vst v25;
	v19 =	vmov v24  }
0x311: {  	v31 =	vmul.f32 v27, v32;
	v28 =	vmul.f32 v17, v33;
	v24 =	vld [tilespmem:s3+$0x80];
	[tilespmem:s6+$0x20] =	vst v38;
	v16 =	vmov v29  }
0x312: {  	v27 =	vperm.xlane v40, v5;
	v25 =	vperm.xlane v30, v5;
	v17 =	vld [tilespmem:s3+$0x70];
	[tilespmem:s6+$0x30] =	vst v34;
	v18 =	vmov v35  }
0x313: {  	v26 =	vperm.xlane v37, v5;
	v23 =	vperm.xlane v10, v5;
	s3 =	sadd.s32 $0x140, s3;
	v10 =	vpop (erf);
	[tilespmem:s6+$0x60] =	vst v31;
	v20 =	vmov v36  }
0x314: {  	[tilespmem:s6+$0x70] =	vst v28  }
0x315: {  	v6 =	vperm.xlane v10, v4;
	[tilespmem:s6+$0xFFFFFFA0] =	vst v27  }
0x316: {  	v29 =	vperm.xlane v10, v1;
	[tilespmem:s6+$0xFFFFFFF0] =	vst v25;
	v47 =	vpop (erf)  }
0x317: {  	[tilespmem:s6+$0x40] =	vst v26;
	v6 =	vmul.f32 v24, v6;
	v53 =	vperm.xlane v47, v1  }
0x318: {  	[tilespmem:s6+$0x90] =	vst v23;
	v22 =	vmul.f32 v22, v29;
	v55 =	vperm.xlane v47, v3;
	v48 =	vpop (erf)  }
0x319: {  	[tilespmem:s7+$0x80] =	vst v6;
	v49 =	vpop (erf);
	v8 =	vmul.f32 v8, v53  }
0x31a: {  	[tilespmem:s7+$0x50] =	vst v22;
	v57 =	vmul.f32 v15, v55;
	v6 =	vperm.xlane v49, v2  }
0x31b: {  	v63 =	vperm.xlane v48, v5;
	v51 =	vperm.xlane v49, v3;
	[tilespmem:s7+$0xFFFFFFB0] =	vst v8  }
0x31c: {  	v52 =	vperm.xlane v49, v4;
	[tilespmem:s7+$0xFFFFFFD0] =	vst v57;
	v6 =	vmul.f32 v11, v6  }
0x31d: {  	v56 =	vperm.xlane v48, v1;
	[tilespmem:s7+$0x40] =	vst v63;
	v7 =	vmul.f32 v7, v51  }
0x31e: {  	v54 =	vperm.xlane v47, v2;
	[tilespmem:s7+$0xFFFFFF70] =	vst v6;
	v6 =	vmul.f32 v13, v52  }
0x31f: {  	v62 =	vperm.xlane v10, v3;
	v59 =	vmul.f32 v19, v56;
	[tilespmem:s7+$0xFFFFFF80] =	vst v7  }
0x320: {  	v7 =	vperm.xlane v47, v4;
	[tilespmem:s7+$0xFFFFFF90] =	vst v6;
	v6 =	vmul.f32 v14, v54  }
0x321: {  	v50 =	vperm.xlane v49, v1;
	v8 =	vmul.f32 v17, v62;
	[tilespmem:s7+$0x0] =	vst v59  }
0x322: {  	v58 =	vperm.xlane v48, v2;
	[tilespmem:s7+$0xFFFFFFC0] =	vst v6;
	v6 =	vmul.f32 v12, v7  }
0x323: {  	v9 =	vmul.f32 v9, v50;
	[tilespmem:s7+$0x70] =	vst v8;
	v7 =	vperm.xlane v48, v3  }
0x324: {  	v60 =	vperm.xlane v48, v4;
	[tilespmem:s7+$0xFFFFFFE0] =	vst v6;
	v6 =	vmul.f32 v16, v58  }
0x325: {  	v61 =	vperm.xlane v10, v2;
	[tilespmem:s7+$0xFFFFFF60] =	vst v9;
	v7 =	vmul.f32 v18, v7  }
0x326: {  	[tilespmem:s7+$0x10] =	vst v6;
	v6 =	vmul.f32 v20, v60  }
0x327: {  	[tilespmem:s7+$0x20] =	vst v7;
	v7 =	vmul.f32 v21, v61  }
0x328: {  	[tilespmem:s7+$0x30] =	vst v6;
	v6 =	vperm.xlane v49, v5  }
0x329: {  	[tilespmem:s7+$0x60] =	vst v7;
	v7 =	vperm.xlane v47, v5  }
0x32a: {  	[tilespmem:s7+$0xFFFFFFA0] =	vst v6;
	v6 =	vperm.xlane v10, v5  }
0x32b: {  	[tilespmem:s7+$0xFFFFFFF0] =	vst v7  }
0x32c: {  	[tilespmem:s7+$0x90] =	vst v6  }
0x32d: {  	[spmem:s2] =	stream.indirect.scatter.add.f32 [tilespmem:s19], [sflag:$0x6], $0x50, s18, s17, $0xb8;
	[tilespmem:$0x1A810] =	vst v63  }
0x32e: {  	_ =	swait.ge [sflag:s1], $0x2800  }
0x32f: {  	[sflag:s1] =	ssyncset.done $0x0  }
0x330: {  	[sflag:s1] =	ssyncadd.s32 $0xFFFFD800  }
0x331: {  	_ =	swait.ge [sflag:s15], $0x2800  }
0x332: {  	[sflag:s15] =	ssyncset.done $0x0  }
0x333: {  	[sflag:s15] =	ssyncadd.s32 $0xFFFFD800  }
0x334: {  	_ =	swait.ge [sflag:s28], $0x2800  }
0x335: {  	[sflag:s28] =	ssyncset.done $0x0  }
0x336: {  	[sflag:s28] =	ssyncadd.s32 $0xFFFFD800  }
0x337: {  	[bflag:$0x0] =	sbarrier.arrive $0xFFFF  }
0x338: {  	s3 =	rddreg [dreg:$0x8]  }
0x339: {  	[hbm:s3], [sflag:s8] =	dma.local [spmem:s13], $0x18B0  }
0x33a: {  	_ =	swait.ge [sflag:s14], $0x18B0  }
0x33b: {  	s23 =	sadd.s32 $0x1, s23;
	s16 =	rddreg [dreg:$0x9]  }
0x33c: {  	p0 =	sne.s32 s23, s16  }
.Ltmp7:
0x33d: {  	_ = 	snop;
	(pc) =	sbr.rel @p0 .LBB2_1-.Ltmp7, $3  }
0x33e: {  	_ =	sdelay $0x1  }
0x33f: {  	[sflag:s14] =	ssyncset.done $0x0  }
0x340: {  	[sflag:s14] =	ssyncadd.s32 $0xFFFFE750  }
0x341: {  	_ =	sfence.sel $0x180000  }
0x342: {  	[bflag:$0x0] =	sbarrier.arrive $0xFFFF  }
0x343: {  	_ =	strace $0x90000047  }
0x344: {  	s0 =	stileid.u32;
	[bflag:$0x2] =	sbarrier.arrive $0xFFFF  }
0x345: {  	p0 =	sne.s32 s0, $0x0;
	s0 =	rddreg [dreg:$0x3]  }
0x346: {  	s0 =	sadd.s32 @!p0 $0x100000, s0  }
0x347: {  	[sflag:s0] =	ssyncadd.tile.s32 @!p0 $0x1;
	_ =	shalt  }
.Lfunc_end2:
_tile_overlayer_lowered:
.L_overlay_start_2:
0x348: {  	(tag) =	ssettag $0x2  }
0x349: {  	s0 =	rddreg [dreg:$0x0];
	s2 =	stileid.u32  }
0x34a: {  	s1 =	rddreg [dreg:$0x1];
	p0 =	sne.s32 s2, $0x0  }
0x34b: {  	s3 =	rddreg [dreg:$0x2];
	[bflag:$0x3] =	sbarrier.arrive $0xFFFF;
	s2 =	simm.s32 @!p0 $0x1C07  }
0x34c: {  	[timem:s3], [sflag:s2] =	dma.local @!p0 [hbm:s0], s1  }
0x34d: {  	s0 =	simm.s32 @!p0 $0x7  }
0x34e: {  	_ =	swait.ge @!p0 [sflag:s0], s1  }
0x34f: {  	s1 =	ssub.s32 @!p0 $0x0, s1;
	[sflag:s0] =	ssyncset.done @!p0 $0x0  }
0x350: {  	[sflag:s0] =	ssyncadd.s32 @!p0 s1  }
0x351: {  	[bflag:$0x3] =	sbarrier.arrive $0xFFFF  }
0x352: {  	_ =	shalt  }

</sc_bundles>
